<compile_context>
chip_gen: v7x
topology: tpu7x:2x2x1
jax: 0.10.2.dev20260603
libtpu: 0.0.44.dev20260713+nightly
codegen_flags: <defaults>
</compile_context>

<pallas_src>
import functools

import jax
import jax.numpy as jnp
from jax import lax
from jax.experimental import pallas as pl
from jax.experimental.pallas import tpu as pltpu
from jax.experimental.pallas import tpu_sc as plsc

N = 10000
E = 320000
DIM = 128
G = 64
L = 3

NC = 2
NS = 16
NW = NC * NS
EPT = E // NW
K = 125
CPG = 8
CH = 80
NGRP = CH // CPG
PADN = 10240
RPT = PADN // NS
ZR = 128

BLK = 5000
NB = N // BLK


def _sc_agg(h, e4):
    mesh = plsc.VectorSubcoreMesh(core_axis_name="c", subcore_axis_name="s")

    @functools.partial(
        pl.kernel,
        mesh=mesh,
        out_type=jax.ShapeDtypeStruct((NC, PADN, DIM), jnp.float32),
        scratch_types=[
            pltpu.VMEM((2, CPG, K), jnp.int32),
            pltpu.VMEM((2, CPG, K), jnp.int32),
            pltpu.VMEM((ZR, DIM), jnp.float32),
            pltpu.VMEM((ZR, DIM), jnp.float32),
            pltpu.VMEM_SHARED((PADN, DIM), jnp.float32),
            pltpu.SemaphoreType.DMA,
            pltpu.SemaphoreType.DMA,
            pltpu.SemaphoreType.DMA,
        ],
    )
    def agg(h_hbm, e_hbm, out_hbm,
            idx_s, idx_d, rows0, rows1, acc, sem0, sem1, semi):
        c = lax.axis_index("c")
        s = lax.axis_index("s")
        wid = s * NC + c

        pltpu.async_copy(e_hbm.at[0, wid, pl.ds(0, CPG)], idx_s.at[0], semi)
        pltpu.async_copy(e_hbm.at[1, wid, pl.ds(0, CPG)], idx_d.at[0], semi)
        pltpu.async_copy(e_hbm.at[0, wid, pl.ds(CPG, CPG)], idx_s.at[1], semi)
        pltpu.async_copy(e_hbm.at[1, wid, pl.ds(CPG, CPG)], idx_d.at[1], semi)

        def zb(i, carry):
            for j in range(8):
                rows0[i, pl.ds(j * 16, 16)] = jnp.zeros((16,), jnp.float32)
            return carry
        lax.fori_loop(0, ZR, zb, 0)
        row0 = s * RPT

        def zacc(j, carry):
            pltpu.async_copy(rows0, acc.at[pl.ds(row0 + j * ZR, ZR)], sem0)
            return carry
        lax.fori_loop(0, RPT // ZR, zacc, 0)

        def zdrain(j, carry):
            pltpu.make_async_copy(rows0, acc.at[pl.ds(row0, ZR)],
                                  sem0).wait()
            return carry
        lax.fori_loop(0, RPT // ZR, zdrain, 0)
        plsc.subcore_barrier()

        rows = (rows0.at[pl.ds(0, K)], rows1.at[pl.ds(0, K)])
        sems = (sem0, sem1)

        pltpu.make_async_copy(e_hbm.at[0, wid, pl.ds(0, CPG)],
                              idx_s.at[0], semi).wait()
        pltpu.make_async_copy(e_hbm.at[1, wid, pl.ds(0, CPG)],
                              idx_d.at[0], semi).wait()
        pltpu.async_copy(h_hbm.at[idx_s.at[0, 0]], rows[0], sems[0])

        def group(g, carry):
            p = g % 2
            for b in range(CPG):
                cur = b % 2
                nxt = 1 - cur
                if b < CPG - 1:
                    pltpu.async_copy(h_hbm.at[idx_s.at[p, b + 1]],
                                     rows[nxt], sems[nxt])
                else:
                    @pl.when(g < NGRP - 1)
                    def _():
                        pltpu.make_async_copy(
                            e_hbm.at[0, wid, pl.ds(0, CPG)],
                            idx_s.at[0], semi).wait()
                        pltpu.make_async_copy(
                            e_hbm.at[1, wid, pl.ds(0, CPG)],
                            idx_d.at[0], semi).wait()
                        pltpu.async_copy(h_hbm.at[idx_s.at[1 - p, 0]],
                                         rows[nxt], sems[nxt])
                pltpu.make_async_copy(h_hbm.at[idx_s.at[p, b]],
                                      rows[cur], sems[cur]).wait()
                pltpu.sync_copy(rows[cur], acc.at[idx_d.at[p, b]], add=True)
            @pl.when(g < NGRP - 2)
            def _():
                pltpu.async_copy(
                    e_hbm.at[0, wid, pl.ds((g + 2) * CPG, CPG)],
                    idx_s.at[p], semi)
                pltpu.async_copy(
                    e_hbm.at[1, wid, pl.ds((g + 2) * CPG, CPG)],
                    idx_d.at[p], semi)
            return carry
        lax.fori_loop(0, NGRP, group, 0)

        plsc.subcore_barrier()
        pltpu.sync_copy(acc.at[pl.ds(row0, RPT)],
                        out_hbm.at[c, pl.ds(row0, RPT)])

    return agg(h, e4)


def _tc_mlp(h, p, oh, W1, b1, W2, b2, write_z=True):

    def body(h_ref, p_ref, oh_ref, w1_ref, b1_ref, w2_ref, b2_ref,
             *out_refs):
        if write_z:
            z_ref, stats_ref, gsum_ref, cnt_ref = out_refs
        else:
            stats_ref, gsum_ref, cnt_ref = out_refs
        b = pl.program_id(0)
        u = h_ref[...] + p_ref[0] + p_ref[1]
        a = jnp.maximum(
            jnp.dot(u, w1_ref[...], preferred_element_type=jnp.float32)
            + b1_ref[...], 0.0)
        z = jnp.maximum(
            jnp.dot(a, w2_ref[...], preferred_element_type=jnp.float32)
            + b2_ref[...], 0.0)
        if write_z:
            z_ref[...] = z

        ohb = oh_ref[...]
        gs = lax.dot_general(ohb, z, (((0,), (0,)), ((), ())),
                             preferred_element_type=jnp.float32)
        cn = lax.dot_general(ohb, jnp.ones((BLK, DIM), jnp.float32),
                             (((0,), (0,)), ((), ())),
                             preferred_element_type=jnp.float32)
        s0 = jnp.sum(z, axis=0, keepdims=True)
        s1 = jnp.sum(z * z, axis=0, keepdims=True)
        st = jnp.concatenate(
            [s0, s1, jnp.zeros((6, DIM), jnp.float32)], axis=0)

        init = b == 0
        stats_ref[...] = jnp.where(init, st, stats_ref[...] + st)
        gsum_ref[...] = jnp.where(init, gs, gsum_ref[...] + gs)
        cnt_ref[...] = jnp.where(init, cn, cnt_ref[...] + cn)

    zspec = [pl.BlockSpec((BLK, DIM), lambda b: (b, 0))] if write_z else []
    zshape = [jax.ShapeDtypeStruct((N, DIM), jnp.float32)] if write_z else []
    out = pl.pallas_call(
        body,
        grid=(NB,),
        in_specs=[
            pl.BlockSpec((BLK, DIM), lambda b: (b, 0)),
            pl.BlockSpec((NC, BLK, DIM), lambda b: (0, b, 0)),
            pl.BlockSpec((BLK, G), lambda b: (b, 0)),
            pl.BlockSpec((DIM, DIM), lambda b: (0, 0)),
            pl.BlockSpec((1, DIM), lambda b: (0, 0)),
            pl.BlockSpec((DIM, DIM), lambda b: (0, 0)),
            pl.BlockSpec((1, DIM), lambda b: (0, 0)),
        ],
        out_specs=zspec + [
            pl.BlockSpec((8, DIM), lambda b: (0, 0)),
            pl.BlockSpec((G, DIM), lambda b: (0, 0)),
            pl.BlockSpec((G, DIM), lambda b: (0, 0)),
        ],
        out_shape=zshape + [
            jax.ShapeDtypeStruct((8, DIM), jnp.float32),
            jax.ShapeDtypeStruct((G, DIM), jnp.float32),
            jax.ShapeDtypeStruct((G, DIM), jnp.float32),
        ],
    )(h, p, oh, W1, b1, W2, b2)
    if not write_z:
        return (None,) + tuple(out)
    return out


def _tc_norm(z, stats, gamma, beta):

    def body(z_ref, st_ref, g_ref, be_ref, h_ref):
        mean = st_ref[0:1, :] * (1.0 / N)
        msq = st_ref[1:2, :] * (1.0 / N)
        var = msq - mean * mean
        rstd = lax.rsqrt(var + 1e-5)
        h_ref[...] = (z_ref[...] - mean) * (rstd * g_ref[...]) + be_ref[...]

    return pl.pallas_call(
        body,
        grid=(NB,),
        in_specs=[
            pl.BlockSpec((BLK, DIM), lambda b: (b, 0)),
            pl.BlockSpec((8, DIM), lambda b: (0, 0)),
            pl.BlockSpec((1, DIM), lambda b: (0, 0)),
            pl.BlockSpec((1, DIM), lambda b: (0, 0)),
        ],
        out_specs=pl.BlockSpec((BLK, DIM), lambda b: (b, 0)),
        out_shape=jax.ShapeDtypeStruct((N, DIM), jnp.float32),
    )(z, stats, gamma, beta)


def _tc_combine(gsums, cnt, statss, gammas, betas):

    def body(g0, g1, g2, cnt_ref, s0, s1, s2, ga0, ga1, ga2,
             be0, be1, be2, out_ref):
        gr = (g0, g1, g2)
        sr = (s0, s1, s2)
        gar = (ga0, ga1, ga2)
        ber = (be0, be1, be2)
        c = cnt_ref[...]
        for i in range(L):
            mean = sr[i][0:1, :] * (1.0 / N)
            msq = sr[i][1:2, :] * (1.0 / N)
            var = msq - mean * mean
            rstd = lax.rsqrt(var + 1e-5)
            pool = ((gr[i][...] - c * mean) * (rstd * gar[i][...])
                    + c * ber[i][...])
            out_ref[:, DIM * i:DIM * (i + 1)] = pool

    full = lambda shp: pl.BlockSpec(shp, lambda: tuple(0 for _ in shp))
    return pl.pallas_call(
        body,
        in_specs=[full((G, DIM))] * 3 + [full((G, DIM))] + [full((8, DIM))] * 3
                 + [full((1, DIM))] * 6,
        out_specs=full((G, L * DIM)),
        out_shape=jax.ShapeDtypeStruct((G, L * DIM), jnp.float32),
    )(*gsums, cnt, *statss, *gammas, *betas)


def kernel(x, edge_index, batch,
           W1_0, b1_0, W2_0, b2_0, gamma_0, beta_0,
           W1_1, b1_1, W2_1, b2_1, gamma_1, beta_1,
           W1_2, b1_2, W2_2, b2_2, gamma_2, beta_2):
    e4 = edge_index.reshape(2, NW, CH, K)
    oh = (batch[:, None] == jnp.arange(G, dtype=jnp.int32)[None, :])
    oh = oh.astype(jnp.float32)

    Ws = [(W1_0, b1_0, W2_0, b2_0, gamma_0, beta_0),
          (W1_1, b1_1, W2_1, b2_1, gamma_1, beta_1),
          (W1_2, b1_2, W2_2, b2_2, gamma_2, beta_2)]

    h = x
    gsums, statss, gammas, betas = [], [], [], []
    cnt = None
    for i in range(L):
        W1, b1, W2, b2, ga, be = Ws[i]
        b1r = b1.reshape(1, DIM)
        b2r = b2.reshape(1, DIM)
        gar = ga.reshape(1, DIM)
        ber = be.reshape(1, DIM)
        p = _sc_agg(h, e4)
        z, stats, gsum, cnt = _tc_mlp(h, p, oh, W1, b1r, W2, b2r,
                                      write_z=i < L - 1)
        gsums.append(gsum)
        statss.append(stats)
        gammas.append(gar)
        betas.append(ber)
        if i < L - 1:
            h = _tc_norm(z, stats, gar, ber)
    return _tc_combine(gsums, cnt, statss, gammas, betas)

# --- scband reference (transcript-rebuilt; emitter-appended) ---
"""Pipeline reference for scband-encoder-49520972923532 (READ-ONLY COPY).

The authoritative reference and input builder live on the scoring server;
editing this copy changes nothing except your own understanding.
"""

import jax, jax.numpy as jnp
import numpy as np

N = 10000
E = 320000
F_IN = 128
DIM = 128
L = 3
G = 64


def setup_inputs(seed: int = 0) -> dict:
    key = jax.random.key(seed)
    inp = {}
    k = jax.random.fold_in(key, 0)
    inp["x"] = jax.random.normal(k, (N, F_IN), dtype=jnp.float32)
    k = jax.random.fold_in(key, 1)
    inp["edge_index"] = jax.random.randint(k, (2, E), 0, N, dtype=jnp.int32)
    k = jax.random.fold_in(key, 2)
    inp["batch"] = jnp.sort(jax.random.randint(k, (N,), 0, G, dtype=jnp.int32))
    c = 3
    for i in range(L):
        ind = F_IN if i == 0 else DIM
        k = jax.random.fold_in(key, c); c += 1
        inp[f"W1_{i}"] = jax.random.normal(k, (ind, DIM), dtype=jnp.float32) / np.sqrt(ind)
        inp[f"b1_{i}"] = jnp.zeros((DIM,), dtype=jnp.float32)
        k = jax.random.fold_in(key, c); c += 1
        inp[f"W2_{i}"] = jax.random.normal(k, (DIM, DIM), dtype=jnp.float32) / np.sqrt(DIM)
        inp[f"b2_{i}"] = jnp.zeros((DIM,), dtype=jnp.float32)
        inp[f"gamma_{i}"] = jnp.ones((DIM,), dtype=jnp.float32)
        inp[f"beta_{i}"] = jnp.zeros((DIM,), dtype=jnp.float32)
    return inp


def _forward(x, edge_index, batch, params):
    # GIN Encoder: per layer h = BN(relu(MLP((1+eps)*h + sum_{j->i} h_j))), eps=0
    src = edge_index[0]
    dst = edge_index[1]
    xs = []
    h = x
    for i in range(L):
        W1, b1, W2, b2, g, be = params[6 * i:6 * i + 6]
        # message passing: gather source features, scatter-add to destination
        agg = jax.ops.segment_sum(h[src], dst, num_segments=N)
        z = h + agg
        # GIN MLP: Linear -> ReLU -> Linear
        z = jax.nn.relu(z @ W1 + b1) @ W2 + b2
        # outer F.relu
        z = jax.nn.relu(z)
        # BatchNorm1d (training mode, biased variance)
        mean = jnp.mean(z, axis=0)
        var = jnp.var(z, axis=0)
        h = (z - mean) / jnp.sqrt(var + 1e-5) * g + be
        xs.append(h)
    # global_add_pool per layer output, then concat along feature dim
    pools = [jax.ops.segment_sum(t, batch, num_segments=G) for t in xs]
    return jnp.concatenate(pools, axis=1)


def reference(x, edge_index, batch,
              W1_0, b1_0, W2_0, b2_0, gamma_0, beta_0,
              W1_1, b1_1, W2_1, b2_1, gamma_1, beta_1,
              W1_2, b1_2, W2_2, b2_2, gamma_2, beta_2):
    params = {
        "W1_0": W1_0, "b1_0": b1_0, "W2_0": W2_0, "b2_0": b2_0,
        "gamma_0": gamma_0, "beta_0": beta_0,
        "W1_1": W1_1, "b1_1": b1_1, "W2_1": W2_1, "b2_1": b2_1,
        "gamma_1": gamma_1, "beta_1": beta_1,
        "W1_2": W1_2, "b1_2": b1_2, "W2_2": W2_2, "b2_2": b2_2,
        "gamma_2": gamma_2, "beta_2": beta_2,
    }
    plist = []
    for i in range(L):
        for n in ["W1", "b1", "W2", "b2", "gamma", "beta"]:
            plist.append(params[f"{n}_{i}"])
    return _forward(x, edge_index, batch, plist)

if __name__ == "__main__":
    import jax
    _d = setup_inputs()
    print(jax.jit(kernel)(*tuple(_d.values())))

</pallas_src>

<mosaic_0001>
#map = affine_map<(d0, d1) -> (0, 0)>
#map1 = affine_map<(d0, d1) -> (0, 0, 0, 0)>
#map2 = affine_map<(d0, d1) -> (0, 0, 0)>
module attributes {stable_mosaic.version = 14 : i64} {
  func.func @agg(%arg0: i32, %arg1: i32, %arg2: memref<10000x128xf32, #tpu.memory_space<hbm>>, %arg3: memref<2x32x80x125xi32, #tpu.memory_space<hbm>>, %arg4: memref<2x10240x128xf32, #tpu.memory_space<hbm>>, %arg5: memref<2x8x125xi32, #tpu.memory_space<vmem>>, %arg6: memref<2x8x125xi32, #tpu.memory_space<vmem>>, %arg7: memref<128x128xf32, #tpu.memory_space<vmem>>, %arg8: memref<128x128xf32, #tpu.memory_space<vmem>>, %arg9: memref<10240x128xf32, #tpu.memory_space<vmem_shared>>, %arg10: memref<!tpu.dma_semaphore, #tpu.memory_space<semaphore_mem>>, %arg11: memref<!tpu.dma_semaphore, #tpu.memory_space<semaphore_mem>>, %arg12: memref<!tpu.dma_semaphore, #tpu.memory_space<semaphore_mem>>) attributes {dimension_semantics = [#tpu.dimension_semantics<core_parallel>, #tpu.dimension_semantics<subcore_parallel>], iteration_bounds = array<i64: 2, 16>, scalar_prefetch = 0 : i64, scratch_operands = 8 : i64, tpu.core_type = #tpu.core_type<sc_vector_subcore>, window_params = [{transform_indices = #map}, {transform_indices = #map1}, {transform_indices = #map2}]} {
    %mul3A = arith.constant 2 : i32
    %mul3A_0 = arith.muli %arg1, %mul3A : i32
    %add3A = arith.addi %mul3A_0, %arg0 : i32
    %dma_start3A = arith.constant 0 : i32
    %dma_start3A_1 = arith.constant 0 : i32
    %dma_start3A_2 = arith.constant 0 : i32
    %dma_start3A_3 = arith.constant 0 : i32
    %dma_start3A_4 = tpu.memref_slice %arg5[%dma_start3A_1, %dma_start3A_2, %dma_start3A_3] : memref<2x8x125xi32, #tpu.memory_space<vmem>> -> memref<1x8x125xi32, #tpu.memory_space<vmem>>
    %dma_start3A_5 = tpu.memref_squeeze %dma_start3A_4 : memref<1x8x125xi32, #tpu.memory_space<vmem>> -> memref<8x125xi32, #tpu.memory_space<vmem>>
    %dma_start3A_6 = arith.constant 0 : i32
    %dma_start3A_7 = arith.constant 0 : i32
    %dma_start3A_8 = tpu.memref_slice %arg3[%dma_start3A, %add3A, %dma_start3A_6, %dma_start3A_7] : memref<2x32x80x125xi32, #tpu.memory_space<hbm>> -> memref<1x1x8x125xi32, #tpu.memory_space<hbm>>
    %dma_start3A_9 = tpu.memref_squeeze %dma_start3A_8 : memref<1x1x8x125xi32, #tpu.memory_space<hbm>> -> memref<8x125xi32, #tpu.memory_space<hbm>>
    %dma_start3A_10 = arith.constant 0 : i32
    %dma_start3A_11 = arith.constant 0 : i32
    %dma_start3A_12 = tpu.memref_slice %arg5[%dma_start3A_1, %dma_start3A_10, %dma_start3A_11] : memref<2x8x125xi32, #tpu.memory_space<vmem>> -> memref<1x8x125xi32, #tpu.memory_space<vmem>>
    %dma_start3A_13 = tpu.memref_squeeze %dma_start3A_12 : memref<1x8x125xi32, #tpu.memory_space<vmem>> -> memref<8x125xi32, #tpu.memory_space<vmem>>
    %dma_start3A_14 = arith.constant 0 : i32
    %dma_start3A_15 = arith.constant 0 : i32
    %dma_start3A_16 = tpu.memref_slice %arg3[%dma_start3A, %add3A, %dma_start3A_14, %dma_start3A_15] : memref<2x32x80x125xi32, #tpu.memory_space<hbm>> -> memref<1x1x8x125xi32, #tpu.memory_space<hbm>>
    %dma_start3A_17 = tpu.memref_squeeze %dma_start3A_16 : memref<1x1x8x125xi32, #tpu.memory_space<hbm>> -> memref<8x125xi32, #tpu.memory_space<hbm>>
    tpu.enqueue_dma source(%dma_start3A_17 : memref<8x125xi32, #tpu.memory_space<hbm>>) target(%dma_start3A_13 : memref<8x125xi32, #tpu.memory_space<vmem>>) target_semaphore(%arg12 : memref<!tpu.dma_semaphore, #tpu.memory_space<semaphore_mem>>)
    %dma_start3A_18 = arith.constant 1 : i32
    %dma_start3A_19 = arith.constant 0 : i32
    %dma_start3A_20 = arith.constant 0 : i32
    %dma_start3A_21 = arith.constant 0 : i32
    %dma_start3A_22 = tpu.memref_slice %arg6[%dma_start3A_19, %dma_start3A_20, %dma_start3A_21] : memref<2x8x125xi32, #tpu.memory_space<vmem>> -> memref<1x8x125xi32, #tpu.memory_space<vmem>>
    %dma_start3A_23 = tpu.memref_squeeze %dma_start3A_22 : memref<1x8x125xi32, #tpu.memory_space<vmem>> -> memref<8x125xi32, #tpu.memory_space<vmem>>
    %dma_start3A_24 = arith.constant 0 : i32
    %dma_start3A_25 = arith.constant 0 : i32
    %dma_start3A_26 = tpu.memref_slice %arg3[%dma_start3A_18, %add3A, %dma_start3A_24, %dma_start3A_25] : memref<2x32x80x125xi32, #tpu.memory_space<hbm>> -> memref<1x1x8x125xi32, #tpu.memory_space<hbm>>
    %dma_start3A_27 = tpu.memref_squeeze %dma_start3A_26 : memref<1x1x8x125xi32, #tpu.memory_space<hbm>> -> memref<8x125xi32, #tpu.memory_space<hbm>>
    %dma_start3A_28 = arith.constant 0 : i32
    %dma_start3A_29 = arith.constant 0 : i32
    %dma_start3A_30 = tpu.memref_slice %arg6[%dma_start3A_19, %dma_start3A_28, %dma_start3A_29] : memref<2x8x125xi32, #tpu.memory_space<vmem>> -> memref<1x8x125xi32, #tpu.memory_space<vmem>>
    %dma_start3A_31 = tpu.memref_squeeze %dma_start3A_30 : memref<1x8x125xi32, #tpu.memory_space<vmem>> -> memref<8x125xi32, #tpu.memory_space<vmem>>
    %dma_start3A_32 = arith.constant 0 : i32
    %dma_start3A_33 = arith.constant 0 : i32
    %dma_start3A_34 = tpu.memref_slice %arg3[%dma_start3A_18, %add3A, %dma_start3A_32, %dma_start3A_33] : memref<2x32x80x125xi32, #tpu.memory_space<hbm>> -> memref<1x1x8x125xi32, #tpu.memory_space<hbm>>
    %dma_start3A_35 = tpu.memref_squeeze %dma_start3A_34 : memref<1x1x8x125xi32, #tpu.memory_space<hbm>> -> memref<8x125xi32, #tpu.memory_space<hbm>>
    tpu.enqueue_dma source(%dma_start3A_35 : memref<8x125xi32, #tpu.memory_space<hbm>>) target(%dma_start3A_31 : memref<8x125xi32, #tpu.memory_space<vmem>>) target_semaphore(%arg12 : memref<!tpu.dma_semaphore, #tpu.memory_space<semaphore_mem>>)
    %dma_start3A_36 = arith.constant 0 : i32
    %dma_start3A_37 = arith.constant 1 : i32
    %dma_start3A_38 = arith.constant 0 : i32
    %dma_start3A_39 = arith.constant 0 : i32
    %dma_start3A_40 = tpu.memref_slice %arg5[%dma_start3A_37, %dma_start3A_38, %dma_start3A_39] : memref<2x8x125xi32, #tpu.memory_space<vmem>> -> memref<1x8x125xi32, #tpu.memory_space<vmem>>
    %dma_start3A_41 = tpu.memref_squeeze %dma_start3A_40 : memref<1x8x125xi32, #tpu.memory_space<vmem>> -> memref<8x125xi32, #tpu.memory_space<vmem>>
    %dma_start3A_42 = arith.constant 8 : i32
    %dma_start3A_43 = arith.constant 0 : i32
    %dma_start3A_44 = tpu.memref_slice %arg3[%dma_start3A_36, %add3A, %dma_start3A_42, %dma_start3A_43] : memref<2x32x80x125xi32, #tpu.memory_space<hbm>> -> memref<1x1x8x125xi32, #tpu.memory_space<hbm>>
    %dma_start3A_45 = tpu.memref_squeeze %dma_start3A_44 : memref<1x1x8x125xi32, #tpu.memory_space<hbm>> -> memref<8x125xi32, #tpu.memory_space<hbm>>
    %dma_start3A_46 = arith.constant 0 : i32
    %dma_start3A_47 = arith.constant 0 : i32
    %dma_start3A_48 = tpu.memref_slice %arg5[%dma_start3A_37, %dma_start3A_46, %dma_start3A_47] : memref<2x8x125xi32, #tpu.memory_space<vmem>> -> memref<1x8x125xi32, #tpu.memory_space<vmem>>
    %dma_start3A_49 = tpu.memref_squeeze %dma_start3A_48 : memref<1x8x125xi32, #tpu.memory_space<vmem>> -> memref<8x125xi32, #tpu.memory_space<vmem>>
    %dma_start3A_50 = arith.constant 8 : i32
    %dma_start3A_51 = arith.constant 0 : i32
    %dma_start3A_52 = tpu.memref_slice %arg3[%dma_start3A_36, %add3A, %dma_start3A_50, %dma_start3A_51] : memref<2x32x80x125xi32, #tpu.memory_space<hbm>> -> memref<1x1x8x125xi32, #tpu.memory_space<hbm>>
    %dma_start3A_53 = tpu.memref_squeeze %dma_start3A_52 : memref<1x1x8x125xi32, #tpu.memory_space<hbm>> -> memref<8x125xi32, #tpu.memory_space<hbm>>
    tpu.enqueue_dma source(%dma_start3A_53 : memref<8x125xi32, #tpu.memory_space<hbm>>) target(%dma_start3A_49 : memref<8x125xi32, #tpu.memory_space<vmem>>) target_semaphore(%arg12 : memref<!tpu.dma_semaphore, #tpu.memory_space<semaphore_mem>>)
    %dma_start3A_54 = arith.constant 1 : i32
    %dma_start3A_55 = arith.constant 1 : i32
    %dma_start3A_56 = arith.constant 0 : i32
    %dma_start3A_57 = arith.constant 0 : i32
    %dma_start3A_58 = tpu.memref_slice %arg6[%dma_start3A_55, %dma_start3A_56, %dma_start3A_57] : memref<2x8x125xi32, #tpu.memory_space<vmem>> -> memref<1x8x125xi32, #tpu.memory_space<vmem>>
    %dma_start3A_59 = tpu.memref_squeeze %dma_start3A_58 : memref<1x8x125xi32, #tpu.memory_space<vmem>> -> memref<8x125xi32, #tpu.memory_space<vmem>>
    %dma_start3A_60 = arith.constant 8 : i32
    %dma_start3A_61 = arith.constant 0 : i32
    %dma_start3A_62 = tpu.memref_slice %arg3[%dma_start3A_54, %add3A, %dma_start3A_60, %dma_start3A_61] : memref<2x32x80x125xi32, #tpu.memory_space<hbm>> -> memref<1x1x8x125xi32, #tpu.memory_space<hbm>>
    %dma_start3A_63 = tpu.memref_squeeze %dma_start3A_62 : memref<1x1x8x125xi32, #tpu.memory_space<hbm>> -> memref<8x125xi32, #tpu.memory_space<hbm>>
    %dma_start3A_64 = arith.constant 0 : i32
    %dma_start3A_65 = arith.constant 0 : i32
    %dma_start3A_66 = tpu.memref_slice %arg6[%dma_start3A_55, %dma_start3A_64, %dma_start3A_65] : memref<2x8x125xi32, #tpu.memory_space<vmem>> -> memref<1x8x125xi32, #tpu.memory_space<vmem>>
    %dma_start3A_67 = tpu.memref_squeeze %dma_start3A_66 : memref<1x8x125xi32, #tpu.memory_space<vmem>> -> memref<8x125xi32, #tpu.memory_space<vmem>>
    %dma_start3A_68 = arith.constant 8 : i32
    %dma_start3A_69 = arith.constant 0 : i32
    %dma_start3A_70 = tpu.memref_slice %arg3[%dma_start3A_54, %add3A, %dma_start3A_68, %dma_start3A_69] : memref<2x32x80x125xi32, #tpu.memory_space<hbm>> -> memref<1x1x8x125xi32, #tpu.memory_space<hbm>>
    %dma_start3A_71 = tpu.memref_squeeze %dma_start3A_70 : memref<1x1x8x125xi32, #tpu.memory_space<hbm>> -> memref<8x125xi32, #tpu.memory_space<hbm>>
    tpu.enqueue_dma source(%dma_start3A_71 : memref<8x125xi32, #tpu.memory_space<hbm>>) target(%dma_start3A_67 : memref<8x125xi32, #tpu.memory_space<vmem>>) target_semaphore(%arg12 : memref<!tpu.dma_semaphore, #tpu.memory_space<semaphore_mem>>)
    %scan3A = arith.constant 0 : i32
    %scan3A_72 = arith.constant 0 : i32
    %scan3A_73 = arith.constant 128 : i32
    %scan3A_74 = arith.addi %scan3A_72, %scan3A_73 : i32
    %scan3A_75 = arith.constant 1 : i32
    scf.for %scan3A_144 = %scan3A_72 to %scan3A_74 step %scan3A_75  : i32 {
      %broadcast_in_dim3A = arith.constant 0.000000e+00 : f32
      %broadcast_in_dim3A_145 = vector.broadcast %broadcast_in_dim3A : f32 to vector<16xf32>
      %swap3A = arith.index_cast %scan3A_144 : i32 to index
      %swap3A_146 = arith.constant 0 : index
      %swap3A_147 = tpu.vector_load %arg7[%swap3A, %swap3A_146] {strides = array<i32>} : memref<128x128xf32, #tpu.memory_space<vmem>>, vector<1x16xf32>,
      %swap3A_148 = vector.shape_cast %swap3A_147 : vector<1x16xf32> to vector<16xf32>
      %swap3A_149 = vector.shape_cast %broadcast_in_dim3A_145 : vector<16xf32> to vector<1x16xf32>
      tpu.vector_store %arg7[%swap3A, %swap3A_146], %swap3A_149 {strides = array<i32>} : memref<128x128xf32, #tpu.memory_space<vmem>>, vector<1x16xf32>,
      %broadcast_in_dim3A_150 = arith.constant 0.000000e+00 : f32
      %broadcast_in_dim3A_151 = vector.broadcast %broadcast_in_dim3A_150 : f32 to vector<16xf32>
      %swap3A_152 = arith.index_cast %scan3A_144 : i32 to index
      %swap3A_153 = arith.constant 16 : index
      %swap3A_154 = tpu.vector_load %arg7[%swap3A_152, %swap3A_153] {strides = array<i32>} : memref<128x128xf32, #tpu.memory_space<vmem>>, vector<1x16xf32>,
      %swap3A_155 = vector.shape_cast %swap3A_154 : vector<1x16xf32> to vector<16xf32>
      %swap3A_156 = vector.shape_cast %broadcast_in_dim3A_151 : vector<16xf32> to vector<1x16xf32>
      tpu.vector_store %arg7[%swap3A_152, %swap3A_153], %swap3A_156 {strides = array<i32>} : memref<128x128xf32, #tpu.memory_space<vmem>>, vector<1x16xf32>,
      %broadcast_in_dim3A_157 = arith.constant 0.000000e+00 : f32
      %broadcast_in_dim3A_158 = vector.broadcast %broadcast_in_dim3A_157 : f32 to vector<16xf32>
      %swap3A_159 = arith.index_cast %scan3A_144 : i32 to index
      %swap3A_160 = arith.constant 32 : index
      %swap3A_161 = tpu.vector_load %arg7[%swap3A_159, %swap3A_160] {strides = array<i32>} : memref<128x128xf32, #tpu.memory_space<vmem>>, vector<1x16xf32>,
      %swap3A_162 = vector.shape_cast %swap3A_161 : vector<1x16xf32> to vector<16xf32>
      %swap3A_163 = vector.shape_cast %broadcast_in_dim3A_158 : vector<16xf32> to vector<1x16xf32>
      tpu.vector_store %arg7[%swap3A_159, %swap3A_160], %swap3A_163 {strides = array<i32>} : memref<128x128xf32, #tpu.memory_space<vmem>>, vector<1x16xf32>,
      %broadcast_in_dim3A_164 = arith.constant 0.000000e+00 : f32
      %broadcast_in_dim3A_165 = vector.broadcast %broadcast_in_dim3A_164 : f32 to vector<16xf32>
      %swap3A_166 = arith.index_cast %scan3A_144 : i32 to index
      %swap3A_167 = arith.constant 48 : index
      %swap3A_168 = tpu.vector_load %arg7[%swap3A_166, %swap3A_167] {strides = array<i32>} : memref<128x128xf32, #tpu.memory_space<vmem>>, vector<1x16xf32>,
      %swap3A_169 = vector.shape_cast %swap3A_168 : vector<1x16xf32> to vector<16xf32>
      %swap3A_170 = vector.shape_cast %broadcast_in_dim3A_165 : vector<16xf32> to vector<1x16xf32>
      tpu.vector_store %arg7[%swap3A_166, %swap3A_167], %swap3A_170 {strides = array<i32>} : memref<128x128xf32, #tpu.memory_space<vmem>>, vector<1x16xf32>,
      %broadcast_in_dim3A_171 = arith.constant 0.000000e+00 : f32
      %broadcast_in_dim3A_172 = vector.broadcast %broadcast_in_dim3A_171 : f32 to vector<16xf32>
      %swap3A_173 = arith.index_cast %scan3A_144 : i32 to index
      %swap3A_174 = arith.constant 64 : index
      %swap3A_175 = tpu.vector_load %arg7[%swap3A_173, %swap3A_174] {strides = array<i32>} : memref<128x128xf32, #tpu.memory_space<vmem>>, vector<1x16xf32>,
      %swap3A_176 = vector.shape_cast %swap3A_175 : vector<1x16xf32> to vector<16xf32>
      %swap3A_177 = vector.shape_cast %broadcast_in_dim3A_172 : vector<16xf32> to vector<1x16xf32>
      tpu.vector_store %arg7[%swap3A_173, %swap3A_174], %swap3A_177 {strides = array<i32>} : memref<128x128xf32, #tpu.memory_space<vmem>>, vector<1x16xf32>,
      %broadcast_in_dim3A_178 = arith.constant 0.000000e+00 : f32
      %broadcast_in_dim3A_179 = vector.broadcast %broadcast_in_dim3A_178 : f32 to vector<16xf32>
      %swap3A_180 = arith.index_cast %scan3A_144 : i32 to index
      %swap3A_181 = arith.constant 80 : index
      %swap3A_182 = tpu.vector_load %arg7[%swap3A_180, %swap3A_181] {strides = array<i32>} : memref<128x128xf32, #tpu.memory_space<vmem>>, vector<1x16xf32>,
      %swap3A_183 = vector.shape_cast %swap3A_182 : vector<1x16xf32> to vector<16xf32>
      %swap3A_184 = vector.shape_cast %broadcast_in_dim3A_179 : vector<16xf32> to vector<1x16xf32>
      tpu.vector_store %arg7[%swap3A_180, %swap3A_181], %swap3A_184 {strides = array<i32>} : memref<128x128xf32, #tpu.memory_space<vmem>>, vector<1x16xf32>,
      %broadcast_in_dim3A_185 = arith.constant 0.000000e+00 : f32
      %broadcast_in_dim3A_186 = vector.broadcast %broadcast_in_dim3A_185 : f32 to vector<16xf32>
      %swap3A_187 = arith.index_cast %scan3A_144 : i32 to index
      %swap3A_188 = arith.constant 96 : index
      %swap3A_189 = tpu.vector_load %arg7[%swap3A_187, %swap3A_188] {strides = array<i32>} : memref<128x128xf32, #tpu.memory_space<vmem>>, vector<1x16xf32>,
      %swap3A_190 = vector.shape_cast %swap3A_189 : vector<1x16xf32> to vector<16xf32>
      %swap3A_191 = vector.shape_cast %broadcast_in_dim3A_186 : vector<16xf32> to vector<1x16xf32>
      tpu.vector_store %arg7[%swap3A_187, %swap3A_188], %swap3A_191 {strides = array<i32>} : memref<128x128xf32, #tpu.memory_space<vmem>>, vector<1x16xf32>,
      %broadcast_in_dim3A_192 = arith.constant 0.000000e+00 : f32
      %broadcast_in_dim3A_193 = vector.broadcast %broadcast_in_dim3A_192 : f32 to vector<16xf32>
      %swap3A_194 = arith.index_cast %scan3A_144 : i32 to index
      %swap3A_195 = arith.constant 112 : index
      %swap3A_196 = tpu.vector_load %arg7[%swap3A_194, %swap3A_195] {strides = array<i32>} : memref<128x128xf32, #tpu.memory_space<vmem>>, vector<1x16xf32>,
      %swap3A_197 = vector.shape_cast %swap3A_196 : vector<1x16xf32> to vector<16xf32>
      %swap3A_198 = vector.shape_cast %broadcast_in_dim3A_193 : vector<16xf32> to vector<1x16xf32>
      tpu.vector_store %arg7[%swap3A_194, %swap3A_195], %swap3A_198 {strides = array<i32>} : memref<128x128xf32, #tpu.memory_space<vmem>>, vector<1x16xf32>,
    }
    %scan3A_76 = arith.constant 128 : i32
    %mul3A_77 = arith.constant 640 : i32
    %mul3A_78 = arith.muli %arg1, %mul3A_77 : i32
    %scan3A_79 = arith.constant 0 : i32
    %scan3A_80 = arith.constant 0 : i32
    %scan3A_81 = arith.constant 5 : i32
    %scan3A_82 = arith.addi %scan3A_80, %scan3A_81 : i32
    %scan3A_83 = arith.constant 1 : i32
    scf.for %scan3A_144 = %scan3A_80 to %scan3A_82 step %scan3A_83  : i32 {
      %mul3A_145 = arith.constant 128 : i32
      %mul3A_146 = arith.muli %scan3A_144, %mul3A_145 : i32
      %add3A_147 = arith.addi %mul3A_78, %mul3A_146 : i32
      %dma_start3A_148 = arith.constant 0 : i32
      %dma_start3A_149 = tpu.memref_slice %arg9[%add3A_147, %dma_start3A_148] : memref<10240x128xf32, #tpu.memory_space<vmem_shared>> -> memref<128x128xf32, #tpu.memory_space<vmem_shared>>
      %dma_start3A_150 = arith.constant 0 : i32
      %dma_start3A_151 = tpu.memref_slice %arg9[%add3A_147, %dma_start3A_150] : memref<10240x128xf32, #tpu.memory_space<vmem_shared>> -> memref<128x128xf32, #tpu.memory_space<vmem_shared>>
      tpu.enqueue_dma source(%arg7 : memref<128x128xf32, #tpu.memory_space<vmem>>) target(%dma_start3A_151 : memref<128x128xf32, #tpu.memory_space<vmem_shared>>) target_semaphore(%arg10 : memref<!tpu.dma_semaphore, #tpu.memory_space<semaphore_mem>>)
    }
    %scan3A_84 = arith.constant 5 : i32
    %scan3A_85 = arith.constant 0 : i32
    %scan3A_86 = arith.constant 0 : i32
    %scan3A_87 = arith.constant 5 : i32
    %scan3A_88 = arith.addi %scan3A_86, %scan3A_87 : i32
    %scan3A_89 = arith.constant 1 : i32
    scf.for %scan3A_144 = %scan3A_86 to %scan3A_88 step %scan3A_89  : i32 {
      %dma_wait3A_145 = arith.constant 0 : i32
      %dma_wait3A_146 = tpu.memref_slice %arg9[%mul3A_78, %dma_wait3A_145] : memref<10240x128xf32, #tpu.memory_space<vmem_shared>> -> memref<128x128xf32, #tpu.memory_space<vmem_shared>>
      %dma_wait3A_147 = arith.constant 0 : i32
      %dma_wait3A_148 = tpu.memref_slice %arg9[%mul3A_78, %dma_wait3A_147] : memref<10240x128xf32, #tpu.memory_space<vmem_shared>> -> memref<128x128xf32, #tpu.memory_space<vmem_shared>>
      tpu.wait_dma2 semaphore(%arg10 : memref<!tpu.dma_semaphore, #tpu.memory_space<semaphore_mem>>) src(%arg7 : memref<128x128xf32, #tpu.memory_space<vmem>>) dst(%dma_wait3A_148 : memref<128x128xf32, #tpu.memory_space<vmem_shared>>)
    }
    %scan3A_90 = arith.constant 5 : i32
    %barrier3A = arith.constant 0 : index
    tpu.barrier barrier_id(%barrier3A)
    %dma_wait3A = arith.constant 0 : i32
    %dma_wait3A_91 = arith.constant 0 : i32
    %dma_wait3A_92 = arith.constant 0 : i32
    %dma_wait3A_93 = arith.constant 0 : i32
    %dma_wait3A_94 = tpu.memref_slice %arg5[%dma_wait3A_91, %dma_wait3A_92, %dma_wait3A_93] : memref<2x8x125xi32, #tpu.memory_space<vmem>> -> memref<1x8x125xi32, #tpu.memory_space<vmem>>
    %dma_wait3A_95 = tpu.memref_squeeze %dma_wait3A_94 : memref<1x8x125xi32, #tpu.memory_space<vmem>> -> memref<8x125xi32, #tpu.memory_space<vmem>>
    %dma_wait3A_96 = arith.constant 0 : i32
    %dma_wait3A_97 = arith.constant 0 : i32
    %dma_wait3A_98 = tpu.memref_slice %arg3[%dma_wait3A, %add3A, %dma_wait3A_96, %dma_wait3A_97] : memref<2x32x80x125xi32, #tpu.memory_space<hbm>> -> memref<1x1x8x125xi32, #tpu.memory_space<hbm>>
    %dma_wait3A_99 = tpu.memref_squeeze %dma_wait3A_98 : memref<1x1x8x125xi32, #tpu.memory_space<hbm>> -> memref<8x125xi32, #tpu.memory_space<hbm>>
    %dma_wait3A_100 = arith.constant 0 : i32
    %dma_wait3A_101 = arith.constant 0 : i32
    %dma_wait3A_102 = tpu.memref_slice %arg5[%dma_wait3A_91, %dma_wait3A_100, %dma_wait3A_101] : memref<2x8x125xi32, #tpu.memory_space<vmem>> -> memref<1x8x125xi32, #tpu.memory_space<vmem>>
    %dma_wait3A_103 = tpu.memref_squeeze %dma_wait3A_102 : memref<1x8x125xi32, #tpu.memory_space<vmem>> -> memref<8x125xi32, #tpu.memory_space<vmem>>
    %dma_wait3A_104 = arith.constant 0 : i32
    %dma_wait3A_105 = arith.constant 0 : i32
    %dma_wait3A_106 = tpu.memref_slice %arg3[%dma_wait3A, %add3A, %dma_wait3A_104, %dma_wait3A_105] : memref<2x32x80x125xi32, #tpu.memory_space<hbm>> -> memref<1x1x8x125xi32, #tpu.memory_space<hbm>>
    %dma_wait3A_107 = tpu.memref_squeeze %dma_wait3A_106 : memref<1x1x8x125xi32, #tpu.memory_space<hbm>> -> memref<8x125xi32, #tpu.memory_space<hbm>>
    tpu.wait_dma2 semaphore(%arg12 : memref<!tpu.dma_semaphore, #tpu.memory_space<semaphore_mem>>) src(%dma_wait3A_107 : memref<8x125xi32, #tpu.memory_space<hbm>>) dst(%dma_wait3A_103 : memref<8x125xi32, #tpu.memory_space<vmem>>)
    %dma_wait3A_108 = arith.constant 1 : i32
    %dma_wait3A_109 = arith.constant 0 : i32
    %dma_wait3A_110 = arith.constant 0 : i32
    %dma_wait3A_111 = arith.constant 0 : i32
    %dma_wait3A_112 = tpu.memref_slice %arg6[%dma_wait3A_109, %dma_wait3A_110, %dma_wait3A_111] : memref<2x8x125xi32, #tpu.memory_space<vmem>> -> memref<1x8x125xi32, #tpu.memory_space<vmem>>
    %dma_wait3A_113 = tpu.memref_squeeze %dma_wait3A_112 : memref<1x8x125xi32, #tpu.memory_space<vmem>> -> memref<8x125xi32, #tpu.memory_space<vmem>>
    %dma_wait3A_114 = arith.constant 0 : i32
    %dma_wait3A_115 = arith.constant 0 : i32
    %dma_wait3A_116 = tpu.memref_slice %arg3[%dma_wait3A_108, %add3A, %dma_wait3A_114, %dma_wait3A_115] : memref<2x32x80x125xi32, #tpu.memory_space<hbm>> -> memref<1x1x8x125xi32, #tpu.memory_space<hbm>>
    %dma_wait3A_117 = tpu.memref_squeeze %dma_wait3A_116 : memref<1x1x8x125xi32, #tpu.memory_space<hbm>> -> memref<8x125xi32, #tpu.memory_space<hbm>>
    %dma_wait3A_118 = arith.constant 0 : i32
    %dma_wait3A_119 = arith.constant 0 : i32
    %dma_wait3A_120 = tpu.memref_slice %arg6[%dma_wait3A_109, %dma_wait3A_118, %dma_wait3A_119] : memref<2x8x125xi32, #tpu.memory_space<vmem>> -> memref<1x8x125xi32, #tpu.memory_space<vmem>>
    %dma_wait3A_121 = tpu.memref_squeeze %dma_wait3A_120 : memref<1x8x125xi32, #tpu.memory_space<vmem>> -> memref<8x125xi32, #tpu.memory_space<vmem>>
    %dma_wait3A_122 = arith.constant 0 : i32
    %dma_wait3A_123 = arith.constant 0 : i32
    %dma_wait3A_124 = tpu.memref_slice %arg3[%dma_wait3A_108, %add3A, %dma_wait3A_122, %dma_wait3A_123] : memref<2x32x80x125xi32, #tpu.memory_space<hbm>> -> memref<1x1x8x125xi32, #tpu.memory_space<hbm>>
    %dma_wait3A_125 = tpu.memref_squeeze %dma_wait3A_124 : memref<1x1x8x125xi32, #tpu.memory_space<hbm>> -> memref<8x125xi32, #tpu.memory_space<hbm>>
    tpu.wait_dma2 semaphore(%arg12 : memref<!tpu.dma_semaphore, #tpu.memory_space<semaphore_mem>>) src(%dma_wait3A_125 : memref<8x125xi32, #tpu.memory_space<hbm>>) dst(%dma_wait3A_121 : memref<8x125xi32, #tpu.memory_space<vmem>>)
    %dma_start3A_126 = arith.constant 0 : i32
    %dma_start3A_127 = arith.constant 0 : i32
    %dma_start3A_128 = arith.constant 0 : i32
    %dma_start3A_129 = arith.constant 0 : i32
    %dma_start3A_130 = tpu.memref_slice %arg7[%dma_start3A_128, %dma_start3A_129] : memref<128x128xf32, #tpu.memory_space<vmem>> -> memref<125x128xf32, #tpu.memory_space<vmem>>
    %dma_start3A_131 = arith.constant 0 : i32
    %dma_start3A_132 = tpu.memref_slice %arg5[%dma_start3A_126, %dma_start3A_127, %dma_start3A_131] : memref<2x8x125xi32, #tpu.memory_space<vmem>> -> memref<1x1x125xi32, #tpu.memory_space<vmem>>
    %dma_start3A_133 = tpu.memref_squeeze %dma_start3A_132 : memref<1x1x125xi32, #tpu.memory_space<vmem>> -> memref<125xi32, #tpu.memory_space<vmem>>
    %dma_start3A_134 = arith.constant 0 : i32
    %dma_start3A_135 = arith.constant 0 : i32
    %dma_start3A_136 = tpu.memref_slice %arg2[%dma_start3A_134, %dma_start3A_135] : memref<10000x128xf32, #tpu.memory_space<hbm>> -> memref<10000x128xf32, #tpu.memory_space<hbm>>
    tpu.enqueue_indirect_dma source(%dma_start3A_136 : memref<10000x128xf32, #tpu.memory_space<hbm>>) target(%dma_start3A_130 : memref<125x128xf32, #tpu.memory_space<vmem>>) offsets(%dma_start3A_133 : memref<125xi32, #tpu.memory_space<vmem>>) semaphore(%arg10 : memref<!tpu.dma_semaphore, #tpu.memory_space<semaphore_mem>>)
    %scan3A_137 = arith.constant 0 : i32
    %scan3A_138 = arith.constant 0 : i32
    %scan3A_139 = arith.constant 10 : i32
    %scan3A_140 = arith.addi %scan3A_138, %scan3A_139 : i32
    %scan3A_141 = arith.constant 1 : i32
    scf.for %scan3A_144 = %scan3A_138 to %scan3A_140 step %scan3A_141  : i32 {
      %jit3A = arith.constant 2 : i32
      %eq3A = arith.constant 0 : i32
      %eq3A_145 = arith.cmpi eq, %jit3A, %eq3A : i32
      %jit3A_146 = arith.constant 1 : i32
      %select_n3A = arith.select %eq3A_145, %jit3A_146, %jit3A : i32
      %rem3A = arith.remsi %scan3A_144, %select_n3A : i32
      %ne3A = arith.constant 0 : i32
      %ne3A_147 = arith.cmpi ne, %rem3A, %ne3A : i32
      %lt3A = arith.constant 0 : i32
      %lt3A_148 = arith.cmpi slt, %rem3A, %lt3A : i32
      %lt3A_149 = arith.constant 0 : i32
      %lt3A_150 = arith.cmpi slt, %select_n3A, %lt3A_149 : i32
      %ne3A_151 = arith.xori %lt3A_148, %lt3A_150 : i1
      %and3A = arith.andi %ne3A_151, %ne3A_147 : i1
      %add3A_152 = arith.addi %rem3A, %select_n3A : i32
      %select_n3A_153 = arith.select %and3A, %add3A_152, %rem3A : i32
      %dma_start3A_154 = arith.constant 1 : i32
      %dma_start3A_155 = arith.constant 0 : i32
      %dma_start3A_156 = arith.constant 0 : i32
      %dma_start3A_157 = tpu.memref_slice %arg8[%dma_start3A_155, %dma_start3A_156] : memref<128x128xf32, #tpu.memory_space<vmem>> -> memref<125x128xf32, #tpu.memory_space<vmem>>
      %dma_start3A_158 = arith.constant 0 : i32
      %dma_start3A_159 = tpu.memref_slice %arg5[%select_n3A_153, %dma_start3A_154, %dma_start3A_158] : memref<2x8x125xi32, #tpu.memory_space<vmem>> -> memref<1x1x125xi32, #tpu.memory_space<vmem>>
      %dma_start3A_160 = tpu.memref_squeeze %dma_start3A_159 : memref<1x1x125xi32, #tpu.memory_space<vmem>> -> memref<125xi32, #tpu.memory_space<vmem>>
      %dma_start3A_161 = arith.constant 0 : i32
      %dma_start3A_162 = arith.constant 0 : i32
      %dma_start3A_163 = tpu.memref_slice %arg2[%dma_start3A_161, %dma_start3A_162] : memref<10000x128xf32, #tpu.memory_space<hbm>> -> memref<10000x128xf32, #tpu.memory_space<hbm>>
      tpu.enqueue_indirect_dma source(%dma_start3A_163 : memref<10000x128xf32, #tpu.memory_space<hbm>>) target(%dma_start3A_157 : memref<125x128xf32, #tpu.memory_space<vmem>>) offsets(%dma_start3A_160 : memref<125xi32, #tpu.memory_space<vmem>>) semaphore(%arg11 : memref<!tpu.dma_semaphore, #tpu.memory_space<semaphore_mem>>)
      %dma_wait3A_164 = arith.constant 0 : i32
      %dma_wait3A_165 = arith.constant 0 : i32
      %dma_wait3A_166 = arith.constant 0 : i32
      %dma_wait3A_167 = tpu.memref_slice %arg7[%dma_wait3A_165, %dma_wait3A_166] : memref<128x128xf32, #tpu.memory_space<vmem>> -> memref<125x128xf32, #tpu.memory_space<vmem>>
      %dma_wait3A_168 = arith.constant 0 : i32
      %dma_wait3A_169 = tpu.memref_slice %arg5[%select_n3A_153, %dma_wait3A_164, %dma_wait3A_168] : memref<2x8x125xi32, #tpu.memory_space<vmem>> -> memref<1x1x125xi32, #tpu.memory_space<vmem>>
      %dma_wait3A_170 = tpu.memref_squeeze %dma_wait3A_169 : memref<1x1x125xi32, #tpu.memory_space<vmem>> -> memref<125xi32, #tpu.memory_space<vmem>>
      %dma_wait3A_171 = arith.constant 0 : i32
      %dma_wait3A_172 = arith.constant 0 : i32
      %dma_wait3A_173 = tpu.memref_slice %arg2[%dma_wait3A_171, %dma_wait3A_172] : memref<10000x128xf32, #tpu.memory_space<hbm>> -> memref<10000x128xf32, #tpu.memory_space<hbm>>
      tpu.wait_indirect_dma semaphore(%arg10 : memref<!tpu.dma_semaphore, #tpu.memory_space<semaphore_mem>>) src(%dma_wait3A_173 : memref<10000x128xf32, #tpu.memory_space<hbm>>) dst(%dma_wait3A_167 : memref<125x128xf32, #tpu.memory_space<vmem>>)
      %run_scoped3A = arith.constant 0 : i32
      "tpu.region"() ({
        %run_scoped3A_319 = tpu.sem_alloc : memref<!tpu.dma_semaphore, #tpu.memory_space<semaphore_mem>>
        %dma_start3A_320 = arith.constant 0 : i32
        %dma_start3A_321 = arith.constant 0 : i32
        %dma_start3A_322 = tpu.memref_slice %arg7[%dma_start3A_320, %dma_start3A_321] : memref<128x128xf32, #tpu.memory_space<vmem>> -> memref<125x128xf32, #tpu.memory_space<vmem>>
        %dma_start3A_323 = arith.constant 0 : i32
        %dma_start3A_324 = tpu.memref_slice %arg6[%select_n3A_153, %run_scoped3A, %dma_start3A_323] : memref<2x8x125xi32, #tpu.memory_space<vmem>> -> memref<1x1x125xi32, #tpu.memory_space<vmem>>
        %dma_start3A_325 = tpu.memref_squeeze %dma_start3A_324 : memref<1x1x125xi32, #tpu.memory_space<vmem>> -> memref<125xi32, #tpu.memory_space<vmem>>
        %dma_start3A_326 = arith.constant 0 : i32
        %dma_start3A_327 = arith.constant 0 : i32
        %dma_start3A_328 = tpu.memref_slice %arg9[%dma_start3A_326, %dma_start3A_327] : memref<10240x128xf32, #tpu.memory_space<vmem_shared>> -> memref<10240x128xf32, #tpu.memory_space<vmem_shared>>
        tpu.enqueue_indirect_dma source(%dma_start3A_322 : memref<125x128xf32, #tpu.memory_space<vmem>>) target(%dma_start3A_328 : memref<10240x128xf32, #tpu.memory_space<vmem_shared>>) offsets(%dma_start3A_325 : memref<125xi32, #tpu.memory_space<vmem>>) semaphore(%run_scoped3A_319 : memref<!tpu.dma_semaphore, #tpu.memory_space<semaphore_mem>>) {add = true}
        %dma_wait3A_329 = arith.constant 0 : i32
        %dma_wait3A_330 = arith.constant 0 : i32
        %dma_wait3A_331 = tpu.memref_slice %arg7[%dma_wait3A_329, %dma_wait3A_330] : memref<128x128xf32, #tpu.memory_space<vmem>> -> memref<125x128xf32, #tpu.memory_space<vmem>>
        %dma_wait3A_332 = arith.constant 0 : i32
        %dma_wait3A_333 = tpu.memref_slice %arg6[%select_n3A_153, %run_scoped3A, %dma_wait3A_332] : memref<2x8x125xi32, #tpu.memory_space<vmem>> -> memref<1x1x125xi32, #tpu.memory_space<vmem>>
        %dma_wait3A_334 = tpu.memref_squeeze %dma_wait3A_333 : memref<1x1x125xi32, #tpu.memory_space<vmem>> -> memref<125xi32, #tpu.memory_space<vmem>>
        %dma_wait3A_335 = arith.constant 0 : i32
        %dma_wait3A_336 = arith.constant 0 : i32
        %dma_wait3A_337 = tpu.memref_slice %arg9[%dma_wait3A_335, %dma_wait3A_336] : memref<10240x128xf32, #tpu.memory_space<vmem_shared>> -> memref<10240x128xf32, #tpu.memory_space<vmem_shared>>
        tpu.wait_indirect_dma semaphore(%run_scoped3A_319 : memref<!tpu.dma_semaphore, #tpu.memory_space<semaphore_mem>>) src(%dma_wait3A_331 : memref<125x128xf32, #tpu.memory_space<vmem>>) dst(%dma_wait3A_337 : memref<10240x128xf32, #tpu.memory_space<vmem_shared>>)
        tpu.yield
      }) : () -> ()
      %dma_start3A_174 = arith.constant 2 : i32
      %dma_start3A_175 = arith.constant 0 : i32
      %dma_start3A_176 = arith.constant 0 : i32
      %dma_start3A_177 = tpu.memref_slice %arg7[%dma_start3A_175, %dma_start3A_176] : memref<128x128xf32, #tpu.memory_space<vmem>> -> memref<125x128xf32, #tpu.memory_space<vmem>>
      %dma_start3A_178 = arith.constant 0 : i32
      %dma_start3A_179 = tpu.memref_slice %arg5[%select_n3A_153, %dma_start3A_174, %dma_start3A_178] : memref<2x8x125xi32, #tpu.memory_space<vmem>> -> memref<1x1x125xi32, #tpu.memory_space<vmem>>
      %dma_start3A_180 = tpu.memref_squeeze %dma_start3A_179 : memref<1x1x125xi32, #tpu.memory_space<vmem>> -> memref<125xi32, #tpu.memory_space<vmem>>
      %dma_start3A_181 = arith.constant 0 : i32
      %dma_start3A_182 = arith.constant 0 : i32
      %dma_start3A_183 = tpu.memref_slice %arg2[%dma_start3A_181, %dma_start3A_182] : memref<10000x128xf32, #tpu.memory_space<hbm>> -> memref<10000x128xf32, #tpu.memory_space<hbm>>
      tpu.enqueue_indirect_dma source(%dma_start3A_183 : memref<10000x128xf32, #tpu.memory_space<hbm>>) target(%dma_start3A_177 : memref<125x128xf32, #tpu.memory_space<vmem>>) offsets(%dma_start3A_180 : memref<125xi32, #tpu.memory_space<vmem>>) semaphore(%arg10 : memref<!tpu.dma_semaphore, #tpu.memory_space<semaphore_mem>>)
      %dma_wait3A_184 = arith.constant 1 : i32
      %dma_wait3A_185 = arith.constant 0 : i32
      %dma_wait3A_186 = arith.constant 0 : i32
      %dma_wait3A_187 = tpu.memref_slice %arg8[%dma_wait3A_185, %dma_wait3A_186] : memref<128x128xf32, #tpu.memory_space<vmem>> -> memref<125x128xf32, #tpu.memory_space<vmem>>
      %dma_wait3A_188 = arith.constant 0 : i32
      %dma_wait3A_189 = tpu.memref_slice %arg5[%select_n3A_153, %dma_wait3A_184, %dma_wait3A_188] : memref<2x8x125xi32, #tpu.memory_space<vmem>> -> memref<1x1x125xi32, #tpu.memory_space<vmem>>
      %dma_wait3A_190 = tpu.memref_squeeze %dma_wait3A_189 : memref<1x1x125xi32, #tpu.memory_space<vmem>> -> memref<125xi32, #tpu.memory_space<vmem>>
      %dma_wait3A_191 = arith.constant 0 : i32
      %dma_wait3A_192 = arith.constant 0 : i32
      %dma_wait3A_193 = tpu.memref_slice %arg2[%dma_wait3A_191, %dma_wait3A_192] : memref<10000x128xf32, #tpu.memory_space<hbm>> -> memref<10000x128xf32, #tpu.memory_space<hbm>>
      tpu.wait_indirect_dma semaphore(%arg11 : memref<!tpu.dma_semaphore, #tpu.memory_space<semaphore_mem>>) src(%dma_wait3A_193 : memref<10000x128xf32, #tpu.memory_space<hbm>>) dst(%dma_wait3A_187 : memref<125x128xf32, #tpu.memory_space<vmem>>)
      %run_scoped3A_194 = arith.constant 1 : i32
      "tpu.region"() ({
        %run_scoped3A_319 = tpu.sem_alloc : memref<!tpu.dma_semaphore, #tpu.memory_space<semaphore_mem>>
        %dma_start3A_320 = arith.constant 0 : i32
        %dma_start3A_321 = arith.constant 0 : i32
        %dma_start3A_322 = tpu.memref_slice %arg8[%dma_start3A_320, %dma_start3A_321] : memref<128x128xf32, #tpu.memory_space<vmem>> -> memref<125x128xf32, #tpu.memory_space<vmem>>
        %dma_start3A_323 = arith.constant 0 : i32
        %dma_start3A_324 = tpu.memref_slice %arg6[%select_n3A_153, %run_scoped3A_194, %dma_start3A_323] : memref<2x8x125xi32, #tpu.memory_space<vmem>> -> memref<1x1x125xi32, #tpu.memory_space<vmem>>
        %dma_start3A_325 = tpu.memref_squeeze %dma_start3A_324 : memref<1x1x125xi32, #tpu.memory_space<vmem>> -> memref<125xi32, #tpu.memory_space<vmem>>
        %dma_start3A_326 = arith.constant 0 : i32
        %dma_start3A_327 = arith.constant 0 : i32
        %dma_start3A_328 = tpu.memref_slice %arg9[%dma_start3A_326, %dma_start3A_327] : memref<10240x128xf32, #tpu.memory_space<vmem_shared>> -> memref<10240x128xf32, #tpu.memory_space<vmem_shared>>
        tpu.enqueue_indirect_dma source(%dma_start3A_322 : memref<125x128xf32, #tpu.memory_space<vmem>>) target(%dma_start3A_328 : memref<10240x128xf32, #tpu.memory_space<vmem_shared>>) offsets(%dma_start3A_325 : memref<125xi32, #tpu.memory_space<vmem>>) semaphore(%run_scoped3A_319 : memref<!tpu.dma_semaphore, #tpu.memory_space<semaphore_mem>>) {add = true}
        %dma_wait3A_329 = arith.constant 0 : i32
        %dma_wait3A_330 = arith.constant 0 : i32
        %dma_wait3A_331 = tpu.memref_slice %arg8[%dma_wait3A_329, %dma_wait3A_330] : memref<128x128xf32, #tpu.memory_space<vmem>> -> memref<125x128xf32, #tpu.memory_space<vmem>>
        %dma_wait3A_332 = arith.constant 0 : i32
        %dma_wait3A_333 = tpu.memref_slice %arg6[%select_n3A_153, %run_scoped3A_194, %dma_wait3A_332] : memref<2x8x125xi32, #tpu.memory_space<vmem>> -> memref<1x1x125xi32, #tpu.memory_space<vmem>>
        %dma_wait3A_334 = tpu.memref_squeeze %dma_wait3A_333 : memref<1x1x125xi32, #tpu.memory_space<vmem>> -> memref<125xi32, #tpu.memory_space<vmem>>
        %dma_wait3A_335 = arith.constant 0 : i32
        %dma_wait3A_336 = arith.constant 0 : i32
        %dma_wait3A_337 = tpu.memref_slice %arg9[%dma_wait3A_335, %dma_wait3A_336] : memref<10240x128xf32, #tpu.memory_space<vmem_shared>> -> memref<10240x128xf32, #tpu.memory_space<vmem_shared>>
        tpu.wait_indirect_dma semaphore(%run_scoped3A_319 : memref<!tpu.dma_semaphore, #tpu.memory_space<semaphore_mem>>) src(%dma_wait3A_331 : memref<125x128xf32, #tpu.memory_space<vmem>>) dst(%dma_wait3A_337 : memref<10240x128xf32, #tpu.memory_space<vmem_shared>>)
        tpu.yield
      }) : () -> ()
      %dma_start3A_195 = arith.constant 3 : i32
      %dma_start3A_196 = arith.constant 0 : i32
      %dma_start3A_197 = arith.constant 0 : i32
      %dma_start3A_198 = tpu.memref_slice %arg8[%dma_start3A_196, %dma_start3A_197] : memref<128x128xf32, #tpu.memory_space<vmem>> -> memref<125x128xf32, #tpu.memory_space<vmem>>
      %dma_start3A_199 = arith.constant 0 : i32
      %dma_start3A_200 = tpu.memref_slice %arg5[%select_n3A_153, %dma_start3A_195, %dma_start3A_199] : memref<2x8x125xi32, #tpu.memory_space<vmem>> -> memref<1x1x125xi32, #tpu.memory_space<vmem>>
      %dma_start3A_201 = tpu.memref_squeeze %dma_start3A_200 : memref<1x1x125xi32, #tpu.memory_space<vmem>> -> memref<125xi32, #tpu.memory_space<vmem>>
      %dma_start3A_202 = arith.constant 0 : i32
      %dma_start3A_203 = arith.constant 0 : i32
      %dma_start3A_204 = tpu.memref_slice %arg2[%dma_start3A_202, %dma_start3A_203] : memref<10000x128xf32, #tpu.memory_space<hbm>> -> memref<10000x128xf32, #tpu.memory_space<hbm>>
      tpu.enqueue_indirect_dma source(%dma_start3A_204 : memref<10000x128xf32, #tpu.memory_space<hbm>>) target(%dma_start3A_198 : memref<125x128xf32, #tpu.memory_space<vmem>>) offsets(%dma_start3A_201 : memref<125xi32, #tpu.memory_space<vmem>>) semaphore(%arg11 : memref<!tpu.dma_semaphore, #tpu.memory_space<semaphore_mem>>)
      %dma_wait3A_205 = arith.constant 2 : i32
      %dma_wait3A_206 = arith.constant 0 : i32
      %dma_wait3A_207 = arith.constant 0 : i32
      %dma_wait3A_208 = tpu.memref_slice %arg7[%dma_wait3A_206, %dma_wait3A_207] : memref<128x128xf32, #tpu.memory_space<vmem>> -> memref<125x128xf32, #tpu.memory_space<vmem>>
      %dma_wait3A_209 = arith.constant 0 : i32
      %dma_wait3A_210 = tpu.memref_slice %arg5[%select_n3A_153, %dma_wait3A_205, %dma_wait3A_209] : memref<2x8x125xi32, #tpu.memory_space<vmem>> -> memref<1x1x125xi32, #tpu.memory_space<vmem>>
      %dma_wait3A_211 = tpu.memref_squeeze %dma_wait3A_210 : memref<1x1x125xi32, #tpu.memory_space<vmem>> -> memref<125xi32, #tpu.memory_space<vmem>>
      %dma_wait3A_212 = arith.constant 0 : i32
      %dma_wait3A_213 = arith.constant 0 : i32
      %dma_wait3A_214 = tpu.memref_slice %arg2[%dma_wait3A_212, %dma_wait3A_213] : memref<10000x128xf32, #tpu.memory_space<hbm>> -> memref<10000x128xf32, #tpu.memory_space<hbm>>
      tpu.wait_indirect_dma semaphore(%arg10 : memref<!tpu.dma_semaphore, #tpu.memory_space<semaphore_mem>>) src(%dma_wait3A_214 : memref<10000x128xf32, #tpu.memory_space<hbm>>) dst(%dma_wait3A_208 : memref<125x128xf32, #tpu.memory_space<vmem>>)
      %run_scoped3A_215 = arith.constant 2 : i32
      "tpu.region"() ({
        %run_scoped3A_319 = tpu.sem_alloc : memref<!tpu.dma_semaphore, #tpu.memory_space<semaphore_mem>>
        %dma_start3A_320 = arith.constant 0 : i32
        %dma_start3A_321 = arith.constant 0 : i32
        %dma_start3A_322 = tpu.memref_slice %arg7[%dma_start3A_320, %dma_start3A_321] : memref<128x128xf32, #tpu.memory_space<vmem>> -> memref<125x128xf32, #tpu.memory_space<vmem>>
        %dma_start3A_323 = arith.constant 0 : i32
        %dma_start3A_324 = tpu.memref_slice %arg6[%select_n3A_153, %run_scoped3A_215, %dma_start3A_323] : memref<2x8x125xi32, #tpu.memory_space<vmem>> -> memref<1x1x125xi32, #tpu.memory_space<vmem>>
        %dma_start3A_325 = tpu.memref_squeeze %dma_start3A_324 : memref<1x1x125xi32, #tpu.memory_space<vmem>> -> memref<125xi32, #tpu.memory_space<vmem>>
        %dma_start3A_326 = arith.constant 0 : i32
        %dma_start3A_327 = arith.constant 0 : i32
        %dma_start3A_328 = tpu.memref_slice %arg9[%dma_start3A_326, %dma_start3A_327] : memref<10240x128xf32, #tpu.memory_space<vmem_shared>> -> memref<10240x128xf32, #tpu.memory_space<vmem_shared>>
        tpu.enqueue_indirect_dma source(%dma_start3A_322 : memref<125x128xf32, #tpu.memory_space<vmem>>) target(%dma_start3A_328 : memref<10240x128xf32, #tpu.memory_space<vmem_shared>>) offsets(%dma_start3A_325 : memref<125xi32, #tpu.memory_space<vmem>>) semaphore(%run_scoped3A_319 : memref<!tpu.dma_semaphore, #tpu.memory_space<semaphore_mem>>) {add = true}
        %dma_wait3A_329 = arith.constant 0 : i32
        %dma_wait3A_330 = arith.constant 0 : i32
        %dma_wait3A_331 = tpu.memref_slice %arg7[%dma_wait3A_329, %dma_wait3A_330] : memref<128x128xf32, #tpu.memory_space<vmem>> -> memref<125x128xf32, #tpu.memory_space<vmem>>
        %dma_wait3A_332 = arith.constant 0 : i32
        %dma_wait3A_333 = tpu.memref_slice %arg6[%select_n3A_153, %run_scoped3A_215, %dma_wait3A_332] : memref<2x8x125xi32, #tpu.memory_space<vmem>> -> memref<1x1x125xi32, #tpu.memory_space<vmem>>
        %dma_wait3A_334 = tpu.memref_squeeze %dma_wait3A_333 : memref<1x1x125xi32, #tpu.memory_space<vmem>> -> memref<125xi32, #tpu.memory_space<vmem>>
        %dma_wait3A_335 = arith.constant 0 : i32
        %dma_wait3A_336 = arith.constant 0 : i32
        %dma_wait3A_337 = tpu.memref_slice %arg9[%dma_wait3A_335, %dma_wait3A_336] : memref<10240x128xf32, #tpu.memory_space<vmem_shared>> -> memref<10240x128xf32, #tpu.memory_space<vmem_shared>>
        tpu.wait_indirect_dma semaphore(%run_scoped3A_319 : memref<!tpu.dma_semaphore, #tpu.memory_space<semaphore_mem>>) src(%dma_wait3A_331 : memref<125x128xf32, #tpu.memory_space<vmem>>) dst(%dma_wait3A_337 : memref<10240x128xf32, #tpu.memory_space<vmem_shared>>)
        tpu.yield
      }) : () -> ()
      %dma_start3A_216 = arith.constant 4 : i32
      %dma_start3A_217 = arith.constant 0 : i32
      %dma_start3A_218 = arith.constant 0 : i32
      %dma_start3A_219 = tpu.memref_slice %arg7[%dma_start3A_217, %dma_start3A_218] : memref<128x128xf32, #tpu.memory_space<vmem>> -> memref<125x128xf32, #tpu.memory_space<vmem>>
      %dma_start3A_220 = arith.constant 0 : i32
      %dma_start3A_221 = tpu.memref_slice %arg5[%select_n3A_153, %dma_start3A_216, %dma_start3A_220] : memref<2x8x125xi32, #tpu.memory_space<vmem>> -> memref<1x1x125xi32, #tpu.memory_space<vmem>>
      %dma_start3A_222 = tpu.memref_squeeze %dma_start3A_221 : memref<1x1x125xi32, #tpu.memory_space<vmem>> -> memref<125xi32, #tpu.memory_space<vmem>>
      %dma_start3A_223 = arith.constant 0 : i32
      %dma_start3A_224 = arith.constant 0 : i32
      %dma_start3A_225 = tpu.memref_slice %arg2[%dma_start3A_223, %dma_start3A_224] : memref<10000x128xf32, #tpu.memory_space<hbm>> -> memref<10000x128xf32, #tpu.memory_space<hbm>>
      tpu.enqueue_indirect_dma source(%dma_start3A_225 : memref<10000x128xf32, #tpu.memory_space<hbm>>) target(%dma_start3A_219 : memref<125x128xf32, #tpu.memory_space<vmem>>) offsets(%dma_start3A_222 : memref<125xi32, #tpu.memory_space<vmem>>) semaphore(%arg10 : memref<!tpu.dma_semaphore, #tpu.memory_space<semaphore_mem>>)
      %dma_wait3A_226 = arith.constant 3 : i32
      %dma_wait3A_227 = arith.constant 0 : i32
      %dma_wait3A_228 = arith.constant 0 : i32
      %dma_wait3A_229 = tpu.memref_slice %arg8[%dma_wait3A_227, %dma_wait3A_228] : memref<128x128xf32, #tpu.memory_space<vmem>> -> memref<125x128xf32, #tpu.memory_space<vmem>>
      %dma_wait3A_230 = arith.constant 0 : i32
      %dma_wait3A_231 = tpu.memref_slice %arg5[%select_n3A_153, %dma_wait3A_226, %dma_wait3A_230] : memref<2x8x125xi32, #tpu.memory_space<vmem>> -> memref<1x1x125xi32, #tpu.memory_space<vmem>>
      %dma_wait3A_232 = tpu.memref_squeeze %dma_wait3A_231 : memref<1x1x125xi32, #tpu.memory_space<vmem>> -> memref<125xi32, #tpu.memory_space<vmem>>
      %dma_wait3A_233 = arith.constant 0 : i32
      %dma_wait3A_234 = arith.constant 0 : i32
      %dma_wait3A_235 = tpu.memref_slice %arg2[%dma_wait3A_233, %dma_wait3A_234] : memref<10000x128xf32, #tpu.memory_space<hbm>> -> memref<10000x128xf32, #tpu.memory_space<hbm>>
      tpu.wait_indirect_dma semaphore(%arg11 : memref<!tpu.dma_semaphore, #tpu.memory_space<semaphore_mem>>) src(%dma_wait3A_235 : memref<10000x128xf32, #tpu.memory_space<hbm>>) dst(%dma_wait3A_229 : memref<125x128xf32, #tpu.memory_space<vmem>>)
      %run_scoped3A_236 = arith.constant 3 : i32
      "tpu.region"() ({
        %run_scoped3A_319 = tpu.sem_alloc : memref<!tpu.dma_semaphore, #tpu.memory_space<semaphore_mem>>
        %dma_start3A_320 = arith.constant 0 : i32
        %dma_start3A_321 = arith.constant 0 : i32
        %dma_start3A_322 = tpu.memref_slice %arg8[%dma_start3A_320, %dma_start3A_321] : memref<128x128xf32, #tpu.memory_space<vmem>> -> memref<125x128xf32, #tpu.memory_space<vmem>>
        %dma_start3A_323 = arith.constant 0 : i32
        %dma_start3A_324 = tpu.memref_slice %arg6[%select_n3A_153, %run_scoped3A_236, %dma_start3A_323] : memref<2x8x125xi32, #tpu.memory_space<vmem>> -> memref<1x1x125xi32, #tpu.memory_space<vmem>>
        %dma_start3A_325 = tpu.memref_squeeze %dma_start3A_324 : memref<1x1x125xi32, #tpu.memory_space<vmem>> -> memref<125xi32, #tpu.memory_space<vmem>>
        %dma_start3A_326 = arith.constant 0 : i32
        %dma_start3A_327 = arith.constant 0 : i32
        %dma_start3A_328 = tpu.memref_slice %arg9[%dma_start3A_326, %dma_start3A_327] : memref<10240x128xf32, #tpu.memory_space<vmem_shared>> -> memref<10240x128xf32, #tpu.memory_space<vmem_shared>>
        tpu.enqueue_indirect_dma source(%dma_start3A_322 : memref<125x128xf32, #tpu.memory_space<vmem>>) target(%dma_start3A_328 : memref<10240x128xf32, #tpu.memory_space<vmem_shared>>) offsets(%dma_start3A_325 : memref<125xi32, #tpu.memory_space<vmem>>) semaphore(%run_scoped3A_319 : memref<!tpu.dma_semaphore, #tpu.memory_space<semaphore_mem>>) {add = true}
        %dma_wait3A_329 = arith.constant 0 : i32
        %dma_wait3A_330 = arith.constant 0 : i32
        %dma_wait3A_331 = tpu.memref_slice %arg8[%dma_wait3A_329, %dma_wait3A_330] : memref<128x128xf32, #tpu.memory_space<vmem>> -> memref<125x128xf32, #tpu.memory_space<vmem>>
        %dma_wait3A_332 = arith.constant 0 : i32
        %dma_wait3A_333 = tpu.memref_slice %arg6[%select_n3A_153, %run_scoped3A_236, %dma_wait3A_332] : memref<2x8x125xi32, #tpu.memory_space<vmem>> -> memref<1x1x125xi32, #tpu.memory_space<vmem>>
        %dma_wait3A_334 = tpu.memref_squeeze %dma_wait3A_333 : memref<1x1x125xi32, #tpu.memory_space<vmem>> -> memref<125xi32, #tpu.memory_space<vmem>>
        %dma_wait3A_335 = arith.constant 0 : i32
        %dma_wait3A_336 = arith.constant 0 : i32
        %dma_wait3A_337 = tpu.memref_slice %arg9[%dma_wait3A_335, %dma_wait3A_336] : memref<10240x128xf32, #tpu.memory_space<vmem_shared>> -> memref<10240x128xf32, #tpu.memory_space<vmem_shared>>
        tpu.wait_indirect_dma semaphore(%run_scoped3A_319 : memref<!tpu.dma_semaphore, #tpu.memory_space<semaphore_mem>>) src(%dma_wait3A_331 : memref<125x128xf32, #tpu.memory_space<vmem>>) dst(%dma_wait3A_337 : memref<10240x128xf32, #tpu.memory_space<vmem_shared>>)
        tpu.yield
      }) : () -> ()
      %dma_start3A_237 = arith.constant 5 : i32
      %dma_start3A_238 = arith.constant 0 : i32
      %dma_start3A_239 = arith.constant 0 : i32
      %dma_start3A_240 = tpu.memref_slice %arg8[%dma_start3A_238, %dma_start3A_239] : memref<128x128xf32, #tpu.memory_space<vmem>> -> memref<125x128xf32, #tpu.memory_space<vmem>>
      %dma_start3A_241 = arith.constant 0 : i32
      %dma_start3A_242 = tpu.memref_slice %arg5[%select_n3A_153, %dma_start3A_237, %dma_start3A_241] : memref<2x8x125xi32, #tpu.memory_space<vmem>> -> memref<1x1x125xi32, #tpu.memory_space<vmem>>
      %dma_start3A_243 = tpu.memref_squeeze %dma_start3A_242 : memref<1x1x125xi32, #tpu.memory_space<vmem>> -> memref<125xi32, #tpu.memory_space<vmem>>
      %dma_start3A_244 = arith.constant 0 : i32
      %dma_start3A_245 = arith.constant 0 : i32
      %dma_start3A_246 = tpu.memref_slice %arg2[%dma_start3A_244, %dma_start3A_245] : memref<10000x128xf32, #tpu.memory_space<hbm>> -> memref<10000x128xf32, #tpu.memory_space<hbm>>
      tpu.enqueue_indirect_dma source(%dma_start3A_246 : memref<10000x128xf32, #tpu.memory_space<hbm>>) target(%dma_start3A_240 : memref<125x128xf32, #tpu.memory_space<vmem>>) offsets(%dma_start3A_243 : memref<125xi32, #tpu.memory_space<vmem>>) semaphore(%arg11 : memref<!tpu.dma_semaphore, #tpu.memory_space<semaphore_mem>>)
      %dma_wait3A_247 = arith.constant 4 : i32
      %dma_wait3A_248 = arith.constant 0 : i32
      %dma_wait3A_249 = arith.constant 0 : i32
      %dma_wait3A_250 = tpu.memref_slice %arg7[%dma_wait3A_248, %dma_wait3A_249] : memref<128x128xf32, #tpu.memory_space<vmem>> -> memref<125x128xf32, #tpu.memory_space<vmem>>
      %dma_wait3A_251 = arith.constant 0 : i32
      %dma_wait3A_252 = tpu.memref_slice %arg5[%select_n3A_153, %dma_wait3A_247, %dma_wait3A_251] : memref<2x8x125xi32, #tpu.memory_space<vmem>> -> memref<1x1x125xi32, #tpu.memory_space<vmem>>
      %dma_wait3A_253 = tpu.memref_squeeze %dma_wait3A_252 : memref<1x1x125xi32, #tpu.memory_space<vmem>> -> memref<125xi32, #tpu.memory_space<vmem>>
      %dma_wait3A_254 = arith.constant 0 : i32
      %dma_wait3A_255 = arith.constant 0 : i32
      %dma_wait3A_256 = tpu.memref_slice %arg2[%dma_wait3A_254, %dma_wait3A_255] : memref<10000x128xf32, #tpu.memory_space<hbm>> -> memref<10000x128xf32, #tpu.memory_space<hbm>>
      tpu.wait_indirect_dma semaphore(%arg10 : memref<!tpu.dma_semaphore, #tpu.memory_space<semaphore_mem>>) src(%dma_wait3A_256 : memref<10000x128xf32, #tpu.memory_space<hbm>>) dst(%dma_wait3A_250 : memref<125x128xf32, #tpu.memory_space<vmem>>)
      %run_scoped3A_257 = arith.constant 4 : i32
      "tpu.region"() ({
        %run_scoped3A_319 = tpu.sem_alloc : memref<!tpu.dma_semaphore, #tpu.memory_space<semaphore_mem>>
        %dma_start3A_320 = arith.constant 0 : i32
        %dma_start3A_321 = arith.constant 0 : i32
        %dma_start3A_322 = tpu.memref_slice %arg7[%dma_start3A_320, %dma_start3A_321] : memref<128x128xf32, #tpu.memory_space<vmem>> -> memref<125x128xf32, #tpu.memory_space<vmem>>
        %dma_start3A_323 = arith.constant 0 : i32
        %dma_start3A_324 = tpu.memref_slice %arg6[%select_n3A_153, %run_scoped3A_257, %dma_start3A_323] : memref<2x8x125xi32, #tpu.memory_space<vmem>> -> memref<1x1x125xi32, #tpu.memory_space<vmem>>
        %dma_start3A_325 = tpu.memref_squeeze %dma_start3A_324 : memref<1x1x125xi32, #tpu.memory_space<vmem>> -> memref<125xi32, #tpu.memory_space<vmem>>
        %dma_start3A_326 = arith.constant 0 : i32
        %dma_start3A_327 = arith.constant 0 : i32
        %dma_start3A_328 = tpu.memref_slice %arg9[%dma_start3A_326, %dma_start3A_327] : memref<10240x128xf32, #tpu.memory_space<vmem_shared>> -> memref<10240x128xf32, #tpu.memory_space<vmem_shared>>
        tpu.enqueue_indirect_dma source(%dma_start3A_322 : memref<125x128xf32, #tpu.memory_space<vmem>>) target(%dma_start3A_328 : memref<10240x128xf32, #tpu.memory_space<vmem_shared>>) offsets(%dma_start3A_325 : memref<125xi32, #tpu.memory_space<vmem>>) semaphore(%run_scoped3A_319 : memref<!tpu.dma_semaphore, #tpu.memory_space<semaphore_mem>>) {add = true}
        %dma_wait3A_329 = arith.constant 0 : i32
        %dma_wait3A_330 = arith.constant 0 : i32
        %dma_wait3A_331 = tpu.memref_slice %arg7[%dma_wait3A_329, %dma_wait3A_330] : memref<128x128xf32, #tpu.memory_space<vmem>> -> memref<125x128xf32, #tpu.memory_space<vmem>>
        %dma_wait3A_332 = arith.constant 0 : i32
        %dma_wait3A_333 = tpu.memref_slice %arg6[%select_n3A_153, %run_scoped3A_257, %dma_wait3A_332] : memref<2x8x125xi32, #tpu.memory_space<vmem>> -> memref<1x1x125xi32, #tpu.memory_space<vmem>>
        %dma_wait3A_334 = tpu.memref_squeeze %dma_wait3A_333 : memref<1x1x125xi32, #tpu.memory_space<vmem>> -> memref<125xi32, #tpu.memory_space<vmem>>
        %dma_wait3A_335 = arith.constant 0 : i32
        %dma_wait3A_336 = arith.constant 0 : i32
        %dma_wait3A_337 = tpu.memref_slice %arg9[%dma_wait3A_335, %dma_wait3A_336] : memref<10240x128xf32, #tpu.memory_space<vmem_shared>> -> memref<10240x128xf32, #tpu.memory_space<vmem_shared>>
        tpu.wait_indirect_dma semaphore(%run_scoped3A_319 : memref<!tpu.dma_semaphore, #tpu.memory_space<semaphore_mem>>) src(%dma_wait3A_331 : memref<125x128xf32, #tpu.memory_space<vmem>>) dst(%dma_wait3A_337 : memref<10240x128xf32, #tpu.memory_space<vmem_shared>>)
        tpu.yield
      }) : () -> ()
      %dma_start3A_258 = arith.constant 6 : i32
      %dma_start3A_259 = arith.constant 0 : i32
      %dma_start3A_260 = arith.constant 0 : i32
      %dma_start3A_261 = tpu.memref_slice %arg7[%dma_start3A_259, %dma_start3A_260] : memref<128x128xf32, #tpu.memory_space<vmem>> -> memref<125x128xf32, #tpu.memory_space<vmem>>
      %dma_start3A_262 = arith.constant 0 : i32
      %dma_start3A_263 = tpu.memref_slice %arg5[%select_n3A_153, %dma_start3A_258, %dma_start3A_262] : memref<2x8x125xi32, #tpu.memory_space<vmem>> -> memref<1x1x125xi32, #tpu.memory_space<vmem>>
      %dma_start3A_264 = tpu.memref_squeeze %dma_start3A_263 : memref<1x1x125xi32, #tpu.memory_space<vmem>> -> memref<125xi32, #tpu.memory_space<vmem>>
      %dma_start3A_265 = arith.constant 0 : i32
      %dma_start3A_266 = arith.constant 0 : i32
      %dma_start3A_267 = tpu.memref_slice %arg2[%dma_start3A_265, %dma_start3A_266] : memref<10000x128xf32, #tpu.memory_space<hbm>> -> memref<10000x128xf32, #tpu.memory_space<hbm>>
      tpu.enqueue_indirect_dma source(%dma_start3A_267 : memref<10000x128xf32, #tpu.memory_space<hbm>>) target(%dma_start3A_261 : memref<125x128xf32, #tpu.memory_space<vmem>>) offsets(%dma_start3A_264 : memref<125xi32, #tpu.memory_space<vmem>>) semaphore(%arg10 : memref<!tpu.dma_semaphore, #tpu.memory_space<semaphore_mem>>)
      %dma_wait3A_268 = arith.constant 5 : i32
      %dma_wait3A_269 = arith.constant 0 : i32
      %dma_wait3A_270 = arith.constant 0 : i32
      %dma_wait3A_271 = tpu.memref_slice %arg8[%dma_wait3A_269, %dma_wait3A_270] : memref<128x128xf32, #tpu.memory_space<vmem>> -> memref<125x128xf32, #tpu.memory_space<vmem>>
      %dma_wait3A_272 = arith.constant 0 : i32
      %dma_wait3A_273 = tpu.memref_slice %arg5[%select_n3A_153, %dma_wait3A_268, %dma_wait3A_272] : memref<2x8x125xi32, #tpu.memory_space<vmem>> -> memref<1x1x125xi32, #tpu.memory_space<vmem>>
      %dma_wait3A_274 = tpu.memref_squeeze %dma_wait3A_273 : memref<1x1x125xi32, #tpu.memory_space<vmem>> -> memref<125xi32, #tpu.memory_space<vmem>>
      %dma_wait3A_275 = arith.constant 0 : i32
      %dma_wait3A_276 = arith.constant 0 : i32
      %dma_wait3A_277 = tpu.memref_slice %arg2[%dma_wait3A_275, %dma_wait3A_276] : memref<10000x128xf32, #tpu.memory_space<hbm>> -> memref<10000x128xf32, #tpu.memory_space<hbm>>
      tpu.wait_indirect_dma semaphore(%arg11 : memref<!tpu.dma_semaphore, #tpu.memory_space<semaphore_mem>>) src(%dma_wait3A_277 : memref<10000x128xf32, #tpu.memory_space<hbm>>) dst(%dma_wait3A_271 : memref<125x128xf32, #tpu.memory_space<vmem>>)
      %run_scoped3A_278 = arith.constant 5 : i32
      "tpu.region"() ({
        %run_scoped3A_319 = tpu.sem_alloc : memref<!tpu.dma_semaphore, #tpu.memory_space<semaphore_mem>>
        %dma_start3A_320 = arith.constant 0 : i32
        %dma_start3A_321 = arith.constant 0 : i32
        %dma_start3A_322 = tpu.memref_slice %arg8[%dma_start3A_320, %dma_start3A_321] : memref<128x128xf32, #tpu.memory_space<vmem>> -> memref<125x128xf32, #tpu.memory_space<vmem>>
        %dma_start3A_323 = arith.constant 0 : i32
        %dma_start3A_324 = tpu.memref_slice %arg6[%select_n3A_153, %run_scoped3A_278, %dma_start3A_323] : memref<2x8x125xi32, #tpu.memory_space<vmem>> -> memref<1x1x125xi32, #tpu.memory_space<vmem>>
        %dma_start3A_325 = tpu.memref_squeeze %dma_start3A_324 : memref<1x1x125xi32, #tpu.memory_space<vmem>> -> memref<125xi32, #tpu.memory_space<vmem>>
        %dma_start3A_326 = arith.constant 0 : i32
        %dma_start3A_327 = arith.constant 0 : i32
        %dma_start3A_328 = tpu.memref_slice %arg9[%dma_start3A_326, %dma_start3A_327] : memref<10240x128xf32, #tpu.memory_space<vmem_shared>> -> memref<10240x128xf32, #tpu.memory_space<vmem_shared>>
        tpu.enqueue_indirect_dma source(%dma_start3A_322 : memref<125x128xf32, #tpu.memory_space<vmem>>) target(%dma_start3A_328 : memref<10240x128xf32, #tpu.memory_space<vmem_shared>>) offsets(%dma_start3A_325 : memref<125xi32, #tpu.memory_space<vmem>>) semaphore(%run_scoped3A_319 : memref<!tpu.dma_semaphore, #tpu.memory_space<semaphore_mem>>) {add = true}
        %dma_wait3A_329 = arith.constant 0 : i32
        %dma_wait3A_330 = arith.constant 0 : i32
        %dma_wait3A_331 = tpu.memref_slice %arg8[%dma_wait3A_329, %dma_wait3A_330] : memref<128x128xf32, #tpu.memory_space<vmem>> -> memref<125x128xf32, #tpu.memory_space<vmem>>
        %dma_wait3A_332 = arith.constant 0 : i32
        %dma_wait3A_333 = tpu.memref_slice %arg6[%select_n3A_153, %run_scoped3A_278, %dma_wait3A_332] : memref<2x8x125xi32, #tpu.memory_space<vmem>> -> memref<1x1x125xi32, #tpu.memory_space<vmem>>
        %dma_wait3A_334 = tpu.memref_squeeze %dma_wait3A_333 : memref<1x1x125xi32, #tpu.memory_space<vmem>> -> memref<125xi32, #tpu.memory_space<vmem>>
        %dma_wait3A_335 = arith.constant 0 : i32
        %dma_wait3A_336 = arith.constant 0 : i32
        %dma_wait3A_337 = tpu.memref_slice %arg9[%dma_wait3A_335, %dma_wait3A_336] : memref<10240x128xf32, #tpu.memory_space<vmem_shared>> -> memref<10240x128xf32, #tpu.memory_space<vmem_shared>>
        tpu.wait_indirect_dma semaphore(%run_scoped3A_319 : memref<!tpu.dma_semaphore, #tpu.memory_space<semaphore_mem>>) src(%dma_wait3A_331 : memref<125x128xf32, #tpu.memory_space<vmem>>) dst(%dma_wait3A_337 : memref<10240x128xf32, #tpu.memory_space<vmem_shared>>)
        tpu.yield
      }) : () -> ()
      %dma_start3A_279 = arith.constant 7 : i32
      %dma_start3A_280 = arith.constant 0 : i32
      %dma_start3A_281 = arith.constant 0 : i32
      %dma_start3A_282 = tpu.memref_slice %arg8[%dma_start3A_280, %dma_start3A_281] : memref<128x128xf32, #tpu.memory_space<vmem>> -> memref<125x128xf32, #tpu.memory_space<vmem>>
      %dma_start3A_283 = arith.constant 0 : i32
      %dma_start3A_284 = tpu.memref_slice %arg5[%select_n3A_153, %dma_start3A_279, %dma_start3A_283] : memref<2x8x125xi32, #tpu.memory_space<vmem>> -> memref<1x1x125xi32, #tpu.memory_space<vmem>>
      %dma_start3A_285 = tpu.memref_squeeze %dma_start3A_284 : memref<1x1x125xi32, #tpu.memory_space<vmem>> -> memref<125xi32, #tpu.memory_space<vmem>>
      %dma_start3A_286 = arith.constant 0 : i32
      %dma_start3A_287 = arith.constant 0 : i32
      %dma_start3A_288 = tpu.memref_slice %arg2[%dma_start3A_286, %dma_start3A_287] : memref<10000x128xf32, #tpu.memory_space<hbm>> -> memref<10000x128xf32, #tpu.memory_space<hbm>>
      tpu.enqueue_indirect_dma source(%dma_start3A_288 : memref<10000x128xf32, #tpu.memory_space<hbm>>) target(%dma_start3A_282 : memref<125x128xf32, #tpu.memory_space<vmem>>) offsets(%dma_start3A_285 : memref<125xi32, #tpu.memory_space<vmem>>) semaphore(%arg11 : memref<!tpu.dma_semaphore, #tpu.memory_space<semaphore_mem>>)
      %dma_wait3A_289 = arith.constant 6 : i32
      %dma_wait3A_290 = arith.constant 0 : i32
      %dma_wait3A_291 = arith.constant 0 : i32
      %dma_wait3A_292 = tpu.memref_slice %arg7[%dma_wait3A_290, %dma_wait3A_291] : memref<128x128xf32, #tpu.memory_space<vmem>> -> memref<125x128xf32, #tpu.memory_space<vmem>>
      %dma_wait3A_293 = arith.constant 0 : i32
      %dma_wait3A_294 = tpu.memref_slice %arg5[%select_n3A_153, %dma_wait3A_289, %dma_wait3A_293] : memref<2x8x125xi32, #tpu.memory_space<vmem>> -> memref<1x1x125xi32, #tpu.memory_space<vmem>>
      %dma_wait3A_295 = tpu.memref_squeeze %dma_wait3A_294 : memref<1x1x125xi32, #tpu.memory_space<vmem>> -> memref<125xi32, #tpu.memory_space<vmem>>
      %dma_wait3A_296 = arith.constant 0 : i32
      %dma_wait3A_297 = arith.constant 0 : i32
      %dma_wait3A_298 = tpu.memref_slice %arg2[%dma_wait3A_296, %dma_wait3A_297] : memref<10000x128xf32, #tpu.memory_space<hbm>> -> memref<10000x128xf32, #tpu.memory_space<hbm>>
      tpu.wait_indirect_dma semaphore(%arg10 : memref<!tpu.dma_semaphore, #tpu.memory_space<semaphore_mem>>) src(%dma_wait3A_298 : memref<10000x128xf32, #tpu.memory_space<hbm>>) dst(%dma_wait3A_292 : memref<125x128xf32, #tpu.memory_space<vmem>>)
      %run_scoped3A_299 = arith.constant 6 : i32
      "tpu.region"() ({
        %run_scoped3A_319 = tpu.sem_alloc : memref<!tpu.dma_semaphore, #tpu.memory_space<semaphore_mem>>
        %dma_start3A_320 = arith.constant 0 : i32
        %dma_start3A_321 = arith.constant 0 : i32
        %dma_start3A_322 = tpu.memref_slice %arg7[%dma_start3A_320, %dma_start3A_321] : memref<128x128xf32, #tpu.memory_space<vmem>> -> memref<125x128xf32, #tpu.memory_space<vmem>>
        %dma_start3A_323 = arith.constant 0 : i32
        %dma_start3A_324 = tpu.memref_slice %arg6[%select_n3A_153, %run_scoped3A_299, %dma_start3A_323] : memref<2x8x125xi32, #tpu.memory_space<vmem>> -> memref<1x1x125xi32, #tpu.memory_space<vmem>>
        %dma_start3A_325 = tpu.memref_squeeze %dma_start3A_324 : memref<1x1x125xi32, #tpu.memory_space<vmem>> -> memref<125xi32, #tpu.memory_space<vmem>>
        %dma_start3A_326 = arith.constant 0 : i32
        %dma_start3A_327 = arith.constant 0 : i32
        %dma_start3A_328 = tpu.memref_slice %arg9[%dma_start3A_326, %dma_start3A_327] : memref<10240x128xf32, #tpu.memory_space<vmem_shared>> -> memref<10240x128xf32, #tpu.memory_space<vmem_shared>>
        tpu.enqueue_indirect_dma source(%dma_start3A_322 : memref<125x128xf32, #tpu.memory_space<vmem>>) target(%dma_start3A_328 : memref<10240x128xf32, #tpu.memory_space<vmem_shared>>) offsets(%dma_start3A_325 : memref<125xi32, #tpu.memory_space<vmem>>) semaphore(%run_scoped3A_319 : memref<!tpu.dma_semaphore, #tpu.memory_space<semaphore_mem>>) {add = true}
        %dma_wait3A_329 = arith.constant 0 : i32
        %dma_wait3A_330 = arith.constant 0 : i32
        %dma_wait3A_331 = tpu.memref_slice %arg7[%dma_wait3A_329, %dma_wait3A_330] : memref<128x128xf32, #tpu.memory_space<vmem>> -> memref<125x128xf32, #tpu.memory_space<vmem>>
        %dma_wait3A_332 = arith.constant 0 : i32
        %dma_wait3A_333 = tpu.memref_slice %arg6[%select_n3A_153, %run_scoped3A_299, %dma_wait3A_332] : memref<2x8x125xi32, #tpu.memory_space<vmem>> -> memref<1x1x125xi32, #tpu.memory_space<vmem>>
        %dma_wait3A_334 = tpu.memref_squeeze %dma_wait3A_333 : memref<1x1x125xi32, #tpu.memory_space<vmem>> -> memref<125xi32, #tpu.memory_space<vmem>>
        %dma_wait3A_335 = arith.constant 0 : i32
        %dma_wait3A_336 = arith.constant 0 : i32
        %dma_wait3A_337 = tpu.memref_slice %arg9[%dma_wait3A_335, %dma_wait3A_336] : memref<10240x128xf32, #tpu.memory_space<vmem_shared>> -> memref<10240x128xf32, #tpu.memory_space<vmem_shared>>
        tpu.wait_indirect_dma semaphore(%run_scoped3A_319 : memref<!tpu.dma_semaphore, #tpu.memory_space<semaphore_mem>>) src(%dma_wait3A_331 : memref<125x128xf32, #tpu.memory_space<vmem>>) dst(%dma_wait3A_337 : memref<10240x128xf32, #tpu.memory_space<vmem_shared>>)
        tpu.yield
      }) : () -> ()
      %lt3A_300 = arith.constant 9 : i32
      %lt3A_301 = arith.cmpi slt, %scan3A_144, %lt3A_300 : i32
      %convert_element_type3A = arith.extui %lt3A_301 : i1 to i32
      %cond3A = arith.constant 0 : i32
      %cond3A_302 = arith.cmpi ne, %convert_element_type3A, %cond3A : i32
      scf.if %cond3A_302 {
        %dma_wait3A_319 = arith.constant 0 : i32
        %dma_wait3A_320 = arith.constant 0 : i32
        %dma_wait3A_321 = arith.constant 0 : i32
        %dma_wait3A_322 = arith.constant 0 : i32
        %dma_wait3A_323 = tpu.memref_slice %arg5[%dma_wait3A_320, %dma_wait3A_321, %dma_wait3A_322] : memref<2x8x125xi32, #tpu.memory_space<vmem>> -> memref<1x8x125xi32, #tpu.memory_space<vmem>>
        %dma_wait3A_324 = tpu.memref_squeeze %dma_wait3A_323 : memref<1x8x125xi32, #tpu.memory_space<vmem>> -> memref<8x125xi32, #tpu.memory_space<vmem>>
        %dma_wait3A_325 = arith.constant 0 : i32
        %dma_wait3A_326 = arith.constant 0 : i32
        %dma_wait3A_327 = tpu.memref_slice %arg3[%dma_wait3A_319, %add3A, %dma_wait3A_325, %dma_wait3A_326] : memref<2x32x80x125xi32, #tpu.memory_space<hbm>> -> memref<1x1x8x125xi32, #tpu.memory_space<hbm>>
        %dma_wait3A_328 = tpu.memref_squeeze %dma_wait3A_327 : memref<1x1x8x125xi32, #tpu.memory_space<hbm>> -> memref<8x125xi32, #tpu.memory_space<hbm>>
        %dma_wait3A_329 = arith.constant 0 : i32
        %dma_wait3A_330 = arith.constant 0 : i32
        %dma_wait3A_331 = tpu.memref_slice %arg5[%dma_wait3A_320, %dma_wait3A_329, %dma_wait3A_330] : memref<2x8x125xi32, #tpu.memory_space<vmem>> -> memref<1x8x125xi32, #tpu.memory_space<vmem>>
        %dma_wait3A_332 = tpu.memref_squeeze %dma_wait3A_331 : memref<1x8x125xi32, #tpu.memory_space<vmem>> -> memref<8x125xi32, #tpu.memory_space<vmem>>
        %dma_wait3A_333 = arith.constant 0 : i32
        %dma_wait3A_334 = arith.constant 0 : i32
        %dma_wait3A_335 = tpu.memref_slice %arg3[%dma_wait3A_319, %add3A, %dma_wait3A_333, %dma_wait3A_334] : memref<2x32x80x125xi32, #tpu.memory_space<hbm>> -> memref<1x1x8x125xi32, #tpu.memory_space<hbm>>
        %dma_wait3A_336 = tpu.memref_squeeze %dma_wait3A_335 : memref<1x1x8x125xi32, #tpu.memory_space<hbm>> -> memref<8x125xi32, #tpu.memory_space<hbm>>
        tpu.wait_dma2 semaphore(%arg12 : memref<!tpu.dma_semaphore, #tpu.memory_space<semaphore_mem>>) src(%dma_wait3A_336 : memref<8x125xi32, #tpu.memory_space<hbm>>) dst(%dma_wait3A_332 : memref<8x125xi32, #tpu.memory_space<vmem>>)
        %dma_wait3A_337 = arith.constant 1 : i32
        %dma_wait3A_338 = arith.constant 0 : i32
        %dma_wait3A_339 = arith.constant 0 : i32
        %dma_wait3A_340 = arith.constant 0 : i32
        %dma_wait3A_341 = tpu.memref_slice %arg6[%dma_wait3A_338, %dma_wait3A_339, %dma_wait3A_340] : memref<2x8x125xi32, #tpu.memory_space<vmem>> -> memref<1x8x125xi32, #tpu.memory_space<vmem>>
        %dma_wait3A_342 = tpu.memref_squeeze %dma_wait3A_341 : memref<1x8x125xi32, #tpu.memory_space<vmem>> -> memref<8x125xi32, #tpu.memory_space<vmem>>
        %dma_wait3A_343 = arith.constant 0 : i32
        %dma_wait3A_344 = arith.constant 0 : i32
        %dma_wait3A_345 = tpu.memref_slice %arg3[%dma_wait3A_337, %add3A, %dma_wait3A_343, %dma_wait3A_344] : memref<2x32x80x125xi32, #tpu.memory_space<hbm>> -> memref<1x1x8x125xi32, #tpu.memory_space<hbm>>
        %dma_wait3A_346 = tpu.memref_squeeze %dma_wait3A_345 : memref<1x1x8x125xi32, #tpu.memory_space<hbm>> -> memref<8x125xi32, #tpu.memory_space<hbm>>
        %dma_wait3A_347 = arith.constant 0 : i32
        %dma_wait3A_348 = arith.constant 0 : i32
        %dma_wait3A_349 = tpu.memref_slice %arg6[%dma_wait3A_338, %dma_wait3A_347, %dma_wait3A_348] : memref<2x8x125xi32, #tpu.memory_space<vmem>> -> memref<1x8x125xi32, #tpu.memory_space<vmem>>
        %dma_wait3A_350 = tpu.memref_squeeze %dma_wait3A_349 : memref<1x8x125xi32, #tpu.memory_space<vmem>> -> memref<8x125xi32, #tpu.memory_space<vmem>>
        %dma_wait3A_351 = arith.constant 0 : i32
        %dma_wait3A_352 = arith.constant 0 : i32
        %dma_wait3A_353 = tpu.memref_slice %arg3[%dma_wait3A_337, %add3A, %dma_wait3A_351, %dma_wait3A_352] : memref<2x32x80x125xi32, #tpu.memory_space<hbm>> -> memref<1x1x8x125xi32, #tpu.memory_space<hbm>>
        %dma_wait3A_354 = tpu.memref_squeeze %dma_wait3A_353 : memref<1x1x8x125xi32, #tpu.memory_space<hbm>> -> memref<8x125xi32, #tpu.memory_space<hbm>>
        tpu.wait_dma2 semaphore(%arg12 : memref<!tpu.dma_semaphore, #tpu.memory_space<semaphore_mem>>) src(%dma_wait3A_354 : memref<8x125xi32, #tpu.memory_space<hbm>>) dst(%dma_wait3A_350 : memref<8x125xi32, #tpu.memory_space<vmem>>)
        %sub3A = arith.constant 1 : i32
        %sub3A_355 = arith.subi %sub3A, %select_n3A_153 : i32
        %dma_start3A_356 = arith.constant 0 : i32
        %dma_start3A_357 = arith.constant 0 : i32
        %dma_start3A_358 = arith.constant 0 : i32
        %dma_start3A_359 = tpu.memref_slice %arg7[%dma_start3A_357, %dma_start3A_358] : memref<128x128xf32, #tpu.memory_space<vmem>> -> memref<125x128xf32, #tpu.memory_space<vmem>>
        %dma_start3A_360 = arith.constant 0 : i32
        %dma_start3A_361 = tpu.memref_slice %arg5[%sub3A_355, %dma_start3A_356, %dma_start3A_360] : memref<2x8x125xi32, #tpu.memory_space<vmem>> -> memref<1x1x125xi32, #tpu.memory_space<vmem>>
        %dma_start3A_362 = tpu.memref_squeeze %dma_start3A_361 : memref<1x1x125xi32, #tpu.memory_space<vmem>> -> memref<125xi32, #tpu.memory_space<vmem>>
        %dma_start3A_363 = arith.constant 0 : i32
        %dma_start3A_364 = arith.constant 0 : i32
        %dma_start3A_365 = tpu.memref_slice %arg2[%dma_start3A_363, %dma_start3A_364] : memref<10000x128xf32, #tpu.memory_space<hbm>> -> memref<10000x128xf32, #tpu.memory_space<hbm>>
        tpu.enqueue_indirect_dma source(%dma_start3A_365 : memref<10000x128xf32, #tpu.memory_space<hbm>>) target(%dma_start3A_359 : memref<125x128xf32, #tpu.memory_space<vmem>>) offsets(%dma_start3A_362 : memref<125xi32, #tpu.memory_space<vmem>>) semaphore(%arg10 : memref<!tpu.dma_semaphore, #tpu.memory_space<semaphore_mem>>)
      } else {
      }
      %dma_wait3A_303 = arith.constant 7 : i32
      %dma_wait3A_304 = arith.constant 0 : i32
      %dma_wait3A_305 = arith.constant 0 : i32
      %dma_wait3A_306 = tpu.memref_slice %arg8[%dma_wait3A_304, %dma_wait3A_305] : memref<128x128xf32, #tpu.memory_space<vmem>> -> memref<125x128xf32, #tpu.memory_space<vmem>>
      %dma_wait3A_307 = arith.constant 0 : i32
      %dma_wait3A_308 = tpu.memref_slice %arg5[%select_n3A_153, %dma_wait3A_303, %dma_wait3A_307] : memref<2x8x125xi32, #tpu.memory_space<vmem>> -> memref<1x1x125xi32, #tpu.memory_space<vmem>>
      %dma_wait3A_309 = tpu.memref_squeeze %dma_wait3A_308 : memref<1x1x125xi32, #tpu.memory_space<vmem>> -> memref<125xi32, #tpu.memory_space<vmem>>
      %dma_wait3A_310 = arith.constant 0 : i32
      %dma_wait3A_311 = arith.constant 0 : i32
      %dma_wait3A_312 = tpu.memref_slice %arg2[%dma_wait3A_310, %dma_wait3A_311] : memref<10000x128xf32, #tpu.memory_space<hbm>> -> memref<10000x128xf32, #tpu.memory_space<hbm>>
      tpu.wait_indirect_dma semaphore(%arg11 : memref<!tpu.dma_semaphore, #tpu.memory_space<semaphore_mem>>) src(%dma_wait3A_312 : memref<10000x128xf32, #tpu.memory_space<hbm>>) dst(%dma_wait3A_306 : memref<125x128xf32, #tpu.memory_space<vmem>>)
      %run_scoped3A_313 = arith.constant 7 : i32
      "tpu.region"() ({
        %run_scoped3A_319 = tpu.sem_alloc : memref<!tpu.dma_semaphore, #tpu.memory_space<semaphore_mem>>
        %dma_start3A_320 = arith.constant 0 : i32
        %dma_start3A_321 = arith.constant 0 : i32
        %dma_start3A_322 = tpu.memref_slice %arg8[%dma_start3A_320, %dma_start3A_321] : memref<128x128xf32, #tpu.memory_space<vmem>> -> memref<125x128xf32, #tpu.memory_space<vmem>>
        %dma_start3A_323 = arith.constant 0 : i32
        %dma_start3A_324 = tpu.memref_slice %arg6[%select_n3A_153, %run_scoped3A_313, %dma_start3A_323] : memref<2x8x125xi32, #tpu.memory_space<vmem>> -> memref<1x1x125xi32, #tpu.memory_space<vmem>>
        %dma_start3A_325 = tpu.memref_squeeze %dma_start3A_324 : memref<1x1x125xi32, #tpu.memory_space<vmem>> -> memref<125xi32, #tpu.memory_space<vmem>>
        %dma_start3A_326 = arith.constant 0 : i32
        %dma_start3A_327 = arith.constant 0 : i32
        %dma_start3A_328 = tpu.memref_slice %arg9[%dma_start3A_326, %dma_start3A_327] : memref<10240x128xf32, #tpu.memory_space<vmem_shared>> -> memref<10240x128xf32, #tpu.memory_space<vmem_shared>>
        tpu.enqueue_indirect_dma source(%dma_start3A_322 : memref<125x128xf32, #tpu.memory_space<vmem>>) target(%dma_start3A_328 : memref<10240x128xf32, #tpu.memory_space<vmem_shared>>) offsets(%dma_start3A_325 : memref<125xi32, #tpu.memory_space<vmem>>) semaphore(%run_scoped3A_319 : memref<!tpu.dma_semaphore, #tpu.memory_space<semaphore_mem>>) {add = true}
        %dma_wait3A_329 = arith.constant 0 : i32
        %dma_wait3A_330 = arith.constant 0 : i32
        %dma_wait3A_331 = tpu.memref_slice %arg8[%dma_wait3A_329, %dma_wait3A_330] : memref<128x128xf32, #tpu.memory_space<vmem>> -> memref<125x128xf32, #tpu.memory_space<vmem>>
        %dma_wait3A_332 = arith.constant 0 : i32
        %dma_wait3A_333 = tpu.memref_slice %arg6[%select_n3A_153, %run_scoped3A_313, %dma_wait3A_332] : memref<2x8x125xi32, #tpu.memory_space<vmem>> -> memref<1x1x125xi32, #tpu.memory_space<vmem>>
        %dma_wait3A_334 = tpu.memref_squeeze %dma_wait3A_333 : memref<1x1x125xi32, #tpu.memory_space<vmem>> -> memref<125xi32, #tpu.memory_space<vmem>>
        %dma_wait3A_335 = arith.constant 0 : i32
        %dma_wait3A_336 = arith.constant 0 : i32
        %dma_wait3A_337 = tpu.memref_slice %arg9[%dma_wait3A_335, %dma_wait3A_336] : memref<10240x128xf32, #tpu.memory_space<vmem_shared>> -> memref<10240x128xf32, #tpu.memory_space<vmem_shared>>
        tpu.wait_indirect_dma semaphore(%run_scoped3A_319 : memref<!tpu.dma_semaphore, #tpu.memory_space<semaphore_mem>>) src(%dma_wait3A_331 : memref<125x128xf32, #tpu.memory_space<vmem>>) dst(%dma_wait3A_337 : memref<10240x128xf32, #tpu.memory_space<vmem_shared>>)
        tpu.yield
      }) : () -> ()
      %lt3A_314 = arith.constant 8 : i32
      %lt3A_315 = arith.cmpi slt, %scan3A_144, %lt3A_314 : i32
      %convert_element_type3A_316 = arith.extui %lt3A_315 : i1 to i32
      %cond3A_317 = arith.constant 0 : i32
      %cond3A_318 = arith.cmpi ne, %convert_element_type3A_316, %cond3A_317 : i32
      scf.if %cond3A_318 {
        %add3A_319 = arith.constant 2 : i32
        %add3A_320 = arith.addi %scan3A_144, %add3A_319 : i32
        %mul3A_321 = arith.constant 8 : i32
        %mul3A_322 = arith.muli %add3A_320, %mul3A_321 : i32
        %dma_start3A_323 = arith.constant 0 : i32
        %dma_start3A_324 = arith.constant 0 : i32
        %dma_start3A_325 = arith.constant 0 : i32
        %dma_start3A_326 = tpu.memref_slice %arg5[%select_n3A_153, %dma_start3A_324, %dma_start3A_325] : memref<2x8x125xi32, #tpu.memory_space<vmem>> -> memref<1x8x125xi32, #tpu.memory_space<vmem>>
        %dma_start3A_327 = tpu.memref_squeeze %dma_start3A_326 : memref<1x8x125xi32, #tpu.memory_space<vmem>> -> memref<8x125xi32, #tpu.memory_space<vmem>>
        %dma_start3A_328 = arith.constant 0 : i32
        %dma_start3A_329 = tpu.memref_slice %arg3[%dma_start3A_323, %add3A, %mul3A_322, %dma_start3A_328] : memref<2x32x80x125xi32, #tpu.memory_space<hbm>> -> memref<1x1x8x125xi32, #tpu.memory_space<hbm>>
        %dma_start3A_330 = tpu.memref_squeeze %dma_start3A_329 : memref<1x1x8x125xi32, #tpu.memory_space<hbm>> -> memref<8x125xi32, #tpu.memory_space<hbm>>
        %dma_start3A_331 = arith.constant 0 : i32
        %dma_start3A_332 = arith.constant 0 : i32
        %dma_start3A_333 = tpu.memref_slice %arg5[%select_n3A_153, %dma_start3A_331, %dma_start3A_332] : memref<2x8x125xi32, #tpu.memory_space<vmem>> -> memref<1x8x125xi32, #tpu.memory_space<vmem>>
        %dma_start3A_334 = tpu.memref_squeeze %dma_start3A_333 : memref<1x8x125xi32, #tpu.memory_space<vmem>> -> memref<8x125xi32, #tpu.memory_space<vmem>>
        %dma_start3A_335 = arith.constant 0 : i32
        %dma_start3A_336 = tpu.memref_slice %arg3[%dma_start3A_323, %add3A, %mul3A_322, %dma_start3A_335] : memref<2x32x80x125xi32, #tpu.memory_space<hbm>> -> memref<1x1x8x125xi32, #tpu.memory_space<hbm>>
        %dma_start3A_337 = tpu.memref_squeeze %dma_start3A_336 : memref<1x1x8x125xi32, #tpu.memory_space<hbm>> -> memref<8x125xi32, #tpu.memory_space<hbm>>
        tpu.enqueue_dma source(%dma_start3A_337 : memref<8x125xi32, #tpu.memory_space<hbm>>) target(%dma_start3A_334 : memref<8x125xi32, #tpu.memory_space<vmem>>) target_semaphore(%arg12 : memref<!tpu.dma_semaphore, #tpu.memory_space<semaphore_mem>>)
        %add3A_338 = arith.constant 2 : i32
        %add3A_339 = arith.addi %scan3A_144, %add3A_338 : i32
        %mul3A_340 = arith.constant 8 : i32
        %mul3A_341 = arith.muli %add3A_339, %mul3A_340 : i32
        %dma_start3A_342 = arith.constant 1 : i32
        %dma_start3A_343 = arith.constant 0 : i32
        %dma_start3A_344 = arith.constant 0 : i32
        %dma_start3A_345 = tpu.memref_slice %arg6[%select_n3A_153, %dma_start3A_343, %dma_start3A_344] : memref<2x8x125xi32, #tpu.memory_space<vmem>> -> memref<1x8x125xi32, #tpu.memory_space<vmem>>
        %dma_start3A_346 = tpu.memref_squeeze %dma_start3A_345 : memref<1x8x125xi32, #tpu.memory_space<vmem>> -> memref<8x125xi32, #tpu.memory_space<vmem>>
        %dma_start3A_347 = arith.constant 0 : i32
        %dma_start3A_348 = tpu.memref_slice %arg3[%dma_start3A_342, %add3A, %mul3A_341, %dma_start3A_347] : memref<2x32x80x125xi32, #tpu.memory_space<hbm>> -> memref<1x1x8x125xi32, #tpu.memory_space<hbm>>
        %dma_start3A_349 = tpu.memref_squeeze %dma_start3A_348 : memref<1x1x8x125xi32, #tpu.memory_space<hbm>> -> memref<8x125xi32, #tpu.memory_space<hbm>>
        %dma_start3A_350 = arith.constant 0 : i32
        %dma_start3A_351 = arith.constant 0 : i32
        %dma_start3A_352 = tpu.memref_slice %arg6[%select_n3A_153, %dma_start3A_350, %dma_start3A_351] : memref<2x8x125xi32, #tpu.memory_space<vmem>> -> memref<1x8x125xi32, #tpu.memory_space<vmem>>
        %dma_start3A_353 = tpu.memref_squeeze %dma_start3A_352 : memref<1x8x125xi32, #tpu.memory_space<vmem>> -> memref<8x125xi32, #tpu.memory_space<vmem>>
        %dma_start3A_354 = arith.constant 0 : i32
        %dma_start3A_355 = tpu.memref_slice %arg3[%dma_start3A_342, %add3A, %mul3A_341, %dma_start3A_354] : memref<2x32x80x125xi32, #tpu.memory_space<hbm>> -> memref<1x1x8x125xi32, #tpu.memory_space<hbm>>
        %dma_start3A_356 = tpu.memref_squeeze %dma_start3A_355 : memref<1x1x8x125xi32, #tpu.memory_space<hbm>> -> memref<8x125xi32, #tpu.memory_space<hbm>>
        tpu.enqueue_dma source(%dma_start3A_356 : memref<8x125xi32, #tpu.memory_space<hbm>>) target(%dma_start3A_353 : memref<8x125xi32, #tpu.memory_space<vmem>>) target_semaphore(%arg12 : memref<!tpu.dma_semaphore, #tpu.memory_space<semaphore_mem>>)
      } else {
      }
    }
    %scan3A_142 = arith.constant 10 : i32
    %barrier3A_143 = arith.constant 0 : index
    tpu.barrier barrier_id(%barrier3A_143)
    "tpu.region"() ({
      %run_scoped3A = tpu.sem_alloc : memref<!tpu.dma_semaphore, #tpu.memory_space<semaphore_mem>>
      %dma_start3A_144 = arith.constant 0 : i32
      %dma_start3A_145 = tpu.memref_slice %arg4[%arg0, %mul3A_78, %dma_start3A_144] : memref<2x10240x128xf32, #tpu.memory_space<hbm>> -> memref<1x640x128xf32, #tpu.memory_space<hbm>>
      %dma_start3A_146 = tpu.memref_squeeze %dma_start3A_145 : memref<1x640x128xf32, #tpu.memory_space<hbm>> -> memref<640x128xf32, #tpu.memory_space<hbm>>
      %dma_start3A_147 = arith.constant 0 : i32
      %dma_start3A_148 = tpu.memref_slice %arg9[%mul3A_78, %dma_start3A_147] : memref<10240x128xf32, #tpu.memory_space<vmem_shared>> -> memref<640x128xf32, #tpu.memory_space<vmem_shared>>
      tpu.enqueue_dma source(%dma_start3A_148 : memref<640x128xf32, #tpu.memory_space<vmem_shared>>) target(%dma_start3A_146 : memref<640x128xf32, #tpu.memory_space<hbm>>) target_semaphore(%run_scoped3A : memref<!tpu.dma_semaphore, #tpu.memory_space<semaphore_mem>>)
      %dma_wait3A_149 = arith.constant 0 : i32
      %dma_wait3A_150 = tpu.memref_slice %arg4[%arg0, %mul3A_78, %dma_wait3A_149] : memref<2x10240x128xf32, #tpu.memory_space<hbm>> -> memref<1x640x128xf32, #tpu.memory_space<hbm>>
      %dma_wait3A_151 = tpu.memref_squeeze %dma_wait3A_150 : memref<1x640x128xf32, #tpu.memory_space<hbm>> -> memref<640x128xf32, #tpu.memory_space<hbm>>
      %dma_wait3A_152 = arith.constant 0 : i32
      %dma_wait3A_153 = tpu.memref_slice %arg9[%mul3A_78, %dma_wait3A_152] : memref<10240x128xf32, #tpu.memory_space<vmem_shared>> -> memref<640x128xf32, #tpu.memory_space<vmem_shared>>
      tpu.wait_dma2 semaphore(%run_scoped3A : memref<!tpu.dma_semaphore, #tpu.memory_space<semaphore_mem>>) src(%dma_wait3A_153 : memref<640x128xf32, #tpu.memory_space<vmem_shared>>) dst(%dma_wait3A_151 : memref<640x128xf32, #tpu.memory_space<hbm>>)
      tpu.yield
    }) : () -> ()
    return
  }
}

#map = affine_map<(d0, d1) -> (0, 0)>
#map1 = affine_map<(d0, d1) -> (0, 0, 0, 0)>
#map2 = affine_map<(d0, d1) -> (0, 0, 0)>
module attributes {stable_mosaic.version = 14 : i64} {
  func.func @agg(%arg0: i32, %arg1: i32, %arg2: memref<10000x128xf32, #tpu.memory_space<hbm>>, %arg3: memref<2x32x80x125xi32, #tpu.memory_space<hbm>>, %arg4: memref<2x10240x128xf32, #tpu.memory_space<hbm>>, %arg5: memref<2x8x125xi32, #tpu.memory_space<vmem>>, %arg6: memref<2x8x125xi32, #tpu.memory_space<vmem>>, %arg7: memref<128x128xf32, #tpu.memory_space<vmem>>, %arg8: memref<128x128xf32, #tpu.memory_space<vmem>>, %arg9: memref<10240x128xf32, #tpu.memory_space<vmem_shared>>, %arg10: memref<!tpu.dma_semaphore, #tpu.memory_space<semaphore_mem>>, %arg11: memref<!tpu.dma_semaphore, #tpu.memory_space<semaphore_mem>>, %arg12: memref<!tpu.dma_semaphore, #tpu.memory_space<semaphore_mem>>) attributes {dimension_semantics = [#tpu.dimension_semantics<core_parallel>, #tpu.dimension_semantics<subcore_parallel>], iteration_bounds = array<i64: 2, 16>, scalar_prefetch = 0 : i64, scratch_operands = 8 : i64, tpu.core_type = #tpu.core_type<sc_vector_subcore>, window_params = [{transform_indices = #map}, {transform_indices = #map1}, {transform_indices = #map2}]} {
    %mul3A = arith.constant 2 : i32
    %mul3A_0 = arith.muli %arg1, %mul3A : i32
    %add3A = arith.addi %mul3A_0, %arg0 : i32
    %dma_start3A = arith.constant 0 : i32
    %dma_start3A_1 = arith.constant 0 : i32
    %dma_start3A_2 = arith.constant 0 : i32
    %dma_start3A_3 = arith.constant 0 : i32
    %dma_start3A_4 = tpu.memref_slice %arg5[%dma_start3A_1, %dma_start3A_2, %dma_start3A_3] : memref<2x8x125xi32, #tpu.memory_space<vmem>> -> memref<1x8x125xi32, #tpu.memory_space<vmem>>
    %dma_start3A_5 = tpu.memref_squeeze %dma_start3A_4 : memref<1x8x125xi32, #tpu.memory_space<vmem>> -> memref<8x125xi32, #tpu.memory_space<vmem>>
    %dma_start3A_6 = arith.constant 0 : i32
    %dma_start3A_7 = arith.constant 0 : i32
    %dma_start3A_8 = tpu.memref_slice %arg3[%dma_start3A, %add3A, %dma_start3A_6, %dma_start3A_7] : memref<2x32x80x125xi32, #tpu.memory_space<hbm>> -> memref<1x1x8x125xi32, #tpu.memory_space<hbm>>
    %dma_start3A_9 = tpu.memref_squeeze %dma_start3A_8 : memref<1x1x8x125xi32, #tpu.memory_space<hbm>> -> memref<8x125xi32, #tpu.memory_space<hbm>>
    %dma_start3A_10 = arith.constant 0 : i32
    %dma_start3A_11 = arith.constant 0 : i32
    %dma_start3A_12 = tpu.memref_slice %arg5[%dma_start3A_1, %dma_start3A_10, %dma_start3A_11] : memref<2x8x125xi32, #tpu.memory_space<vmem>> -> memref<1x8x125xi32, #tpu.memory_space<vmem>>
    %dma_start3A_13 = tpu.memref_squeeze %dma_start3A_12 : memref<1x8x125xi32, #tpu.memory_space<vmem>> -> memref<8x125xi32, #tpu.memory_space<vmem>>
    %dma_start3A_14 = arith.constant 0 : i32
    %dma_start3A_15 = arith.constant 0 : i32
    %dma_start3A_16 = tpu.memref_slice %arg3[%dma_start3A, %add3A, %dma_start3A_14, %dma_start3A_15] : memref<2x32x80x125xi32, #tpu.memory_space<hbm>> -> memref<1x1x8x125xi32, #tpu.memory_space<hbm>>
    %dma_start3A_17 = tpu.memref_squeeze %dma_start3A_16 : memref<1x1x8x125xi32, #tpu.memory_space<hbm>> -> memref<8x125xi32, #tpu.memory_space<hbm>>
    tpu.enqueue_dma source(%dma_start3A_17 : memref<8x125xi32, #tpu.memory_space<hbm>>) target(%dma_start3A_13 : memref<8x125xi32, #tpu.memory_space<vmem>>) target_semaphore(%arg12 : memref<!tpu.dma_semaphore, #tpu.memory_space<semaphore_mem>>)
    %dma_start3A_18 = arith.constant 1 : i32
    %dma_start3A_19 = arith.constant 0 : i32
    %dma_start3A_20 = arith.constant 0 : i32
    %dma_start3A_21 = arith.constant 0 : i32
    %dma_start3A_22 = tpu.memref_slice %arg6[%dma_start3A_19, %dma_start3A_20, %dma_start3A_21] : memref<2x8x125xi32, #tpu.memory_space<vmem>> -> memref<1x8x125xi32, #tpu.memory_space<vmem>>
    %dma_start3A_23 = tpu.memref_squeeze %dma_start3A_22 : memref<1x8x125xi32, #tpu.memory_space<vmem>> -> memref<8x125xi32, #tpu.memory_space<vmem>>
    %dma_start3A_24 = arith.constant 0 : i32
    %dma_start3A_25 = arith.constant 0 : i32
    %dma_start3A_26 = tpu.memref_slice %arg3[%dma_start3A_18, %add3A, %dma_start3A_24, %dma_start3A_25] : memref<2x32x80x125xi32, #tpu.memory_space<hbm>> -> memref<1x1x8x125xi32, #tpu.memory_space<hbm>>
    %dma_start3A_27 = tpu.memref_squeeze %dma_start3A_26 : memref<1x1x8x125xi32, #tpu.memory_space<hbm>> -> memref<8x125xi32, #tpu.memory_space<hbm>>
    %dma_start3A_28 = arith.constant 0 : i32
    %dma_start3A_29 = arith.constant 0 : i32
    %dma_start3A_30 = tpu.memref_slice %arg6[%dma_start3A_19, %dma_start3A_28, %dma_start3A_29] : memref<2x8x125xi32, #tpu.memory_space<vmem>> -> memref<1x8x125xi32, #tpu.memory_space<vmem>>
    %dma_start3A_31 = tpu.memref_squeeze %dma_start3A_30 : memref<1x8x125xi32, #tpu.memory_space<vmem>> -> memref<8x125xi32, #tpu.memory_space<vmem>>
    %dma_start3A_32 = arith.constant 0 : i32
    %dma_start3A_33 = arith.constant 0 : i32
    %dma_start3A_34 = tpu.memref_slice %arg3[%dma_start3A_18, %add3A, %dma_start3A_32, %dma_start3A_33] : memref<2x32x80x125xi32, #tpu.memory_space<hbm>> -> memref<1x1x8x125xi32, #tpu.memory_space<hbm>>
    %dma_start3A_35 = tpu.memref_squeeze %dma_start3A_34 : memref<1x1x8x125xi32, #tpu.memory_space<hbm>> -> memref<8x125xi32, #tpu.memory_space<hbm>>
    tpu.enqueue_dma source(%dma_start3A_35 : memref<8x125xi32, #tpu.memory_space<hbm>>) target(%dma_start3A_31 : memref<8x125xi32, #tpu.memory_space<vmem>>) target_semaphore(%arg12 : memref<!tpu.dma_semaphore, #tpu.memory_space<semaphore_mem>>)
    %dma_start3A_36 = arith.constant 0 : i32
    %dma_start3A_37 = arith.constant 1 : i32
    %dma_start3A_38 = arith.constant 0 : i32
    %dma_start3A_39 = arith.constant 0 : i32
    %dma_start3A_40 = tpu.memref_slice %arg5[%dma_start3A_37, %dma_start3A_38, %dma_start3A_39] : memref<2x8x125xi32, #tpu.memory_space<vmem>> -> memref<1x8x125xi32, #tpu.memory_space<vmem>>
    %dma_start3A_41 = tpu.memref_squeeze %dma_start3A_40 : memref<1x8x125xi32, #tpu.memory_space<vmem>> -> memref<8x125xi32, #tpu.memory_space<vmem>>
    %dma_start3A_42 = arith.constant 8 : i32
    %dma_start3A_43 = arith.constant 0 : i32
    %dma_start3A_44 = tpu.memref_slice %arg3[%dma_start3A_36, %add3A, %dma_start3A_42, %dma_start3A_43] : memref<2x32x80x125xi32, #tpu.memory_space<hbm>> -> memref<1x1x8x125xi32, #tpu.memory_space<hbm>>
    %dma_start3A_45 = tpu.memref_squeeze %dma_start3A_44 : memref<1x1x8x125xi32, #tpu.memory_space<hbm>> -> memref<8x125xi32, #tpu.memory_space<hbm>>
    %dma_start3A_46 = arith.constant 0 : i32
    %dma_start3A_47 = arith.constant 0 : i32
    %dma_start3A_48 = tpu.memref_slice %arg5[%dma_start3A_37, %dma_start3A_46, %dma_start3A_47] : memref<2x8x125xi32, #tpu.memory_space<vmem>> -> memref<1x8x125xi32, #tpu.memory_space<vmem>>
    %dma_start3A_49 = tpu.memref_squeeze %dma_start3A_48 : memref<1x8x125xi32, #tpu.memory_space<vmem>> -> memref<8x125xi32, #tpu.memory_space<vmem>>
    %dma_start3A_50 = arith.constant 8 : i32
    %dma_start3A_51 = arith.constant 0 : i32
    %dma_start3A_52 = tpu.memref_slice %arg3[%dma_start3A_36, %add3A, %dma_start3A_50, %dma_start3A_51] : memref<2x32x80x125xi32, #tpu.memory_space<hbm>> -> memref<1x1x8x125xi32, #tpu.memory_space<hbm>>
    %dma_start3A_53 = tpu.memref_squeeze %dma_start3A_52 : memref<1x1x8x125xi32, #tpu.memory_space<hbm>> -> memref<8x125xi32, #tpu.memory_space<hbm>>
    tpu.enqueue_dma source(%dma_start3A_53 : memref<8x125xi32, #tpu.memory_space<hbm>>) target(%dma_start3A_49 : memref<8x125xi32, #tpu.memory_space<vmem>>) target_semaphore(%arg12 : memref<!tpu.dma_semaphore, #tpu.memory_space<semaphore_mem>>)
    %dma_start3A_54 = arith.constant 1 : i32
    %dma_start3A_55 = arith.constant 1 : i32
    %dma_start3A_56 = arith.constant 0 : i32
    %dma_start3A_57 = arith.constant 0 : i32
    %dma_start3A_58 = tpu.memref_slice %arg6[%dma_start3A_55, %dma_start3A_56, %dma_start3A_57] : memref<2x8x125xi32, #tpu.memory_space<vmem>> -> memref<1x8x125xi32, #tpu.memory_space<vmem>>
    %dma_start3A_59 = tpu.memref_squeeze %dma_start3A_58 : memref<1x8x125xi32, #tpu.memory_space<vmem>> -> memref<8x125xi32, #tpu.memory_space<vmem>>
    %dma_start3A_60 = arith.constant 8 : i32
    %dma_start3A_61 = arith.constant 0 : i32
    %dma_start3A_62 = tpu.memref_slice %arg3[%dma_start3A_54, %add3A, %dma_start3A_60, %dma_start3A_61] : memref<2x32x80x125xi32, #tpu.memory_space<hbm>> -> memref<1x1x8x125xi32, #tpu.memory_space<hbm>>
    %dma_start3A_63 = tpu.memref_squeeze %dma_start3A_62 : memref<1x1x8x125xi32, #tpu.memory_space<hbm>> -> memref<8x125xi32, #tpu.memory_space<hbm>>
    %dma_start3A_64 = arith.constant 0 : i32
    %dma_start3A_65 = arith.constant 0 : i32
    %dma_start3A_66 = tpu.memref_slice %arg6[%dma_start3A_55, %dma_start3A_64, %dma_start3A_65] : memref<2x8x125xi32, #tpu.memory_space<vmem>> -> memref<1x8x125xi32, #tpu.memory_space<vmem>>
    %dma_start3A_67 = tpu.memref_squeeze %dma_start3A_66 : memref<1x8x125xi32, #tpu.memory_space<vmem>> -> memref<8x125xi32, #tpu.memory_space<vmem>>
    %dma_start3A_68 = arith.constant 8 : i32
    %dma_start3A_69 = arith.constant 0 : i32
    %dma_start3A_70 = tpu.memref_slice %arg3[%dma_start3A_54, %add3A, %dma_start3A_68, %dma_start3A_69] : memref<2x32x80x125xi32, #tpu.memory_space<hbm>> -> memref<1x1x8x125xi32, #tpu.memory_space<hbm>>
    %dma_start3A_71 = tpu.memref_squeeze %dma_start3A_70 : memref<1x1x8x125xi32, #tpu.memory_space<hbm>> -> memref<8x125xi32, #tpu.memory_space<hbm>>
    tpu.enqueue_dma source(%dma_start3A_71 : memref<8x125xi32, #tpu.memory_space<hbm>>) target(%dma_start3A_67 : memref<8x125xi32, #tpu.memory_space<vmem>>) target_semaphore(%arg12 : memref<!tpu.dma_semaphore, #tpu.memory_space<semaphore_mem>>)
    %scan3A = arith.constant 0 : i32
    %scan3A_72 = arith.constant 0 : i32
    %scan3A_73 = arith.constant 128 : i32
    %scan3A_74 = arith.addi %scan3A_72, %scan3A_73 : i32
    %scan3A_75 = arith.constant 1 : i32
    scf.for %scan3A_144 = %scan3A_72 to %scan3A_74 step %scan3A_75  : i32 {
      %broadcast_in_dim3A = arith.constant 0.000000e+00 : f32
      %broadcast_in_dim3A_145 = vector.broadcast %broadcast_in_dim3A : f32 to vector<16xf32>
      %swap3A = arith.index_cast %scan3A_144 : i32 to index
      %swap3A_146 = arith.constant 0 : index
      %swap3A_147 = tpu.vector_load %arg7[%swap3A, %swap3A_146] {strides = array<i32>} : memref<128x128xf32, #tpu.memory_space<vmem>>, vector<1x16xf32>,
      %swap3A_148 = vector.shape_cast %swap3A_147 : vector<1x16xf32> to vector<16xf32>
      %swap3A_149 = vector.shape_cast %broadcast_in_dim3A_145 : vector<16xf32> to vector<1x16xf32>
      tpu.vector_store %arg7[%swap3A, %swap3A_146], %swap3A_149 {strides = array<i32>} : memref<128x128xf32, #tpu.memory_space<vmem>>, vector<1x16xf32>,
      %broadcast_in_dim3A_150 = arith.constant 0.000000e+00 : f32
      %broadcast_in_dim3A_151 = vector.broadcast %broadcast_in_dim3A_150 : f32 to vector<16xf32>
      %swap3A_152 = arith.index_cast %scan3A_144 : i32 to index
      %swap3A_153 = arith.constant 16 : index
      %swap3A_154 = tpu.vector_load %arg7[%swap3A_152, %swap3A_153] {strides = array<i32>} : memref<128x128xf32, #tpu.memory_space<vmem>>, vector<1x16xf32>,
      %swap3A_155 = vector.shape_cast %swap3A_154 : vector<1x16xf32> to vector<16xf32>
      %swap3A_156 = vector.shape_cast %broadcast_in_dim3A_151 : vector<16xf32> to vector<1x16xf32>
      tpu.vector_store %arg7[%swap3A_152, %swap3A_153], %swap3A_156 {strides = array<i32>} : memref<128x128xf32, #tpu.memory_space<vmem>>, vector<1x16xf32>,
      %broadcast_in_dim3A_157 = arith.constant 0.000000e+00 : f32
      %broadcast_in_dim3A_158 = vector.broadcast %broadcast_in_dim3A_157 : f32 to vector<16xf32>
      %swap3A_159 = arith.index_cast %scan3A_144 : i32 to index
      %swap3A_160 = arith.constant 32 : index
      %swap3A_161 = tpu.vector_load %arg7[%swap3A_159, %swap3A_160] {strides = array<i32>} : memref<128x128xf32, #tpu.memory_space<vmem>>, vector<1x16xf32>,
      %swap3A_162 = vector.shape_cast %swap3A_161 : vector<1x16xf32> to vector<16xf32>
      %swap3A_163 = vector.shape_cast %broadcast_in_dim3A_158 : vector<16xf32> to vector<1x16xf32>
      tpu.vector_store %arg7[%swap3A_159, %swap3A_160], %swap3A_163 {strides = array<i32>} : memref<128x128xf32, #tpu.memory_space<vmem>>, vector<1x16xf32>,
      %broadcast_in_dim3A_164 = arith.constant 0.000000e+00 : f32
      %broadcast_in_dim3A_165 = vector.broadcast %broadcast_in_dim3A_164 : f32 to vector<16xf32>
      %swap3A_166 = arith.index_cast %scan3A_144 : i32 to index
      %swap3A_167 = arith.constant 48 : index
      %swap3A_168 = tpu.vector_load %arg7[%swap3A_166, %swap3A_167] {strides = array<i32>} : memref<128x128xf32, #tpu.memory_space<vmem>>, vector<1x16xf32>,
      %swap3A_169 = vector.shape_cast %swap3A_168 : vector<1x16xf32> to vector<16xf32>
      %swap3A_170 = vector.shape_cast %broadcast_in_dim3A_165 : vector<16xf32> to vector<1x16xf32>
      tpu.vector_store %arg7[%swap3A_166, %swap3A_167], %swap3A_170 {strides = array<i32>} : memref<128x128xf32, #tpu.memory_space<vmem>>, vector<1x16xf32>,
      %broadcast_in_dim3A_171 = arith.constant 0.000000e+00 : f32
      %broadcast_in_dim3A_172 = vector.broadcast %broadcast_in_dim3A_171 : f32 to vector<16xf32>
      %swap3A_173 = arith.index_cast %scan3A_144 : i32 to index
      %swap3A_174 = arith.constant 64 : index
      %swap3A_175 = tpu.vector_load %arg7[%swap3A_173, %swap3A_174] {strides = array<i32>} : memref<128x128xf32, #tpu.memory_space<vmem>>, vector<1x16xf32>,
      %swap3A_176 = vector.shape_cast %swap3A_175 : vector<1x16xf32> to vector<16xf32>
      %swap3A_177 = vector.shape_cast %broadcast_in_dim3A_172 : vector<16xf32> to vector<1x16xf32>
      tpu.vector_store %arg7[%swap3A_173, %swap3A_174], %swap3A_177 {strides = array<i32>} : memref<128x128xf32, #tpu.memory_space<vmem>>, vector<1x16xf32>,
      %broadcast_in_dim3A_178 = arith.constant 0.000000e+00 : f32
      %broadcast_in_dim3A_179 = vector.broadcast %broadcast_in_dim3A_178 : f32 to vector<16xf32>
      %swap3A_180 = arith.index_cast %scan3A_144 : i32 to index
      %swap3A_181 = arith.constant 80 : index
      %swap3A_182 = tpu.vector_load %arg7[%swap3A_180, %swap3A_181] {strides = array<i32>} : memref<128x128xf32, #tpu.memory_space<vmem>>, vector<1x16xf32>,
      %swap3A_183 = vector.shape_cast %swap3A_182 : vector<1x16xf32> to vector<16xf32>
      %swap3A_184 = vector.shape_cast %broadcast_in_dim3A_179 : vector<16xf32> to vector<1x16xf32>
      tpu.vector_store %arg7[%swap3A_180, %swap3A_181], %swap3A_184 {strides = array<i32>} : memref<128x128xf32, #tpu.memory_space<vmem>>, vector<1x16xf32>,
      %broadcast_in_dim3A_185 = arith.constant 0.000000e+00 : f32
      %broadcast_in_dim3A_186 = vector.broadcast %broadcast_in_dim3A_185 : f32 to vector<16xf32>
      %swap3A_187 = arith.index_cast %scan3A_144 : i32 to index
      %swap3A_188 = arith.constant 96 : index
      %swap3A_189 = tpu.vector_load %arg7[%swap3A_187, %swap3A_188] {strides = array<i32>} : memref<128x128xf32, #tpu.memory_space<vmem>>, vector<1x16xf32>,
      %swap3A_190 = vector.shape_cast %swap3A_189 : vector<1x16xf32> to vector<16xf32>
      %swap3A_191 = vector.shape_cast %broadcast_in_dim3A_186 : vector<16xf32> to vector<1x16xf32>
      tpu.vector_store %arg7[%swap3A_187, %swap3A_188], %swap3A_191 {strides = array<i32>} : memref<128x128xf32, #tpu.memory_space<vmem>>, vector<1x16xf32>,
      %broadcast_in_dim3A_192 = arith.constant 0.000000e+00 : f32
      %broadcast_in_dim3A_193 = vector.broadcast %broadcast_in_dim3A_192 : f32 to vector<16xf32>
      %swap3A_194 = arith.index_cast %scan3A_144 : i32 to index
      %swap3A_195 = arith.constant 112 : index
      %swap3A_196 = tpu.vector_load %arg7[%swap3A_194, %swap3A_195] {strides = array<i32>} : memref<128x128xf32, #tpu.memory_space<vmem>>, vector<1x16xf32>,
      %swap3A_197 = vector.shape_cast %swap3A_196 : vector<1x16xf32> to vector<16xf32>
      %swap3A_198 = vector.shape_cast %broadcast_in_dim3A_193 : vector<16xf32> to vector<1x16xf32>
      tpu.vector_store %arg7[%swap3A_194, %swap3A_195], %swap3A_198 {strides = array<i32>} : memref<128x128xf32, #tpu.memory_space<vmem>>, vector<1x16xf32>,
    }
    %scan3A_76 = arith.constant 128 : i32
    %mul3A_77 = arith.constant 640 : i32
    %mul3A_78 = arith.muli %arg1, %mul3A_77 : i32
    %scan3A_79 = arith.constant 0 : i32
    %scan3A_80 = arith.constant 0 : i32
    %scan3A_81 = arith.constant 5 : i32
    %scan3A_82 = arith.addi %scan3A_80, %scan3A_81 : i32
    %scan3A_83 = arith.constant 1 : i32
    scf.for %scan3A_144 = %scan3A_80 to %scan3A_82 step %scan3A_83  : i32 {
      %mul3A_145 = arith.constant 128 : i32
      %mul3A_146 = arith.muli %scan3A_144, %mul3A_145 : i32
      %add3A_147 = arith.addi %mul3A_78, %mul3A_146 : i32
      %dma_start3A_148 = arith.constant 0 : i32
      %dma_start3A_149 = tpu.memref_slice %arg9[%add3A_147, %dma_start3A_148] : memref<10240x128xf32, #tpu.memory_space<vmem_shared>> -> memref<128x128xf32, #tpu.memory_space<vmem_shared>>
      %dma_start3A_150 = arith.constant 0 : i32
      %dma_start3A_151 = tpu.memref_slice %arg9[%add3A_147, %dma_start3A_150] : memref<10240x128xf32, #tpu.memory_space<vmem_shared>> -> memref<128x128xf32, #tpu.memory_space<vmem_shared>>
      tpu.enqueue_dma source(%arg7 : memref<128x128xf32, #tpu.memory_space<vmem>>) target(%dma_start3A_151 : memref<128x128xf32, #tpu.memory_space<vmem_shared>>) target_semaphore(%arg10 : memref<!tpu.dma_semaphore, #tpu.memory_space<semaphore_mem>>)
    }
    %scan3A_84 = arith.constant 5 : i32
    %scan3A_85 = arith.constant 0 : i32
    %scan3A_86 = arith.constant 0 : i32
    %scan3A_87 = arith.constant 5 : i32
    %scan3A_88 = arith.addi %scan3A_86, %scan3A_87 : i32
    %scan3A_89 = arith.constant 1 : i32
    scf.for %scan3A_144 = %scan3A_86 to %scan3A_88 step %scan3A_89  : i32 {
      %dma_wait3A_145 = arith.constant 0 : i32
      %dma_wait3A_146 = tpu.memref_slice %arg9[%mul3A_78, %dma_wait3A_145] : memref<10240x128xf32, #tpu.memory_space<vmem_shared>> -> memref<128x128xf32, #tpu.memory_space<vmem_shared>>
      %dma_wait3A_147 = arith.constant 0 : i32
      %dma_wait3A_148 = tpu.memref_slice %arg9[%mul3A_78, %dma_wait3A_147] : memref<10240x128xf32, #tpu.memory_space<vmem_shared>> -> memref<128x128xf32, #tpu.memory_space<vmem_shared>>
      tpu.wait_dma2 semaphore(%arg10 : memref<!tpu.dma_semaphore, #tpu.memory_space<semaphore_mem>>) src(%arg7 : memref<128x128xf32, #tpu.memory_space<vmem>>) dst(%dma_wait3A_148 : memref<128x128xf32, #tpu.memory_space<vmem_shared>>)
    }
    %scan3A_90 = arith.constant 5 : i32
    %barrier3A = arith.constant 0 : index
    tpu.barrier barrier_id(%barrier3A)
    %dma_wait3A = arith.constant 0 : i32
    %dma_wait3A_91 = arith.constant 0 : i32
    %dma_wait3A_92 = arith.constant 0 : i32
    %dma_wait3A_93 = arith.constant 0 : i32
    %dma_wait3A_94 = tpu.memref_slice %arg5[%dma_wait3A_91, %dma_wait3A_92, %dma_wait3A_93] : memref<2x8x125xi32, #tpu.memory_space<vmem>> -> memref<1x8x125xi32, #tpu.memory_space<vmem>>
    %dma_wait3A_95 = tpu.memref_squeeze %dma_wait3A_94 : memref<1x8x125xi32, #tpu.memory_space<vmem>> -> memref<8x125xi32, #tpu.memory_space<vmem>>
    %dma_wait3A_96 = arith.constant 0 : i32
    %dma_wait3A_97 = arith.constant 0 : i32
    %dma_wait3A_98 = tpu.memref_slice %arg3[%dma_wait3A, %add3A, %dma_wait3A_96, %dma_wait3A_97] : memref<2x32x80x125xi32, #tpu.memory_space<hbm>> -> memref<1x1x8x125xi32, #tpu.memory_space<hbm>>
    %dma_wait3A_99 = tpu.memref_squeeze %dma_wait3A_98 : memref<1x1x8x125xi32, #tpu.memory_space<hbm>> -> memref<8x125xi32, #tpu.memory_space<hbm>>
    %dma_wait3A_100 = arith.constant 0 : i32
    %dma_wait3A_101 = arith.constant 0 : i32
    %dma_wait3A_102 = tpu.memref_slice %arg5[%dma_wait3A_91, %dma_wait3A_100, %dma_wait3A_101] : memref<2x8x125xi32, #tpu.memory_space<vmem>> -> memref<1x8x125xi32, #tpu.memory_space<vmem>>
    %dma_wait3A_103 = tpu.memref_squeeze %dma_wait3A_102 : memref<1x8x125xi32, #tpu.memory_space<vmem>> -> memref<8x125xi32, #tpu.memory_space<vmem>>
    %dma_wait3A_104 = arith.constant 0 : i32
    %dma_wait3A_105 = arith.constant 0 : i32
    %dma_wait3A_106 = tpu.memref_slice %arg3[%dma_wait3A, %add3A, %dma_wait3A_104, %dma_wait3A_105] : memref<2x32x80x125xi32, #tpu.memory_space<hbm>> -> memref<1x1x8x125xi32, #tpu.memory_space<hbm>>
    %dma_wait3A_107 = tpu.memref_squeeze %dma_wait3A_106 : memref<1x1x8x125xi32, #tpu.memory_space<hbm>> -> memref<8x125xi32, #tpu.memory_space<hbm>>
    tpu.wait_dma2 semaphore(%arg12 : memref<!tpu.dma_semaphore, #tpu.memory_space<semaphore_mem>>) src(%dma_wait3A_107 : memref<8x125xi32, #tpu.memory_space<hbm>>) dst(%dma_wait3A_103 : memref<8x125xi32, #tpu.memory_space<vmem>>)
    %dma_wait3A_108 = arith.constant 1 : i32
    %dma_wait3A_109 = arith.constant 0 : i32
    %dma_wait3A_110 = arith.constant 0 : i32
    %dma_wait3A_111 = arith.constant 0 : i32
    %dma_wait3A_112 = tpu.memref_slice %arg6[%dma_wait3A_109, %dma_wait3A_110, %dma_wait3A_111] : memref<2x8x125xi32, #tpu.memory_space<vmem>> -> memref<1x8x125xi32, #tpu.memory_space<vmem>>
    %dma_wait3A_113 = tpu.memref_squeeze %dma_wait3A_112 : memref<1x8x125xi32, #tpu.memory_space<vmem>> -> memref<8x125xi32, #tpu.memory_space<vmem>>
    %dma_wait3A_114 = arith.constant 0 : i32
    %dma_wait3A_115 = arith.constant 0 : i32
    %dma_wait3A_116 = tpu.memref_slice %arg3[%dma_wait3A_108, %add3A, %dma_wait3A_114, %dma_wait3A_115] : memref<2x32x80x125xi32, #tpu.memory_space<hbm>> -> memref<1x1x8x125xi32, #tpu.memory_space<hbm>>
    %dma_wait3A_117 = tpu.memref_squeeze %dma_wait3A_116 : memref<1x1x8x125xi32, #tpu.memory_space<hbm>> -> memref<8x125xi32, #tpu.memory_space<hbm>>
    %dma_wait3A_118 = arith.constant 0 : i32
    %dma_wait3A_119 = arith.constant 0 : i32
    %dma_wait3A_120 = tpu.memref_slice %arg6[%dma_wait3A_109, %dma_wait3A_118, %dma_wait3A_119] : memref<2x8x125xi32, #tpu.memory_space<vmem>> -> memref<1x8x125xi32, #tpu.memory_space<vmem>>
    %dma_wait3A_121 = tpu.memref_squeeze %dma_wait3A_120 : memref<1x8x125xi32, #tpu.memory_space<vmem>> -> memref<8x125xi32, #tpu.memory_space<vmem>>
    %dma_wait3A_122 = arith.constant 0 : i32
    %dma_wait3A_123 = arith.constant 0 : i32
    %dma_wait3A_124 = tpu.memref_slice %arg3[%dma_wait3A_108, %add3A, %dma_wait3A_122, %dma_wait3A_123] : memref<2x32x80x125xi32, #tpu.memory_space<hbm>> -> memref<1x1x8x125xi32, #tpu.memory_space<hbm>>
    %dma_wait3A_125 = tpu.memref_squeeze %dma_wait3A_124 : memref<1x1x8x125xi32, #tpu.memory_space<hbm>> -> memref<8x125xi32, #tpu.memory_space<hbm>>
    tpu.wait_dma2 semaphore(%arg12 : memref<!tpu.dma_semaphore, #tpu.memory_space<semaphore_mem>>) src(%dma_wait3A_125 : memref<8x125xi32, #tpu.memory_space<hbm>>) dst(%dma_wait3A_121 : memref<8x125xi32, #tpu.memory_space<vmem>>)
    %dma_start3A_126 = arith.constant 0 : i32
    %dma_start3A_127 = arith.constant 0 : i32
    %dma_start3A_128 = arith.constant 0 : i32
    %dma_start3A_129 = arith.constant 0 : i32
    %dma_start3A_130 = tpu.memref_slice %arg7[%dma_start3A_128, %dma_start3A_129] : memref<128x128xf32, #tpu.memory_space<vmem>> -> memref<125x128xf32, #tpu.memory_space<vmem>>
    %dma_start3A_131 = arith.constant 0 : i32
    %dma_start3A_132 = tpu.memref_slice %arg5[%dma_start3A_126, %dma_start3A_127, %dma_start3A_131] : memref<2x8x125xi32, #tpu.memory_space<vmem>> -> memref<1x1x125xi32, #tpu.memory_space<vmem>>
    %dma_start3A_133 = tpu.memref_squeeze %dma_start3A_132 : memref<1x1x125xi32, #tpu.memory_space<vmem>> -> memref<125xi32, #tpu.memory_space<vmem>>
    %dma_start3A_134 = arith.constant 0 : i32
    %dma_start3A_135 = arith.constant 0 : i32
    %dma_start3A_136 = tpu.memref_slice %arg2[%dma_start3A_134, %dma_start3A_135] : memref<10000x128xf32, #tpu.memory_space<hbm>> -> memref<10000x128xf32, #tpu.memory_space<hbm>>
    tpu.enqueue_indirect_dma source(%dma_start3A_136 : memref<10000x128xf32, #tpu.memory_space<hbm>>) target(%dma_start3A_130 : memref<125x128xf32, #tpu.memory_space<vmem>>) offsets(%dma_start3A_133 : memref<125xi32, #tpu.memory_space<vmem>>) semaphore(%arg10 : memref<!tpu.dma_semaphore, #tpu.memory_space<semaphore_mem>>)
    %scan3A_137 = arith.constant 0 : i32
    %scan3A_138 = arith.constant 0 : i32
    %scan3A_139 = arith.constant 10 : i32
    %scan3A_140 = arith.addi %scan3A_138, %scan3A_139 : i32
    %scan3A_141 = arith.constant 1 : i32
    scf.for %scan3A_144 = %scan3A_138 to %scan3A_140 step %scan3A_141  : i32 {
      %jit3A = arith.constant 2 : i32
      %eq3A = arith.constant 0 : i32
      %eq3A_145 = arith.cmpi eq, %jit3A, %eq3A : i32
      %jit3A_146 = arith.constant 1 : i32
      %select_n3A = arith.select %eq3A_145, %jit3A_146, %jit3A : i32
      %rem3A = arith.remsi %scan3A_144, %select_n3A : i32
      %ne3A = arith.constant 0 : i32
      %ne3A_147 = arith.cmpi ne, %rem3A, %ne3A : i32
      %lt3A = arith.constant 0 : i32
      %lt3A_148 = arith.cmpi slt, %rem3A, %lt3A : i32
      %lt3A_149 = arith.constant 0 : i32
      %lt3A_150 = arith.cmpi slt, %select_n3A, %lt3A_149 : i32
      %ne3A_151 = arith.xori %lt3A_148, %lt3A_150 : i1
      %and3A = arith.andi %ne3A_151, %ne3A_147 : i1
      %add3A_152 = arith.addi %rem3A, %select_n3A : i32
      %select_n3A_153 = arith.select %and3A, %add3A_152, %rem3A : i32
      %dma_start3A_154 = arith.constant 1 : i32
      %dma_start3A_155 = arith.constant 0 : i32
      %dma_start3A_156 = arith.constant 0 : i32
      %dma_start3A_157 = tpu.memref_slice %arg8[%dma_start3A_155, %dma_start3A_156] : memref<128x128xf32, #tpu.memory_space<vmem>> -> memref<125x128xf32, #tpu.memory_space<vmem>>
      %dma_start3A_158 = arith.constant 0 : i32
      %dma_start3A_159 = tpu.memref_slice %arg5[%select_n3A_153, %dma_start3A_154, %dma_start3A_158] : memref<2x8x125xi32, #tpu.memory_space<vmem>> -> memref<1x1x125xi32, #tpu.memory_space<vmem>>
      %dma_start3A_160 = tpu.memref_squeeze %dma_start3A_159 : memref<1x1x125xi32, #tpu.memory_space<vmem>> -> memref<125xi32, #tpu.memory_space<vmem>>
      %dma_start3A_161 = arith.constant 0 : i32
      %dma_start3A_162 = arith.constant 0 : i32
      %dma_start3A_163 = tpu.memref_slice %arg2[%dma_start3A_161, %dma_start3A_162] : memref<10000x128xf32, #tpu.memory_space<hbm>> -> memref<10000x128xf32, #tpu.memory_space<hbm>>
      tpu.enqueue_indirect_dma source(%dma_start3A_163 : memref<10000x128xf32, #tpu.memory_space<hbm>>) target(%dma_start3A_157 : memref<125x128xf32, #tpu.memory_space<vmem>>) offsets(%dma_start3A_160 : memref<125xi32, #tpu.memory_space<vmem>>) semaphore(%arg11 : memref<!tpu.dma_semaphore, #tpu.memory_space<semaphore_mem>>)
      %dma_wait3A_164 = arith.constant 0 : i32
      %dma_wait3A_165 = arith.constant 0 : i32
      %dma_wait3A_166 = arith.constant 0 : i32
      %dma_wait3A_167 = tpu.memref_slice %arg7[%dma_wait3A_165, %dma_wait3A_166] : memref<128x128xf32, #tpu.memory_space<vmem>> -> memref<125x128xf32, #tpu.memory_space<vmem>>
      %dma_wait3A_168 = arith.constant 0 : i32
      %dma_wait3A_169 = tpu.memref_slice %arg5[%select_n3A_153, %dma_wait3A_164, %dma_wait3A_168] : memref<2x8x125xi32, #tpu.memory_space<vmem>> -> memref<1x1x125xi32, #tpu.memory_space<vmem>>
      %dma_wait3A_170 = tpu.memref_squeeze %dma_wait3A_169 : memref<1x1x125xi32, #tpu.memory_space<vmem>> -> memref<125xi32, #tpu.memory_space<vmem>>
      %dma_wait3A_171 = arith.constant 0 : i32
      %dma_wait3A_172 = arith.constant 0 : i32
      %dma_wait3A_173 = tpu.memref_slice %arg2[%dma_wait3A_171, %dma_wait3A_172] : memref<10000x128xf32, #tpu.memory_space<hbm>> -> memref<10000x128xf32, #tpu.memory_space<hbm>>
      tpu.wait_indirect_dma semaphore(%arg10 : memref<!tpu.dma_semaphore, #tpu.memory_space<semaphore_mem>>) src(%dma_wait3A_173 : memref<10000x128xf32, #tpu.memory_space<hbm>>) dst(%dma_wait3A_167 : memref<125x128xf32, #tpu.memory_space<vmem>>)
      %run_scoped3A = arith.constant 0 : i32
      "tpu.region"() ({
        %run_scoped3A_319 = tpu.sem_alloc : memref<!tpu.dma_semaphore, #tpu.memory_space<semaphore_mem>>
        %dma_start3A_320 = arith.constant 0 : i32
        %dma_start3A_321 = arith.constant 0 : i32
        %dma_start3A_322 = tpu.memref_slice %arg7[%dma_start3A_320, %dma_start3A_321] : memref<128x128xf32, #tpu.memory_space<vmem>> -> memref<125x128xf32, #tpu.memory_space<vmem>>
        %dma_start3A_323 = arith.constant 0 : i32
        %dma_start3A_324 = tpu.memref_slice %arg6[%select_n3A_153, %run_scoped3A, %dma_start3A_323] : memref<2x8x125xi32, #tpu.memory_space<vmem>> -> memref<1x1x125xi32, #tpu.memory_space<vmem>>
        %dma_start3A_325 = tpu.memref_squeeze %dma_start3A_324 : memref<1x1x125xi32, #tpu.memory_space<vmem>> -> memref<125xi32, #tpu.memory_space<vmem>>
        %dma_start3A_326 = arith.constant 0 : i32
        %dma_start3A_327 = arith.constant 0 : i32
        %dma_start3A_328 = tpu.memref_slice %arg9[%dma_start3A_326, %dma_start3A_327] : memref<10240x128xf32, #tpu.memory_space<vmem_shared>> -> memref<10240x128xf32, #tpu.memory_space<vmem_shared>>
        tpu.enqueue_indirect_dma source(%dma_start3A_322 : memref<125x128xf32, #tpu.memory_space<vmem>>) target(%dma_start3A_328 : memref<10240x128xf32, #tpu.memory_space<vmem_shared>>) offsets(%dma_start3A_325 : memref<125xi32, #tpu.memory_space<vmem>>) semaphore(%run_scoped3A_319 : memref<!tpu.dma_semaphore, #tpu.memory_space<semaphore_mem>>) {add = true}
        %dma_wait3A_329 = arith.constant 0 : i32
        %dma_wait3A_330 = arith.constant 0 : i32
        %dma_wait3A_331 = tpu.memref_slice %arg7[%dma_wait3A_329, %dma_wait3A_330] : memref<128x128xf32, #tpu.memory_space<vmem>> -> memref<125x128xf32, #tpu.memory_space<vmem>>
        %dma_wait3A_332 = arith.constant 0 : i32
        %dma_wait3A_333 = tpu.memref_slice %arg6[%select_n3A_153, %run_scoped3A, %dma_wait3A_332] : memref<2x8x125xi32, #tpu.memory_space<vmem>> -> memref<1x1x125xi32, #tpu.memory_space<vmem>>
        %dma_wait3A_334 = tpu.memref_squeeze %dma_wait3A_333 : memref<1x1x125xi32, #tpu.memory_space<vmem>> -> memref<125xi32, #tpu.memory_space<vmem>>
        %dma_wait3A_335 = arith.constant 0 : i32
        %dma_wait3A_336 = arith.constant 0 : i32
        %dma_wait3A_337 = tpu.memref_slice %arg9[%dma_wait3A_335, %dma_wait3A_336] : memref<10240x128xf32, #tpu.memory_space<vmem_shared>> -> memref<10240x128xf32, #tpu.memory_space<vmem_shared>>
        tpu.wait_indirect_dma semaphore(%run_scoped3A_319 : memref<!tpu.dma_semaphore, #tpu.memory_space<semaphore_mem>>) src(%dma_wait3A_331 : memref<125x128xf32, #tpu.memory_space<vmem>>) dst(%dma_wait3A_337 : memref<10240x128xf32, #tpu.memory_space<vmem_shared>>)
        tpu.yield
      }) : () -> ()
      %dma_start3A_174 = arith.constant 2 : i32
      %dma_start3A_175 = arith.constant 0 : i32
      %dma_start3A_176 = arith.constant 0 : i32
      %dma_start3A_177 = tpu.memref_slice %arg7[%dma_start3A_175, %dma_start3A_176] : memref<128x128xf32, #tpu.memory_space<vmem>> -> memref<125x128xf32, #tpu.memory_space<vmem>>
      %dma_start3A_178 = arith.constant 0 : i32
      %dma_start3A_179 = tpu.memref_slice %arg5[%select_n3A_153, %dma_start3A_174, %dma_start3A_178] : memref<2x8x125xi32, #tpu.memory_space<vmem>> -> memref<1x1x125xi32, #tpu.memory_space<vmem>>
      %dma_start3A_180 = tpu.memref_squeeze %dma_start3A_179 : memref<1x1x125xi32, #tpu.memory_space<vmem>> -> memref<125xi32, #tpu.memory_space<vmem>>
      %dma_start3A_181 = arith.constant 0 : i32
      %dma_start3A_182 = arith.constant 0 : i32
      %dma_start3A_183 = tpu.memref_slice %arg2[%dma_start3A_181, %dma_start3A_182] : memref<10000x128xf32, #tpu.memory_space<hbm>> -> memref<10000x128xf32, #tpu.memory_space<hbm>>
      tpu.enqueue_indirect_dma source(%dma_start3A_183 : memref<10000x128xf32, #tpu.memory_space<hbm>>) target(%dma_start3A_177 : memref<125x128xf32, #tpu.memory_space<vmem>>) offsets(%dma_start3A_180 : memref<125xi32, #tpu.memory_space<vmem>>) semaphore(%arg10 : memref<!tpu.dma_semaphore, #tpu.memory_space<semaphore_mem>>)
      %dma_wait3A_184 = arith.constant 1 : i32
      %dma_wait3A_185 = arith.constant 0 : i32
      %dma_wait3A_186 = arith.constant 0 : i32
      %dma_wait3A_187 = tpu.memref_slice %arg8[%dma_wait3A_185, %dma_wait3A_186] : memref<128x128xf32, #tpu.memory_space<vmem>> -> memref<125x128xf32, #tpu.memory_space<vmem>>
      %dma_wait3A_188 = arith.constant 0 : i32
      %dma_wait3A_189 = tpu.memref_slice %arg5[%select_n3A_153, %dma_wait3A_184, %dma_wait3A_188] : memref<2x8x125xi32, #tpu.memory_space<vmem>> -> memref<1x1x125xi32, #tpu.memory_space<vmem>>
      %dma_wait3A_190 = tpu.memref_squeeze %dma_wait3A_189 : memref<1x1x125xi32, #tpu.memory_space<vmem>> -> memref<125xi32, #tpu.memory_space<vmem>>
      %dma_wait3A_191 = arith.constant 0 : i32
      %dma_wait3A_192 = arith.constant 0 : i32
      %dma_wait3A_193 = tpu.memref_slice %arg2[%dma_wait3A_191, %dma_wait3A_192] : memref<10000x128xf32, #tpu.memory_space<hbm>> -> memref<10000x128xf32, #tpu.memory_space<hbm>>
      tpu.wait_indirect_dma semaphore(%arg11 : memref<!tpu.dma_semaphore, #tpu.memory_space<semaphore_mem>>) src(%dma_wait3A_193 : memref<10000x128xf32, #tpu.memory_space<hbm>>) dst(%dma_wait3A_187 : memref<125x128xf32, #tpu.memory_space<vmem>>)
      %run_scoped3A_194 = arith.constant 1 : i32
      "tpu.region"() ({
        %run_scoped3A_319 = tpu.sem_alloc : memref<!tpu.dma_semaphore, #tpu.memory_space<semaphore_mem>>
        %dma_start3A_320 = arith.constant 0 : i32
        %dma_start3A_321 = arith.constant 0 : i32
        %dma_start3A_322 = tpu.memref_slice %arg8[%dma_start3A_320, %dma_start3A_321] : memref<128x128xf32, #tpu.memory_space<vmem>> -> memref<125x128xf32, #tpu.memory_space<vmem>>
        %dma_start3A_323 = arith.constant 0 : i32
        %dma_start3A_324 = tpu.memref_slice %arg6[%select_n3A_153, %run_scoped3A_194, %dma_start3A_323] : memref<2x8x125xi32, #tpu.memory_space<vmem>> -> memref<1x1x125xi32, #tpu.memory_space<vmem>>
        %dma_start3A_325 = tpu.memref_squeeze %dma_start3A_324 : memref<1x1x125xi32, #tpu.memory_space<vmem>> -> memref<125xi32, #tpu.memory_space<vmem>>
        %dma_start3A_326 = arith.constant 0 : i32
        %dma_start3A_327 = arith.constant 0 : i32
        %dma_start3A_328 = tpu.memref_slice %arg9[%dma_start3A_326, %dma_start3A_327] : memref<10240x128xf32, #tpu.memory_space<vmem_shared>> -> memref<10240x128xf32, #tpu.memory_space<vmem_shared>>
        tpu.enqueue_indirect_dma source(%dma_start3A_322 : memref<125x128xf32, #tpu.memory_space<vmem>>) target(%dma_start3A_328 : memref<10240x128xf32, #tpu.memory_space<vmem_shared>>) offsets(%dma_start3A_325 : memref<125xi32, #tpu.memory_space<vmem>>) semaphore(%run_scoped3A_319 : memref<!tpu.dma_semaphore, #tpu.memory_space<semaphore_mem>>) {add = true}
        %dma_wait3A_329 = arith.constant 0 : i32
        %dma_wait3A_330 = arith.constant 0 : i32
        %dma_wait3A_331 = tpu.memref_slice %arg8[%dma_wait3A_329, %dma_wait3A_330] : memref<128x128xf32, #tpu.memory_space<vmem>> -> memref<125x128xf32, #tpu.memory_space<vmem>>
        %dma_wait3A_332 = arith.constant 0 : i32
        %dma_wait3A_333 = tpu.memref_slice %arg6[%select_n3A_153, %run_scoped3A_194, %dma_wait3A_332] : memref<2x8x125xi32, #tpu.memory_space<vmem>> -> memref<1x1x125xi32, #tpu.memory_space<vmem>>
        %dma_wait3A_334 = tpu.memref_squeeze %dma_wait3A_333 : memref<1x1x125xi32, #tpu.memory_space<vmem>> -> memref<125xi32, #tpu.memory_space<vmem>>
        %dma_wait3A_335 = arith.constant 0 : i32
        %dma_wait3A_336 = arith.constant 0 : i32
        %dma_wait3A_337 = tpu.memref_slice %arg9[%dma_wait3A_335, %dma_wait3A_336] : memref<10240x128xf32, #tpu.memory_space<vmem_shared>> -> memref<10240x128xf32, #tpu.memory_space<vmem_shared>>
        tpu.wait_indirect_dma semaphore(%run_scoped3A_319 : memref<!tpu.dma_semaphore, #tpu.memory_space<semaphore_mem>>) src(%dma_wait3A_331 : memref<125x128xf32, #tpu.memory_space<vmem>>) dst(%dma_wait3A_337 : memref<10240x128xf32, #tpu.memory_space<vmem_shared>>)
        tpu.yield
      }) : () -> ()
      %dma_start3A_195 = arith.constant 3 : i32
      %dma_start3A_196 = arith.constant 0 : i32
      %dma_start3A_197 = arith.constant 0 : i32
      %dma_start3A_198 = tpu.memref_slice %arg8[%dma_start3A_196, %dma_start3A_197] : memref<128x128xf32, #tpu.memory_space<vmem>> -> memref<125x128xf32, #tpu.memory_space<vmem>>
      %dma_start3A_199 = arith.constant 0 : i32
      %dma_start3A_200 = tpu.memref_slice %arg5[%select_n3A_153, %dma_start3A_195, %dma_start3A_199] : memref<2x8x125xi32, #tpu.memory_space<vmem>> -> memref<1x1x125xi32, #tpu.memory_space<vmem>>
      %dma_start3A_201 = tpu.memref_squeeze %dma_start3A_200 : memref<1x1x125xi32, #tpu.memory_space<vmem>> -> memref<125xi32, #tpu.memory_space<vmem>>
      %dma_start3A_202 = arith.constant 0 : i32
      %dma_start3A_203 = arith.constant 0 : i32
      %dma_start3A_204 = tpu.memref_slice %arg2[%dma_start3A_202, %dma_start3A_203] : memref<10000x128xf32, #tpu.memory_space<hbm>> -> memref<10000x128xf32, #tpu.memory_space<hbm>>
      tpu.enqueue_indirect_dma source(%dma_start3A_204 : memref<10000x128xf32, #tpu.memory_space<hbm>>) target(%dma_start3A_198 : memref<125x128xf32, #tpu.memory_space<vmem>>) offsets(%dma_start3A_201 : memref<125xi32, #tpu.memory_space<vmem>>) semaphore(%arg11 : memref<!tpu.dma_semaphore, #tpu.memory_space<semaphore_mem>>)
      %dma_wait3A_205 = arith.constant 2 : i32
      %dma_wait3A_206 = arith.constant 0 : i32
      %dma_wait3A_207 = arith.constant 0 : i32
      %dma_wait3A_208 = tpu.memref_slice %arg7[%dma_wait3A_206, %dma_wait3A_207] : memref<128x128xf32, #tpu.memory_space<vmem>> -> memref<125x128xf32, #tpu.memory_space<vmem>>
      %dma_wait3A_209 = arith.constant 0 : i32
      %dma_wait3A_210 = tpu.memref_slice %arg5[%select_n3A_153, %dma_wait3A_205, %dma_wait3A_209] : memref<2x8x125xi32, #tpu.memory_space<vmem>> -> memref<1x1x125xi32, #tpu.memory_space<vmem>>
      %dma_wait3A_211 = tpu.memref_squeeze %dma_wait3A_210 : memref<1x1x125xi32, #tpu.memory_space<vmem>> -> memref<125xi32, #tpu.memory_space<vmem>>
      %dma_wait3A_212 = arith.constant 0 : i32
      %dma_wait3A_213 = arith.constant 0 : i32
      %dma_wait3A_214 = tpu.memref_slice %arg2[%dma_wait3A_212, %dma_wait3A_213] : memref<10000x128xf32, #tpu.memory_space<hbm>> -> memref<10000x128xf32, #tpu.memory_space<hbm>>
      tpu.wait_indirect_dma semaphore(%arg10 : memref<!tpu.dma_semaphore, #tpu.memory_space<semaphore_mem>>) src(%dma_wait3A_214 : memref<10000x128xf32, #tpu.memory_space<hbm>>) dst(%dma_wait3A_208 : memref<125x128xf32, #tpu.memory_space<vmem>>)
      %run_scoped3A_215 = arith.constant 2 : i32
      "tpu.region"() ({
        %run_scoped3A_319 = tpu.sem_alloc : memref<!tpu.dma_semaphore, #tpu.memory_space<semaphore_mem>>
        %dma_start3A_320 = arith.constant 0 : i32
        %dma_start3A_321 = arith.constant 0 : i32
        %dma_start3A_322 = tpu.memref_slice %arg7[%dma_start3A_320, %dma_start3A_321] : memref<128x128xf32, #tpu.memory_space<vmem>> -> memref<125x128xf32, #tpu.memory_space<vmem>>
        %dma_start3A_323 = arith.constant 0 : i32
        %dma_start3A_324 = tpu.memref_slice %arg6[%select_n3A_153, %run_scoped3A_215, %dma_start3A_323] : memref<2x8x125xi32, #tpu.memory_space<vmem>> -> memref<1x1x125xi32, #tpu.memory_space<vmem>>
        %dma_start3A_325 = tpu.memref_squeeze %dma_start3A_324 : memref<1x1x125xi32, #tpu.memory_space<vmem>> -> memref<125xi32, #tpu.memory_space<vmem>>
        %dma_start3A_326 = arith.constant 0 : i32
        %dma_start3A_327 = arith.constant 0 : i32
        %dma_start3A_328 = tpu.memref_slice %arg9[%dma_start3A_326, %dma_start3A_327] : memref<10240x128xf32, #tpu.memory_space<vmem_shared>> -> memref<10240x128xf32, #tpu.memory_space<vmem_shared>>
        tpu.enqueue_indirect_dma source(%dma_start3A_322 : memref<125x128xf32, #tpu.memory_space<vmem>>) target(%dma_start3A_328 : memref<10240x128xf32, #tpu.memory_space<vmem_shared>>) offsets(%dma_start3A_325 : memref<125xi32, #tpu.memory_space<vmem>>) semaphore(%run_scoped3A_319 : memref<!tpu.dma_semaphore, #tpu.memory_space<semaphore_mem>>) {add = true}
        %dma_wait3A_329 = arith.constant 0 : i32
        %dma_wait3A_330 = arith.constant 0 : i32
        %dma_wait3A_331 = tpu.memref_slice %arg7[%dma_wait3A_329, %dma_wait3A_330] : memref<128x128xf32, #tpu.memory_space<vmem>> -> memref<125x128xf32, #tpu.memory_space<vmem>>
        %dma_wait3A_332 = arith.constant 0 : i32
        %dma_wait3A_333 = tpu.memref_slice %arg6[%select_n3A_153, %run_scoped3A_215, %dma_wait3A_332] : memref<2x8x125xi32, #tpu.memory_space<vmem>> -> memref<1x1x125xi32, #tpu.memory_space<vmem>>
        %dma_wait3A_334 = tpu.memref_squeeze %dma_wait3A_333 : memref<1x1x125xi32, #tpu.memory_space<vmem>> -> memref<125xi32, #tpu.memory_space<vmem>>
        %dma_wait3A_335 = arith.constant 0 : i32
        %dma_wait3A_336 = arith.constant 0 : i32
        %dma_wait3A_337 = tpu.memref_slice %arg9[%dma_wait3A_335, %dma_wait3A_336] : memref<10240x128xf32, #tpu.memory_space<vmem_shared>> -> memref<10240x128xf32, #tpu.memory_space<vmem_shared>>
        tpu.wait_indirect_dma semaphore(%run_scoped3A_319 : memref<!tpu.dma_semaphore, #tpu.memory_space<semaphore_mem>>) src(%dma_wait3A_331 : memref<125x128xf32, #tpu.memory_space<vmem>>) dst(%dma_wait3A_337 : memref<10240x128xf32, #tpu.memory_space<vmem_shared>>)
        tpu.yield
      }) : () -> ()
      %dma_start3A_216 = arith.constant 4 : i32
      %dma_start3A_217 = arith.constant 0 : i32
      %dma_start3A_218 = arith.constant 0 : i32
      %dma_start3A_219 = tpu.memref_slice %arg7[%dma_start3A_217, %dma_start3A_218] : memref<128x128xf32, #tpu.memory_space<vmem>> -> memref<125x128xf32, #tpu.memory_space<vmem>>
      %dma_start3A_220 = arith.constant 0 : i32
      %dma_start3A_221 = tpu.memref_slice %arg5[%select_n3A_153, %dma_start3A_216, %dma_start3A_220] : memref<2x8x125xi32, #tpu.memory_space<vmem>> -> memref<1x1x125xi32, #tpu.memory_space<vmem>>
      %dma_start3A_222 = tpu.memref_squeeze %dma_start3A_221 : memref<1x1x125xi32, #tpu.memory_space<vmem>> -> memref<125xi32, #tpu.memory_space<vmem>>
      %dma_start3A_223 = arith.constant 0 : i32
      %dma_start3A_224 = arith.constant 0 : i32
      %dma_start3A_225 = tpu.memref_slice %arg2[%dma_start3A_223, %dma_start3A_224] : memref<10000x128xf32, #tpu.memory_space<hbm>> -> memref<10000x128xf32, #tpu.memory_space<hbm>>
      tpu.enqueue_indirect_dma source(%dma_start3A_225 : memref<10000x128xf32, #tpu.memory_space<hbm>>) target(%dma_start3A_219 : memref<125x128xf32, #tpu.memory_space<vmem>>) offsets(%dma_start3A_222 : memref<125xi32, #tpu.memory_space<vmem>>) semaphore(%arg10 : memref<!tpu.dma_semaphore, #tpu.memory_space<semaphore_mem>>)
      %dma_wait3A_226 = arith.constant 3 : i32
      %dma_wait3A_227 = arith.constant 0 : i32
      %dma_wait3A_228 = arith.constant 0 : i32
      %dma_wait3A_229 = tpu.memref_slice %arg8[%dma_wait3A_227, %dma_wait3A_228] : memref<128x128xf32, #tpu.memory_space<vmem>> -> memref<125x128xf32, #tpu.memory_space<vmem>>
      %dma_wait3A_230 = arith.constant 0 : i32
      %dma_wait3A_231 = tpu.memref_slice %arg5[%select_n3A_153, %dma_wait3A_226, %dma_wait3A_230] : memref<2x8x125xi32, #tpu.memory_space<vmem>> -> memref<1x1x125xi32, #tpu.memory_space<vmem>>
      %dma_wait3A_232 = tpu.memref_squeeze %dma_wait3A_231 : memref<1x1x125xi32, #tpu.memory_space<vmem>> -> memref<125xi32, #tpu.memory_space<vmem>>
      %dma_wait3A_233 = arith.constant 0 : i32
      %dma_wait3A_234 = arith.constant 0 : i32
      %dma_wait3A_235 = tpu.memref_slice %arg2[%dma_wait3A_233, %dma_wait3A_234] : memref<10000x128xf32, #tpu.memory_space<hbm>> -> memref<10000x128xf32, #tpu.memory_space<hbm>>
      tpu.wait_indirect_dma semaphore(%arg11 : memref<!tpu.dma_semaphore, #tpu.memory_space<semaphore_mem>>) src(%dma_wait3A_235 : memref<10000x128xf32, #tpu.memory_space<hbm>>) dst(%dma_wait3A_229 : memref<125x128xf32, #tpu.memory_space<vmem>>)
      %run_scoped3A_236 = arith.constant 3 : i32
      "tpu.region"() ({
        %run_scoped3A_319 = tpu.sem_alloc : memref<!tpu.dma_semaphore, #tpu.memory_space<semaphore_mem>>
        %dma_start3A_320 = arith.constant 0 : i32
        %dma_start3A_321 = arith.constant 0 : i32
        %dma_start3A_322 = tpu.memref_slice %arg8[%dma_start3A_320, %dma_start3A_321] : memref<128x128xf32, #tpu.memory_space<vmem>> -> memref<125x128xf32, #tpu.memory_space<vmem>>
        %dma_start3A_323 = arith.constant 0 : i32
        %dma_start3A_324 = tpu.memref_slice %arg6[%select_n3A_153, %run_scoped3A_236, %dma_start3A_323] : memref<2x8x125xi32, #tpu.memory_space<vmem>> -> memref<1x1x125xi32, #tpu.memory_space<vmem>>
        %dma_start3A_325 = tpu.memref_squeeze %dma_start3A_324 : memref<1x1x125xi32, #tpu.memory_space<vmem>> -> memref<125xi32, #tpu.memory_space<vmem>>
        %dma_start3A_326 = arith.constant 0 : i32
        %dma_start3A_327 = arith.constant 0 : i32
        %dma_start3A_328 = tpu.memref_slice %arg9[%dma_start3A_326, %dma_start3A_327] : memref<10240x128xf32, #tpu.memory_space<vmem_shared>> -> memref<10240x128xf32, #tpu.memory_space<vmem_shared>>
        tpu.enqueue_indirect_dma source(%dma_start3A_322 : memref<125x128xf32, #tpu.memory_space<vmem>>) target(%dma_start3A_328 : memref<10240x128xf32, #tpu.memory_space<vmem_shared>>) offsets(%dma_start3A_325 : memref<125xi32, #tpu.memory_space<vmem>>) semaphore(%run_scoped3A_319 : memref<!tpu.dma_semaphore, #tpu.memory_space<semaphore_mem>>) {add = true}
        %dma_wait3A_329 = arith.constant 0 : i32
        %dma_wait3A_330 = arith.constant 0 : i32
        %dma_wait3A_331 = tpu.memref_slice %arg8[%dma_wait3A_329, %dma_wait3A_330] : memref<128x128xf32, #tpu.memory_space<vmem>> -> memref<125x128xf32, #tpu.memory_space<vmem>>
        %dma_wait3A_332 = arith.constant 0 : i32
        %dma_wait3A_333 = tpu.memref_slice %arg6[%select_n3A_153, %run_scoped3A_236, %dma_wait3A_332] : memref<2x8x125xi32, #tpu.memory_space<vmem>> -> memref<1x1x125xi32, #tpu.memory_space<vmem>>
        %dma_wait3A_334 = tpu.memref_squeeze %dma_wait3A_333 : memref<1x1x125xi32, #tpu.memory_space<vmem>> -> memref<125xi32, #tpu.memory_space<vmem>>
        %dma_wait3A_335 = arith.constant 0 : i32
        %dma_wait3A_336 = arith.constant 0 : i32
        %dma_wait3A_337 = tpu.memref_slice %arg9[%dma_wait3A_335, %dma_wait3A_336] : memref<10240x128xf32, #tpu.memory_space<vmem_shared>> -> memref<10240x128xf32, #tpu.memory_space<vmem_shared>>
        tpu.wait_indirect_dma semaphore(%run_scoped3A_319 : memref<!tpu.dma_semaphore, #tpu.memory_space<semaphore_mem>>) src(%dma_wait3A_331 : memref<125x128xf32, #tpu.memory_space<vmem>>) dst(%dma_wait3A_337 : memref<10240x128xf32, #tpu.memory_space<vmem_shared>>)
        tpu.yield
      }) : () -> ()
      %dma_start3A_237 = arith.constant 5 : i32
      %dma_start3A_238 = arith.constant 0 : i32
      %dma_start3A_239 = arith.constant 0 : i32
      %dma_start3A_240 = tpu.memref_slice %arg8[%dma_start3A_238, %dma_start3A_239] : memref<128x128xf32, #tpu.memory_space<vmem>> -> memref<125x128xf32, #tpu.memory_space<vmem>>
      %dma_start3A_241 = arith.constant 0 : i32
      %dma_start3A_242 = tpu.memref_slice %arg5[%select_n3A_153, %dma_start3A_237, %dma_start3A_241] : memref<2x8x125xi32, #tpu.memory_space<vmem>> -> memref<1x1x125xi32, #tpu.memory_space<vmem>>
      %dma_start3A_243 = tpu.memref_squeeze %dma_start3A_242 : memref<1x1x125xi32, #tpu.memory_space<vmem>> -> memref<125xi32, #tpu.memory_space<vmem>>
      %dma_start3A_244 = arith.constant 0 : i32
      %dma_start3A_245 = arith.constant 0 : i32
      %dma_start3A_246 = tpu.memref_slice %arg2[%dma_start3A_244, %dma_start3A_245] : memref<10000x128xf32, #tpu.memory_space<hbm>> -> memref<10000x128xf32, #tpu.memory_space<hbm>>
      tpu.enqueue_indirect_dma source(%dma_start3A_246 : memref<10000x128xf32, #tpu.memory_space<hbm>>) target(%dma_start3A_240 : memref<125x128xf32, #tpu.memory_space<vmem>>) offsets(%dma_start3A_243 : memref<125xi32, #tpu.memory_space<vmem>>) semaphore(%arg11 : memref<!tpu.dma_semaphore, #tpu.memory_space<semaphore_mem>>)
      %dma_wait3A_247 = arith.constant 4 : i32
      %dma_wait3A_248 = arith.constant 0 : i32
      %dma_wait3A_249 = arith.constant 0 : i32
      %dma_wait3A_250 = tpu.memref_slice %arg7[%dma_wait3A_248, %dma_wait3A_249] : memref<128x128xf32, #tpu.memory_space<vmem>> -> memref<125x128xf32, #tpu.memory_space<vmem>>
      %dma_wait3A_251 = arith.constant 0 : i32
      %dma_wait3A_252 = tpu.memref_slice %arg5[%select_n3A_153, %dma_wait3A_247, %dma_wait3A_251] : memref<2x8x125xi32, #tpu.memory_space<vmem>> -> memref<1x1x125xi32, #tpu.memory_space<vmem>>
      %dma_wait3A_253 = tpu.memref_squeeze %dma_wait3A_252 : memref<1x1x125xi32, #tpu.memory_space<vmem>> -> memref<125xi32, #tpu.memory_space<vmem>>
      %dma_wait3A_254 = arith.constant 0 : i32
      %dma_wait3A_255 = arith.constant 0 : i32
      %dma_wait3A_256 = tpu.memref_slice %arg2[%dma_wait3A_254, %dma_wait3A_255] : memref<10000x128xf32, #tpu.memory_space<hbm>> -> memref<10000x128xf32, #tpu.memory_space<hbm>>
      tpu.wait_indirect_dma semaphore(%arg10 : memref<!tpu.dma_semaphore, #tpu.memory_space<semaphore_mem>>) src(%dma_wait3A_256 : memref<10000x128xf32, #tpu.memory_space<hbm>>) dst(%dma_wait3A_250 : memref<125x128xf32, #tpu.memory_space<vmem>>)
      %run_scoped3A_257 = arith.constant 4 : i32
      "tpu.region"() ({
        %run_scoped3A_319 = tpu.sem_alloc : memref<!tpu.dma_semaphore, #tpu.memory_space<semaphore_mem>>
        %dma_start3A_320 = arith.constant 0 : i32
        %dma_start3A_321 = arith.constant 0 : i32
        %dma_start3A_322 = tpu.memref_slice %arg7[%dma_start3A_320, %dma_start3A_321] : memref<128x128xf32, #tpu.memory_space<vmem>> -> memref<125x128xf32, #tpu.memory_space<vmem>>
        %dma_start3A_323 = arith.constant 0 : i32
        %dma_start3A_324 = tpu.memref_slice %arg6[%select_n3A_153, %run_scoped3A_257, %dma_start3A_323] : memref<2x8x125xi32, #tpu.memory_space<vmem>> -> memref<1x1x125xi32, #tpu.memory_space<vmem>>
        %dma_start3A_325 = tpu.memref_squeeze %dma_start3A_324 : memref<1x1x125xi32, #tpu.memory_space<vmem>> -> memref<125xi32, #tpu.memory_space<vmem>>
        %dma_start3A_326 = arith.constant 0 : i32
        %dma_start3A_327 = arith.constant 0 : i32
        %dma_start3A_328 = tpu.memref_slice %arg9[%dma_start3A_326, %dma_start3A_327] : memref<10240x128xf32, #tpu.memory_space<vmem_shared>> -> memref<10240x128xf32, #tpu.memory_space<vmem_shared>>
        tpu.enqueue_indirect_dma source(%dma_start3A_322 : memref<125x128xf32, #tpu.memory_space<vmem>>) target(%dma_start3A_328 : memref<10240x128xf32, #tpu.memory_space<vmem_shared>>) offsets(%dma_start3A_325 : memref<125xi32, #tpu.memory_space<vmem>>) semaphore(%run_scoped3A_319 : memref<!tpu.dma_semaphore, #tpu.memory_space<semaphore_mem>>) {add = true}
        %dma_wait3A_329 = arith.constant 0 : i32
        %dma_wait3A_330 = arith.constant 0 : i32
        %dma_wait3A_331 = tpu.memref_slice %arg7[%dma_wait3A_329, %dma_wait3A_330] : memref<128x128xf32, #tpu.memory_space<vmem>> -> memref<125x128xf32, #tpu.memory_space<vmem>>
        %dma_wait3A_332 = arith.constant 0 : i32
        %dma_wait3A_333 = tpu.memref_slice %arg6[%select_n3A_153, %run_scoped3A_257, %dma_wait3A_332] : memref<2x8x125xi32, #tpu.memory_space<vmem>> -> memref<1x1x125xi32, #tpu.memory_space<vmem>>
        %dma_wait3A_334 = tpu.memref_squeeze %dma_wait3A_333 : memref<1x1x125xi32, #tpu.memory_space<vmem>> -> memref<125xi32, #tpu.memory_space<vmem>>
        %dma_wait3A_335 = arith.constant 0 : i32
        %dma_wait3A_336 = arith.constant 0 : i32
        %dma_wait3A_337 = tpu.memref_slice %arg9[%dma_wait3A_335, %dma_wait3A_336] : memref<10240x128xf32, #tpu.memory_space<vmem_shared>> -> memref<10240x128xf32, #tpu.memory_space<vmem_shared>>
        tpu.wait_indirect_dma semaphore(%run_scoped3A_319 : memref<!tpu.dma_semaphore, #tpu.memory_space<semaphore_mem>>) src(%dma_wait3A_331 : memref<125x128xf32, #tpu.memory_space<vmem>>) dst(%dma_wait3A_337 : memref<10240x128xf32, #tpu.memory_space<vmem_shared>>)
        tpu.yield
      }) : () -> ()
      %dma_start3A_258 = arith.constant 6 : i32
      %dma_start3A_259 = arith.constant 0 : i32
      %dma_start3A_260 = arith.constant 0 : i32
      %dma_start3A_261 = tpu.memref_slice %arg7[%dma_start3A_259, %dma_start3A_260] : memref<128x128xf32, #tpu.memory_space<vmem>> -> memref<125x128xf32, #tpu.memory_space<vmem>>
      %dma_start3A_262 = arith.constant 0 : i32
      %dma_start3A_263 = tpu.memref_slice %arg5[%select_n3A_153, %dma_start3A_258, %dma_start3A_262] : memref<2x8x125xi32, #tpu.memory_space<vmem>> -> memref<1x1x125xi32, #tpu.memory_space<vmem>>
      %dma_start3A_264 = tpu.memref_squeeze %dma_start3A_263 : memref<1x1x125xi32, #tpu.memory_space<vmem>> -> memref<125xi32, #tpu.memory_space<vmem>>
      %dma_start3A_265 = arith.constant 0 : i32
      %dma_start3A_266 = arith.constant 0 : i32
      %dma_start3A_267 = tpu.memref_slice %arg2[%dma_start3A_265, %dma_start3A_266] : memref<10000x128xf32, #tpu.memory_space<hbm>> -> memref<10000x128xf32, #tpu.memory_space<hbm>>
      tpu.enqueue_indirect_dma source(%dma_start3A_267 : memref<10000x128xf32, #tpu.memory_space<hbm>>) target(%dma_start3A_261 : memref<125x128xf32, #tpu.memory_space<vmem>>) offsets(%dma_start3A_264 : memref<125xi32, #tpu.memory_space<vmem>>) semaphore(%arg10 : memref<!tpu.dma_semaphore, #tpu.memory_space<semaphore_mem>>)
      %dma_wait3A_268 = arith.constant 5 : i32
      %dma_wait3A_269 = arith.constant 0 : i32
      %dma_wait3A_270 = arith.constant 0 : i32
      %dma_wait3A_271 = tpu.memref_slice %arg8[%dma_wait3A_269, %dma_wait3A_270] : memref<128x128xf32, #tpu.memory_space<vmem>> -> memref<125x128xf32, #tpu.memory_space<vmem>>
      %dma_wait3A_272 = arith.constant 0 : i32
      %dma_wait3A_273 = tpu.memref_slice %arg5[%select_n3A_153, %dma_wait3A_268, %dma_wait3A_272] : memref<2x8x125xi32, #tpu.memory_space<vmem>> -> memref<1x1x125xi32, #tpu.memory_space<vmem>>
      %dma_wait3A_274 = tpu.memref_squeeze %dma_wait3A_273 : memref<1x1x125xi32, #tpu.memory_space<vmem>> -> memref<125xi32, #tpu.memory_space<vmem>>
      %dma_wait3A_275 = arith.constant 0 : i32
      %dma_wait3A_276 = arith.constant 0 : i32
      %dma_wait3A_277 = tpu.memref_slice %arg2[%dma_wait3A_275, %dma_wait3A_276] : memref<10000x128xf32, #tpu.memory_space<hbm>> -> memref<10000x128xf32, #tpu.memory_space<hbm>>
      tpu.wait_indirect_dma semaphore(%arg11 : memref<!tpu.dma_semaphore, #tpu.memory_space<semaphore_mem>>) src(%dma_wait3A_277 : memref<10000x128xf32, #tpu.memory_space<hbm>>) dst(%dma_wait3A_271 : memref<125x128xf32, #tpu.memory_space<vmem>>)
      %run_scoped3A_278 = arith.constant 5 : i32
      "tpu.region"() ({
        %run_scoped3A_319 = tpu.sem_alloc : memref<!tpu.dma_semaphore, #tpu.memory_space<semaphore_mem>>
        %dma_start3A_320 = arith.constant 0 : i32
        %dma_start3A_321 = arith.constant 0 : i32
        %dma_start3A_322 = tpu.memref_slice %arg8[%dma_start3A_320, %dma_start3A_321] : memref<128x128xf32, #tpu.memory_space<vmem>> -> memref<125x128xf32, #tpu.memory_space<vmem>>
        %dma_start3A_323 = arith.constant 0 : i32
        %dma_start3A_324 = tpu.memref_slice %arg6[%select_n3A_153, %run_scoped3A_278, %dma_start3A_323] : memref<2x8x125xi32, #tpu.memory_space<vmem>> -> memref<1x1x125xi32, #tpu.memory_space<vmem>>
        %dma_start3A_325 = tpu.memref_squeeze %dma_start3A_324 : memref<1x1x125xi32, #tpu.memory_space<vmem>> -> memref<125xi32, #tpu.memory_space<vmem>>
        %dma_start3A_326 = arith.constant 0 : i32
        %dma_start3A_327 = arith.constant 0 : i32
        %dma_start3A_328 = tpu.memref_slice %arg9[%dma_start3A_326, %dma_start3A_327] : memref<10240x128xf32, #tpu.memory_space<vmem_shared>> -> memref<10240x128xf32, #tpu.memory_space<vmem_shared>>
        tpu.enqueue_indirect_dma source(%dma_start3A_322 : memref<125x128xf32, #tpu.memory_space<vmem>>) target(%dma_start3A_328 : memref<10240x128xf32, #tpu.memory_space<vmem_shared>>) offsets(%dma_start3A_325 : memref<125xi32, #tpu.memory_space<vmem>>) semaphore(%run_scoped3A_319 : memref<!tpu.dma_semaphore, #tpu.memory_space<semaphore_mem>>) {add = true}
        %dma_wait3A_329 = arith.constant 0 : i32
        %dma_wait3A_330 = arith.constant 0 : i32
        %dma_wait3A_331 = tpu.memref_slice %arg8[%dma_wait3A_329, %dma_wait3A_330] : memref<128x128xf32, #tpu.memory_space<vmem>> -> memref<125x128xf32, #tpu.memory_space<vmem>>
        %dma_wait3A_332 = arith.constant 0 : i32
        %dma_wait3A_333 = tpu.memref_slice %arg6[%select_n3A_153, %run_scoped3A_278, %dma_wait3A_332] : memref<2x8x125xi32, #tpu.memory_space<vmem>> -> memref<1x1x125xi32, #tpu.memory_space<vmem>>
        %dma_wait3A_334 = tpu.memref_squeeze %dma_wait3A_333 : memref<1x1x125xi32, #tpu.memory_space<vmem>> -> memref<125xi32, #tpu.memory_space<vmem>>
        %dma_wait3A_335 = arith.constant 0 : i32
        %dma_wait3A_336 = arith.constant 0 : i32
        %dma_wait3A_337 = tpu.memref_slice %arg9[%dma_wait3A_335, %dma_wait3A_336] : memref<10240x128xf32, #tpu.memory_space<vmem_shared>> -> memref<10240x128xf32, #tpu.memory_space<vmem_shared>>
        tpu.wait_indirect_dma semaphore(%run_scoped3A_319 : memref<!tpu.dma_semaphore, #tpu.memory_space<semaphore_mem>>) src(%dma_wait3A_331 : memref<125x128xf32, #tpu.memory_space<vmem>>) dst(%dma_wait3A_337 : memref<10240x128xf32, #tpu.memory_space<vmem_shared>>)
        tpu.yield
      }) : () -> ()
      %dma_start3A_279 = arith.constant 7 : i32
      %dma_start3A_280 = arith.constant 0 : i32
      %dma_start3A_281 = arith.constant 0 : i32
      %dma_start3A_282 = tpu.memref_slice %arg8[%dma_start3A_280, %dma_start3A_281] : memref<128x128xf32, #tpu.memory_space<vmem>> -> memref<125x128xf32, #tpu.memory_space<vmem>>
      %dma_start3A_283 = arith.constant 0 : i32
      %dma_start3A_284 = tpu.memref_slice %arg5[%select_n3A_153, %dma_start3A_279, %dma_start3A_283] : memref<2x8x125xi32, #tpu.memory_space<vmem>> -> memref<1x1x125xi32, #tpu.memory_space<vmem>>
      %dma_start3A_285 = tpu.memref_squeeze %dma_start3A_284 : memref<1x1x125xi32, #tpu.memory_space<vmem>> -> memref<125xi32, #tpu.memory_space<vmem>>
      %dma_start3A_286 = arith.constant 0 : i32
      %dma_start3A_287 = arith.constant 0 : i32
      %dma_start3A_288 = tpu.memref_slice %arg2[%dma_start3A_286, %dma_start3A_287] : memref<10000x128xf32, #tpu.memory_space<hbm>> -> memref<10000x128xf32, #tpu.memory_space<hbm>>
      tpu.enqueue_indirect_dma source(%dma_start3A_288 : memref<10000x128xf32, #tpu.memory_space<hbm>>) target(%dma_start3A_282 : memref<125x128xf32, #tpu.memory_space<vmem>>) offsets(%dma_start3A_285 : memref<125xi32, #tpu.memory_space<vmem>>) semaphore(%arg11 : memref<!tpu.dma_semaphore, #tpu.memory_space<semaphore_mem>>)
      %dma_wait3A_289 = arith.constant 6 : i32
      %dma_wait3A_290 = arith.constant 0 : i32
      %dma_wait3A_291 = arith.constant 0 : i32
      %dma_wait3A_292 = tpu.memref_slice %arg7[%dma_wait3A_290, %dma_wait3A_291] : memref<128x128xf32, #tpu.memory_space<vmem>> -> memref<125x128xf32, #tpu.memory_space<vmem>>
      %dma_wait3A_293 = arith.constant 0 : i32
      %dma_wait3A_294 = tpu.memref_slice %arg5[%select_n3A_153, %dma_wait3A_289, %dma_wait3A_293] : memref<2x8x125xi32, #tpu.memory_space<vmem>> -> memref<1x1x125xi32, #tpu.memory_space<vmem>>
      %dma_wait3A_295 = tpu.memref_squeeze %dma_wait3A_294 : memref<1x1x125xi32, #tpu.memory_space<vmem>> -> memref<125xi32, #tpu.memory_space<vmem>>
      %dma_wait3A_296 = arith.constant 0 : i32
      %dma_wait3A_297 = arith.constant 0 : i32
      %dma_wait3A_298 = tpu.memref_slice %arg2[%dma_wait3A_296, %dma_wait3A_297] : memref<10000x128xf32, #tpu.memory_space<hbm>> -> memref<10000x128xf32, #tpu.memory_space<hbm>>
      tpu.wait_indirect_dma semaphore(%arg10 : memref<!tpu.dma_semaphore, #tpu.memory_space<semaphore_mem>>) src(%dma_wait3A_298 : memref<10000x128xf32, #tpu.memory_space<hbm>>) dst(%dma_wait3A_292 : memref<125x128xf32, #tpu.memory_space<vmem>>)
      %run_scoped3A_299 = arith.constant 6 : i32
      "tpu.region"() ({
        %run_scoped3A_319 = tpu.sem_alloc : memref<!tpu.dma_semaphore, #tpu.memory_space<semaphore_mem>>
        %dma_start3A_320 = arith.constant 0 : i32
        %dma_start3A_321 = arith.constant 0 : i32
        %dma_start3A_322 = tpu.memref_slice %arg7[%dma_start3A_320, %dma_start3A_321] : memref<128x128xf32, #tpu.memory_space<vmem>> -> memref<125x128xf32, #tpu.memory_space<vmem>>
        %dma_start3A_323 = arith.constant 0 : i32
        %dma_start3A_324 = tpu.memref_slice %arg6[%select_n3A_153, %run_scoped3A_299, %dma_start3A_323] : memref<2x8x125xi32, #tpu.memory_space<vmem>> -> memref<1x1x125xi32, #tpu.memory_space<vmem>>
        %dma_start3A_325 = tpu.memref_squeeze %dma_start3A_324 : memref<1x1x125xi32, #tpu.memory_space<vmem>> -> memref<125xi32, #tpu.memory_space<vmem>>
        %dma_start3A_326 = arith.constant 0 : i32
        %dma_start3A_327 = arith.constant 0 : i32
        %dma_start3A_328 = tpu.memref_slice %arg9[%dma_start3A_326, %dma_start3A_327] : memref<10240x128xf32, #tpu.memory_space<vmem_shared>> -> memref<10240x128xf32, #tpu.memory_space<vmem_shared>>
        tpu.enqueue_indirect_dma source(%dma_start3A_322 : memref<125x128xf32, #tpu.memory_space<vmem>>) target(%dma_start3A_328 : memref<10240x128xf32, #tpu.memory_space<vmem_shared>>) offsets(%dma_start3A_325 : memref<125xi32, #tpu.memory_space<vmem>>) semaphore(%run_scoped3A_319 : memref<!tpu.dma_semaphore, #tpu.memory_space<semaphore_mem>>) {add = true}
        %dma_wait3A_329 = arith.constant 0 : i32
        %dma_wait3A_330 = arith.constant 0 : i32
        %dma_wait3A_331 = tpu.memref_slice %arg7[%dma_wait3A_329, %dma_wait3A_330] : memref<128x128xf32, #tpu.memory_space<vmem>> -> memref<125x128xf32, #tpu.memory_space<vmem>>
        %dma_wait3A_332 = arith.constant 0 : i32
        %dma_wait3A_333 = tpu.memref_slice %arg6[%select_n3A_153, %run_scoped3A_299, %dma_wait3A_332] : memref<2x8x125xi32, #tpu.memory_space<vmem>> -> memref<1x1x125xi32, #tpu.memory_space<vmem>>
        %dma_wait3A_334 = tpu.memref_squeeze %dma_wait3A_333 : memref<1x1x125xi32, #tpu.memory_space<vmem>> -> memref<125xi32, #tpu.memory_space<vmem>>
        %dma_wait3A_335 = arith.constant 0 : i32
        %dma_wait3A_336 = arith.constant 0 : i32
        %dma_wait3A_337 = tpu.memref_slice %arg9[%dma_wait3A_335, %dma_wait3A_336] : memref<10240x128xf32, #tpu.memory_space<vmem_shared>> -> memref<10240x128xf32, #tpu.memory_space<vmem_shared>>
        tpu.wait_indirect_dma semaphore(%run_scoped3A_319 : memref<!tpu.dma_semaphore, #tpu.memory_space<semaphore_mem>>) src(%dma_wait3A_331 : memref<125x128xf32, #tpu.memory_space<vmem>>) dst(%dma_wait3A_337 : memref<10240x128xf32, #tpu.memory_space<vmem_shared>>)
        tpu.yield
      }) : () -> ()
      %lt3A_300 = arith.constant 9 : i32
      %lt3A_301 = arith.cmpi slt, %scan3A_144, %lt3A_300 : i32
      %convert_element_type3A = arith.extui %lt3A_301 : i1 to i32
      %cond3A = arith.constant 0 : i32
      %cond3A_302 = arith.cmpi ne, %convert_element_type3A, %cond3A : i32
      scf.if %cond3A_302 {
        %dma_wait3A_319 = arith.constant 0 : i32
        %dma_wait3A_320 = arith.constant 0 : i32
        %dma_wait3A_321 = arith.constant 0 : i32
        %dma_wait3A_322 = arith.constant 0 : i32
        %dma_wait3A_323 = tpu.memref_slice %arg5[%dma_wait3A_320, %dma_wait3A_321, %dma_wait3A_322] : memref<2x8x125xi32, #tpu.memory_space<vmem>> -> memref<1x8x125xi32, #tpu.memory_space<vmem>>
        %dma_wait3A_324 = tpu.memref_squeeze %dma_wait3A_323 : memref<1x8x125xi32, #tpu.memory_space<vmem>> -> memref<8x125xi32, #tpu.memory_space<vmem>>
        %dma_wait3A_325 = arith.constant 0 : i32
        %dma_wait3A_326 = arith.constant 0 : i32
        %dma_wait3A_327 = tpu.memref_slice %arg3[%dma_wait3A_319, %add3A, %dma_wait3A_325, %dma_wait3A_326] : memref<2x32x80x125xi32, #tpu.memory_space<hbm>> -> memref<1x1x8x125xi32, #tpu.memory_space<hbm>>
        %dma_wait3A_328 = tpu.memref_squeeze %dma_wait3A_327 : memref<1x1x8x125xi32, #tpu.memory_space<hbm>> -> memref<8x125xi32, #tpu.memory_space<hbm>>
        %dma_wait3A_329 = arith.constant 0 : i32
        %dma_wait3A_330 = arith.constant 0 : i32
        %dma_wait3A_331 = tpu.memref_slice %arg5[%dma_wait3A_320, %dma_wait3A_329, %dma_wait3A_330] : memref<2x8x125xi32, #tpu.memory_space<vmem>> -> memref<1x8x125xi32, #tpu.memory_space<vmem>>
        %dma_wait3A_332 = tpu.memref_squeeze %dma_wait3A_331 : memref<1x8x125xi32, #tpu.memory_space<vmem>> -> memref<8x125xi32, #tpu.memory_space<vmem>>
        %dma_wait3A_333 = arith.constant 0 : i32
        %dma_wait3A_334 = arith.constant 0 : i32
        %dma_wait3A_335 = tpu.memref_slice %arg3[%dma_wait3A_319, %add3A, %dma_wait3A_333, %dma_wait3A_334] : memref<2x32x80x125xi32, #tpu.memory_space<hbm>> -> memref<1x1x8x125xi32, #tpu.memory_space<hbm>>
        %dma_wait3A_336 = tpu.memref_squeeze %dma_wait3A_335 : memref<1x1x8x125xi32, #tpu.memory_space<hbm>> -> memref<8x125xi32, #tpu.memory_space<hbm>>
        tpu.wait_dma2 semaphore(%arg12 : memref<!tpu.dma_semaphore, #tpu.memory_space<semaphore_mem>>) src(%dma_wait3A_336 : memref<8x125xi32, #tpu.memory_space<hbm>>) dst(%dma_wait3A_332 : memref<8x125xi32, #tpu.memory_space<vmem>>)
        %dma_wait3A_337 = arith.constant 1 : i32
        %dma_wait3A_338 = arith.constant 0 : i32
        %dma_wait3A_339 = arith.constant 0 : i32
        %dma_wait3A_340 = arith.constant 0 : i32
        %dma_wait3A_341 = tpu.memref_slice %arg6[%dma_wait3A_338, %dma_wait3A_339, %dma_wait3A_340] : memref<2x8x125xi32, #tpu.memory_space<vmem>> -> memref<1x8x125xi32, #tpu.memory_space<vmem>>
        %dma_wait3A_342 = tpu.memref_squeeze %dma_wait3A_341 : memref<1x8x125xi32, #tpu.memory_space<vmem>> -> memref<8x125xi32, #tpu.memory_space<vmem>>
        %dma_wait3A_343 = arith.constant 0 : i32
        %dma_wait3A_344 = arith.constant 0 : i32
        %dma_wait3A_345 = tpu.memref_slice %arg3[%dma_wait3A_337, %add3A, %dma_wait3A_343, %dma_wait3A_344] : memref<2x32x80x125xi32, #tpu.memory_space<hbm>> -> memref<1x1x8x125xi32, #tpu.memory_space<hbm>>
        %dma_wait3A_346 = tpu.memref_squeeze %dma_wait3A_345 : memref<1x1x8x125xi32, #tpu.memory_space<hbm>> -> memref<8x125xi32, #tpu.memory_space<hbm>>
        %dma_wait3A_347 = arith.constant 0 : i32
        %dma_wait3A_348 = arith.constant 0 : i32
        %dma_wait3A_349 = tpu.memref_slice %arg6[%dma_wait3A_338, %dma_wait3A_347, %dma_wait3A_348] : memref<2x8x125xi32, #tpu.memory_space<vmem>> -> memref<1x8x125xi32, #tpu.memory_space<vmem>>
        %dma_wait3A_350 = tpu.memref_squeeze %dma_wait3A_349 : memref<1x8x125xi32, #tpu.memory_space<vmem>> -> memref<8x125xi32, #tpu.memory_space<vmem>>
        %dma_wait3A_351 = arith.constant 0 : i32
        %dma_wait3A_352 = arith.constant 0 : i32
        %dma_wait3A_353 = tpu.memref_slice %arg3[%dma_wait3A_337, %add3A, %dma_wait3A_351, %dma_wait3A_352] : memref<2x32x80x125xi32, #tpu.memory_space<hbm>> -> memref<1x1x8x125xi32, #tpu.memory_space<hbm>>
        %dma_wait3A_354 = tpu.memref_squeeze %dma_wait3A_353 : memref<1x1x8x125xi32, #tpu.memory_space<hbm>> -> memref<8x125xi32, #tpu.memory_space<hbm>>
        tpu.wait_dma2 semaphore(%arg12 : memref<!tpu.dma_semaphore, #tpu.memory_space<semaphore_mem>>) src(%dma_wait3A_354 : memref<8x125xi32, #tpu.memory_space<hbm>>) dst(%dma_wait3A_350 : memref<8x125xi32, #tpu.memory_space<vmem>>)
        %sub3A = arith.constant 1 : i32
        %sub3A_355 = arith.subi %sub3A, %select_n3A_153 : i32
        %dma_start3A_356 = arith.constant 0 : i32
        %dma_start3A_357 = arith.constant 0 : i32
        %dma_start3A_358 = arith.constant 0 : i32
        %dma_start3A_359 = tpu.memref_slice %arg7[%dma_start3A_357, %dma_start3A_358] : memref<128x128xf32, #tpu.memory_space<vmem>> -> memref<125x128xf32, #tpu.memory_space<vmem>>
        %dma_start3A_360 = arith.constant 0 : i32
        %dma_start3A_361 = tpu.memref_slice %arg5[%sub3A_355, %dma_start3A_356, %dma_start3A_360] : memref<2x8x125xi32, #tpu.memory_space<vmem>> -> memref<1x1x125xi32, #tpu.memory_space<vmem>>
        %dma_start3A_362 = tpu.memref_squeeze %dma_start3A_361 : memref<1x1x125xi32, #tpu.memory_space<vmem>> -> memref<125xi32, #tpu.memory_space<vmem>>
        %dma_start3A_363 = arith.constant 0 : i32
        %dma_start3A_364 = arith.constant 0 : i32
        %dma_start3A_365 = tpu.memref_slice %arg2[%dma_start3A_363, %dma_start3A_364] : memref<10000x128xf32, #tpu.memory_space<hbm>> -> memref<10000x128xf32, #tpu.memory_space<hbm>>
        tpu.enqueue_indirect_dma source(%dma_start3A_365 : memref<10000x128xf32, #tpu.memory_space<hbm>>) target(%dma_start3A_359 : memref<125x128xf32, #tpu.memory_space<vmem>>) offsets(%dma_start3A_362 : memref<125xi32, #tpu.memory_space<vmem>>) semaphore(%arg10 : memref<!tpu.dma_semaphore, #tpu.memory_space<semaphore_mem>>)
      } else {
      }
      %dma_wait3A_303 = arith.constant 7 : i32
      %dma_wait3A_304 = arith.constant 0 : i32
      %dma_wait3A_305 = arith.constant 0 : i32
      %dma_wait3A_306 = tpu.memref_slice %arg8[%dma_wait3A_304, %dma_wait3A_305] : memref<128x128xf32, #tpu.memory_space<vmem>> -> memref<125x128xf32, #tpu.memory_space<vmem>>
      %dma_wait3A_307 = arith.constant 0 : i32
      %dma_wait3A_308 = tpu.memref_slice %arg5[%select_n3A_153, %dma_wait3A_303, %dma_wait3A_307] : memref<2x8x125xi32, #tpu.memory_space<vmem>> -> memref<1x1x125xi32, #tpu.memory_space<vmem>>
      %dma_wait3A_309 = tpu.memref_squeeze %dma_wait3A_308 : memref<1x1x125xi32, #tpu.memory_space<vmem>> -> memref<125xi32, #tpu.memory_space<vmem>>
      %dma_wait3A_310 = arith.constant 0 : i32
      %dma_wait3A_311 = arith.constant 0 : i32
      %dma_wait3A_312 = tpu.memref_slice %arg2[%dma_wait3A_310, %dma_wait3A_311] : memref<10000x128xf32, #tpu.memory_space<hbm>> -> memref<10000x128xf32, #tpu.memory_space<hbm>>
      tpu.wait_indirect_dma semaphore(%arg11 : memref<!tpu.dma_semaphore, #tpu.memory_space<semaphore_mem>>) src(%dma_wait3A_312 : memref<10000x128xf32, #tpu.memory_space<hbm>>) dst(%dma_wait3A_306 : memref<125x128xf32, #tpu.memory_space<vmem>>)
      %run_scoped3A_313 = arith.constant 7 : i32
      "tpu.region"() ({
        %run_scoped3A_319 = tpu.sem_alloc : memref<!tpu.dma_semaphore, #tpu.memory_space<semaphore_mem>>
        %dma_start3A_320 = arith.constant 0 : i32
        %dma_start3A_321 = arith.constant 0 : i32
        %dma_start3A_322 = tpu.memref_slice %arg8[%dma_start3A_320, %dma_start3A_321] : memref<128x128xf32, #tpu.memory_space<vmem>> -> memref<125x128xf32, #tpu.memory_space<vmem>>
        %dma_start3A_323 = arith.constant 0 : i32
        %dma_start3A_324 = tpu.memref_slice %arg6[%select_n3A_153, %run_scoped3A_313, %dma_start3A_323] : memref<2x8x125xi32, #tpu.memory_space<vmem>> -> memref<1x1x125xi32, #tpu.memory_space<vmem>>
        %dma_start3A_325 = tpu.memref_squeeze %dma_start3A_324 : memref<1x1x125xi32, #tpu.memory_space<vmem>> -> memref<125xi32, #tpu.memory_space<vmem>>
        %dma_start3A_326 = arith.constant 0 : i32
        %dma_start3A_327 = arith.constant 0 : i32
        %dma_start3A_328 = tpu.memref_slice %arg9[%dma_start3A_326, %dma_start3A_327] : memref<10240x128xf32, #tpu.memory_space<vmem_shared>> -> memref<10240x128xf32, #tpu.memory_space<vmem_shared>>
        tpu.enqueue_indirect_dma source(%dma_start3A_322 : memref<125x128xf32, #tpu.memory_space<vmem>>) target(%dma_start3A_328 : memref<10240x128xf32, #tpu.memory_space<vmem_shared>>) offsets(%dma_start3A_325 : memref<125xi32, #tpu.memory_space<vmem>>) semaphore(%run_scoped3A_319 : memref<!tpu.dma_semaphore, #tpu.memory_space<semaphore_mem>>) {add = true}
        %dma_wait3A_329 = arith.constant 0 : i32
        %dma_wait3A_330 = arith.constant 0 : i32
        %dma_wait3A_331 = tpu.memref_slice %arg8[%dma_wait3A_329, %dma_wait3A_330] : memref<128x128xf32, #tpu.memory_space<vmem>> -> memref<125x128xf32, #tpu.memory_space<vmem>>
        %dma_wait3A_332 = arith.constant 0 : i32
        %dma_wait3A_333 = tpu.memref_slice %arg6[%select_n3A_153, %run_scoped3A_313, %dma_wait3A_332] : memref<2x8x125xi32, #tpu.memory_space<vmem>> -> memref<1x1x125xi32, #tpu.memory_space<vmem>>
        %dma_wait3A_334 = tpu.memref_squeeze %dma_wait3A_333 : memref<1x1x125xi32, #tpu.memory_space<vmem>> -> memref<125xi32, #tpu.memory_space<vmem>>
        %dma_wait3A_335 = arith.constant 0 : i32
        %dma_wait3A_336 = arith.constant 0 : i32
        %dma_wait3A_337 = tpu.memref_slice %arg9[%dma_wait3A_335, %dma_wait3A_336] : memref<10240x128xf32, #tpu.memory_space<vmem_shared>> -> memref<10240x128xf32, #tpu.memory_space<vmem_shared>>
        tpu.wait_indirect_dma semaphore(%run_scoped3A_319 : memref<!tpu.dma_semaphore, #tpu.memory_space<semaphore_mem>>) src(%dma_wait3A_331 : memref<125x128xf32, #tpu.memory_space<vmem>>) dst(%dma_wait3A_337 : memref<10240x128xf32, #tpu.memory_space<vmem_shared>>)
        tpu.yield
      }) : () -> ()
      %lt3A_314 = arith.constant 8 : i32
      %lt3A_315 = arith.cmpi slt, %scan3A_144, %lt3A_314 : i32
      %convert_element_type3A_316 = arith.extui %lt3A_315 : i1 to i32
      %cond3A_317 = arith.constant 0 : i32
      %cond3A_318 = arith.cmpi ne, %convert_element_type3A_316, %cond3A_317 : i32
      scf.if %cond3A_318 {
        %add3A_319 = arith.constant 2 : i32
        %add3A_320 = arith.addi %scan3A_144, %add3A_319 : i32
        %mul3A_321 = arith.constant 8 : i32
        %mul3A_322 = arith.muli %add3A_320, %mul3A_321 : i32
        %dma_start3A_323 = arith.constant 0 : i32
        %dma_start3A_324 = arith.constant 0 : i32
        %dma_start3A_325 = arith.constant 0 : i32
        %dma_start3A_326 = tpu.memref_slice %arg5[%select_n3A_153, %dma_start3A_324, %dma_start3A_325] : memref<2x8x125xi32, #tpu.memory_space<vmem>> -> memref<1x8x125xi32, #tpu.memory_space<vmem>>
        %dma_start3A_327 = tpu.memref_squeeze %dma_start3A_326 : memref<1x8x125xi32, #tpu.memory_space<vmem>> -> memref<8x125xi32, #tpu.memory_space<vmem>>
        %dma_start3A_328 = arith.constant 0 : i32
        %dma_start3A_329 = tpu.memref_slice %arg3[%dma_start3A_323, %add3A, %mul3A_322, %dma_start3A_328] : memref<2x32x80x125xi32, #tpu.memory_space<hbm>> -> memref<1x1x8x125xi32, #tpu.memory_space<hbm>>
        %dma_start3A_330 = tpu.memref_squeeze %dma_start3A_329 : memref<1x1x8x125xi32, #tpu.memory_space<hbm>> -> memref<8x125xi32, #tpu.memory_space<hbm>>
        %dma_start3A_331 = arith.constant 0 : i32
        %dma_start3A_332 = arith.constant 0 : i32
        %dma_start3A_333 = tpu.memref_slice %arg5[%select_n3A_153, %dma_start3A_331, %dma_start3A_332] : memref<2x8x125xi32, #tpu.memory_space<vmem>> -> memref<1x8x125xi32, #tpu.memory_space<vmem>>
        %dma_start3A_334 = tpu.memref_squeeze %dma_start3A_333 : memref<1x8x125xi32, #tpu.memory_space<vmem>> -> memref<8x125xi32, #tpu.memory_space<vmem>>
        %dma_start3A_335 = arith.constant 0 : i32
        %dma_start3A_336 = tpu.memref_slice %arg3[%dma_start3A_323, %add3A, %mul3A_322, %dma_start3A_335] : memref<2x32x80x125xi32, #tpu.memory_space<hbm>> -> memref<1x1x8x125xi32, #tpu.memory_space<hbm>>
        %dma_start3A_337 = tpu.memref_squeeze %dma_start3A_336 : memref<1x1x8x125xi32, #tpu.memory_space<hbm>> -> memref<8x125xi32, #tpu.memory_space<hbm>>
        tpu.enqueue_dma source(%dma_start3A_337 : memref<8x125xi32, #tpu.memory_space<hbm>>) target(%dma_start3A_334 : memref<8x125xi32, #tpu.memory_space<vmem>>) target_semaphore(%arg12 : memref<!tpu.dma_semaphore, #tpu.memory_space<semaphore_mem>>)
        %add3A_338 = arith.constant 2 : i32
        %add3A_339 = arith.addi %scan3A_144, %add3A_338 : i32
        %mul3A_340 = arith.constant 8 : i32
        %mul3A_341 = arith.muli %add3A_339, %mul3A_340 : i32
        %dma_start3A_342 = arith.constant 1 : i32
        %dma_start3A_343 = arith.constant 0 : i32
        %dma_start3A_344 = arith.constant 0 : i32
        %dma_start3A_345 = tpu.memref_slice %arg6[%select_n3A_153, %dma_start3A_343, %dma_start3A_344] : memref<2x8x125xi32, #tpu.memory_space<vmem>> -> memref<1x8x125xi32, #tpu.memory_space<vmem>>
        %dma_start3A_346 = tpu.memref_squeeze %dma_start3A_345 : memref<1x8x125xi32, #tpu.memory_space<vmem>> -> memref<8x125xi32, #tpu.memory_space<vmem>>
        %dma_start3A_347 = arith.constant 0 : i32
        %dma_start3A_348 = tpu.memref_slice %arg3[%dma_start3A_342, %add3A, %mul3A_341, %dma_start3A_347] : memref<2x32x80x125xi32, #tpu.memory_space<hbm>> -> memref<1x1x8x125xi32, #tpu.memory_space<hbm>>
        %dma_start3A_349 = tpu.memref_squeeze %dma_start3A_348 : memref<1x1x8x125xi32, #tpu.memory_space<hbm>> -> memref<8x125xi32, #tpu.memory_space<hbm>>
        %dma_start3A_350 = arith.constant 0 : i32
        %dma_start3A_351 = arith.constant 0 : i32
        %dma_start3A_352 = tpu.memref_slice %arg6[%select_n3A_153, %dma_start3A_350, %dma_start3A_351] : memref<2x8x125xi32, #tpu.memory_space<vmem>> -> memref<1x8x125xi32, #tpu.memory_space<vmem>>
        %dma_start3A_353 = tpu.memref_squeeze %dma_start3A_352 : memref<1x8x125xi32, #tpu.memory_space<vmem>> -> memref<8x125xi32, #tpu.memory_space<vmem>>
        %dma_start3A_354 = arith.constant 0 : i32
        %dma_start3A_355 = tpu.memref_slice %arg3[%dma_start3A_342, %add3A, %mul3A_341, %dma_start3A_354] : memref<2x32x80x125xi32, #tpu.memory_space<hbm>> -> memref<1x1x8x125xi32, #tpu.memory_space<hbm>>
        %dma_start3A_356 = tpu.memref_squeeze %dma_start3A_355 : memref<1x1x8x125xi32, #tpu.memory_space<hbm>> -> memref<8x125xi32, #tpu.memory_space<hbm>>
        tpu.enqueue_dma source(%dma_start3A_356 : memref<8x125xi32, #tpu.memory_space<hbm>>) target(%dma_start3A_353 : memref<8x125xi32, #tpu.memory_space<vmem>>) target_semaphore(%arg12 : memref<!tpu.dma_semaphore, #tpu.memory_space<semaphore_mem>>)
      } else {
      }
    }
    %scan3A_142 = arith.constant 10 : i32
    %barrier3A_143 = arith.constant 0 : index
    tpu.barrier barrier_id(%barrier3A_143)
    "tpu.region"() ({
      %run_scoped3A = tpu.sem_alloc : memref<!tpu.dma_semaphore, #tpu.memory_space<semaphore_mem>>
      %dma_start3A_144 = arith.constant 0 : i32
      %dma_start3A_145 = tpu.memref_slice %arg4[%arg0, %mul3A_78, %dma_start3A_144] : memref<2x10240x128xf32, #tpu.memory_space<hbm>> -> memref<1x640x128xf32, #tpu.memory_space<hbm>>
      %dma_start3A_146 = tpu.memref_squeeze %dma_start3A_145 : memref<1x640x128xf32, #tpu.memory_space<hbm>> -> memref<640x128xf32, #tpu.memory_space<hbm>>
      %dma_start3A_147 = arith.constant 0 : i32
      %dma_start3A_148 = tpu.memref_slice %arg9[%mul3A_78, %dma_start3A_147] : memref<10240x128xf32, #tpu.memory_space<vmem_shared>> -> memref<640x128xf32, #tpu.memory_space<vmem_shared>>
      tpu.enqueue_dma source(%dma_start3A_148 : memref<640x128xf32, #tpu.memory_space<vmem_shared>>) target(%dma_start3A_146 : memref<640x128xf32, #tpu.memory_space<hbm>>) target_semaphore(%run_scoped3A : memref<!tpu.dma_semaphore, #tpu.memory_space<semaphore_mem>>)
      %dma_wait3A_149 = arith.constant 0 : i32
      %dma_wait3A_150 = tpu.memref_slice %arg4[%arg0, %mul3A_78, %dma_wait3A_149] : memref<2x10240x128xf32, #tpu.memory_space<hbm>> -> memref<1x640x128xf32, #tpu.memory_space<hbm>>
      %dma_wait3A_151 = tpu.memref_squeeze %dma_wait3A_150 : memref<1x640x128xf32, #tpu.memory_space<hbm>> -> memref<640x128xf32, #tpu.memory_space<hbm>>
      %dma_wait3A_152 = arith.constant 0 : i32
      %dma_wait3A_153 = tpu.memref_slice %arg9[%mul3A_78, %dma_wait3A_152] : memref<10240x128xf32, #tpu.memory_space<vmem_shared>> -> memref<640x128xf32, #tpu.memory_space<vmem_shared>>
      tpu.wait_dma2 semaphore(%run_scoped3A : memref<!tpu.dma_semaphore, #tpu.memory_space<semaphore_mem>>) src(%dma_wait3A_153 : memref<640x128xf32, #tpu.memory_space<vmem_shared>>) dst(%dma_wait3A_151 : memref<640x128xf32, #tpu.memory_space<hbm>>)
      tpu.yield
    }) : () -> ()
    return
  }
}

#map = affine_map<(d0, d1) -> (0, 0)>
#map1 = affine_map<(d0, d1) -> (0, 0, 0, 0)>
#map2 = affine_map<(d0, d1) -> (0, 0, 0)>
module attributes {stable_mosaic.version = 14 : i64} {
  func.func @agg(%arg0: i32, %arg1: i32, %arg2: memref<10000x128xf32, #tpu.memory_space<hbm>>, %arg3: memref<2x32x80x125xi32, #tpu.memory_space<hbm>>, %arg4: memref<2x10240x128xf32, #tpu.memory_space<hbm>>, %arg5: memref<2x8x125xi32, #tpu.memory_space<vmem>>, %arg6: memref<2x8x125xi32, #tpu.memory_space<vmem>>, %arg7: memref<128x128xf32, #tpu.memory_space<vmem>>, %arg8: memref<128x128xf32, #tpu.memory_space<vmem>>, %arg9: memref<10240x128xf32, #tpu.memory_space<vmem_shared>>, %arg10: memref<!tpu.dma_semaphore, #tpu.memory_space<semaphore_mem>>, %arg11: memref<!tpu.dma_semaphore, #tpu.memory_space<semaphore_mem>>, %arg12: memref<!tpu.dma_semaphore, #tpu.memory_space<semaphore_mem>>) attributes {dimension_semantics = [#tpu.dimension_semantics<core_parallel>, #tpu.dimension_semantics<subcore_parallel>], iteration_bounds = array<i64: 2, 16>, scalar_prefetch = 0 : i64, scratch_operands = 8 : i64, tpu.core_type = #tpu.core_type<sc_vector_subcore>, window_params = [{transform_indices = #map}, {transform_indices = #map1}, {transform_indices = #map2}]} {
    %mul3A = arith.constant 2 : i32
    %mul3A_0 = arith.muli %arg1, %mul3A : i32
    %add3A = arith.addi %mul3A_0, %arg0 : i32
    %dma_start3A = arith.constant 0 : i32
    %dma_start3A_1 = arith.constant 0 : i32
    %dma_start3A_2 = arith.constant 0 : i32
    %dma_start3A_3 = arith.constant 0 : i32
    %dma_start3A_4 = tpu.memref_slice %arg5[%dma_start3A_1, %dma_start3A_2, %dma_start3A_3] : memref<2x8x125xi32, #tpu.memory_space<vmem>> -> memref<1x8x125xi32, #tpu.memory_space<vmem>>
    %dma_start3A_5 = tpu.memref_squeeze %dma_start3A_4 : memref<1x8x125xi32, #tpu.memory_space<vmem>> -> memref<8x125xi32, #tpu.memory_space<vmem>>
    %dma_start3A_6 = arith.constant 0 : i32
    %dma_start3A_7 = arith.constant 0 : i32
    %dma_start3A_8 = tpu.memref_slice %arg3[%dma_start3A, %add3A, %dma_start3A_6, %dma_start3A_7] : memref<2x32x80x125xi32, #tpu.memory_space<hbm>> -> memref<1x1x8x125xi32, #tpu.memory_space<hbm>>
    %dma_start3A_9 = tpu.memref_squeeze %dma_start3A_8 : memref<1x1x8x125xi32, #tpu.memory_space<hbm>> -> memref<8x125xi32, #tpu.memory_space<hbm>>
    %dma_start3A_10 = arith.constant 0 : i32
    %dma_start3A_11 = arith.constant 0 : i32
    %dma_start3A_12 = tpu.memref_slice %arg5[%dma_start3A_1, %dma_start3A_10, %dma_start3A_11] : memref<2x8x125xi32, #tpu.memory_space<vmem>> -> memref<1x8x125xi32, #tpu.memory_space<vmem>>
    %dma_start3A_13 = tpu.memref_squeeze %dma_start3A_12 : memref<1x8x125xi32, #tpu.memory_space<vmem>> -> memref<8x125xi32, #tpu.memory_space<vmem>>
    %dma_start3A_14 = arith.constant 0 : i32
    %dma_start3A_15 = arith.constant 0 : i32
    %dma_start3A_16 = tpu.memref_slice %arg3[%dma_start3A, %add3A, %dma_start3A_14, %dma_start3A_15] : memref<2x32x80x125xi32, #tpu.memory_space<hbm>> -> memref<1x1x8x125xi32, #tpu.memory_space<hbm>>
    %dma_start3A_17 = tpu.memref_squeeze %dma_start3A_16 : memref<1x1x8x125xi32, #tpu.memory_space<hbm>> -> memref<8x125xi32, #tpu.memory_space<hbm>>
    tpu.enqueue_dma source(%dma_start3A_17 : memref<8x125xi32, #tpu.memory_space<hbm>>) target(%dma_start3A_13 : memref<8x125xi32, #tpu.memory_space<vmem>>) target_semaphore(%arg12 : memref<!tpu.dma_semaphore, #tpu.memory_space<semaphore_mem>>)
    %dma_start3A_18 = arith.constant 1 : i32
    %dma_start3A_19 = arith.constant 0 : i32
    %dma_start3A_20 = arith.constant 0 : i32
    %dma_start3A_21 = arith.constant 0 : i32
    %dma_start3A_22 = tpu.memref_slice %arg6[%dma_start3A_19, %dma_start3A_20, %dma_start3A_21] : memref<2x8x125xi32, #tpu.memory_space<vmem>> -> memref<1x8x125xi32, #tpu.memory_space<vmem>>
    %dma_start3A_23 = tpu.memref_squeeze %dma_start3A_22 : memref<1x8x125xi32, #tpu.memory_space<vmem>> -> memref<8x125xi32, #tpu.memory_space<vmem>>
    %dma_start3A_24 = arith.constant 0 : i32
    %dma_start3A_25 = arith.constant 0 : i32
    %dma_start3A_26 = tpu.memref_slice %arg3[%dma_start3A_18, %add3A, %dma_start3A_24, %dma_start3A_25] : memref<2x32x80x125xi32, #tpu.memory_space<hbm>> -> memref<1x1x8x125xi32, #tpu.memory_space<hbm>>
    %dma_start3A_27 = tpu.memref_squeeze %dma_start3A_26 : memref<1x1x8x125xi32, #tpu.memory_space<hbm>> -> memref<8x125xi32, #tpu.memory_space<hbm>>
    %dma_start3A_28 = arith.constant 0 : i32
    %dma_start3A_29 = arith.constant 0 : i32
    %dma_start3A_30 = tpu.memref_slice %arg6[%dma_start3A_19, %dma_start3A_28, %dma_start3A_29] : memref<2x8x125xi32, #tpu.memory_space<vmem>> -> memref<1x8x125xi32, #tpu.memory_space<vmem>>
    %dma_start3A_31 = tpu.memref_squeeze %dma_start3A_30 : memref<1x8x125xi32, #tpu.memory_space<vmem>> -> memref<8x125xi32, #tpu.memory_space<vmem>>
    %dma_start3A_32 = arith.constant 0 : i32
    %dma_start3A_33 = arith.constant 0 : i32
    %dma_start3A_34 = tpu.memref_slice %arg3[%dma_start3A_18, %add3A, %dma_start3A_32, %dma_start3A_33] : memref<2x32x80x125xi32, #tpu.memory_space<hbm>> -> memref<1x1x8x125xi32, #tpu.memory_space<hbm>>
    %dma_start3A_35 = tpu.memref_squeeze %dma_start3A_34 : memref<1x1x8x125xi32, #tpu.memory_space<hbm>> -> memref<8x125xi32, #tpu.memory_space<hbm>>
    tpu.enqueue_dma source(%dma_start3A_35 : memref<8x125xi32, #tpu.memory_space<hbm>>) target(%dma_start3A_31 : memref<8x125xi32, #tpu.memory_space<vmem>>) target_semaphore(%arg12 : memref<!tpu.dma_semaphore, #tpu.memory_space<semaphore_mem>>)
    %dma_start3A_36 = arith.constant 0 : i32
    %dma_start3A_37 = arith.constant 1 : i32
    %dma_start3A_38 = arith.constant 0 : i32
    %dma_start3A_39 = arith.constant 0 : i32
    %dma_start3A_40 = tpu.memref_slice %arg5[%dma_start3A_37, %dma_start3A_38, %dma_start3A_39] : memref<2x8x125xi32, #tpu.memory_space<vmem>> -> memref<1x8x125xi32, #tpu.memory_space<vmem>>
    %dma_start3A_41 = tpu.memref_squeeze %dma_start3A_40 : memref<1x8x125xi32, #tpu.memory_space<vmem>> -> memref<8x125xi32, #tpu.memory_space<vmem>>
    %dma_start3A_42 = arith.constant 8 : i32
    %dma_start3A_43 = arith.constant 0 : i32
    %dma_start3A_44 = tpu.memref_slice %arg3[%dma_start3A_36, %add3A, %dma_start3A_42, %dma_start3A_43] : memref<2x32x80x125xi32, #tpu.memory_space<hbm>> -> memref<1x1x8x125xi32, #tpu.memory_space<hbm>>
    %dma_start3A_45 = tpu.memref_squeeze %dma_start3A_44 : memref<1x1x8x125xi32, #tpu.memory_space<hbm>> -> memref<8x125xi32, #tpu.memory_space<hbm>>
    %dma_start3A_46 = arith.constant 0 : i32
    %dma_start3A_47 = arith.constant 0 : i32
    %dma_start3A_48 = tpu.memref_slice %arg5[%dma_start3A_37, %dma_start3A_46, %dma_start3A_47] : memref<2x8x125xi32, #tpu.memory_space<vmem>> -> memref<1x8x125xi32, #tpu.memory_space<vmem>>
    %dma_start3A_49 = tpu.memref_squeeze %dma_start3A_48 : memref<1x8x125xi32, #tpu.memory_space<vmem>> -> memref<8x125xi32, #tpu.memory_space<vmem>>
    %dma_start3A_50 = arith.constant 8 : i32
    %dma_start3A_51 = arith.constant 0 : i32
    %dma_start3A_52 = tpu.memref_slice %arg3[%dma_start3A_36, %add3A, %dma_start3A_50, %dma_start3A_51] : memref<2x32x80x125xi32, #tpu.memory_space<hbm>> -> memref<1x1x8x125xi32, #tpu.memory_space<hbm>>
    %dma_start3A_53 = tpu.memref_squeeze %dma_start3A_52 : memref<1x1x8x125xi32, #tpu.memory_space<hbm>> -> memref<8x125xi32, #tpu.memory_space<hbm>>
    tpu.enqueue_dma source(%dma_start3A_53 : memref<8x125xi32, #tpu.memory_space<hbm>>) target(%dma_start3A_49 : memref<8x125xi32, #tpu.memory_space<vmem>>) target_semaphore(%arg12 : memref<!tpu.dma_semaphore, #tpu.memory_space<semaphore_mem>>)
    %dma_start3A_54 = arith.constant 1 : i32
    %dma_start3A_55 = arith.constant 1 : i32
    %dma_start3A_56 = arith.constant 0 : i32
    %dma_start3A_57 = arith.constant 0 : i32
    %dma_start3A_58 = tpu.memref_slice %arg6[%dma_start3A_55, %dma_start3A_56, %dma_start3A_57] : memref<2x8x125xi32, #tpu.memory_space<vmem>> -> memref<1x8x125xi32, #tpu.memory_space<vmem>>
    %dma_start3A_59 = tpu.memref_squeeze %dma_start3A_58 : memref<1x8x125xi32, #tpu.memory_space<vmem>> -> memref<8x125xi32, #tpu.memory_space<vmem>>
    %dma_start3A_60 = arith.constant 8 : i32
    %dma_start3A_61 = arith.constant 0 : i32
    %dma_start3A_62 = tpu.memref_slice %arg3[%dma_start3A_54, %add3A, %dma_start3A_60, %dma_start3A_61] : memref<2x32x80x125xi32, #tpu.memory_space<hbm>> -> memref<1x1x8x125xi32, #tpu.memory_space<hbm>>
    %dma_start3A_63 = tpu.memref_squeeze %dma_start3A_62 : memref<1x1x8x125xi32, #tpu.memory_space<hbm>> -> memref<8x125xi32, #tpu.memory_space<hbm>>
    %dma_start3A_64 = arith.constant 0 : i32
    %dma_start3A_65 = arith.constant 0 : i32
    %dma_start3A_66 = tpu.memref_slice %arg6[%dma_start3A_55, %dma_start3A_64, %dma_start3A_65] : memref<2x8x125xi32, #tpu.memory_space<vmem>> -> memref<1x8x125xi32, #tpu.memory_space<vmem>>
    %dma_start3A_67 = tpu.memref_squeeze %dma_start3A_66 : memref<1x8x125xi32, #tpu.memory_space<vmem>> -> memref<8x125xi32, #tpu.memory_space<vmem>>
    %dma_start3A_68 = arith.constant 8 : i32
    %dma_start3A_69 = arith.constant 0 : i32
    %dma_start3A_70 = tpu.memref_slice %arg3[%dma_start3A_54, %add3A, %dma_start3A_68, %dma_start3A_69] : memref<2x32x80x125xi32, #tpu.memory_space<hbm>> -> memref<1x1x8x125xi32, #tpu.memory_space<hbm>>
    %dma_start3A_71 = tpu.memref_squeeze %dma_start3A_70 : memref<1x1x8x125xi32, #tpu.memory_space<hbm>> -> memref<8x125xi32, #tpu.memory_space<hbm>>
    tpu.enqueue_dma source(%dma_start3A_71 : memref<8x125xi32, #tpu.memory_space<hbm>>) target(%dma_start3A_67 : memref<8x125xi32, #tpu.memory_space<vmem>>) target_semaphore(%arg12 : memref<!tpu.dma_semaphore, #tpu.memory_space<semaphore_mem>>)
    %scan3A = arith.constant 0 : i32
    %scan3A_72 = arith.constant 0 : i32
    %scan3A_73 = arith.constant 128 : i32
    %scan3A_74 = arith.addi %scan3A_72, %scan3A_73 : i32
    %scan3A_75 = arith.constant 1 : i32
    scf.for %scan3A_144 = %scan3A_72 to %scan3A_74 step %scan3A_75  : i32 {
      %broadcast_in_dim3A = arith.constant 0.000000e+00 : f32
      %broadcast_in_dim3A_145 = vector.broadcast %broadcast_in_dim3A : f32 to vector<16xf32>
      %swap3A = arith.index_cast %scan3A_144 : i32 to index
      %swap3A_146 = arith.constant 0 : index
      %swap3A_147 = tpu.vector_load %arg7[%swap3A, %swap3A_146] {strides = array<i32>} : memref<128x128xf32, #tpu.memory_space<vmem>>, vector<1x16xf32>,
      %swap3A_148 = vector.shape_cast %swap3A_147 : vector<1x16xf32> to vector<16xf32>
      %swap3A_149 = vector.shape_cast %broadcast_in_dim3A_145 : vector<16xf32> to vector<1x16xf32>
      tpu.vector_store %arg7[%swap3A, %swap3A_146], %swap3A_149 {strides = array<i32>} : memref<128x128xf32, #tpu.memory_space<vmem>>, vector<1x16xf32>,
      %broadcast_in_dim3A_150 = arith.constant 0.000000e+00 : f32
      %broadcast_in_dim3A_151 = vector.broadcast %broadcast_in_dim3A_150 : f32 to vector<16xf32>
      %swap3A_152 = arith.index_cast %scan3A_144 : i32 to index
      %swap3A_153 = arith.constant 16 : index
      %swap3A_154 = tpu.vector_load %arg7[%swap3A_152, %swap3A_153] {strides = array<i32>} : memref<128x128xf32, #tpu.memory_space<vmem>>, vector<1x16xf32>,
      %swap3A_155 = vector.shape_cast %swap3A_154 : vector<1x16xf32> to vector<16xf32>
      %swap3A_156 = vector.shape_cast %broadcast_in_dim3A_151 : vector<16xf32> to vector<1x16xf32>
      tpu.vector_store %arg7[%swap3A_152, %swap3A_153], %swap3A_156 {strides = array<i32>} : memref<128x128xf32, #tpu.memory_space<vmem>>, vector<1x16xf32>,
      %broadcast_in_dim3A_157 = arith.constant 0.000000e+00 : f32
      %broadcast_in_dim3A_158 = vector.broadcast %broadcast_in_dim3A_157 : f32 to vector<16xf32>
      %swap3A_159 = arith.index_cast %scan3A_144 : i32 to index
      %swap3A_160 = arith.constant 32 : index
      %swap3A_161 = tpu.vector_load %arg7[%swap3A_159, %swap3A_160] {strides = array<i32>} : memref<128x128xf32, #tpu.memory_space<vmem>>, vector<1x16xf32>,
      %swap3A_162 = vector.shape_cast %swap3A_161 : vector<1x16xf32> to vector<16xf32>
      %swap3A_163 = vector.shape_cast %broadcast_in_dim3A_158 : vector<16xf32> to vector<1x16xf32>
      tpu.vector_store %arg7[%swap3A_159, %swap3A_160], %swap3A_163 {strides = array<i32>} : memref<128x128xf32, #tpu.memory_space<vmem>>, vector<1x16xf32>,
      %broadcast_in_dim3A_164 = arith.constant 0.000000e+00 : f32
      %broadcast_in_dim3A_165 = vector.broadcast %broadcast_in_dim3A_164 : f32 to vector<16xf32>
      %swap3A_166 = arith.index_cast %scan3A_144 : i32 to index
      %swap3A_167 = arith.constant 48 : index
      %swap3A_168 = tpu.vector_load %arg7[%swap3A_166, %swap3A_167] {strides = array<i32>} : memref<128x128xf32, #tpu.memory_space<vmem>>, vector<1x16xf32>,
      %swap3A_169 = vector.shape_cast %swap3A_168 : vector<1x16xf32> to vector<16xf32>
      %swap3A_170 = vector.shape_cast %broadcast_in_dim3A_165 : vector<16xf32> to vector<1x16xf32>
      tpu.vector_store %arg7[%swap3A_166, %swap3A_167], %swap3A_170 {strides = array<i32>} : memref<128x128xf32, #tpu.memory_space<vmem>>, vector<1x16xf32>,
      %broadcast_in_dim3A_171 = arith.constant 0.000000e+00 : f32
      %broadcast_in_dim3A_172 = vector.broadcast %broadcast_in_dim3A_171 : f32 to vector<16xf32>
      %swap3A_173 = arith.index_cast %scan3A_144 : i32 to index
      %swap3A_174 = arith.constant 64 : index
      %swap3A_175 = tpu.vector_load %arg7[%swap3A_173, %swap3A_174] {strides = array<i32>} : memref<128x128xf32, #tpu.memory_space<vmem>>, vector<1x16xf32>,
      %swap3A_176 = vector.shape_cast %swap3A_175 : vector<1x16xf32> to vector<16xf32>
      %swap3A_177 = vector.shape_cast %broadcast_in_dim3A_172 : vector<16xf32> to vector<1x16xf32>
      tpu.vector_store %arg7[%swap3A_173, %swap3A_174], %swap3A_177 {strides = array<i32>} : memref<128x128xf32, #tpu.memory_space<vmem>>, vector<1x16xf32>,
      %broadcast_in_dim3A_178 = arith.constant 0.000000e+00 : f32
      %broadcast_in_dim3A_179 = vector.broadcast %broadcast_in_dim3A_178 : f32 to vector<16xf32>
      %swap3A_180 = arith.index_cast %scan3A_144 : i32 to index
      %swap3A_181 = arith.constant 80 : index
      %swap3A_182 = tpu.vector_load %arg7[%swap3A_180, %swap3A_181] {strides = array<i32>} : memref<128x128xf32, #tpu.memory_space<vmem>>, vector<1x16xf32>,
      %swap3A_183 = vector.shape_cast %swap3A_182 : vector<1x16xf32> to vector<16xf32>
      %swap3A_184 = vector.shape_cast %broadcast_in_dim3A_179 : vector<16xf32> to vector<1x16xf32>
      tpu.vector_store %arg7[%swap3A_180, %swap3A_181], %swap3A_184 {strides = array<i32>} : memref<128x128xf32, #tpu.memory_space<vmem>>, vector<1x16xf32>,
      %broadcast_in_dim3A_185 = arith.constant 0.000000e+00 : f32
      %broadcast_in_dim3A_186 = vector.broadcast %broadcast_in_dim3A_185 : f32 to vector<16xf32>
      %swap3A_187 = arith.index_cast %scan3A_144 : i32 to index
      %swap3A_188 = arith.constant 96 : index
      %swap3A_189 = tpu.vector_load %arg7[%swap3A_187, %swap3A_188] {strides = array<i32>} : memref<128x128xf32, #tpu.memory_space<vmem>>, vector<1x16xf32>,
      %swap3A_190 = vector.shape_cast %swap3A_189 : vector<1x16xf32> to vector<16xf32>
      %swap3A_191 = vector.shape_cast %broadcast_in_dim3A_186 : vector<16xf32> to vector<1x16xf32>
      tpu.vector_store %arg7[%swap3A_187, %swap3A_188], %swap3A_191 {strides = array<i32>} : memref<128x128xf32, #tpu.memory_space<vmem>>, vector<1x16xf32>,
      %broadcast_in_dim3A_192 = arith.constant 0.000000e+00 : f32
      %broadcast_in_dim3A_193 = vector.broadcast %broadcast_in_dim3A_192 : f32 to vector<16xf32>
      %swap3A_194 = arith.index_cast %scan3A_144 : i32 to index
      %swap3A_195 = arith.constant 112 : index
      %swap3A_196 = tpu.vector_load %arg7[%swap3A_194, %swap3A_195] {strides = array<i32>} : memref<128x128xf32, #tpu.memory_space<vmem>>, vector<1x16xf32>,
      %swap3A_197 = vector.shape_cast %swap3A_196 : vector<1x16xf32> to vector<16xf32>
      %swap3A_198 = vector.shape_cast %broadcast_in_dim3A_193 : vector<16xf32> to vector<1x16xf32>
      tpu.vector_store %arg7[%swap3A_194, %swap3A_195], %swap3A_198 {strides = array<i32>} : memref<128x128xf32, #tpu.memory_space<vmem>>, vector<1x16xf32>,
    }
    %scan3A_76 = arith.constant 128 : i32
    %mul3A_77 = arith.constant 640 : i32
    %mul3A_78 = arith.muli %arg1, %mul3A_77 : i32
    %scan3A_79 = arith.constant 0 : i32
    %scan3A_80 = arith.constant 0 : i32
    %scan3A_81 = arith.constant 5 : i32
    %scan3A_82 = arith.addi %scan3A_80, %scan3A_81 : i32
    %scan3A_83 = arith.constant 1 : i32
    scf.for %scan3A_144 = %scan3A_80 to %scan3A_82 step %scan3A_83  : i32 {
      %mul3A_145 = arith.constant 128 : i32
      %mul3A_146 = arith.muli %scan3A_144, %mul3A_145 : i32
      %add3A_147 = arith.addi %mul3A_78, %mul3A_146 : i32
      %dma_start3A_148 = arith.constant 0 : i32
      %dma_start3A_149 = tpu.memref_slice %arg9[%add3A_147, %dma_start3A_148] : memref<10240x128xf32, #tpu.memory_space<vmem_shared>> -> memref<128x128xf32, #tpu.memory_space<vmem_shared>>
      %dma_start3A_150 = arith.constant 0 : i32
      %dma_start3A_151 = tpu.memref_slice %arg9[%add3A_147, %dma_start3A_150] : memref<10240x128xf32, #tpu.memory_space<vmem_shared>> -> memref<128x128xf32, #tpu.memory_space<vmem_shared>>
      tpu.enqueue_dma source(%arg7 : memref<128x128xf32, #tpu.memory_space<vmem>>) target(%dma_start3A_151 : memref<128x128xf32, #tpu.memory_space<vmem_shared>>) target_semaphore(%arg10 : memref<!tpu.dma_semaphore, #tpu.memory_space<semaphore_mem>>)
    }
    %scan3A_84 = arith.constant 5 : i32
    %scan3A_85 = arith.constant 0 : i32
    %scan3A_86 = arith.constant 0 : i32
    %scan3A_87 = arith.constant 5 : i32
    %scan3A_88 = arith.addi %scan3A_86, %scan3A_87 : i32
    %scan3A_89 = arith.constant 1 : i32
    scf.for %scan3A_144 = %scan3A_86 to %scan3A_88 step %scan3A_89  : i32 {
      %dma_wait3A_145 = arith.constant 0 : i32
      %dma_wait3A_146 = tpu.memref_slice %arg9[%mul3A_78, %dma_wait3A_145] : memref<10240x128xf32, #tpu.memory_space<vmem_shared>> -> memref<128x128xf32, #tpu.memory_space<vmem_shared>>
      %dma_wait3A_147 = arith.constant 0 : i32
      %dma_wait3A_148 = tpu.memref_slice %arg9[%mul3A_78, %dma_wait3A_147] : memref<10240x128xf32, #tpu.memory_space<vmem_shared>> -> memref<128x128xf32, #tpu.memory_space<vmem_shared>>
      tpu.wait_dma2 semaphore(%arg10 : memref<!tpu.dma_semaphore, #tpu.memory_space<semaphore_mem>>) src(%arg7 : memref<128x128xf32, #tpu.memory_space<vmem>>) dst(%dma_wait3A_148 : memref<128x128xf32, #tpu.memory_space<vmem_shared>>)
    }
    %scan3A_90 = arith.constant 5 : i32
    %barrier3A = arith.constant 0 : index
    tpu.barrier barrier_id(%barrier3A)
    %dma_wait3A = arith.constant 0 : i32
    %dma_wait3A_91 = arith.constant 0 : i32
    %dma_wait3A_92 = arith.constant 0 : i32
    %dma_wait3A_93 = arith.constant 0 : i32
    %dma_wait3A_94 = tpu.memref_slice %arg5[%dma_wait3A_91, %dma_wait3A_92, %dma_wait3A_93] : memref<2x8x125xi32, #tpu.memory_space<vmem>> -> memref<1x8x125xi32, #tpu.memory_space<vmem>>
    %dma_wait3A_95 = tpu.memref_squeeze %dma_wait3A_94 : memref<1x8x125xi32, #tpu.memory_space<vmem>> -> memref<8x125xi32, #tpu.memory_space<vmem>>
    %dma_wait3A_96 = arith.constant 0 : i32
    %dma_wait3A_97 = arith.constant 0 : i32
    %dma_wait3A_98 = tpu.memref_slice %arg3[%dma_wait3A, %add3A, %dma_wait3A_96, %dma_wait3A_97] : memref<2x32x80x125xi32, #tpu.memory_space<hbm>> -> memref<1x1x8x125xi32, #tpu.memory_space<hbm>>
    %dma_wait3A_99 = tpu.memref_squeeze %dma_wait3A_98 : memref<1x1x8x125xi32, #tpu.memory_space<hbm>> -> memref<8x125xi32, #tpu.memory_space<hbm>>
    %dma_wait3A_100 = arith.constant 0 : i32
    %dma_wait3A_101 = arith.constant 0 : i32
    %dma_wait3A_102 = tpu.memref_slice %arg5[%dma_wait3A_91, %dma_wait3A_100, %dma_wait3A_101] : memref<2x8x125xi32, #tpu.memory_space<vmem>> -> memref<1x8x125xi32, #tpu.memory_space<vmem>>
    %dma_wait3A_103 = tpu.memref_squeeze %dma_wait3A_102 : memref<1x8x125xi32, #tpu.memory_space<vmem>> -> memref<8x125xi32, #tpu.memory_space<vmem>>
    %dma_wait3A_104 = arith.constant 0 : i32
    %dma_wait3A_105 = arith.constant 0 : i32
    %dma_wait3A_106 = tpu.memref_slice %arg3[%dma_wait3A, %add3A, %dma_wait3A_104, %dma_wait3A_105] : memref<2x32x80x125xi32, #tpu.memory_space<hbm>> -> memref<1x1x8x125xi32, #tpu.memory_space<hbm>>
    %dma_wait3A_107 = tpu.memref_squeeze %dma_wait3A_106 : memref<1x1x8x125xi32, #tpu.memory_space<hbm>> -> memref<8x125xi32, #tpu.memory_space<hbm>>
    tpu.wait_dma2 semaphore(%arg12 : memref<!tpu.dma_semaphore, #tpu.memory_space<semaphore_mem>>) src(%dma_wait3A_107 : memref<8x125xi32, #tpu.memory_space<hbm>>) dst(%dma_wait3A_103 : memref<8x125xi32, #tpu.memory_space<vmem>>)
    %dma_wait3A_108 = arith.constant 1 : i32
    %dma_wait3A_109 = arith.constant 0 : i32
    %dma_wait3A_110 = arith.constant 0 : i32
    %dma_wait3A_111 = arith.constant 0 : i32
    %dma_wait3A_112 = tpu.memref_slice %arg6[%dma_wait3A_109, %dma_wait3A_110, %dma_wait3A_111] : memref<2x8x125xi32, #tpu.memory_space<vmem>> -> memref<1x8x125xi32, #tpu.memory_space<vmem>>
    %dma_wait3A_113 = tpu.memref_squeeze %dma_wait3A_112 : memref<1x8x125xi32, #tpu.memory_space<vmem>> -> memref<8x125xi32, #tpu.memory_space<vmem>>
    %dma_wait3A_114 = arith.constant 0 : i32
    %dma_wait3A_115 = arith.constant 0 : i32
    %dma_wait3A_116 = tpu.memref_slice %arg3[%dma_wait3A_108, %add3A, %dma_wait3A_114, %dma_wait3A_115] : memref<2x32x80x125xi32, #tpu.memory_space<hbm>> -> memref<1x1x8x125xi32, #tpu.memory_space<hbm>>
    %dma_wait3A_117 = tpu.memref_squeeze %dma_wait3A_116 : memref<1x1x8x125xi32, #tpu.memory_space<hbm>> -> memref<8x125xi32, #tpu.memory_space<hbm>>
    %dma_wait3A_118 = arith.constant 0 : i32
    %dma_wait3A_119 = arith.constant 0 : i32
    %dma_wait3A_120 = tpu.memref_slice %arg6[%dma_wait3A_109, %dma_wait3A_118, %dma_wait3A_119] : memref<2x8x125xi32, #tpu.memory_space<vmem>> -> memref<1x8x125xi32, #tpu.memory_space<vmem>>
    %dma_wait3A_121 = tpu.memref_squeeze %dma_wait3A_120 : memref<1x8x125xi32, #tpu.memory_space<vmem>> -> memref<8x125xi32, #tpu.memory_space<vmem>>
    %dma_wait3A_122 = arith.constant 0 : i32
    %dma_wait3A_123 = arith.constant 0 : i32
    %dma_wait3A_124 = tpu.memref_slice %arg3[%dma_wait3A_108, %add3A, %dma_wait3A_122, %dma_wait3A_123] : memref<2x32x80x125xi32, #tpu.memory_space<hbm>> -> memref<1x1x8x125xi32, #tpu.memory_space<hbm>>
    %dma_wait3A_125 = tpu.memref_squeeze %dma_wait3A_124 : memref<1x1x8x125xi32, #tpu.memory_space<hbm>> -> memref<8x125xi32, #tpu.memory_space<hbm>>
    tpu.wait_dma2 semaphore(%arg12 : memref<!tpu.dma_semaphore, #tpu.memory_space<semaphore_mem>>) src(%dma_wait3A_125 : memref<8x125xi32, #tpu.memory_space<hbm>>) dst(%dma_wait3A_121 : memref<8x125xi32, #tpu.memory_space<vmem>>)
    %dma_start3A_126 = arith.constant 0 : i32
    %dma_start3A_127 = arith.constant 0 : i32
    %dma_start3A_128 = arith.constant 0 : i32
    %dma_start3A_129 = arith.constant 0 : i32
    %dma_start3A_130 = tpu.memref_slice %arg7[%dma_start3A_128, %dma_start3A_129] : memref<128x128xf32, #tpu.memory_space<vmem>> -> memref<125x128xf32, #tpu.memory_space<vmem>>
    %dma_start3A_131 = arith.constant 0 : i32
    %dma_start3A_132 = tpu.memref_slice %arg5[%dma_start3A_126, %dma_start3A_127, %dma_start3A_131] : memref<2x8x125xi32, #tpu.memory_space<vmem>> -> memref<1x1x125xi32, #tpu.memory_space<vmem>>
    %dma_start3A_133 = tpu.memref_squeeze %dma_start3A_132 : memref<1x1x125xi32, #tpu.memory_space<vmem>> -> memref<125xi32, #tpu.memory_space<vmem>>
    %dma_start3A_134 = arith.constant 0 : i32
    %dma_start3A_135 = arith.constant 0 : i32
    %dma_start3A_136 = tpu.memref_slice %arg2[%dma_start3A_134, %dma_start3A_135] : memref<10000x128xf32, #tpu.memory_space<hbm>> -> memref<10000x128xf32, #tpu.memory_space<hbm>>
    tpu.enqueue_indirect_dma source(%dma_start3A_136 : memref<10000x128xf32, #tpu.memory_space<hbm>>) target(%dma_start3A_130 : memref<125x128xf32, #tpu.memory_space<vmem>>) offsets(%dma_start3A_133 : memref<125xi32, #tpu.memory_space<vmem>>) semaphore(%arg10 : memref<!tpu.dma_semaphore, #tpu.memory_space<semaphore_mem>>)
    %scan3A_137 = arith.constant 0 : i32
    %scan3A_138 = arith.constant 0 : i32
    %scan3A_139 = arith.constant 10 : i32
    %scan3A_140 = arith.addi %scan3A_138, %scan3A_139 : i32
    %scan3A_141 = arith.constant 1 : i32
    scf.for %scan3A_144 = %scan3A_138 to %scan3A_140 step %scan3A_141  : i32 {
      %jit3A = arith.constant 2 : i32
      %eq3A = arith.constant 0 : i32
      %eq3A_145 = arith.cmpi eq, %jit3A, %eq3A : i32
      %jit3A_146 = arith.constant 1 : i32
      %select_n3A = arith.select %eq3A_145, %jit3A_146, %jit3A : i32
      %rem3A = arith.remsi %scan3A_144, %select_n3A : i32
      %ne3A = arith.constant 0 : i32
      %ne3A_147 = arith.cmpi ne, %rem3A, %ne3A : i32
      %lt3A = arith.constant 0 : i32
      %lt3A_148 = arith.cmpi slt, %rem3A, %lt3A : i32
      %lt3A_149 = arith.constant 0 : i32
      %lt3A_150 = arith.cmpi slt, %select_n3A, %lt3A_149 : i32
      %ne3A_151 = arith.xori %lt3A_148, %lt3A_150 : i1
      %and3A = arith.andi %ne3A_151, %ne3A_147 : i1
      %add3A_152 = arith.addi %rem3A, %select_n3A : i32
      %select_n3A_153 = arith.select %and3A, %add3A_152, %rem3A : i32
      %dma_start3A_154 = arith.constant 1 : i32
      %dma_start3A_155 = arith.constant 0 : i32
      %dma_start3A_156 = arith.constant 0 : i32
      %dma_start3A_157 = tpu.memref_slice %arg8[%dma_start3A_155, %dma_start3A_156] : memref<128x128xf32, #tpu.memory_space<vmem>> -> memref<125x128xf32, #tpu.memory_space<vmem>>
      %dma_start3A_158 = arith.constant 0 : i32
      %dma_start3A_159 = tpu.memref_slice %arg5[%select_n3A_153, %dma_start3A_154, %dma_start3A_158] : memref<2x8x125xi32, #tpu.memory_space<vmem>> -> memref<1x1x125xi32, #tpu.memory_space<vmem>>
      %dma_start3A_160 = tpu.memref_squeeze %dma_start3A_159 : memref<1x1x125xi32, #tpu.memory_space<vmem>> -> memref<125xi32, #tpu.memory_space<vmem>>
      %dma_start3A_161 = arith.constant 0 : i32
      %dma_start3A_162 = arith.constant 0 : i32
      %dma_start3A_163 = tpu.memref_slice %arg2[%dma_start3A_161, %dma_start3A_162] : memref<10000x128xf32, #tpu.memory_space<hbm>> -> memref<10000x128xf32, #tpu.memory_space<hbm>>
      tpu.enqueue_indirect_dma source(%dma_start3A_163 : memref<10000x128xf32, #tpu.memory_space<hbm>>) target(%dma_start3A_157 : memref<125x128xf32, #tpu.memory_space<vmem>>) offsets(%dma_start3A_160 : memref<125xi32, #tpu.memory_space<vmem>>) semaphore(%arg11 : memref<!tpu.dma_semaphore, #tpu.memory_space<semaphore_mem>>)
      %dma_wait3A_164 = arith.constant 0 : i32
      %dma_wait3A_165 = arith.constant 0 : i32
      %dma_wait3A_166 = arith.constant 0 : i32
      %dma_wait3A_167 = tpu.memref_slice %arg7[%dma_wait3A_165, %dma_wait3A_166] : memref<128x128xf32, #tpu.memory_space<vmem>> -> memref<125x128xf32, #tpu.memory_space<vmem>>
      %dma_wait3A_168 = arith.constant 0 : i32
      %dma_wait3A_169 = tpu.memref_slice %arg5[%select_n3A_153, %dma_wait3A_164, %dma_wait3A_168] : memref<2x8x125xi32, #tpu.memory_space<vmem>> -> memref<1x1x125xi32, #tpu.memory_space<vmem>>
      %dma_wait3A_170 = tpu.memref_squeeze %dma_wait3A_169 : memref<1x1x125xi32, #tpu.memory_space<vmem>> -> memref<125xi32, #tpu.memory_space<vmem>>
      %dma_wait3A_171 = arith.constant 0 : i32
      %dma_wait3A_172 = arith.constant 0 : i32
      %dma_wait3A_173 = tpu.memref_slice %arg2[%dma_wait3A_171, %dma_wait3A_172] : memref<10000x128xf32, #tpu.memory_space<hbm>> -> memref<10000x128xf32, #tpu.memory_space<hbm>>
      tpu.wait_indirect_dma semaphore(%arg10 : memref<!tpu.dma_semaphore, #tpu.memory_space<semaphore_mem>>) src(%dma_wait3A_173 : memref<10000x128xf32, #tpu.memory_space<hbm>>) dst(%dma_wait3A_167 : memref<125x128xf32, #tpu.memory_space<vmem>>)
      %run_scoped3A = arith.constant 0 : i32
      "tpu.region"() ({
        %run_scoped3A_319 = tpu.sem_alloc : memref<!tpu.dma_semaphore, #tpu.memory_space<semaphore_mem>>
        %dma_start3A_320 = arith.constant 0 : i32
        %dma_start3A_321 = arith.constant 0 : i32
        %dma_start3A_322 = tpu.memref_slice %arg7[%dma_start3A_320, %dma_start3A_321] : memref<128x128xf32, #tpu.memory_space<vmem>> -> memref<125x128xf32, #tpu.memory_space<vmem>>
        %dma_start3A_323 = arith.constant 0 : i32
        %dma_start3A_324 = tpu.memref_slice %arg6[%select_n3A_153, %run_scoped3A, %dma_start3A_323] : memref<2x8x125xi32, #tpu.memory_space<vmem>> -> memref<1x1x125xi32, #tpu.memory_space<vmem>>
        %dma_start3A_325 = tpu.memref_squeeze %dma_start3A_324 : memref<1x1x125xi32, #tpu.memory_space<vmem>> -> memref<125xi32, #tpu.memory_space<vmem>>
        %dma_start3A_326 = arith.constant 0 : i32
        %dma_start3A_327 = arith.constant 0 : i32
        %dma_start3A_328 = tpu.memref_slice %arg9[%dma_start3A_326, %dma_start3A_327] : memref<10240x128xf32, #tpu.memory_space<vmem_shared>> -> memref<10240x128xf32, #tpu.memory_space<vmem_shared>>
        tpu.enqueue_indirect_dma source(%dma_start3A_322 : memref<125x128xf32, #tpu.memory_space<vmem>>) target(%dma_start3A_328 : memref<10240x128xf32, #tpu.memory_space<vmem_shared>>) offsets(%dma_start3A_325 : memref<125xi32, #tpu.memory_space<vmem>>) semaphore(%run_scoped3A_319 : memref<!tpu.dma_semaphore, #tpu.memory_space<semaphore_mem>>) {add = true}
        %dma_wait3A_329 = arith.constant 0 : i32
        %dma_wait3A_330 = arith.constant 0 : i32
        %dma_wait3A_331 = tpu.memref_slice %arg7[%dma_wait3A_329, %dma_wait3A_330] : memref<128x128xf32, #tpu.memory_space<vmem>> -> memref<125x128xf32, #tpu.memory_space<vmem>>
        %dma_wait3A_332 = arith.constant 0 : i32
        %dma_wait3A_333 = tpu.memref_slice %arg6[%select_n3A_153, %run_scoped3A, %dma_wait3A_332] : memref<2x8x125xi32, #tpu.memory_space<vmem>> -> memref<1x1x125xi32, #tpu.memory_space<vmem>>
        %dma_wait3A_334 = tpu.memref_squeeze %dma_wait3A_333 : memref<1x1x125xi32, #tpu.memory_space<vmem>> -> memref<125xi32, #tpu.memory_space<vmem>>
        %dma_wait3A_335 = arith.constant 0 : i32
        %dma_wait3A_336 = arith.constant 0 : i32
        %dma_wait3A_337 = tpu.memref_slice %arg9[%dma_wait3A_335, %dma_wait3A_336] : memref<10240x128xf32, #tpu.memory_space<vmem_shared>> -> memref<10240x128xf32, #tpu.memory_space<vmem_shared>>
        tpu.wait_indirect_dma semaphore(%run_scoped3A_319 : memref<!tpu.dma_semaphore, #tpu.memory_space<semaphore_mem>>) src(%dma_wait3A_331 : memref<125x128xf32, #tpu.memory_space<vmem>>) dst(%dma_wait3A_337 : memref<10240x128xf32, #tpu.memory_space<vmem_shared>>)
        tpu.yield
      }) : () -> ()
      %dma_start3A_174 = arith.constant 2 : i32
      %dma_start3A_175 = arith.constant 0 : i32
      %dma_start3A_176 = arith.constant 0 : i32
      %dma_start3A_177 = tpu.memref_slice %arg7[%dma_start3A_175, %dma_start3A_176] : memref<128x128xf32, #tpu.memory_space<vmem>> -> memref<125x128xf32, #tpu.memory_space<vmem>>
      %dma_start3A_178 = arith.constant 0 : i32
      %dma_start3A_179 = tpu.memref_slice %arg5[%select_n3A_153, %dma_start3A_174, %dma_start3A_178] : memref<2x8x125xi32, #tpu.memory_space<vmem>> -> memref<1x1x125xi32, #tpu.memory_space<vmem>>
      %dma_start3A_180 = tpu.memref_squeeze %dma_start3A_179 : memref<1x1x125xi32, #tpu.memory_space<vmem>> -> memref<125xi32, #tpu.memory_space<vmem>>
      %dma_start3A_181 = arith.constant 0 : i32
      %dma_start3A_182 = arith.constant 0 : i32
      %dma_start3A_183 = tpu.memref_slice %arg2[%dma_start3A_181, %dma_start3A_182] : memref<10000x128xf32, #tpu.memory_space<hbm>> -> memref<10000x128xf32, #tpu.memory_space<hbm>>
      tpu.enqueue_indirect_dma source(%dma_start3A_183 : memref<10000x128xf32, #tpu.memory_space<hbm>>) target(%dma_start3A_177 : memref<125x128xf32, #tpu.memory_space<vmem>>) offsets(%dma_start3A_180 : memref<125xi32, #tpu.memory_space<vmem>>) semaphore(%arg10 : memref<!tpu.dma_semaphore, #tpu.memory_space<semaphore_mem>>)
      %dma_wait3A_184 = arith.constant 1 : i32
      %dma_wait3A_185 = arith.constant 0 : i32
      %dma_wait3A_186 = arith.constant 0 : i32
      %dma_wait3A_187 = tpu.memref_slice %arg8[%dma_wait3A_185, %dma_wait3A_186] : memref<128x128xf32, #tpu.memory_space<vmem>> -> memref<125x128xf32, #tpu.memory_space<vmem>>
      %dma_wait3A_188 = arith.constant 0 : i32
      %dma_wait3A_189 = tpu.memref_slice %arg5[%select_n3A_153, %dma_wait3A_184, %dma_wait3A_188] : memref<2x8x125xi32, #tpu.memory_space<vmem>> -> memref<1x1x125xi32, #tpu.memory_space<vmem>>
      %dma_wait3A_190 = tpu.memref_squeeze %dma_wait3A_189 : memref<1x1x125xi32, #tpu.memory_space<vmem>> -> memref<125xi32, #tpu.memory_space<vmem>>
      %dma_wait3A_191 = arith.constant 0 : i32
      %dma_wait3A_192 = arith.constant 0 : i32
      %dma_wait3A_193 = tpu.memref_slice %arg2[%dma_wait3A_191, %dma_wait3A_192] : memref<10000x128xf32, #tpu.memory_space<hbm>> -> memref<10000x128xf32, #tpu.memory_space<hbm>>
      tpu.wait_indirect_dma semaphore(%arg11 : memref<!tpu.dma_semaphore, #tpu.memory_space<semaphore_mem>>) src(%dma_wait3A_193 : memref<10000x128xf32, #tpu.memory_space<hbm>>) dst(%dma_wait3A_187 : memref<125x128xf32, #tpu.memory_space<vmem>>)
      %run_scoped3A_194 = arith.constant 1 : i32
      "tpu.region"() ({
        %run_scoped3A_319 = tpu.sem_alloc : memref<!tpu.dma_semaphore, #tpu.memory_space<semaphore_mem>>
        %dma_start3A_320 = arith.constant 0 : i32
        %dma_start3A_321 = arith.constant 0 : i32
        %dma_start3A_322 = tpu.memref_slice %arg8[%dma_start3A_320, %dma_start3A_321] : memref<128x128xf32, #tpu.memory_space<vmem>> -> memref<125x128xf32, #tpu.memory_space<vmem>>
        %dma_start3A_323 = arith.constant 0 : i32
        %dma_start3A_324 = tpu.memref_slice %arg6[%select_n3A_153, %run_scoped3A_194, %dma_start3A_323] : memref<2x8x125xi32, #tpu.memory_space<vmem>> -> memref<1x1x125xi32, #tpu.memory_space<vmem>>
        %dma_start3A_325 = tpu.memref_squeeze %dma_start3A_324 : memref<1x1x125xi32, #tpu.memory_space<vmem>> -> memref<125xi32, #tpu.memory_space<vmem>>
        %dma_start3A_326 = arith.constant 0 : i32
        %dma_start3A_327 = arith.constant 0 : i32
        %dma_start3A_328 = tpu.memref_slice %arg9[%dma_start3A_326, %dma_start3A_327] : memref<10240x128xf32, #tpu.memory_space<vmem_shared>> -> memref<10240x128xf32, #tpu.memory_space<vmem_shared>>
        tpu.enqueue_indirect_dma source(%dma_start3A_322 : memref<125x128xf32, #tpu.memory_space<vmem>>) target(%dma_start3A_328 : memref<10240x128xf32, #tpu.memory_space<vmem_shared>>) offsets(%dma_start3A_325 : memref<125xi32, #tpu.memory_space<vmem>>) semaphore(%run_scoped3A_319 : memref<!tpu.dma_semaphore, #tpu.memory_space<semaphore_mem>>) {add = true}
        %dma_wait3A_329 = arith.constant 0 : i32
        %dma_wait3A_330 = arith.constant 0 : i32
        %dma_wait3A_331 = tpu.memref_slice %arg8[%dma_wait3A_329, %dma_wait3A_330] : memref<128x128xf32, #tpu.memory_space<vmem>> -> memref<125x128xf32, #tpu.memory_space<vmem>>
        %dma_wait3A_332 = arith.constant 0 : i32
        %dma_wait3A_333 = tpu.memref_slice %arg6[%select_n3A_153, %run_scoped3A_194, %dma_wait3A_332] : memref<2x8x125xi32, #tpu.memory_space<vmem>> -> memref<1x1x125xi32, #tpu.memory_space<vmem>>
        %dma_wait3A_334 = tpu.memref_squeeze %dma_wait3A_333 : memref<1x1x125xi32, #tpu.memory_space<vmem>> -> memref<125xi32, #tpu.memory_space<vmem>>
        %dma_wait3A_335 = arith.constant 0 : i32
        %dma_wait3A_336 = arith.constant 0 : i32
        %dma_wait3A_337 = tpu.memref_slice %arg9[%dma_wait3A_335, %dma_wait3A_336] : memref<10240x128xf32, #tpu.memory_space<vmem_shared>> -> memref<10240x128xf32, #tpu.memory_space<vmem_shared>>
        tpu.wait_indirect_dma semaphore(%run_scoped3A_319 : memref<!tpu.dma_semaphore, #tpu.memory_space<semaphore_mem>>) src(%dma_wait3A_331 : memref<125x128xf32, #tpu.memory_space<vmem>>) dst(%dma_wait3A_337 : memref<10240x128xf32, #tpu.memory_space<vmem_shared>>)
        tpu.yield
      }) : () -> ()
      %dma_start3A_195 = arith.constant 3 : i32
      %dma_start3A_196 = arith.constant 0 : i32
      %dma_start3A_197 = arith.constant 0 : i32
      %dma_start3A_198 = tpu.memref_slice %arg8[%dma_start3A_196, %dma_start3A_197] : memref<128x128xf32, #tpu.memory_space<vmem>> -> memref<125x128xf32, #tpu.memory_space<vmem>>
      %dma_start3A_199 = arith.constant 0 : i32
      %dma_start3A_200 = tpu.memref_slice %arg5[%select_n3A_153, %dma_start3A_195, %dma_start3A_199] : memref<2x8x125xi32, #tpu.memory_space<vmem>> -> memref<1x1x125xi32, #tpu.memory_space<vmem>>
      %dma_start3A_201 = tpu.memref_squeeze %dma_start3A_200 : memref<1x1x125xi32, #tpu.memory_space<vmem>> -> memref<125xi32, #tpu.memory_space<vmem>>
      %dma_start3A_202 = arith.constant 0 : i32
      %dma_start3A_203 = arith.constant 0 : i32
      %dma_start3A_204 = tpu.memref_slice %arg2[%dma_start3A_202, %dma_start3A_203] : memref<10000x128xf32, #tpu.memory_space<hbm>> -> memref<10000x128xf32, #tpu.memory_space<hbm>>
      tpu.enqueue_indirect_dma source(%dma_start3A_204 : memref<10000x128xf32, #tpu.memory_space<hbm>>) target(%dma_start3A_198 : memref<125x128xf32, #tpu.memory_space<vmem>>) offsets(%dma_start3A_201 : memref<125xi32, #tpu.memory_space<vmem>>) semaphore(%arg11 : memref<!tpu.dma_semaphore, #tpu.memory_space<semaphore_mem>>)
      %dma_wait3A_205 = arith.constant 2 : i32
      %dma_wait3A_206 = arith.constant 0 : i32
      %dma_wait3A_207 = arith.constant 0 : i32
      %dma_wait3A_208 = tpu.memref_slice %arg7[%dma_wait3A_206, %dma_wait3A_207] : memref<128x128xf32, #tpu.memory_space<vmem>> -> memref<125x128xf32, #tpu.memory_space<vmem>>
      %dma_wait3A_209 = arith.constant 0 : i32
      %dma_wait3A_210 = tpu.memref_slice %arg5[%select_n3A_153, %dma_wait3A_205, %dma_wait3A_209] : memref<2x8x125xi32, #tpu.memory_space<vmem>> -> memref<1x1x125xi32, #tpu.memory_space<vmem>>
      %dma_wait3A_211 = tpu.memref_squeeze %dma_wait3A_210 : memref<1x1x125xi32, #tpu.memory_space<vmem>> -> memref<125xi32, #tpu.memory_space<vmem>>
      %dma_wait3A_212 = arith.constant 0 : i32
      %dma_wait3A_213 = arith.constant 0 : i32
      %dma_wait3A_214 = tpu.memref_slice %arg2[%dma_wait3A_212, %dma_wait3A_213] : memref<10000x128xf32, #tpu.memory_space<hbm>> -> memref<10000x128xf32, #tpu.memory_space<hbm>>
      tpu.wait_indirect_dma semaphore(%arg10 : memref<!tpu.dma_semaphore, #tpu.memory_space<semaphore_mem>>) src(%dma_wait3A_214 : memref<10000x128xf32, #tpu.memory_space<hbm>>) dst(%dma_wait3A_208 : memref<125x128xf32, #tpu.memory_space<vmem>>)
      %run_scoped3A_215 = arith.constant 2 : i32
      "tpu.region"() ({
        %run_scoped3A_319 = tpu.sem_alloc : memref<!tpu.dma_semaphore, #tpu.memory_space<semaphore_mem>>
        %dma_start3A_320 = arith.constant 0 : i32
        %dma_start3A_321 = arith.constant 0 : i32
        %dma_start3A_322 = tpu.memref_slice %arg7[%dma_start3A_320, %dma_start3A_321] : memref<128x128xf32, #tpu.memory_space<vmem>> -> memref<125x128xf32, #tpu.memory_space<vmem>>
        %dma_start3A_323 = arith.constant 0 : i32
        %dma_start3A_324 = tpu.memref_slice %arg6[%select_n3A_153, %run_scoped3A_215, %dma_start3A_323] : memref<2x8x125xi32, #tpu.memory_space<vmem>> -> memref<1x1x125xi32, #tpu.memory_space<vmem>>
        %dma_start3A_325 = tpu.memref_squeeze %dma_start3A_324 : memref<1x1x125xi32, #tpu.memory_space<vmem>> -> memref<125xi32, #tpu.memory_space<vmem>>
        %dma_start3A_326 = arith.constant 0 : i32
        %dma_start3A_327 = arith.constant 0 : i32
        %dma_start3A_328 = tpu.memref_slice %arg9[%dma_start3A_326, %dma_start3A_327] : memref<10240x128xf32, #tpu.memory_space<vmem_shared>> -> memref<10240x128xf32, #tpu.memory_space<vmem_shared>>
        tpu.enqueue_indirect_dma source(%dma_start3A_322 : memref<125x128xf32, #tpu.memory_space<vmem>>) target(%dma_start3A_328 : memref<10240x128xf32, #tpu.memory_space<vmem_shared>>) offsets(%dma_start3A_325 : memref<125xi32, #tpu.memory_space<vmem>>) semaphore(%run_scoped3A_319 : memref<!tpu.dma_semaphore, #tpu.memory_space<semaphore_mem>>) {add = true}
        %dma_wait3A_329 = arith.constant 0 : i32
        %dma_wait3A_330 = arith.constant 0 : i32
        %dma_wait3A_331 = tpu.memref_slice %arg7[%dma_wait3A_329, %dma_wait3A_330] : memref<128x128xf32, #tpu.memory_space<vmem>> -> memref<125x128xf32, #tpu.memory_space<vmem>>
        %dma_wait3A_332 = arith.constant 0 : i32
        %dma_wait3A_333 = tpu.memref_slice %arg6[%select_n3A_153, %run_scoped3A_215, %dma_wait3A_332] : memref<2x8x125xi32, #tpu.memory_space<vmem>> -> memref<1x1x125xi32, #tpu.memory_space<vmem>>
        %dma_wait3A_334 = tpu.memref_squeeze %dma_wait3A_333 : memref<1x1x125xi32, #tpu.memory_space<vmem>> -> memref<125xi32, #tpu.memory_space<vmem>>
        %dma_wait3A_335 = arith.constant 0 : i32
        %dma_wait3A_336 = arith.constant 0 : i32
        %dma_wait3A_337 = tpu.memref_slice %arg9[%dma_wait3A_335, %dma_wait3A_336] : memref<10240x128xf32, #tpu.memory_space<vmem_shared>> -> memref<10240x128xf32, #tpu.memory_space<vmem_shared>>
        tpu.wait_indirect_dma semaphore(%run_scoped3A_319 : memref<!tpu.dma_semaphore, #tpu.memory_space<semaphore_mem>>) src(%dma_wait3A_331 : memref<125x128xf32, #tpu.memory_space<vmem>>) dst(%dma_wait3A_337 : memref<10240x128xf32, #tpu.memory_space<vmem_shared>>)
        tpu.yield
      }) : () -> ()
      %dma_start3A_216 = arith.constant 4 : i32
      %dma_start3A_217 = arith.constant 0 : i32
      %dma_start3A_218 = arith.constant 0 : i32
      %dma_start3A_219 = tpu.memref_slice %arg7[%dma_start3A_217, %dma_start3A_218] : memref<128x128xf32, #tpu.memory_space<vmem>> -> memref<125x128xf32, #tpu.memory_space<vmem>>
      %dma_start3A_220 = arith.constant 0 : i32
      %dma_start3A_221 = tpu.memref_slice %arg5[%select_n3A_153, %dma_start3A_216, %dma_start3A_220] : memref<2x8x125xi32, #tpu.memory_space<vmem>> -> memref<1x1x125xi32, #tpu.memory_space<vmem>>
      %dma_start3A_222 = tpu.memref_squeeze %dma_start3A_221 : memref<1x1x125xi32, #tpu.memory_space<vmem>> -> memref<125xi32, #tpu.memory_space<vmem>>
      %dma_start3A_223 = arith.constant 0 : i32
      %dma_start3A_224 = arith.constant 0 : i32
      %dma_start3A_225 = tpu.memref_slice %arg2[%dma_start3A_223, %dma_start3A_224] : memref<10000x128xf32, #tpu.memory_space<hbm>> -> memref<10000x128xf32, #tpu.memory_space<hbm>>
      tpu.enqueue_indirect_dma source(%dma_start3A_225 : memref<10000x128xf32, #tpu.memory_space<hbm>>) target(%dma_start3A_219 : memref<125x128xf32, #tpu.memory_space<vmem>>) offsets(%dma_start3A_222 : memref<125xi32, #tpu.memory_space<vmem>>) semaphore(%arg10 : memref<!tpu.dma_semaphore, #tpu.memory_space<semaphore_mem>>)
      %dma_wait3A_226 = arith.constant 3 : i32
      %dma_wait3A_227 = arith.constant 0 : i32
      %dma_wait3A_228 = arith.constant 0 : i32
      %dma_wait3A_229 = tpu.memref_slice %arg8[%dma_wait3A_227, %dma_wait3A_228] : memref<128x128xf32, #tpu.memory_space<vmem>> -> memref<125x128xf32, #tpu.memory_space<vmem>>
      %dma_wait3A_230 = arith.constant 0 : i32
      %dma_wait3A_231 = tpu.memref_slice %arg5[%select_n3A_153, %dma_wait3A_226, %dma_wait3A_230] : memref<2x8x125xi32, #tpu.memory_space<vmem>> -> memref<1x1x125xi32, #tpu.memory_space<vmem>>
      %dma_wait3A_232 = tpu.memref_squeeze %dma_wait3A_231 : memref<1x1x125xi32, #tpu.memory_space<vmem>> -> memref<125xi32, #tpu.memory_space<vmem>>
      %dma_wait3A_233 = arith.constant 0 : i32
      %dma_wait3A_234 = arith.constant 0 : i32
      %dma_wait3A_235 = tpu.memref_slice %arg2[%dma_wait3A_233, %dma_wait3A_234] : memref<10000x128xf32, #tpu.memory_space<hbm>> -> memref<10000x128xf32, #tpu.memory_space<hbm>>
      tpu.wait_indirect_dma semaphore(%arg11 : memref<!tpu.dma_semaphore, #tpu.memory_space<semaphore_mem>>) src(%dma_wait3A_235 : memref<10000x128xf32, #tpu.memory_space<hbm>>) dst(%dma_wait3A_229 : memref<125x128xf32, #tpu.memory_space<vmem>>)
      %run_scoped3A_236 = arith.constant 3 : i32
      "tpu.region"() ({
        %run_scoped3A_319 = tpu.sem_alloc : memref<!tpu.dma_semaphore, #tpu.memory_space<semaphore_mem>>
        %dma_start3A_320 = arith.constant 0 : i32
        %dma_start3A_321 = arith.constant 0 : i32
        %dma_start3A_322 = tpu.memref_slice %arg8[%dma_start3A_320, %dma_start3A_321] : memref<128x128xf32, #tpu.memory_space<vmem>> -> memref<125x128xf32, #tpu.memory_space<vmem>>
        %dma_start3A_323 = arith.constant 0 : i32
        %dma_start3A_324 = tpu.memref_slice %arg6[%select_n3A_153, %run_scoped3A_236, %dma_start3A_323] : memref<2x8x125xi32, #tpu.memory_space<vmem>> -> memref<1x1x125xi32, #tpu.memory_space<vmem>>
        %dma_start3A_325 = tpu.memref_squeeze %dma_start3A_324 : memref<1x1x125xi32, #tpu.memory_space<vmem>> -> memref<125xi32, #tpu.memory_space<vmem>>
        %dma_start3A_326 = arith.constant 0 : i32
        %dma_start3A_327 = arith.constant 0 : i32
        %dma_start3A_328 = tpu.memref_slice %arg9[%dma_start3A_326, %dma_start3A_327] : memref<10240x128xf32, #tpu.memory_space<vmem_shared>> -> memref<10240x128xf32, #tpu.memory_space<vmem_shared>>
        tpu.enqueue_indirect_dma source(%dma_start3A_322 : memref<125x128xf32, #tpu.memory_space<vmem>>) target(%dma_start3A_328 : memref<10240x128xf32, #tpu.memory_space<vmem_shared>>) offsets(%dma_start3A_325 : memref<125xi32, #tpu.memory_space<vmem>>) semaphore(%run_scoped3A_319 : memref<!tpu.dma_semaphore, #tpu.memory_space<semaphore_mem>>) {add = true}
        %dma_wait3A_329 = arith.constant 0 : i32
        %dma_wait3A_330 = arith.constant 0 : i32
        %dma_wait3A_331 = tpu.memref_slice %arg8[%dma_wait3A_329, %dma_wait3A_330] : memref<128x128xf32, #tpu.memory_space<vmem>> -> memref<125x128xf32, #tpu.memory_space<vmem>>
        %dma_wait3A_332 = arith.constant 0 : i32
        %dma_wait3A_333 = tpu.memref_slice %arg6[%select_n3A_153, %run_scoped3A_236, %dma_wait3A_332] : memref<2x8x125xi32, #tpu.memory_space<vmem>> -> memref<1x1x125xi32, #tpu.memory_space<vmem>>
        %dma_wait3A_334 = tpu.memref_squeeze %dma_wait3A_333 : memref<1x1x125xi32, #tpu.memory_space<vmem>> -> memref<125xi32, #tpu.memory_space<vmem>>
        %dma_wait3A_335 = arith.constant 0 : i32
        %dma_wait3A_336 = arith.constant 0 : i32
        %dma_wait3A_337 = tpu.memref_slice %arg9[%dma_wait3A_335, %dma_wait3A_336] : memref<10240x128xf32, #tpu.memory_space<vmem_shared>> -> memref<10240x128xf32, #tpu.memory_space<vmem_shared>>
        tpu.wait_indirect_dma semaphore(%run_scoped3A_319 : memref<!tpu.dma_semaphore, #tpu.memory_space<semaphore_mem>>) src(%dma_wait3A_331 : memref<125x128xf32, #tpu.memory_space<vmem>>) dst(%dma_wait3A_337 : memref<10240x128xf32, #tpu.memory_space<vmem_shared>>)
        tpu.yield
      }) : () -> ()
      %dma_start3A_237 = arith.constant 5 : i32
      %dma_start3A_238 = arith.constant 0 : i32
      %dma_start3A_239 = arith.constant 0 : i32
      %dma_start3A_240 = tpu.memref_slice %arg8[%dma_start3A_238, %dma_start3A_239] : memref<128x128xf32, #tpu.memory_space<vmem>> -> memref<125x128xf32, #tpu.memory_space<vmem>>
      %dma_start3A_241 = arith.constant 0 : i32
      %dma_start3A_242 = tpu.memref_slice %arg5[%select_n3A_153, %dma_start3A_237, %dma_start3A_241] : memref<2x8x125xi32, #tpu.memory_space<vmem>> -> memref<1x1x125xi32, #tpu.memory_space<vmem>>
      %dma_start3A_243 = tpu.memref_squeeze %dma_start3A_242 : memref<1x1x125xi32, #tpu.memory_space<vmem>> -> memref<125xi32, #tpu.memory_space<vmem>>
      %dma_start3A_244 = arith.constant 0 : i32
      %dma_start3A_245 = arith.constant 0 : i32
      %dma_start3A_246 = tpu.memref_slice %arg2[%dma_start3A_244, %dma_start3A_245] : memref<10000x128xf32, #tpu.memory_space<hbm>> -> memref<10000x128xf32, #tpu.memory_space<hbm>>
      tpu.enqueue_indirect_dma source(%dma_start3A_246 : memref<10000x128xf32, #tpu.memory_space<hbm>>) target(%dma_start3A_240 : memref<125x128xf32, #tpu.memory_space<vmem>>) offsets(%dma_start3A_243 : memref<125xi32, #tpu.memory_space<vmem>>) semaphore(%arg11 : memref<!tpu.dma_semaphore, #tpu.memory_space<semaphore_mem>>)
      %dma_wait3A_247 = arith.constant 4 : i32
      %dma_wait3A_248 = arith.constant 0 : i32
      %dma_wait3A_249 = arith.constant 0 : i32
      %dma_wait3A_250 = tpu.memref_slice %arg7[%dma_wait3A_248, %dma_wait3A_249] : memref<128x128xf32, #tpu.memory_space<vmem>> -> memref<125x128xf32, #tpu.memory_space<vmem>>
      %dma_wait3A_251 = arith.constant 0 : i32
      %dma_wait3A_252 = tpu.memref_slice %arg5[%select_n3A_153, %dma_wait3A_247, %dma_wait3A_251] : memref<2x8x125xi32, #tpu.memory_space<vmem>> -> memref<1x1x125xi32, #tpu.memory_space<vmem>>
      %dma_wait3A_253 = tpu.memref_squeeze %dma_wait3A_252 : memref<1x1x125xi32, #tpu.memory_space<vmem>> -> memref<125xi32, #tpu.memory_space<vmem>>
      %dma_wait3A_254 = arith.constant 0 : i32
      %dma_wait3A_255 = arith.constant 0 : i32
      %dma_wait3A_256 = tpu.memref_slice %arg2[%dma_wait3A_254, %dma_wait3A_255] : memref<10000x128xf32, #tpu.memory_space<hbm>> -> memref<10000x128xf32, #tpu.memory_space<hbm>>
      tpu.wait_indirect_dma semaphore(%arg10 : memref<!tpu.dma_semaphore, #tpu.memory_space<semaphore_mem>>) src(%dma_wait3A_256 : memref<10000x128xf32, #tpu.memory_space<hbm>>) dst(%dma_wait3A_250 : memref<125x128xf32, #tpu.memory_space<vmem>>)
      %run_scoped3A_257 = arith.constant 4 : i32
      "tpu.region"() ({
        %run_scoped3A_319 = tpu.sem_alloc : memref<!tpu.dma_semaphore, #tpu.memory_space<semaphore_mem>>
        %dma_start3A_320 = arith.constant 0 : i32
        %dma_start3A_321 = arith.constant 0 : i32
        %dma_start3A_322 = tpu.memref_slice %arg7[%dma_start3A_320, %dma_start3A_321] : memref<128x128xf32, #tpu.memory_space<vmem>> -> memref<125x128xf32, #tpu.memory_space<vmem>>
        %dma_start3A_323 = arith.constant 0 : i32
        %dma_start3A_324 = tpu.memref_slice %arg6[%select_n3A_153, %run_scoped3A_257, %dma_start3A_323] : memref<2x8x125xi32, #tpu.memory_space<vmem>> -> memref<1x1x125xi32, #tpu.memory_space<vmem>>
        %dma_start3A_325 = tpu.memref_squeeze %dma_start3A_324 : memref<1x1x125xi32, #tpu.memory_space<vmem>> -> memref<125xi32, #tpu.memory_space<vmem>>
        %dma_start3A_326 = arith.constant 0 : i32
        %dma_start3A_327 = arith.constant 0 : i32
        %dma_start3A_328 = tpu.memref_slice %arg9[%dma_start3A_326, %dma_start3A_327] : memref<10240x128xf32, #tpu.memory_space<vmem_shared>> -> memref<10240x128xf32, #tpu.memory_space<vmem_shared>>
        tpu.enqueue_indirect_dma source(%dma_start3A_322 : memref<125x128xf32, #tpu.memory_space<vmem>>) target(%dma_start3A_328 : memref<10240x128xf32, #tpu.memory_space<vmem_shared>>) offsets(%dma_start3A_325 : memref<125xi32, #tpu.memory_space<vmem>>) semaphore(%run_scoped3A_319 : memref<!tpu.dma_semaphore, #tpu.memory_space<semaphore_mem>>) {add = true}
        %dma_wait3A_329 = arith.constant 0 : i32
        %dma_wait3A_330 = arith.constant 0 : i32
        %dma_wait3A_331 = tpu.memref_slice %arg7[%dma_wait3A_329, %dma_wait3A_330] : memref<128x128xf32, #tpu.memory_space<vmem>> -> memref<125x128xf32, #tpu.memory_space<vmem>>
        %dma_wait3A_332 = arith.constant 0 : i32
        %dma_wait3A_333 = tpu.memref_slice %arg6[%select_n3A_153, %run_scoped3A_257, %dma_wait3A_332] : memref<2x8x125xi32, #tpu.memory_space<vmem>> -> memref<1x1x125xi32, #tpu.memory_space<vmem>>
        %dma_wait3A_334 = tpu.memref_squeeze %dma_wait3A_333 : memref<1x1x125xi32, #tpu.memory_space<vmem>> -> memref<125xi32, #tpu.memory_space<vmem>>
        %dma_wait3A_335 = arith.constant 0 : i32
        %dma_wait3A_336 = arith.constant 0 : i32
        %dma_wait3A_337 = tpu.memref_slice %arg9[%dma_wait3A_335, %dma_wait3A_336] : memref<10240x128xf32, #tpu.memory_space<vmem_shared>> -> memref<10240x128xf32, #tpu.memory_space<vmem_shared>>
        tpu.wait_indirect_dma semaphore(%run_scoped3A_319 : memref<!tpu.dma_semaphore, #tpu.memory_space<semaphore_mem>>) src(%dma_wait3A_331 : memref<125x128xf32, #tpu.memory_space<vmem>>) dst(%dma_wait3A_337 : memref<10240x128xf32, #tpu.memory_space<vmem_shared>>)
        tpu.yield
      }) : () -> ()
      %dma_start3A_258 = arith.constant 6 : i32
      %dma_start3A_259 = arith.constant 0 : i32
      %dma_start3A_260 = arith.constant 0 : i32
      %dma_start3A_261 = tpu.memref_slice %arg7[%dma_start3A_259, %dma_start3A_260] : memref<128x128xf32, #tpu.memory_space<vmem>> -> memref<125x128xf32, #tpu.memory_space<vmem>>
      %dma_start3A_262 = arith.constant 0 : i32
      %dma_start3A_263 = tpu.memref_slice %arg5[%select_n3A_153, %dma_start3A_258, %dma_start3A_262] : memref<2x8x125xi32, #tpu.memory_space<vmem>> -> memref<1x1x125xi32, #tpu.memory_space<vmem>>
      %dma_start3A_264 = tpu.memref_squeeze %dma_start3A_263 : memref<1x1x125xi32, #tpu.memory_space<vmem>> -> memref<125xi32, #tpu.memory_space<vmem>>
      %dma_start3A_265 = arith.constant 0 : i32
      %dma_start3A_266 = arith.constant 0 : i32
      %dma_start3A_267 = tpu.memref_slice %arg2[%dma_start3A_265, %dma_start3A_266] : memref<10000x128xf32, #tpu.memory_space<hbm>> -> memref<10000x128xf32, #tpu.memory_space<hbm>>
      tpu.enqueue_indirect_dma source(%dma_start3A_267 : memref<10000x128xf32, #tpu.memory_space<hbm>>) target(%dma_start3A_261 : memref<125x128xf32, #tpu.memory_space<vmem>>) offsets(%dma_start3A_264 : memref<125xi32, #tpu.memory_space<vmem>>) semaphore(%arg10 : memref<!tpu.dma_semaphore, #tpu.memory_space<semaphore_mem>>)
      %dma_wait3A_268 = arith.constant 5 : i32
      %dma_wait3A_269 = arith.constant 0 : i32
      %dma_wait3A_270 = arith.constant 0 : i32
      %dma_wait3A_271 = tpu.memref_slice %arg8[%dma_wait3A_269, %dma_wait3A_270] : memref<128x128xf32, #tpu.memory_space<vmem>> -> memref<125x128xf32, #tpu.memory_space<vmem>>
      %dma_wait3A_272 = arith.constant 0 : i32
      %dma_wait3A_273 = tpu.memref_slice %arg5[%select_n3A_153, %dma_wait3A_268, %dma_wait3A_272] : memref<2x8x125xi32, #tpu.memory_space<vmem>> -> memref<1x1x125xi32, #tpu.memory_space<vmem>>
      %dma_wait3A_274 = tpu.memref_squeeze %dma_wait3A_273 : memref<1x1x125xi32, #tpu.memory_space<vmem>> -> memref<125xi32, #tpu.memory_space<vmem>>
      %dma_wait3A_275 = arith.constant 0 : i32
      %dma_wait3A_276 = arith.constant 0 : i32
      %dma_wait3A_277 = tpu.memref_slice %arg2[%dma_wait3A_275, %dma_wait3A_276] : memref<10000x128xf32, #tpu.memory_space<hbm>> -> memref<10000x128xf32, #tpu.memory_space<hbm>>
      tpu.wait_indirect_dma semaphore(%arg11 : memref<!tpu.dma_semaphore, #tpu.memory_space<semaphore_mem>>) src(%dma_wait3A_277 : memref<10000x128xf32, #tpu.memory_space<hbm>>) dst(%dma_wait3A_271 : memref<125x128xf32, #tpu.memory_space<vmem>>)
      %run_scoped3A_278 = arith.constant 5 : i32
      "tpu.region"() ({
        %run_scoped3A_319 = tpu.sem_alloc : memref<!tpu.dma_semaphore, #tpu.memory_space<semaphore_mem>>
        %dma_start3A_320 = arith.constant 0 : i32
        %dma_start3A_321 = arith.constant 0 : i32
        %dma_start3A_322 = tpu.memref_slice %arg8[%dma_start3A_320, %dma_start3A_321] : memref<128x128xf32, #tpu.memory_space<vmem>> -> memref<125x128xf32, #tpu.memory_space<vmem>>
        %dma_start3A_323 = arith.constant 0 : i32
        %dma_start3A_324 = tpu.memref_slice %arg6[%select_n3A_153, %run_scoped3A_278, %dma_start3A_323] : memref<2x8x125xi32, #tpu.memory_space<vmem>> -> memref<1x1x125xi32, #tpu.memory_space<vmem>>
        %dma_start3A_325 = tpu.memref_squeeze %dma_start3A_324 : memref<1x1x125xi32, #tpu.memory_space<vmem>> -> memref<125xi32, #tpu.memory_space<vmem>>
        %dma_start3A_326 = arith.constant 0 : i32
        %dma_start3A_327 = arith.constant 0 : i32
        %dma_start3A_328 = tpu.memref_slice %arg9[%dma_start3A_326, %dma_start3A_327] : memref<10240x128xf32, #tpu.memory_space<vmem_shared>> -> memref<10240x128xf32, #tpu.memory_space<vmem_shared>>
        tpu.enqueue_indirect_dma source(%dma_start3A_322 : memref<125x128xf32, #tpu.memory_space<vmem>>) target(%dma_start3A_328 : memref<10240x128xf32, #tpu.memory_space<vmem_shared>>) offsets(%dma_start3A_325 : memref<125xi32, #tpu.memory_space<vmem>>) semaphore(%run_scoped3A_319 : memref<!tpu.dma_semaphore, #tpu.memory_space<semaphore_mem>>) {add = true}
        %dma_wait3A_329 = arith.constant 0 : i32
        %dma_wait3A_330 = arith.constant 0 : i32
        %dma_wait3A_331 = tpu.memref_slice %arg8[%dma_wait3A_329, %dma_wait3A_330] : memref<128x128xf32, #tpu.memory_space<vmem>> -> memref<125x128xf32, #tpu.memory_space<vmem>>
        %dma_wait3A_332 = arith.constant 0 : i32
        %dma_wait3A_333 = tpu.memref_slice %arg6[%select_n3A_153, %run_scoped3A_278, %dma_wait3A_332] : memref<2x8x125xi32, #tpu.memory_space<vmem>> -> memref<1x1x125xi32, #tpu.memory_space<vmem>>
        %dma_wait3A_334 = tpu.memref_squeeze %dma_wait3A_333 : memref<1x1x125xi32, #tpu.memory_space<vmem>> -> memref<125xi32, #tpu.memory_space<vmem>>
        %dma_wait3A_335 = arith.constant 0 : i32
        %dma_wait3A_336 = arith.constant 0 : i32
        %dma_wait3A_337 = tpu.memref_slice %arg9[%dma_wait3A_335, %dma_wait3A_336] : memref<10240x128xf32, #tpu.memory_space<vmem_shared>> -> memref<10240x128xf32, #tpu.memory_space<vmem_shared>>
        tpu.wait_indirect_dma semaphore(%run_scoped3A_319 : memref<!tpu.dma_semaphore, #tpu.memory_space<semaphore_mem>>) src(%dma_wait3A_331 : memref<125x128xf32, #tpu.memory_space<vmem>>) dst(%dma_wait3A_337 : memref<10240x128xf32, #tpu.memory_space<vmem_shared>>)
        tpu.yield
      }) : () -> ()
      %dma_start3A_279 = arith.constant 7 : i32
      %dma_start3A_280 = arith.constant 0 : i32
      %dma_start3A_281 = arith.constant 0 : i32
      %dma_start3A_282 = tpu.memref_slice %arg8[%dma_start3A_280, %dma_start3A_281] : memref<128x128xf32, #tpu.memory_space<vmem>> -> memref<125x128xf32, #tpu.memory_space<vmem>>
      %dma_start3A_283 = arith.constant 0 : i32
      %dma_start3A_284 = tpu.memref_slice %arg5[%select_n3A_153, %dma_start3A_279, %dma_start3A_283] : memref<2x8x125xi32, #tpu.memory_space<vmem>> -> memref<1x1x125xi32, #tpu.memory_space<vmem>>
      %dma_start3A_285 = tpu.memref_squeeze %dma_start3A_284 : memref<1x1x125xi32, #tpu.memory_space<vmem>> -> memref<125xi32, #tpu.memory_space<vmem>>
      %dma_start3A_286 = arith.constant 0 : i32
      %dma_start3A_287 = arith.constant 0 : i32
      %dma_start3A_288 = tpu.memref_slice %arg2[%dma_start3A_286, %dma_start3A_287] : memref<10000x128xf32, #tpu.memory_space<hbm>> -> memref<10000x128xf32, #tpu.memory_space<hbm>>
      tpu.enqueue_indirect_dma source(%dma_start3A_288 : memref<10000x128xf32, #tpu.memory_space<hbm>>) target(%dma_start3A_282 : memref<125x128xf32, #tpu.memory_space<vmem>>) offsets(%dma_start3A_285 : memref<125xi32, #tpu.memory_space<vmem>>) semaphore(%arg11 : memref<!tpu.dma_semaphore, #tpu.memory_space<semaphore_mem>>)
      %dma_wait3A_289 = arith.constant 6 : i32
      %dma_wait3A_290 = arith.constant 0 : i32
      %dma_wait3A_291 = arith.constant 0 : i32
      %dma_wait3A_292 = tpu.memref_slice %arg7[%dma_wait3A_290, %dma_wait3A_291] : memref<128x128xf32, #tpu.memory_space<vmem>> -> memref<125x128xf32, #tpu.memory_space<vmem>>
      %dma_wait3A_293 = arith.constant 0 : i32
      %dma_wait3A_294 = tpu.memref_slice %arg5[%select_n3A_153, %dma_wait3A_289, %dma_wait3A_293] : memref<2x8x125xi32, #tpu.memory_space<vmem>> -> memref<1x1x125xi32, #tpu.memory_space<vmem>>
      %dma_wait3A_295 = tpu.memref_squeeze %dma_wait3A_294 : memref<1x1x125xi32, #tpu.memory_space<vmem>> -> memref<125xi32, #tpu.memory_space<vmem>>
      %dma_wait3A_296 = arith.constant 0 : i32
      %dma_wait3A_297 = arith.constant 0 : i32
      %dma_wait3A_298 = tpu.memref_slice %arg2[%dma_wait3A_296, %dma_wait3A_297] : memref<10000x128xf32, #tpu.memory_space<hbm>> -> memref<10000x128xf32, #tpu.memory_space<hbm>>
      tpu.wait_indirect_dma semaphore(%arg10 : memref<!tpu.dma_semaphore, #tpu.memory_space<semaphore_mem>>) src(%dma_wait3A_298 : memref<10000x128xf32, #tpu.memory_space<hbm>>) dst(%dma_wait3A_292 : memref<125x128xf32, #tpu.memory_space<vmem>>)
      %run_scoped3A_299 = arith.constant 6 : i32
      "tpu.region"() ({
        %run_scoped3A_319 = tpu.sem_alloc : memref<!tpu.dma_semaphore, #tpu.memory_space<semaphore_mem>>
        %dma_start3A_320 = arith.constant 0 : i32
        %dma_start3A_321 = arith.constant 0 : i32
        %dma_start3A_322 = tpu.memref_slice %arg7[%dma_start3A_320, %dma_start3A_321] : memref<128x128xf32, #tpu.memory_space<vmem>> -> memref<125x128xf32, #tpu.memory_space<vmem>>
        %dma_start3A_323 = arith.constant 0 : i32
        %dma_start3A_324 = tpu.memref_slice %arg6[%select_n3A_153, %run_scoped3A_299, %dma_start3A_323] : memref<2x8x125xi32, #tpu.memory_space<vmem>> -> memref<1x1x125xi32, #tpu.memory_space<vmem>>
        %dma_start3A_325 = tpu.memref_squeeze %dma_start3A_324 : memref<1x1x125xi32, #tpu.memory_space<vmem>> -> memref<125xi32, #tpu.memory_space<vmem>>
        %dma_start3A_326 = arith.constant 0 : i32
        %dma_start3A_327 = arith.constant 0 : i32
        %dma_start3A_328 = tpu.memref_slice %arg9[%dma_start3A_326, %dma_start3A_327] : memref<10240x128xf32, #tpu.memory_space<vmem_shared>> -> memref<10240x128xf32, #tpu.memory_space<vmem_shared>>
        tpu.enqueue_indirect_dma source(%dma_start3A_322 : memref<125x128xf32, #tpu.memory_space<vmem>>) target(%dma_start3A_328 : memref<10240x128xf32, #tpu.memory_space<vmem_shared>>) offsets(%dma_start3A_325 : memref<125xi32, #tpu.memory_space<vmem>>) semaphore(%run_scoped3A_319 : memref<!tpu.dma_semaphore, #tpu.memory_space<semaphore_mem>>) {add = true}
        %dma_wait3A_329 = arith.constant 0 : i32
        %dma_wait3A_330 = arith.constant 0 : i32
        %dma_wait3A_331 = tpu.memref_slice %arg7[%dma_wait3A_329, %dma_wait3A_330] : memref<128x128xf32, #tpu.memory_space<vmem>> -> memref<125x128xf32, #tpu.memory_space<vmem>>
        %dma_wait3A_332 = arith.constant 0 : i32
        %dma_wait3A_333 = tpu.memref_slice %arg6[%select_n3A_153, %run_scoped3A_299, %dma_wait3A_332] : memref<2x8x125xi32, #tpu.memory_space<vmem>> -> memref<1x1x125xi32, #tpu.memory_space<vmem>>
        %dma_wait3A_334 = tpu.memref_squeeze %dma_wait3A_333 : memref<1x1x125xi32, #tpu.memory_space<vmem>> -> memref<125xi32, #tpu.memory_space<vmem>>
        %dma_wait3A_335 = arith.constant 0 : i32
        %dma_wait3A_336 = arith.constant 0 : i32
        %dma_wait3A_337 = tpu.memref_slice %arg9[%dma_wait3A_335, %dma_wait3A_336] : memref<10240x128xf32, #tpu.memory_space<vmem_shared>> -> memref<10240x128xf32, #tpu.memory_space<vmem_shared>>
        tpu.wait_indirect_dma semaphore(%run_scoped3A_319 : memref<!tpu.dma_semaphore, #tpu.memory_space<semaphore_mem>>) src(%dma_wait3A_331 : memref<125x128xf32, #tpu.memory_space<vmem>>) dst(%dma_wait3A_337 : memref<10240x128xf32, #tpu.memory_space<vmem_shared>>)
        tpu.yield
      }) : () -> ()
      %lt3A_300 = arith.constant 9 : i32
      %lt3A_301 = arith.cmpi slt, %scan3A_144, %lt3A_300 : i32
      %convert_element_type3A = arith.extui %lt3A_301 : i1 to i32
      %cond3A = arith.constant 0 : i32
      %cond3A_302 = arith.cmpi ne, %convert_element_type3A, %cond3A : i32
      scf.if %cond3A_302 {
        %dma_wait3A_319 = arith.constant 0 : i32
        %dma_wait3A_320 = arith.constant 0 : i32
        %dma_wait3A_321 = arith.constant 0 : i32
        %dma_wait3A_322 = arith.constant 0 : i32
        %dma_wait3A_323 = tpu.memref_slice %arg5[%dma_wait3A_320, %dma_wait3A_321, %dma_wait3A_322] : memref<2x8x125xi32, #tpu.memory_space<vmem>> -> memref<1x8x125xi32, #tpu.memory_space<vmem>>
        %dma_wait3A_324 = tpu.memref_squeeze %dma_wait3A_323 : memref<1x8x125xi32, #tpu.memory_space<vmem>> -> memref<8x125xi32, #tpu.memory_space<vmem>>
        %dma_wait3A_325 = arith.constant 0 : i32
        %dma_wait3A_326 = arith.constant 0 : i32
        %dma_wait3A_327 = tpu.memref_slice %arg3[%dma_wait3A_319, %add3A, %dma_wait3A_325, %dma_wait3A_326] : memref<2x32x80x125xi32, #tpu.memory_space<hbm>> -> memref<1x1x8x125xi32, #tpu.memory_space<hbm>>
        %dma_wait3A_328 = tpu.memref_squeeze %dma_wait3A_327 : memref<1x1x8x125xi32, #tpu.memory_space<hbm>> -> memref<8x125xi32, #tpu.memory_space<hbm>>
        %dma_wait3A_329 = arith.constant 0 : i32
        %dma_wait3A_330 = arith.constant 0 : i32
        %dma_wait3A_331 = tpu.memref_slice %arg5[%dma_wait3A_320, %dma_wait3A_329, %dma_wait3A_330] : memref<2x8x125xi32, #tpu.memory_space<vmem>> -> memref<1x8x125xi32, #tpu.memory_space<vmem>>
        %dma_wait3A_332 = tpu.memref_squeeze %dma_wait3A_331 : memref<1x8x125xi32, #tpu.memory_space<vmem>> -> memref<8x125xi32, #tpu.memory_space<vmem>>
        %dma_wait3A_333 = arith.constant 0 : i32
        %dma_wait3A_334 = arith.constant 0 : i32
        %dma_wait3A_335 = tpu.memref_slice %arg3[%dma_wait3A_319, %add3A, %dma_wait3A_333, %dma_wait3A_334] : memref<2x32x80x125xi32, #tpu.memory_space<hbm>> -> memref<1x1x8x125xi32, #tpu.memory_space<hbm>>
        %dma_wait3A_336 = tpu.memref_squeeze %dma_wait3A_335 : memref<1x1x8x125xi32, #tpu.memory_space<hbm>> -> memref<8x125xi32, #tpu.memory_space<hbm>>
        tpu.wait_dma2 semaphore(%arg12 : memref<!tpu.dma_semaphore, #tpu.memory_space<semaphore_mem>>) src(%dma_wait3A_336 : memref<8x125xi32, #tpu.memory_space<hbm>>) dst(%dma_wait3A_332 : memref<8x125xi32, #tpu.memory_space<vmem>>)
        %dma_wait3A_337 = arith.constant 1 : i32
        %dma_wait3A_338 = arith.constant 0 : i32
        %dma_wait3A_339 = arith.constant 0 : i32
        %dma_wait3A_340 = arith.constant 0 : i32
        %dma_wait3A_341 = tpu.memref_slice %arg6[%dma_wait3A_338, %dma_wait3A_339, %dma_wait3A_340] : memref<2x8x125xi32, #tpu.memory_space<vmem>> -> memref<1x8x125xi32, #tpu.memory_space<vmem>>
        %dma_wait3A_342 = tpu.memref_squeeze %dma_wait3A_341 : memref<1x8x125xi32, #tpu.memory_space<vmem>> -> memref<8x125xi32, #tpu.memory_space<vmem>>
        %dma_wait3A_343 = arith.constant 0 : i32
        %dma_wait3A_344 = arith.constant 0 : i32
        %dma_wait3A_345 = tpu.memref_slice %arg3[%dma_wait3A_337, %add3A, %dma_wait3A_343, %dma_wait3A_344] : memref<2x32x80x125xi32, #tpu.memory_space<hbm>> -> memref<1x1x8x125xi32, #tpu.memory_space<hbm>>
        %dma_wait3A_346 = tpu.memref_squeeze %dma_wait3A_345 : memref<1x1x8x125xi32, #tpu.memory_space<hbm>> -> memref<8x125xi32, #tpu.memory_space<hbm>>
        %dma_wait3A_347 = arith.constant 0 : i32
        %dma_wait3A_348 = arith.constant 0 : i32
        %dma_wait3A_349 = tpu.memref_slice %arg6[%dma_wait3A_338, %dma_wait3A_347, %dma_wait3A_348] : memref<2x8x125xi32, #tpu.memory_space<vmem>> -> memref<1x8x125xi32, #tpu.memory_space<vmem>>
        %dma_wait3A_350 = tpu.memref_squeeze %dma_wait3A_349 : memref<1x8x125xi32, #tpu.memory_space<vmem>> -> memref<8x125xi32, #tpu.memory_space<vmem>>
        %dma_wait3A_351 = arith.constant 0 : i32
        %dma_wait3A_352 = arith.constant 0 : i32
        %dma_wait3A_353 = tpu.memref_slice %arg3[%dma_wait3A_337, %add3A, %dma_wait3A_351, %dma_wait3A_352] : memref<2x32x80x125xi32, #tpu.memory_space<hbm>> -> memref<1x1x8x125xi32, #tpu.memory_space<hbm>>
        %dma_wait3A_354 = tpu.memref_squeeze %dma_wait3A_353 : memref<1x1x8x125xi32, #tpu.memory_space<hbm>> -> memref<8x125xi32, #tpu.memory_space<hbm>>
        tpu.wait_dma2 semaphore(%arg12 : memref<!tpu.dma_semaphore, #tpu.memory_space<semaphore_mem>>) src(%dma_wait3A_354 : memref<8x125xi32, #tpu.memory_space<hbm>>) dst(%dma_wait3A_350 : memref<8x125xi32, #tpu.memory_space<vmem>>)
        %sub3A = arith.constant 1 : i32
        %sub3A_355 = arith.subi %sub3A, %select_n3A_153 : i32
        %dma_start3A_356 = arith.constant 0 : i32
        %dma_start3A_357 = arith.constant 0 : i32
        %dma_start3A_358 = arith.constant 0 : i32
        %dma_start3A_359 = tpu.memref_slice %arg7[%dma_start3A_357, %dma_start3A_358] : memref<128x128xf32, #tpu.memory_space<vmem>> -> memref<125x128xf32, #tpu.memory_space<vmem>>
        %dma_start3A_360 = arith.constant 0 : i32
        %dma_start3A_361 = tpu.memref_slice %arg5[%sub3A_355, %dma_start3A_356, %dma_start3A_360] : memref<2x8x125xi32, #tpu.memory_space<vmem>> -> memref<1x1x125xi32, #tpu.memory_space<vmem>>
        %dma_start3A_362 = tpu.memref_squeeze %dma_start3A_361 : memref<1x1x125xi32, #tpu.memory_space<vmem>> -> memref<125xi32, #tpu.memory_space<vmem>>
        %dma_start3A_363 = arith.constant 0 : i32
        %dma_start3A_364 = arith.constant 0 : i32
        %dma_start3A_365 = tpu.memref_slice %arg2[%dma_start3A_363, %dma_start3A_364] : memref<10000x128xf32, #tpu.memory_space<hbm>> -> memref<10000x128xf32, #tpu.memory_space<hbm>>
        tpu.enqueue_indirect_dma source(%dma_start3A_365 : memref<10000x128xf32, #tpu.memory_space<hbm>>) target(%dma_start3A_359 : memref<125x128xf32, #tpu.memory_space<vmem>>) offsets(%dma_start3A_362 : memref<125xi32, #tpu.memory_space<vmem>>) semaphore(%arg10 : memref<!tpu.dma_semaphore, #tpu.memory_space<semaphore_mem>>)
      } else {
      }
      %dma_wait3A_303 = arith.constant 7 : i32
      %dma_wait3A_304 = arith.constant 0 : i32
      %dma_wait3A_305 = arith.constant 0 : i32
      %dma_wait3A_306 = tpu.memref_slice %arg8[%dma_wait3A_304, %dma_wait3A_305] : memref<128x128xf32, #tpu.memory_space<vmem>> -> memref<125x128xf32, #tpu.memory_space<vmem>>
      %dma_wait3A_307 = arith.constant 0 : i32
      %dma_wait3A_308 = tpu.memref_slice %arg5[%select_n3A_153, %dma_wait3A_303, %dma_wait3A_307] : memref<2x8x125xi32, #tpu.memory_space<vmem>> -> memref<1x1x125xi32, #tpu.memory_space<vmem>>
      %dma_wait3A_309 = tpu.memref_squeeze %dma_wait3A_308 : memref<1x1x125xi32, #tpu.memory_space<vmem>> -> memref<125xi32, #tpu.memory_space<vmem>>
      %dma_wait3A_310 = arith.constant 0 : i32
      %dma_wait3A_311 = arith.constant 0 : i32
      %dma_wait3A_312 = tpu.memref_slice %arg2[%dma_wait3A_310, %dma_wait3A_311] : memref<10000x128xf32, #tpu.memory_space<hbm>> -> memref<10000x128xf32, #tpu.memory_space<hbm>>
      tpu.wait_indirect_dma semaphore(%arg11 : memref<!tpu.dma_semaphore, #tpu.memory_space<semaphore_mem>>) src(%dma_wait3A_312 : memref<10000x128xf32, #tpu.memory_space<hbm>>) dst(%dma_wait3A_306 : memref<125x128xf32, #tpu.memory_space<vmem>>)
      %run_scoped3A_313 = arith.constant 7 : i32
      "tpu.region"() ({
        %run_scoped3A_319 = tpu.sem_alloc : memref<!tpu.dma_semaphore, #tpu.memory_space<semaphore_mem>>
        %dma_start3A_320 = arith.constant 0 : i32
        %dma_start3A_321 = arith.constant 0 : i32
        %dma_start3A_322 = tpu.memref_slice %arg8[%dma_start3A_320, %dma_start3A_321] : memref<128x128xf32, #tpu.memory_space<vmem>> -> memref<125x128xf32, #tpu.memory_space<vmem>>
        %dma_start3A_323 = arith.constant 0 : i32
        %dma_start3A_324 = tpu.memref_slice %arg6[%select_n3A_153, %run_scoped3A_313, %dma_start3A_323] : memref<2x8x125xi32, #tpu.memory_space<vmem>> -> memref<1x1x125xi32, #tpu.memory_space<vmem>>
        %dma_start3A_325 = tpu.memref_squeeze %dma_start3A_324 : memref<1x1x125xi32, #tpu.memory_space<vmem>> -> memref<125xi32, #tpu.memory_space<vmem>>
        %dma_start3A_326 = arith.constant 0 : i32
        %dma_start3A_327 = arith.constant 0 : i32
        %dma_start3A_328 = tpu.memref_slice %arg9[%dma_start3A_326, %dma_start3A_327] : memref<10240x128xf32, #tpu.memory_space<vmem_shared>> -> memref<10240x128xf32, #tpu.memory_space<vmem_shared>>
        tpu.enqueue_indirect_dma source(%dma_start3A_322 : memref<125x128xf32, #tpu.memory_space<vmem>>) target(%dma_start3A_328 : memref<10240x128xf32, #tpu.memory_space<vmem_shared>>) offsets(%dma_start3A_325 : memref<125xi32, #tpu.memory_space<vmem>>) semaphore(%run_scoped3A_319 : memref<!tpu.dma_semaphore, #tpu.memory_space<semaphore_mem>>) {add = true}
        %dma_wait3A_329 = arith.constant 0 : i32
        %dma_wait3A_330 = arith.constant 0 : i32
        %dma_wait3A_331 = tpu.memref_slice %arg8[%dma_wait3A_329, %dma_wait3A_330] : memref<128x128xf32, #tpu.memory_space<vmem>> -> memref<125x128xf32, #tpu.memory_space<vmem>>
        %dma_wait3A_332 = arith.constant 0 : i32
        %dma_wait3A_333 = tpu.memref_slice %arg6[%select_n3A_153, %run_scoped3A_313, %dma_wait3A_332] : memref<2x8x125xi32, #tpu.memory_space<vmem>> -> memref<1x1x125xi32, #tpu.memory_space<vmem>>
        %dma_wait3A_334 = tpu.memref_squeeze %dma_wait3A_333 : memref<1x1x125xi32, #tpu.memory_space<vmem>> -> memref<125xi32, #tpu.memory_space<vmem>>
        %dma_wait3A_335 = arith.constant 0 : i32
        %dma_wait3A_336 = arith.constant 0 : i32
        %dma_wait3A_337 = tpu.memref_slice %arg9[%dma_wait3A_335, %dma_wait3A_336] : memref<10240x128xf32, #tpu.memory_space<vmem_shared>> -> memref<10240x128xf32, #tpu.memory_space<vmem_shared>>
        tpu.wait_indirect_dma semaphore(%run_scoped3A_319 : memref<!tpu.dma_semaphore, #tpu.memory_space<semaphore_mem>>) src(%dma_wait3A_331 : memref<125x128xf32, #tpu.memory_space<vmem>>) dst(%dma_wait3A_337 : memref<10240x128xf32, #tpu.memory_space<vmem_shared>>)
        tpu.yield
      }) : () -> ()
      %lt3A_314 = arith.constant 8 : i32
      %lt3A_315 = arith.cmpi slt, %scan3A_144, %lt3A_314 : i32
      %convert_element_type3A_316 = arith.extui %lt3A_315 : i1 to i32
      %cond3A_317 = arith.constant 0 : i32
      %cond3A_318 = arith.cmpi ne, %convert_element_type3A_316, %cond3A_317 : i32
      scf.if %cond3A_318 {
        %add3A_319 = arith.constant 2 : i32
        %add3A_320 = arith.addi %scan3A_144, %add3A_319 : i32
        %mul3A_321 = arith.constant 8 : i32
        %mul3A_322 = arith.muli %add3A_320, %mul3A_321 : i32
        %dma_start3A_323 = arith.constant 0 : i32
        %dma_start3A_324 = arith.constant 0 : i32
        %dma_start3A_325 = arith.constant 0 : i32
        %dma_start3A_326 = tpu.memref_slice %arg5[%select_n3A_153, %dma_start3A_324, %dma_start3A_325] : memref<2x8x125xi32, #tpu.memory_space<vmem>> -> memref<1x8x125xi32, #tpu.memory_space<vmem>>
        %dma_start3A_327 = tpu.memref_squeeze %dma_start3A_326 : memref<1x8x125xi32, #tpu.memory_space<vmem>> -> memref<8x125xi32, #tpu.memory_space<vmem>>
        %dma_start3A_328 = arith.constant 0 : i32
        %dma_start3A_329 = tpu.memref_slice %arg3[%dma_start3A_323, %add3A, %mul3A_322, %dma_start3A_328] : memref<2x32x80x125xi32, #tpu.memory_space<hbm>> -> memref<1x1x8x125xi32, #tpu.memory_space<hbm>>
        %dma_start3A_330 = tpu.memref_squeeze %dma_start3A_329 : memref<1x1x8x125xi32, #tpu.memory_space<hbm>> -> memref<8x125xi32, #tpu.memory_space<hbm>>
        %dma_start3A_331 = arith.constant 0 : i32
        %dma_start3A_332 = arith.constant 0 : i32
        %dma_start3A_333 = tpu.memref_slice %arg5[%select_n3A_153, %dma_start3A_331, %dma_start3A_332] : memref<2x8x125xi32, #tpu.memory_space<vmem>> -> memref<1x8x125xi32, #tpu.memory_space<vmem>>
        %dma_start3A_334 = tpu.memref_squeeze %dma_start3A_333 : memref<1x8x125xi32, #tpu.memory_space<vmem>> -> memref<8x125xi32, #tpu.memory_space<vmem>>
        %dma_start3A_335 = arith.constant 0 : i32
        %dma_start3A_336 = tpu.memref_slice %arg3[%dma_start3A_323, %add3A, %mul3A_322, %dma_start3A_335] : memref<2x32x80x125xi32, #tpu.memory_space<hbm>> -> memref<1x1x8x125xi32, #tpu.memory_space<hbm>>
        %dma_start3A_337 = tpu.memref_squeeze %dma_start3A_336 : memref<1x1x8x125xi32, #tpu.memory_space<hbm>> -> memref<8x125xi32, #tpu.memory_space<hbm>>
        tpu.enqueue_dma source(%dma_start3A_337 : memref<8x125xi32, #tpu.memory_space<hbm>>) target(%dma_start3A_334 : memref<8x125xi32, #tpu.memory_space<vmem>>) target_semaphore(%arg12 : memref<!tpu.dma_semaphore, #tpu.memory_space<semaphore_mem>>)
        %add3A_338 = arith.constant 2 : i32
        %add3A_339 = arith.addi %scan3A_144, %add3A_338 : i32
        %mul3A_340 = arith.constant 8 : i32
        %mul3A_341 = arith.muli %add3A_339, %mul3A_340 : i32
        %dma_start3A_342 = arith.constant 1 : i32
        %dma_start3A_343 = arith.constant 0 : i32
        %dma_start3A_344 = arith.constant 0 : i32
        %dma_start3A_345 = tpu.memref_slice %arg6[%select_n3A_153, %dma_start3A_343, %dma_start3A_344] : memref<2x8x125xi32, #tpu.memory_space<vmem>> -> memref<1x8x125xi32, #tpu.memory_space<vmem>>
        %dma_start3A_346 = tpu.memref_squeeze %dma_start3A_345 : memref<1x8x125xi32, #tpu.memory_space<vmem>> -> memref<8x125xi32, #tpu.memory_space<vmem>>
        %dma_start3A_347 = arith.constant 0 : i32
        %dma_start3A_348 = tpu.memref_slice %arg3[%dma_start3A_342, %add3A, %mul3A_341, %dma_start3A_347] : memref<2x32x80x125xi32, #tpu.memory_space<hbm>> -> memref<1x1x8x125xi32, #tpu.memory_space<hbm>>
        %dma_start3A_349 = tpu.memref_squeeze %dma_start3A_348 : memref<1x1x8x125xi32, #tpu.memory_space<hbm>> -> memref<8x125xi32, #tpu.memory_space<hbm>>
        %dma_start3A_350 = arith.constant 0 : i32
        %dma_start3A_351 = arith.constant 0 : i32
        %dma_start3A_352 = tpu.memref_slice %arg6[%select_n3A_153, %dma_start3A_350, %dma_start3A_351] : memref<2x8x125xi32, #tpu.memory_space<vmem>> -> memref<1x8x125xi32, #tpu.memory_space<vmem>>
        %dma_start3A_353 = tpu.memref_squeeze %dma_start3A_352 : memref<1x8x125xi32, #tpu.memory_space<vmem>> -> memref<8x125xi32, #tpu.memory_space<vmem>>
        %dma_start3A_354 = arith.constant 0 : i32
        %dma_start3A_355 = tpu.memref_slice %arg3[%dma_start3A_342, %add3A, %mul3A_341, %dma_start3A_354] : memref<2x32x80x125xi32, #tpu.memory_space<hbm>> -> memref<1x1x8x125xi32, #tpu.memory_space<hbm>>
        %dma_start3A_356 = tpu.memref_squeeze %dma_start3A_355 : memref<1x1x8x125xi32, #tpu.memory_space<hbm>> -> memref<8x125xi32, #tpu.memory_space<hbm>>
        tpu.enqueue_dma source(%dma_start3A_356 : memref<8x125xi32, #tpu.memory_space<hbm>>) target(%dma_start3A_353 : memref<8x125xi32, #tpu.memory_space<vmem>>) target_semaphore(%arg12 : memref<!tpu.dma_semaphore, #tpu.memory_space<semaphore_mem>>)
      } else {
      }
    }
    %scan3A_142 = arith.constant 10 : i32
    %barrier3A_143 = arith.constant 0 : index
    tpu.barrier barrier_id(%barrier3A_143)
    "tpu.region"() ({
      %run_scoped3A = tpu.sem_alloc : memref<!tpu.dma_semaphore, #tpu.memory_space<semaphore_mem>>
      %dma_start3A_144 = arith.constant 0 : i32
      %dma_start3A_145 = tpu.memref_slice %arg4[%arg0, %mul3A_78, %dma_start3A_144] : memref<2x10240x128xf32, #tpu.memory_space<hbm>> -> memref<1x640x128xf32, #tpu.memory_space<hbm>>
      %dma_start3A_146 = tpu.memref_squeeze %dma_start3A_145 : memref<1x640x128xf32, #tpu.memory_space<hbm>> -> memref<640x128xf32, #tpu.memory_space<hbm>>
      %dma_start3A_147 = arith.constant 0 : i32
      %dma_start3A_148 = tpu.memref_slice %arg9[%mul3A_78, %dma_start3A_147] : memref<10240x128xf32, #tpu.memory_space<vmem_shared>> -> memref<640x128xf32, #tpu.memory_space<vmem_shared>>
      tpu.enqueue_dma source(%dma_start3A_148 : memref<640x128xf32, #tpu.memory_space<vmem_shared>>) target(%dma_start3A_146 : memref<640x128xf32, #tpu.memory_space<hbm>>) target_semaphore(%run_scoped3A : memref<!tpu.dma_semaphore, #tpu.memory_space<semaphore_mem>>)
      %dma_wait3A_149 = arith.constant 0 : i32
      %dma_wait3A_150 = tpu.memref_slice %arg4[%arg0, %mul3A_78, %dma_wait3A_149] : memref<2x10240x128xf32, #tpu.memory_space<hbm>> -> memref<1x640x128xf32, #tpu.memory_space<hbm>>
      %dma_wait3A_151 = tpu.memref_squeeze %dma_wait3A_150 : memref<1x640x128xf32, #tpu.memory_space<hbm>> -> memref<640x128xf32, #tpu.memory_space<hbm>>
      %dma_wait3A_152 = arith.constant 0 : i32
      %dma_wait3A_153 = tpu.memref_slice %arg9[%mul3A_78, %dma_wait3A_152] : memref<10240x128xf32, #tpu.memory_space<vmem_shared>> -> memref<640x128xf32, #tpu.memory_space<vmem_shared>>
      tpu.wait_dma2 semaphore(%run_scoped3A : memref<!tpu.dma_semaphore, #tpu.memory_space<semaphore_mem>>) src(%dma_wait3A_153 : memref<640x128xf32, #tpu.memory_space<vmem_shared>>) dst(%dma_wait3A_151 : memref<640x128xf32, #tpu.memory_space<hbm>>)
      tpu.yield
    }) : () -> ()
    return
  }
}

module attributes {stable_mosaic.version = 14 : i64} {
  func.func @body(%arg0: i32, %arg1: memref<5000x128xf32, #tpu.memory_space<vmem>>, %arg2: memref<2x5000x128xf32, #tpu.memory_space<vmem>>, %arg3: memref<5000x64xf32, #tpu.memory_space<vmem>>, %arg4: memref<128x128xf32, #tpu.memory_space<vmem>>, %arg5: memref<1x128xf32, #tpu.memory_space<vmem>>, %arg6: memref<128x128xf32, #tpu.memory_space<vmem>>, %arg7: memref<1x128xf32, #tpu.memory_space<vmem>>, %arg8: memref<5000x128xf32, #tpu.memory_space<vmem>>, %arg9: memref<8x128xf32, #tpu.memory_space<vmem>>, %arg10: memref<64x128xf32, #tpu.memory_space<vmem>>, %arg11: memref<64x128xf32, #tpu.memory_space<vmem>>) attributes {dimension_semantics = [#tpu.dimension_semantics<arbitrary>], iteration_bounds = array<i64: 2>, scalar_prefetch = 0 : i64, scratch_operands = 0 : i64, tpu.core_type = #tpu.core_type<tc>, window_params = [{transform_indices = @transform_0, window_bounds = array<i64: 5000, 128>}, {transform_indices = @transform_1, window_bounds = array<i64: 2, 5000, 128>}, {transform_indices = @transform_2, window_bounds = array<i64: 5000, 64>}, {pipeline_mode = #tpu.pipeline_mode<synchronous>, transform_indices = @transform_3, window_bounds = array<i64: 128, 128>}, {pipeline_mode = #tpu.pipeline_mode<synchronous>, transform_indices = @transform_4, window_bounds = array<i64: 1, 128>}, {pipeline_mode = #tpu.pipeline_mode<synchronous>, transform_indices = @transform_5, window_bounds = array<i64: 128, 128>}, {pipeline_mode = #tpu.pipeline_mode<synchronous>, transform_indices = @transform_6, window_bounds = array<i64: 1, 128>}, {transform_indices = @transform_7, window_bounds = array<i64: 5000, 128>}, {pipeline_mode = #tpu.pipeline_mode<synchronous>, transform_indices = @transform_8, window_bounds = array<i64: 8, 128>}, {pipeline_mode = #tpu.pipeline_mode<synchronous>, transform_indices = @transform_9, window_bounds = array<i64: 64, 128>}, {pipeline_mode = #tpu.pipeline_mode<synchronous>, transform_indices = @transform_10, window_bounds = array<i64: 64, 128>}]} {
    %get3A = arith.constant 0 : index
    %get3A_0 = arith.constant 0 : index
    %get3A_1 = vector.load %arg1[%get3A, %get3A_0] : memref<5000x128xf32, #tpu.memory_space<vmem>>, vector<5000x128xf32>
    %get3A_2 = arith.constant 0 : index
    %get3A_3 = arith.constant 0 : index
    %get3A_4 = arith.constant 0 : index
    %get3A_5 = vector.load %arg2[%get3A_2, %get3A_3, %get3A_4] : memref<2x5000x128xf32, #tpu.memory_space<vmem>>, vector<1x5000x128xf32>
    %get3A_6 = vector.shape_cast %get3A_5 : vector<1x5000x128xf32> to vector<5000x128xf32>
    %add3A = arith.addf %get3A_1, %get3A_6 : vector<5000x128xf32>
    %get3A_7 = arith.constant 1 : index
    %get3A_8 = arith.constant 0 : index
    %get3A_9 = arith.constant 0 : index
    %get3A_10 = vector.load %arg2[%get3A_7, %get3A_8, %get3A_9] : memref<2x5000x128xf32, #tpu.memory_space<vmem>>, vector<1x5000x128xf32>
    %get3A_11 = vector.shape_cast %get3A_10 : vector<1x5000x128xf32> to vector<5000x128xf32>
    %add3A_12 = arith.addf %add3A, %get3A_11 : vector<5000x128xf32>
    %get3A_13 = arith.constant 0 : index
    %get3A_14 = arith.constant 0 : index
    %get3A_15 = vector.load %arg4[%get3A_13, %get3A_14] : memref<128x128xf32, #tpu.memory_space<vmem>>, vector<128x128xf32>
    %dot_general3A = arith.constant dense<0.000000e+00> : vector<5000x128xf32>
    %dot_general3A_16 = tpu.matmul %add3A_12, %get3A_15, %dot_general3A {dimension_numbers = #tpu.dot_dimension_numbers<[1], [0], [0], [1], [0, 0, 1, 1], [], []>, transpose_lhs_hint = false} : vector<5000x128xf32>, vector<128x128xf32>, vector<5000x128xf32> -> vector<5000x128xf32>
    %get3A_17 = arith.constant 0 : index
    %get3A_18 = arith.constant 0 : index
    %get3A_19 = vector.load %arg5[%get3A_17, %get3A_18] : memref<1x128xf32, #tpu.memory_space<vmem>>, vector<1x128xf32>
    %add3A_20 = vector.broadcast %get3A_19 : vector<1x128xf32> to vector<5000x128xf32>
    %add3A_21 = arith.addf %dot_general3A_16, %add3A_20 : vector<5000x128xf32>
    %max3A = arith.constant 0.000000e+00 : f32
    %max3A_22 = vector.broadcast %max3A : f32 to vector<5000x128xf32>
    %max3A_23 = arith.maximumf %add3A_21, %max3A_22 : vector<5000x128xf32>
    %get3A_24 = arith.constant 0 : index
    %get3A_25 = arith.constant 0 : index
    %get3A_26 = vector.load %arg6[%get3A_24, %get3A_25] : memref<128x128xf32, #tpu.memory_space<vmem>>, vector<128x128xf32>
    %dot_general3A_27 = arith.constant dense<0.000000e+00> : vector<5000x128xf32>
    %dot_general3A_28 = tpu.matmul %max3A_23, %get3A_26, %dot_general3A_27 {dimension_numbers = #tpu.dot_dimension_numbers<[1], [0], [0], [1], [0, 0, 1, 1], [], []>, transpose_lhs_hint = false} : vector<5000x128xf32>, vector<128x128xf32>, vector<5000x128xf32> -> vector<5000x128xf32>
    %get3A_29 = arith.constant 0 : index
    %get3A_30 = arith.constant 0 : index
    %get3A_31 = vector.load %arg7[%get3A_29, %get3A_30] : memref<1x128xf32, #tpu.memory_space<vmem>>, vector<1x128xf32>
    %add3A_32 = vector.broadcast %get3A_31 : vector<1x128xf32> to vector<5000x128xf32>
    %add3A_33 = arith.addf %dot_general3A_28, %add3A_32 : vector<5000x128xf32>
    %max3A_34 = arith.constant 0.000000e+00 : f32
    %max3A_35 = vector.broadcast %max3A_34 : f32 to vector<5000x128xf32>
    %max3A_36 = arith.maximumf %add3A_33, %max3A_35 : vector<5000x128xf32>
    %swap3A = arith.constant 0 : index
    %swap3A_37 = arith.constant 0 : index
    %swap3A_38 = vector.load %arg8[%swap3A, %swap3A_37] : memref<5000x128xf32, #tpu.memory_space<vmem>>, vector<5000x128xf32>
    tpu.vector_store %arg8[%swap3A, %swap3A_37], %max3A_36 {strides = array<i32>} : memref<5000x128xf32, #tpu.memory_space<vmem>>, vector<5000x128xf32>,
    %get3A_39 = arith.constant 0 : index
    %get3A_40 = arith.constant 0 : index
    %get3A_41 = vector.load %arg3[%get3A_39, %get3A_40] : memref<5000x64xf32, #tpu.memory_space<vmem>>, vector<5000x64xf32>
    %dot_general3A_42 = arith.constant dense<0.000000e+00> : vector<64x128xf32>
    %dot_general3A_43 = tpu.matmul %get3A_41, %max3A_36, %dot_general3A_42 {dimension_numbers = #tpu.dot_dimension_numbers<[0], [0], [1], [1], [0, 1, 1, 1], [], []>, transpose_lhs_hint = false} : vector<5000x64xf32>, vector<5000x128xf32>, vector<64x128xf32> -> vector<64x128xf32>
    %broadcast_in_dim3A = arith.constant 1.000000e+00 : f32
    %broadcast_in_dim3A_44 = vector.broadcast %broadcast_in_dim3A : f32 to vector<5000x128xf32>
    %dot_general3A_45 = arith.constant dense<0.000000e+00> : vector<64x128xf32>
    %dot_general3A_46 = tpu.matmul %get3A_41, %broadcast_in_dim3A_44, %dot_general3A_45 {dimension_numbers = #tpu.dot_dimension_numbers<[0], [0], [1], [1], [0, 1, 1, 1], [], []>, transpose_lhs_hint = false} : vector<5000x64xf32>, vector<5000x128xf32>, vector<64x128xf32> -> vector<64x128xf32>
    %reduce_sum3A = arith.constant dense<0.000000e+00> : vector<128xf32>
    %reduce_sum3A_47 = vector.multi_reduction <add>, %max3A_36, %reduce_sum3A [0] : vector<5000x128xf32> to vector<128xf32>
    %broadcast_in_dim3A_48 = vector.shape_cast %reduce_sum3A_47 : vector<128xf32> to vector<1x128xf32>
    %mul3A = arith.mulf %max3A_36, %max3A_36 : vector<5000x128xf32>
    %reduce_sum3A_49 = arith.constant dense<0.000000e+00> : vector<128xf32>
    %reduce_sum3A_50 = vector.multi_reduction <add>, %mul3A, %reduce_sum3A_49 [0] : vector<5000x128xf32> to vector<128xf32>
    %broadcast_in_dim3A_51 = vector.shape_cast %reduce_sum3A_50 : vector<128xf32> to vector<1x128xf32>
    %broadcast_in_dim3A_52 = arith.constant 0.000000e+00 : f32
    %broadcast_in_dim3A_53 = vector.broadcast %broadcast_in_dim3A_52 : f32 to vector<6x128xf32>
    %concatenate3A = tpu.concatenate %broadcast_in_dim3A_48, %broadcast_in_dim3A_51, %broadcast_in_dim3A_53 in 0 : vector<1x128xf32>, vector<1x128xf32>, vector<6x128xf32> -> vector<8x128xf32>
    %eq3A = arith.constant 0 : i32
    %eq3A_54 = arith.cmpi eq, %arg0, %eq3A : i32
    %get3A_55 = arith.constant 0 : index
    %get3A_56 = arith.constant 0 : index
    %get3A_57 = vector.load %arg9[%get3A_55, %get3A_56] : memref<8x128xf32, #tpu.memory_space<vmem>>, vector<8x128xf32>
    %add3A_58 = arith.addf %get3A_57, %concatenate3A : vector<8x128xf32>
    %select_n3A = arith.select %eq3A_54, %concatenate3A, %add3A_58 : vector<8x128xf32>
    %swap3A_59 = arith.constant 0 : index
    %swap3A_60 = arith.constant 0 : index
    %swap3A_61 = vector.load %arg9[%swap3A_59, %swap3A_60] : memref<8x128xf32, #tpu.memory_space<vmem>>, vector<8x128xf32>
    tpu.vector_store %arg9[%swap3A_59, %swap3A_60], %select_n3A {strides = array<i32>} : memref<8x128xf32, #tpu.memory_space<vmem>>, vector<8x128xf32>,
    %get3A_62 = arith.constant 0 : index
    %get3A_63 = arith.constant 0 : index
    %get3A_64 = vector.load %arg10[%get3A_62, %get3A_63] : memref<64x128xf32, #tpu.memory_space<vmem>>, vector<64x128xf32>
    %add3A_65 = arith.addf %get3A_64, %dot_general3A_43 : vector<64x128xf32>
    %select_n3A_66 = arith.select %eq3A_54, %dot_general3A_43, %add3A_65 : vector<64x128xf32>
    %swap3A_67 = arith.constant 0 : index
    %swap3A_68 = arith.constant 0 : index
    %swap3A_69 = vector.load %arg10[%swap3A_67, %swap3A_68] : memref<64x128xf32, #tpu.memory_space<vmem>>, vector<64x128xf32>
    tpu.vector_store %arg10[%swap3A_67, %swap3A_68], %select_n3A_66 {strides = array<i32>} : memref<64x128xf32, #tpu.memory_space<vmem>>, vector<64x128xf32>,
    %get3A_70 = arith.constant 0 : index
    %get3A_71 = arith.constant 0 : index
    %get3A_72 = vector.load %arg11[%get3A_70, %get3A_71] : memref<64x128xf32, #tpu.memory_space<vmem>>, vector<64x128xf32>
    %add3A_73 = arith.addf %get3A_72, %dot_general3A_46 : vector<64x128xf32>
    %select_n3A_74 = arith.select %eq3A_54, %dot_general3A_46, %add3A_73 : vector<64x128xf32>
    %swap3A_75 = arith.constant 0 : index
    %swap3A_76 = arith.constant 0 : index
    %swap3A_77 = vector.load %arg11[%swap3A_75, %swap3A_76] : memref<64x128xf32, #tpu.memory_space<vmem>>, vector<64x128xf32>
    tpu.vector_store %arg11[%swap3A_75, %swap3A_76], %select_n3A_74 {strides = array<i32>} : memref<64x128xf32, #tpu.memory_space<vmem>>, vector<64x128xf32>,
    return
  }
  func.func @transform_0(%arg0: i32) -> (i32, i32) {
    %c0_i32 = arith.constant 0 : i32
    %c0_i32_0 = arith.constant 0 : i32
    return %arg0, %c0_i32 : i32, i32
  }
  func.func @transform_1(%arg0: i32) -> (i32, i32, i32) {
    %c0_i32 = arith.constant 0 : i32
    %c0_i32_0 = arith.constant 0 : i32
    %c0_i32_1 = arith.constant 0 : i32
    return %c0_i32, %arg0, %c0_i32_0 : i32, i32, i32
  }
  func.func @transform_2(%arg0: i32) -> (i32, i32) {
    %c0_i32 = arith.constant 0 : i32
    %c0_i32_0 = arith.constant 0 : i32
    return %arg0, %c0_i32 : i32, i32
  }
  func.func @transform_3(%arg0: i32) -> (i32, i32) {
    %c0_i32 = arith.constant 0 : i32
    %c0_i32_0 = arith.constant 0 : i32
    %c0_i32_1 = arith.constant 0 : i32
    return %c0_i32, %c0_i32_0 : i32, i32
  }
  func.func @transform_4(%arg0: i32) -> (i32, i32) {
    %c0_i32 = arith.constant 0 : i32
    %c0_i32_0 = arith.constant 0 : i32
    %c0_i32_1 = arith.constant 0 : i32
    return %c0_i32, %c0_i32_0 : i32, i32
  }
  func.func @transform_5(%arg0: i32) -> (i32, i32) {
    %c0_i32 = arith.constant 0 : i32
    %c0_i32_0 = arith.constant 0 : i32
    %c0_i32_1 = arith.constant 0 : i32
    return %c0_i32, %c0_i32_0 : i32, i32
  }
  func.func @transform_6(%arg0: i32) -> (i32, i32) {
    %c0_i32 = arith.constant 0 : i32
    %c0_i32_0 = arith.constant 0 : i32
    %c0_i32_1 = arith.constant 0 : i32
    return %c0_i32, %c0_i32_0 : i32, i32
  }
  func.func @transform_7(%arg0: i32) -> (i32, i32) {
    %c0_i32 = arith.constant 0 : i32
    %c0_i32_0 = arith.constant 0 : i32
    return %arg0, %c0_i32 : i32, i32
  }
  func.func @transform_8(%arg0: i32) -> (i32, i32) {
    %c0_i32 = arith.constant 0 : i32
    %c0_i32_0 = arith.constant 0 : i32
    %c0_i32_1 = arith.constant 0 : i32
    return %c0_i32, %c0_i32_0 : i32, i32
  }
  func.func @transform_9(%arg0: i32) -> (i32, i32) {
    %c0_i32 = arith.constant 0 : i32
    %c0_i32_0 = arith.constant 0 : i32
    %c0_i32_1 = arith.constant 0 : i32
    return %c0_i32, %c0_i32_0 : i32, i32
  }
  func.func @transform_10(%arg0: i32) -> (i32, i32) {
    %c0_i32 = arith.constant 0 : i32
    %c0_i32_0 = arith.constant 0 : i32
    %c0_i32_1 = arith.constant 0 : i32
    return %c0_i32, %c0_i32_0 : i32, i32
  }
}

module attributes {stable_mosaic.version = 14 : i64} {
  func.func @body(%arg0: i32, %arg1: memref<5000x128xf32, #tpu.memory_space<vmem>>, %arg2: memref<8x128xf32, #tpu.memory_space<vmem>>, %arg3: memref<1x128xf32, #tpu.memory_space<vmem>>, %arg4: memref<1x128xf32, #tpu.memory_space<vmem>>, %arg5: memref<5000x128xf32, #tpu.memory_space<vmem>>) attributes {dimension_semantics = [#tpu.dimension_semantics<arbitrary>], iteration_bounds = array<i64: 2>, scalar_prefetch = 0 : i64, scratch_operands = 0 : i64, tpu.core_type = #tpu.core_type<tc>, window_params = [{transform_indices = @transform_0, window_bounds = array<i64: 5000, 128>}, {pipeline_mode = #tpu.pipeline_mode<synchronous>, transform_indices = @transform_1, window_bounds = array<i64: 8, 128>}, {pipeline_mode = #tpu.pipeline_mode<synchronous>, transform_indices = @transform_2, window_bounds = array<i64: 1, 128>}, {pipeline_mode = #tpu.pipeline_mode<synchronous>, transform_indices = @transform_3, window_bounds = array<i64: 1, 128>}, {transform_indices = @transform_4, window_bounds = array<i64: 5000, 128>}]} {
    %get3A = arith.constant 0 : index
    %get3A_0 = arith.constant 0 : index
    %get3A_1 = vector.load %arg2[%get3A, %get3A_0] : memref<8x128xf32, #tpu.memory_space<vmem>>, vector<1x128xf32>
    %mul3A = arith.constant 9.99999974E-5 : f32
    %mul3A_2 = vector.broadcast %mul3A : f32 to vector<1x128xf32>
    %mul3A_3 = arith.mulf %get3A_1, %mul3A_2 : vector<1x128xf32>
    %get3A_4 = arith.constant 1 : index
    %get3A_5 = arith.constant 0 : index
    %get3A_6 = vector.load %arg2[%get3A_4, %get3A_5] : memref<8x128xf32, #tpu.memory_space<vmem>>, vector<1x128xf32>
    %mul3A_7 = arith.constant 9.99999974E-5 : f32
    %mul3A_8 = vector.broadcast %mul3A_7 : f32 to vector<1x128xf32>
    %mul3A_9 = arith.mulf %get3A_6, %mul3A_8 : vector<1x128xf32>
    %mul3A_10 = arith.mulf %mul3A_3, %mul3A_3 : vector<1x128xf32>
    %sub3A = arith.subf %mul3A_9, %mul3A_10 : vector<1x128xf32>
    %add3A = arith.constant 9.99999974E-6 : f32
    %add3A_11 = vector.broadcast %add3A : f32 to vector<1x128xf32>
    %add3A_12 = arith.addf %sub3A, %add3A_11 : vector<1x128xf32>
    %rsqrt3A = math.rsqrt %add3A_12 : vector<1x128xf32>
    %get3A_13 = arith.constant 0 : index
    %get3A_14 = arith.constant 0 : index
    %get3A_15 = vector.load %arg1[%get3A_13, %get3A_14] : memref<5000x128xf32, #tpu.memory_space<vmem>>, vector<5000x128xf32>
    %sub3A_16 = vector.broadcast %mul3A_3 : vector<1x128xf32> to vector<5000x128xf32>
    %sub3A_17 = arith.subf %get3A_15, %sub3A_16 : vector<5000x128xf32>
    %get3A_18 = arith.constant 0 : index
    %get3A_19 = arith.constant 0 : index
    %get3A_20 = vector.load %arg3[%get3A_18, %get3A_19] : memref<1x128xf32, #tpu.memory_space<vmem>>, vector<1x128xf32>
    %mul3A_21 = arith.mulf %rsqrt3A, %get3A_20 : vector<1x128xf32>
    %mul3A_22 = vector.broadcast %mul3A_21 : vector<1x128xf32> to vector<5000x128xf32>
    %mul3A_23 = arith.mulf %sub3A_17, %mul3A_22 : vector<5000x128xf32>
    %get3A_24 = arith.constant 0 : index
    %get3A_25 = arith.constant 0 : index
    %get3A_26 = vector.load %arg4[%get3A_24, %get3A_25] : memref<1x128xf32, #tpu.memory_space<vmem>>, vector<1x128xf32>
    %add3A_27 = vector.broadcast %get3A_26 : vector<1x128xf32> to vector<5000x128xf32>
    %add3A_28 = arith.addf %mul3A_23, %add3A_27 : vector<5000x128xf32>
    %swap3A = arith.constant 0 : index
    %swap3A_29 = arith.constant 0 : index
    %swap3A_30 = vector.load %arg5[%swap3A, %swap3A_29] : memref<5000x128xf32, #tpu.memory_space<vmem>>, vector<5000x128xf32>
    tpu.vector_store %arg5[%swap3A, %swap3A_29], %add3A_28 {strides = array<i32>} : memref<5000x128xf32, #tpu.memory_space<vmem>>, vector<5000x128xf32>,
    return
  }
  func.func @transform_0(%arg0: i32) -> (i32, i32) {
    %c0_i32 = arith.constant 0 : i32
    %c0_i32_0 = arith.constant 0 : i32
    return %arg0, %c0_i32 : i32, i32
  }
  func.func @transform_1(%arg0: i32) -> (i32, i32) {
    %c0_i32 = arith.constant 0 : i32
    %c0_i32_0 = arith.constant 0 : i32
    %c0_i32_1 = arith.constant 0 : i32
    return %c0_i32, %c0_i32_0 : i32, i32
  }
  func.func @transform_2(%arg0: i32) -> (i32, i32) {
    %c0_i32 = arith.constant 0 : i32
    %c0_i32_0 = arith.constant 0 : i32
    %c0_i32_1 = arith.constant 0 : i32
    return %c0_i32, %c0_i32_0 : i32, i32
  }
  func.func @transform_3(%arg0: i32) -> (i32, i32) {
    %c0_i32 = arith.constant 0 : i32
    %c0_i32_0 = arith.constant 0 : i32
    %c0_i32_1 = arith.constant 0 : i32
    return %c0_i32, %c0_i32_0 : i32, i32
  }
  func.func @transform_4(%arg0: i32) -> (i32, i32) {
    %c0_i32 = arith.constant 0 : i32
    %c0_i32_0 = arith.constant 0 : i32
    return %arg0, %c0_i32 : i32, i32
  }
}

module attributes {stable_mosaic.version = 14 : i64} {
  func.func @body(%arg0: i32, %arg1: memref<5000x128xf32, #tpu.memory_space<vmem>>, %arg2: memref<2x5000x128xf32, #tpu.memory_space<vmem>>, %arg3: memref<5000x64xf32, #tpu.memory_space<vmem>>, %arg4: memref<128x128xf32, #tpu.memory_space<vmem>>, %arg5: memref<1x128xf32, #tpu.memory_space<vmem>>, %arg6: memref<128x128xf32, #tpu.memory_space<vmem>>, %arg7: memref<1x128xf32, #tpu.memory_space<vmem>>, %arg8: memref<8x128xf32, #tpu.memory_space<vmem>>, %arg9: memref<64x128xf32, #tpu.memory_space<vmem>>, %arg10: memref<64x128xf32, #tpu.memory_space<vmem>>) attributes {dimension_semantics = [#tpu.dimension_semantics<arbitrary>], iteration_bounds = array<i64: 2>, scalar_prefetch = 0 : i64, scratch_operands = 0 : i64, tpu.core_type = #tpu.core_type<tc>, window_params = [{transform_indices = @transform_0, window_bounds = array<i64: 5000, 128>}, {transform_indices = @transform_1, window_bounds = array<i64: 2, 5000, 128>}, {transform_indices = @transform_2, window_bounds = array<i64: 5000, 64>}, {pipeline_mode = #tpu.pipeline_mode<synchronous>, transform_indices = @transform_3, window_bounds = array<i64: 128, 128>}, {pipeline_mode = #tpu.pipeline_mode<synchronous>, transform_indices = @transform_4, window_bounds = array<i64: 1, 128>}, {pipeline_mode = #tpu.pipeline_mode<synchronous>, transform_indices = @transform_5, window_bounds = array<i64: 128, 128>}, {pipeline_mode = #tpu.pipeline_mode<synchronous>, transform_indices = @transform_6, window_bounds = array<i64: 1, 128>}, {pipeline_mode = #tpu.pipeline_mode<synchronous>, transform_indices = @transform_7, window_bounds = array<i64: 8, 128>}, {pipeline_mode = #tpu.pipeline_mode<synchronous>, transform_indices = @transform_8, window_bounds = array<i64: 64, 128>}, {pipeline_mode = #tpu.pipeline_mode<synchronous>, transform_indices = @transform_9, window_bounds = array<i64: 64, 128>}]} {
    %get3A = arith.constant 0 : index
    %get3A_0 = arith.constant 0 : index
    %get3A_1 = vector.load %arg1[%get3A, %get3A_0] : memref<5000x128xf32, #tpu.memory_space<vmem>>, vector<5000x128xf32>
    %get3A_2 = arith.constant 0 : index
    %get3A_3 = arith.constant 0 : index
    %get3A_4 = arith.constant 0 : index
    %get3A_5 = vector.load %arg2[%get3A_2, %get3A_3, %get3A_4] : memref<2x5000x128xf32, #tpu.memory_space<vmem>>, vector<1x5000x128xf32>
    %get3A_6 = vector.shape_cast %get3A_5 : vector<1x5000x128xf32> to vector<5000x128xf32>
    %add3A = arith.addf %get3A_1, %get3A_6 : vector<5000x128xf32>
    %get3A_7 = arith.constant 1 : index
    %get3A_8 = arith.constant 0 : index
    %get3A_9 = arith.constant 0 : index
    %get3A_10 = vector.load %arg2[%get3A_7, %get3A_8, %get3A_9] : memref<2x5000x128xf32, #tpu.memory_space<vmem>>, vector<1x5000x128xf32>
    %get3A_11 = vector.shape_cast %get3A_10 : vector<1x5000x128xf32> to vector<5000x128xf32>
    %add3A_12 = arith.addf %add3A, %get3A_11 : vector<5000x128xf32>
    %get3A_13 = arith.constant 0 : index
    %get3A_14 = arith.constant 0 : index
    %get3A_15 = vector.load %arg4[%get3A_13, %get3A_14] : memref<128x128xf32, #tpu.memory_space<vmem>>, vector<128x128xf32>
    %dot_general3A = arith.constant dense<0.000000e+00> : vector<5000x128xf32>
    %dot_general3A_16 = tpu.matmul %add3A_12, %get3A_15, %dot_general3A {dimension_numbers = #tpu.dot_dimension_numbers<[1], [0], [0], [1], [0, 0, 1, 1], [], []>, transpose_lhs_hint = false} : vector<5000x128xf32>, vector<128x128xf32>, vector<5000x128xf32> -> vector<5000x128xf32>
    %get3A_17 = arith.constant 0 : index
    %get3A_18 = arith.constant 0 : index
    %get3A_19 = vector.load %arg5[%get3A_17, %get3A_18] : memref<1x128xf32, #tpu.memory_space<vmem>>, vector<1x128xf32>
    %add3A_20 = vector.broadcast %get3A_19 : vector<1x128xf32> to vector<5000x128xf32>
    %add3A_21 = arith.addf %dot_general3A_16, %add3A_20 : vector<5000x128xf32>
    %max3A = arith.constant 0.000000e+00 : f32
    %max3A_22 = vector.broadcast %max3A : f32 to vector<5000x128xf32>
    %max3A_23 = arith.maximumf %add3A_21, %max3A_22 : vector<5000x128xf32>
    %get3A_24 = arith.constant 0 : index
    %get3A_25 = arith.constant 0 : index
    %get3A_26 = vector.load %arg6[%get3A_24, %get3A_25] : memref<128x128xf32, #tpu.memory_space<vmem>>, vector<128x128xf32>
    %dot_general3A_27 = arith.constant dense<0.000000e+00> : vector<5000x128xf32>
    %dot_general3A_28 = tpu.matmul %max3A_23, %get3A_26, %dot_general3A_27 {dimension_numbers = #tpu.dot_dimension_numbers<[1], [0], [0], [1], [0, 0, 1, 1], [], []>, transpose_lhs_hint = false} : vector<5000x128xf32>, vector<128x128xf32>, vector<5000x128xf32> -> vector<5000x128xf32>
    %get3A_29 = arith.constant 0 : index
    %get3A_30 = arith.constant 0 : index
    %get3A_31 = vector.load %arg7[%get3A_29, %get3A_30] : memref<1x128xf32, #tpu.memory_space<vmem>>, vector<1x128xf32>
    %add3A_32 = vector.broadcast %get3A_31 : vector<1x128xf32> to vector<5000x128xf32>
    %add3A_33 = arith.addf %dot_general3A_28, %add3A_32 : vector<5000x128xf32>
    %max3A_34 = arith.constant 0.000000e+00 : f32
    %max3A_35 = vector.broadcast %max3A_34 : f32 to vector<5000x128xf32>
    %max3A_36 = arith.maximumf %add3A_33, %max3A_35 : vector<5000x128xf32>
    %get3A_37 = arith.constant 0 : index
    %get3A_38 = arith.constant 0 : index
    %get3A_39 = vector.load %arg3[%get3A_37, %get3A_38] : memref<5000x64xf32, #tpu.memory_space<vmem>>, vector<5000x64xf32>
    %dot_general3A_40 = arith.constant dense<0.000000e+00> : vector<64x128xf32>
    %dot_general3A_41 = tpu.matmul %get3A_39, %max3A_36, %dot_general3A_40 {dimension_numbers = #tpu.dot_dimension_numbers<[0], [0], [1], [1], [0, 1, 1, 1], [], []>, transpose_lhs_hint = false} : vector<5000x64xf32>, vector<5000x128xf32>, vector<64x128xf32> -> vector<64x128xf32>
    %broadcast_in_dim3A = arith.constant 1.000000e+00 : f32
    %broadcast_in_dim3A_42 = vector.broadcast %broadcast_in_dim3A : f32 to vector<5000x128xf32>
    %dot_general3A_43 = arith.constant dense<0.000000e+00> : vector<64x128xf32>
    %dot_general3A_44 = tpu.matmul %get3A_39, %broadcast_in_dim3A_42, %dot_general3A_43 {dimension_numbers = #tpu.dot_dimension_numbers<[0], [0], [1], [1], [0, 1, 1, 1], [], []>, transpose_lhs_hint = false} : vector<5000x64xf32>, vector<5000x128xf32>, vector<64x128xf32> -> vector<64x128xf32>
    %reduce_sum3A = arith.constant dense<0.000000e+00> : vector<128xf32>
    %reduce_sum3A_45 = vector.multi_reduction <add>, %max3A_36, %reduce_sum3A [0] : vector<5000x128xf32> to vector<128xf32>
    %broadcast_in_dim3A_46 = vector.shape_cast %reduce_sum3A_45 : vector<128xf32> to vector<1x128xf32>
    %mul3A = arith.mulf %max3A_36, %max3A_36 : vector<5000x128xf32>
    %reduce_sum3A_47 = arith.constant dense<0.000000e+00> : vector<128xf32>
    %reduce_sum3A_48 = vector.multi_reduction <add>, %mul3A, %reduce_sum3A_47 [0] : vector<5000x128xf32> to vector<128xf32>
    %broadcast_in_dim3A_49 = vector.shape_cast %reduce_sum3A_48 : vector<128xf32> to vector<1x128xf32>
    %broadcast_in_dim3A_50 = arith.constant 0.000000e+00 : f32
    %broadcast_in_dim3A_51 = vector.broadcast %broadcast_in_dim3A_50 : f32 to vector<6x128xf32>
    %concatenate3A = tpu.concatenate %broadcast_in_dim3A_46, %broadcast_in_dim3A_49, %broadcast_in_dim3A_51 in 0 : vector<1x128xf32>, vector<1x128xf32>, vector<6x128xf32> -> vector<8x128xf32>
    %eq3A = arith.constant 0 : i32
    %eq3A_52 = arith.cmpi eq, %arg0, %eq3A : i32
    %get3A_53 = arith.constant 0 : index
    %get3A_54 = arith.constant 0 : index
    %get3A_55 = vector.load %arg8[%get3A_53, %get3A_54] : memref<8x128xf32, #tpu.memory_space<vmem>>, vector<8x128xf32>
    %add3A_56 = arith.addf %get3A_55, %concatenate3A : vector<8x128xf32>
    %select_n3A = arith.select %eq3A_52, %concatenate3A, %add3A_56 : vector<8x128xf32>
    %swap3A = arith.constant 0 : index
    %swap3A_57 = arith.constant 0 : index
    %swap3A_58 = vector.load %arg8[%swap3A, %swap3A_57] : memref<8x128xf32, #tpu.memory_space<vmem>>, vector<8x128xf32>
    tpu.vector_store %arg8[%swap3A, %swap3A_57], %select_n3A {strides = array<i32>} : memref<8x128xf32, #tpu.memory_space<vmem>>, vector<8x128xf32>,
    %get3A_59 = arith.constant 0 : index
    %get3A_60 = arith.constant 0 : index
    %get3A_61 = vector.load %arg9[%get3A_59, %get3A_60] : memref<64x128xf32, #tpu.memory_space<vmem>>, vector<64x128xf32>
    %add3A_62 = arith.addf %get3A_61, %dot_general3A_41 : vector<64x128xf32>
    %select_n3A_63 = arith.select %eq3A_52, %dot_general3A_41, %add3A_62 : vector<64x128xf32>
    %swap3A_64 = arith.constant 0 : index
    %swap3A_65 = arith.constant 0 : index
    %swap3A_66 = vector.load %arg9[%swap3A_64, %swap3A_65] : memref<64x128xf32, #tpu.memory_space<vmem>>, vector<64x128xf32>
    tpu.vector_store %arg9[%swap3A_64, %swap3A_65], %select_n3A_63 {strides = array<i32>} : memref<64x128xf32, #tpu.memory_space<vmem>>, vector<64x128xf32>,
    %get3A_67 = arith.constant 0 : index
    %get3A_68 = arith.constant 0 : index
    %get3A_69 = vector.load %arg10[%get3A_67, %get3A_68] : memref<64x128xf32, #tpu.memory_space<vmem>>, vector<64x128xf32>
    %add3A_70 = arith.addf %get3A_69, %dot_general3A_44 : vector<64x128xf32>
    %select_n3A_71 = arith.select %eq3A_52, %dot_general3A_44, %add3A_70 : vector<64x128xf32>
    %swap3A_72 = arith.constant 0 : index
    %swap3A_73 = arith.constant 0 : index
    %swap3A_74 = vector.load %arg10[%swap3A_72, %swap3A_73] : memref<64x128xf32, #tpu.memory_space<vmem>>, vector<64x128xf32>
    tpu.vector_store %arg10[%swap3A_72, %swap3A_73], %select_n3A_71 {strides = array<i32>} : memref<64x128xf32, #tpu.memory_space<vmem>>, vector<64x128xf32>,
    return
  }
  func.func @transform_0(%arg0: i32) -> (i32, i32) {
    %c0_i32 = arith.constant 0 : i32
    %c0_i32_0 = arith.constant 0 : i32
    return %arg0, %c0_i32 : i32, i32
  }
  func.func @transform_1(%arg0: i32) -> (i32, i32, i32) {
    %c0_i32 = arith.constant 0 : i32
    %c0_i32_0 = arith.constant 0 : i32
    %c0_i32_1 = arith.constant 0 : i32
    return %c0_i32, %arg0, %c0_i32_0 : i32, i32, i32
  }
  func.func @transform_2(%arg0: i32) -> (i32, i32) {
    %c0_i32 = arith.constant 0 : i32
    %c0_i32_0 = arith.constant 0 : i32
    return %arg0, %c0_i32 : i32, i32
  }
  func.func @transform_3(%arg0: i32) -> (i32, i32) {
    %c0_i32 = arith.constant 0 : i32
    %c0_i32_0 = arith.constant 0 : i32
    %c0_i32_1 = arith.constant 0 : i32
    return %c0_i32, %c0_i32_0 : i32, i32
  }
  func.func @transform_4(%arg0: i32) -> (i32, i32) {
    %c0_i32 = arith.constant 0 : i32
    %c0_i32_0 = arith.constant 0 : i32
    %c0_i32_1 = arith.constant 0 : i32
    return %c0_i32, %c0_i32_0 : i32, i32
  }
  func.func @transform_5(%arg0: i32) -> (i32, i32) {
    %c0_i32 = arith.constant 0 : i32
    %c0_i32_0 = arith.constant 0 : i32
    %c0_i32_1 = arith.constant 0 : i32
    return %c0_i32, %c0_i32_0 : i32, i32
  }
  func.func @transform_6(%arg0: i32) -> (i32, i32) {
    %c0_i32 = arith.constant 0 : i32
    %c0_i32_0 = arith.constant 0 : i32
    %c0_i32_1 = arith.constant 0 : i32
    return %c0_i32, %c0_i32_0 : i32, i32
  }
  func.func @transform_7(%arg0: i32) -> (i32, i32) {
    %c0_i32 = arith.constant 0 : i32
    %c0_i32_0 = arith.constant 0 : i32
    %c0_i32_1 = arith.constant 0 : i32
    return %c0_i32, %c0_i32_0 : i32, i32
  }
  func.func @transform_8(%arg0: i32) -> (i32, i32) {
    %c0_i32 = arith.constant 0 : i32
    %c0_i32_0 = arith.constant 0 : i32
    %c0_i32_1 = arith.constant 0 : i32
    return %c0_i32, %c0_i32_0 : i32, i32
  }
  func.func @transform_9(%arg0: i32) -> (i32, i32) {
    %c0_i32 = arith.constant 0 : i32
    %c0_i32_0 = arith.constant 0 : i32
    %c0_i32_1 = arith.constant 0 : i32
    return %c0_i32, %c0_i32_0 : i32, i32
  }
}

module attributes {stable_mosaic.version = 14 : i64} {
  func.func @body(%arg0: memref<64x128xf32, #tpu.memory_space<vmem>>, %arg1: memref<64x128xf32, #tpu.memory_space<vmem>>, %arg2: memref<64x128xf32, #tpu.memory_space<vmem>>, %arg3: memref<64x128xf32, #tpu.memory_space<vmem>>, %arg4: memref<8x128xf32, #tpu.memory_space<vmem>>, %arg5: memref<8x128xf32, #tpu.memory_space<vmem>>, %arg6: memref<8x128xf32, #tpu.memory_space<vmem>>, %arg7: memref<1x128xf32, #tpu.memory_space<vmem>>, %arg8: memref<1x128xf32, #tpu.memory_space<vmem>>, %arg9: memref<1x128xf32, #tpu.memory_space<vmem>>, %arg10: memref<1x128xf32, #tpu.memory_space<vmem>>, %arg11: memref<1x128xf32, #tpu.memory_space<vmem>>, %arg12: memref<1x128xf32, #tpu.memory_space<vmem>>, %arg13: memref<64x384xf32, #tpu.memory_space<vmem>>) attributes {dimension_semantics = [], scalar_prefetch = 0 : i64, scratch_operands = 0 : i64, tpu.core_type = #tpu.core_type<tc>} {
    %get3A = arith.constant 0 : index
    %get3A_0 = arith.constant 0 : index
    %get3A_1 = vector.load %arg3[%get3A, %get3A_0] : memref<64x128xf32, #tpu.memory_space<vmem>>, vector<64x128xf32>
    %get3A_2 = arith.constant 0 : index
    %get3A_3 = arith.constant 0 : index
    %get3A_4 = vector.load %arg4[%get3A_2, %get3A_3] : memref<8x128xf32, #tpu.memory_space<vmem>>, vector<1x128xf32>
    %mul3A = arith.constant 9.99999974E-5 : f32
    %mul3A_5 = vector.broadcast %mul3A : f32 to vector<1x128xf32>
    %mul3A_6 = arith.mulf %get3A_4, %mul3A_5 : vector<1x128xf32>
    %get3A_7 = arith.constant 1 : index
    %get3A_8 = arith.constant 0 : index
    %get3A_9 = vector.load %arg4[%get3A_7, %get3A_8] : memref<8x128xf32, #tpu.memory_space<vmem>>, vector<1x128xf32>
    %mul3A_10 = arith.constant 9.99999974E-5 : f32
    %mul3A_11 = vector.broadcast %mul3A_10 : f32 to vector<1x128xf32>
    %mul3A_12 = arith.mulf %get3A_9, %mul3A_11 : vector<1x128xf32>
    %mul3A_13 = arith.mulf %mul3A_6, %mul3A_6 : vector<1x128xf32>
    %sub3A = arith.subf %mul3A_12, %mul3A_13 : vector<1x128xf32>
    %add3A = arith.constant 9.99999974E-6 : f32
    %add3A_14 = vector.broadcast %add3A : f32 to vector<1x128xf32>
    %add3A_15 = arith.addf %sub3A, %add3A_14 : vector<1x128xf32>
    %rsqrt3A = math.rsqrt %add3A_15 : vector<1x128xf32>
    %get3A_16 = arith.constant 0 : index
    %get3A_17 = arith.constant 0 : index
    %get3A_18 = vector.load %arg0[%get3A_16, %get3A_17] : memref<64x128xf32, #tpu.memory_space<vmem>>, vector<64x128xf32>
    %mul3A_19 = vector.broadcast %mul3A_6 : vector<1x128xf32> to vector<64x128xf32>
    %mul3A_20 = arith.mulf %get3A_1, %mul3A_19 : vector<64x128xf32>
    %sub3A_21 = arith.subf %get3A_18, %mul3A_20 : vector<64x128xf32>
    %get3A_22 = arith.constant 0 : index
    %get3A_23 = arith.constant 0 : index
    %get3A_24 = vector.load %arg7[%get3A_22, %get3A_23] : memref<1x128xf32, #tpu.memory_space<vmem>>, vector<1x128xf32>
    %mul3A_25 = arith.mulf %rsqrt3A, %get3A_24 : vector<1x128xf32>
    %mul3A_26 = vector.broadcast %mul3A_25 : vector<1x128xf32> to vector<64x128xf32>
    %mul3A_27 = arith.mulf %sub3A_21, %mul3A_26 : vector<64x128xf32>
    %get3A_28 = arith.constant 0 : index
    %get3A_29 = arith.constant 0 : index
    %get3A_30 = vector.load %arg10[%get3A_28, %get3A_29] : memref<1x128xf32, #tpu.memory_space<vmem>>, vector<1x128xf32>
    %mul3A_31 = vector.broadcast %get3A_30 : vector<1x128xf32> to vector<64x128xf32>
    %mul3A_32 = arith.mulf %get3A_1, %mul3A_31 : vector<64x128xf32>
    %add3A_33 = arith.addf %mul3A_27, %mul3A_32 : vector<64x128xf32>
    %swap3A = arith.constant 0 : index
    %swap3A_34 = arith.constant 0 : index
    %swap3A_35 = vector.load %arg13[%swap3A, %swap3A_34] : memref<64x384xf32, #tpu.memory_space<vmem>>, vector<64x128xf32>
    tpu.vector_store %arg13[%swap3A, %swap3A_34], %add3A_33 {strides = array<i32>} : memref<64x384xf32, #tpu.memory_space<vmem>>, vector<64x128xf32>,
    %get3A_36 = arith.constant 0 : index
    %get3A_37 = arith.constant 0 : index
    %get3A_38 = vector.load %arg5[%get3A_36, %get3A_37] : memref<8x128xf32, #tpu.memory_space<vmem>>, vector<1x128xf32>
    %mul3A_39 = arith.constant 9.99999974E-5 : f32
    %mul3A_40 = vector.broadcast %mul3A_39 : f32 to vector<1x128xf32>
    %mul3A_41 = arith.mulf %get3A_38, %mul3A_40 : vector<1x128xf32>
    %get3A_42 = arith.constant 1 : index
    %get3A_43 = arith.constant 0 : index
    %get3A_44 = vector.load %arg5[%get3A_42, %get3A_43] : memref<8x128xf32, #tpu.memory_space<vmem>>, vector<1x128xf32>
    %mul3A_45 = arith.constant 9.99999974E-5 : f32
    %mul3A_46 = vector.broadcast %mul3A_45 : f32 to vector<1x128xf32>
    %mul3A_47 = arith.mulf %get3A_44, %mul3A_46 : vector<1x128xf32>
    %mul3A_48 = arith.mulf %mul3A_41, %mul3A_41 : vector<1x128xf32>
    %sub3A_49 = arith.subf %mul3A_47, %mul3A_48 : vector<1x128xf32>
    %add3A_50 = arith.constant 9.99999974E-6 : f32
    %add3A_51 = vector.broadcast %add3A_50 : f32 to vector<1x128xf32>
    %add3A_52 = arith.addf %sub3A_49, %add3A_51 : vector<1x128xf32>
    %rsqrt3A_53 = math.rsqrt %add3A_52 : vector<1x128xf32>
    %get3A_54 = arith.constant 0 : index
    %get3A_55 = arith.constant 0 : index
    %get3A_56 = vector.load %arg1[%get3A_54, %get3A_55] : memref<64x128xf32, #tpu.memory_space<vmem>>, vector<64x128xf32>
    %mul3A_57 = vector.broadcast %mul3A_41 : vector<1x128xf32> to vector<64x128xf32>
    %mul3A_58 = arith.mulf %get3A_1, %mul3A_57 : vector<64x128xf32>
    %sub3A_59 = arith.subf %get3A_56, %mul3A_58 : vector<64x128xf32>
    %get3A_60 = arith.constant 0 : index
    %get3A_61 = arith.constant 0 : index
    %get3A_62 = vector.load %arg8[%get3A_60, %get3A_61] : memref<1x128xf32, #tpu.memory_space<vmem>>, vector<1x128xf32>
    %mul3A_63 = arith.mulf %rsqrt3A_53, %get3A_62 : vector<1x128xf32>
    %mul3A_64 = vector.broadcast %mul3A_63 : vector<1x128xf32> to vector<64x128xf32>
    %mul3A_65 = arith.mulf %sub3A_59, %mul3A_64 : vector<64x128xf32>
    %get3A_66 = arith.constant 0 : index
    %get3A_67 = arith.constant 0 : index
    %get3A_68 = vector.load %arg11[%get3A_66, %get3A_67] : memref<1x128xf32, #tpu.memory_space<vmem>>, vector<1x128xf32>
    %mul3A_69 = vector.broadcast %get3A_68 : vector<1x128xf32> to vector<64x128xf32>
    %mul3A_70 = arith.mulf %get3A_1, %mul3A_69 : vector<64x128xf32>
    %add3A_71 = arith.addf %mul3A_65, %mul3A_70 : vector<64x128xf32>
    %swap3A_72 = arith.constant 0 : index
    %swap3A_73 = arith.constant 128 : index
    %swap3A_74 = vector.load %arg13[%swap3A_72, %swap3A_73] : memref<64x384xf32, #tpu.memory_space<vmem>>, vector<64x128xf32>
    tpu.vector_store %arg13[%swap3A_72, %swap3A_73], %add3A_71 {strides = array<i32>} : memref<64x384xf32, #tpu.memory_space<vmem>>, vector<64x128xf32>,
    %get3A_75 = arith.constant 0 : index
    %get3A_76 = arith.constant 0 : index
    %get3A_77 = vector.load %arg6[%get3A_75, %get3A_76] : memref<8x128xf32, #tpu.memory_space<vmem>>, vector<1x128xf32>
    %mul3A_78 = arith.constant 9.99999974E-5 : f32
    %mul3A_79 = vector.broadcast %mul3A_78 : f32 to vector<1x128xf32>
    %mul3A_80 = arith.mulf %get3A_77, %mul3A_79 : vector<1x128xf32>
    %get3A_81 = arith.constant 1 : index
    %get3A_82 = arith.constant 0 : index
    %get3A_83 = vector.load %arg6[%get3A_81, %get3A_82] : memref<8x128xf32, #tpu.memory_space<vmem>>, vector<1x128xf32>
    %mul3A_84 = arith.constant 9.99999974E-5 : f32
    %mul3A_85 = vector.broadcast %mul3A_84 : f32 to vector<1x128xf32>
    %mul3A_86 = arith.mulf %get3A_83, %mul3A_85 : vector<1x128xf32>
    %mul3A_87 = arith.mulf %mul3A_80, %mul3A_80 : vector<1x128xf32>
    %sub3A_88 = arith.subf %mul3A_86, %mul3A_87 : vector<1x128xf32>
    %add3A_89 = arith.constant 9.99999974E-6 : f32
    %add3A_90 = vector.broadcast %add3A_89 : f32 to vector<1x128xf32>
    %add3A_91 = arith.addf %sub3A_88, %add3A_90 : vector<1x128xf32>
    %rsqrt3A_92 = math.rsqrt %add3A_91 : vector<1x128xf32>
    %get3A_93 = arith.constant 0 : index
    %get3A_94 = arith.constant 0 : index
    %get3A_95 = vector.load %arg2[%get3A_93, %get3A_94] : memref<64x128xf32, #tpu.memory_space<vmem>>, vector<64x128xf32>
    %mul3A_96 = vector.broadcast %mul3A_80 : vector<1x128xf32> to vector<64x128xf32>
    %mul3A_97 = arith.mulf %get3A_1, %mul3A_96 : vector<64x128xf32>
    %sub3A_98 = arith.subf %get3A_95, %mul3A_97 : vector<64x128xf32>
    %get3A_99 = arith.constant 0 : index
    %get3A_100 = arith.constant 0 : index
    %get3A_101 = vector.load %arg9[%get3A_99, %get3A_100] : memref<1x128xf32, #tpu.memory_space<vmem>>, vector<1x128xf32>
    %mul3A_102 = arith.mulf %rsqrt3A_92, %get3A_101 : vector<1x128xf32>
    %mul3A_103 = vector.broadcast %mul3A_102 : vector<1x128xf32> to vector<64x128xf32>
    %mul3A_104 = arith.mulf %sub3A_98, %mul3A_103 : vector<64x128xf32>
    %get3A_105 = arith.constant 0 : index
    %get3A_106 = arith.constant 0 : index
    %get3A_107 = vector.load %arg12[%get3A_105, %get3A_106] : memref<1x128xf32, #tpu.memory_space<vmem>>, vector<1x128xf32>
    %mul3A_108 = vector.broadcast %get3A_107 : vector<1x128xf32> to vector<64x128xf32>
    %mul3A_109 = arith.mulf %get3A_1, %mul3A_108 : vector<64x128xf32>
    %add3A_110 = arith.addf %mul3A_104, %mul3A_109 : vector<64x128xf32>
    %swap3A_111 = arith.constant 0 : index
    %swap3A_112 = arith.constant 256 : index
    %swap3A_113 = vector.load %arg13[%swap3A_111, %swap3A_112] : memref<64x384xf32, #tpu.memory_space<vmem>>, vector<64x128xf32>
    tpu.vector_store %arg13[%swap3A_111, %swap3A_112], %add3A_110 {strides = array<i32>} : memref<64x384xf32, #tpu.memory_space<vmem>>, vector<64x128xf32>,
    return
  }
}

</mosaic_0001>

<sc_bundles>
// kernel: kernel.11.cloned.1.call-start
scs
__scs_entry_jumppad:
0x0: {  	(pc) =	sbr.rel $0x88, $3  }
0x1: {  	(tag) =	ssettag $0x0;
	lr =	simm.s32 $0x1  }
0x2: {  	[smem:$0x3F8C] =	sst lr;
	_ =	strace $0xD0000000  }
0x3: {  	_ = 	snop  }
0x4: {  	_ = 	snop  }
0x5: {  	_ = 	snop  }
0x6: {  	_ = 	snop  }
0x7: {  	_ = 	snop  }
__scs_overlays_trampoline_lowered:
0x8: {  	[smem:$0x3F9B] =	sst s0  }
0x9: {  	[smem:$0x3F9C] =	sst s1  }
0xa: {  	[smem:$0x3F9D] =	sst s2  }
0xb: {  	[smem:$0x3F9E] =	sst s3  }
0xc: {  	[smem:$0x3F9F] =	sst s4  }
0xd: {  	[smem:$0x3FA0] =	sst s5  }
0xe: {  	[smem:$0x3FA1] =	sst s6  }
0xf: {  	[smem:$0x3FA2] =	sst s7  }
0x10: {  	[smem:$0x3FA3] =	sst s8  }
0x11: {  	[smem:$0x3FA4] =	sst s9;
	s0 =	simm.s32 @!p0 $0x0  }
0x12: {  	s1 =	sld [smem:$0x3F8A];
	s0 =	simm.s32 @p0 $0x1  }
0x13: {  	[smem:$0x3FA5] =	sst s0;
	s0 =	simm.s32 @!p1 $0x0  }
0x14: {  	s2 =	sld [smem:$0x3F89];
	s0 =	simm.s32 @p1 $0x1  }
0x15: {  	[smem:$0x3FA6] =	sst s0;
	s0 =	simm.s32 @!p2 $0x0  }
0x16: {  	s3 =	sld [smem:$0x3FDB];
	s0 =	simm.s32 @p2 $0x1  }
0x17: {  	s4 =	simm.s32 $0x1BF5;
	[smem:$0x3FA8] =	sst s0  }
0x18: {  	s0 =	sld [smem:$0x3F8B];
	_ =	swait.ge [sflag:s4], $0x0  }
0x19: {  	s7 =	sld [smem:$0x3F8C]  }
0x1a: {  	s8 =	sadd.s32 $0xFFFFE003, lr  }
0x1b: {  	s9 =	sadd.s32 $0xFFFFFEF7, lr;
	s5 =	simm.s32 $0xFFFFFFFF;
	p2 =	slt.u32 s8, $0xFFFFF086  }
0x1c: {  	p1 =	slt.u32 s9, $0xF7A;
	s5 =	simm.s32 @!p2 $0x0  }
0x1d: {  	s5 =	simm.s32 @p1 $0x1;
	p0 =	seq.s32 s7, s2  }
0x1e: {  	s7 =	smul.u32 @!p0 $0xF7A, s2;
	p2 =	seq.s32 @!p0 s5, $0x0  }
0x1f: {  	s9 =	smul.u32 $0xF7A, s1;
	s8 =	simm.s32 @!p0 $0x1BF5;
	p2 =	por !p2, p0  }
0x20: {  	[sflag:s8] =	ssyncset.s32 @!p0 $0xFFFFF086;
	s6 =	sadd.s32 @!p0 s3, s7;
	s7 =	simm.s32 @!p0 $0x108  }
0x21: {  	s3 =	sadd.s32 s3, s9;
	s6 =	sadd.s32 @!p0 $0x88, s6;
	s7 =	simm.s32 @p2 $0x1082  }
0x22: {  	[simem:s7], [sflag:s8] =	dma.local @!p0 [hbm:s6], $0xF7A  }
0x23: {  	s9 =	sor.u32 $0xD0000000, s2;
	s6 =	simm.s32 $0x108;
	_ =	swait.ge @!p0 [sflag:s8], $0x0  }
0x24: {  	s3 =	sadd.s32 $0x88, s3;
	s6 =	simm.s32 @!p1 $0x1082;
	[sflag:s4] =	ssyncset.s32 $0xFFFFF086  }
0x25: {  	[simem:s6], [sflag:s4] =	dma.local [hbm:s3], $0xF7A  }
0x26: {  	[smem:$0x3F8C] =	sst s1;
	(tag) =	ssettag s2;
	_ =	strace s9  }
0x27: {  	s1 =	sld [smem:$0x3F9C]  }
0x28: {  	s2 =	sld [smem:$0x3F9D]  }
0x29: {  	s4 =	sld [smem:$0x3F9F]  }
0x2a: {  	p0 =	seq.s32 s5, $0x0;
	s5 =	sld [smem:$0x3FA0]  }
0x2b: {  	s6 =	sld [smem:$0x3FA1]  }
0x2c: {  	s7 =	sld [smem:$0x3FA2]  }
0x2d: {  	s3 =	simm.s32 $0x108;
	s8 =	sld [smem:$0x3FA3]  }
0x2e: {  	s3 =	simm.s32 @!p0 $0x1082;
	s9 =	sld [smem:$0x3FA4]  }
0x2f: {  	lr =	sadd.s32 s0, s3;
	s0 =	sld [smem:$0x3F9B]  }
0x30: {  	s3 =	sld [smem:$0x3F9E]  }
0x31: {  	[smem:$0x3FA7] =	sst s10  }
0x32: {  	s10 =	sld [smem:$0x3FA5];
	_ =	sdelay $0x3  }
0x33: {  	p0 =	seq.s32 s10, $0x1;
	s10 =	sld [smem:$0x3FA7];
	_ =	sdelay $0x3  }
0x34: {  	[smem:$0x3FA7] =	sst s10  }
0x35: {  	s10 =	sld [smem:$0x3FA6];
	_ =	sdelay $0x3  }
0x36: {  	p1 =	seq.s32 s10, $0x1;
	s10 =	sld [smem:$0x3FA7];
	_ =	sdelay $0x3  }
0x37: {  	[smem:$0x3FA7] =	sst s10  }
0x38: {  	s10 =	sld [smem:$0x3FA8]  }
0x39: {  	_ = 	snop;
	(pc) =	sbr.ind lr, $3  }
0x3a: {  	_ = 	snop  }
0x3b: {  	_ = 	snop  }
0x3c: {  	p2 =	seq.s32 s10, $0x1;
	s10 =	sld [smem:$0x3FA7]  }
0x3d: {  	_ =	shalt  }
0x3e: {  	_ =	shalt  }
0x3f: {  	_ =	shalt  }
0x40: {  	_ =	shalt  }
0x41: {  	_ =	shalt  }
0x42: {  	_ =	shalt  }
0x43: {  	_ =	shalt  }
0x44: {  	_ =	shalt  }
0x45: {  	_ =	shalt  }
0x46: {  	_ =	shalt  }
0x47: {  	_ =	shalt  }
0x48: {  	_ =	shalt  }
0x49: {  	_ =	shalt  }
0x4a: {  	_ =	shalt  }
0x4b: {  	_ =	shalt  }
0x4c: {  	_ =	shalt  }
0x4d: {  	_ =	shalt  }
0x4e: {  	_ =	shalt  }
0x4f: {  	_ =	shalt  }
0x50: {  	_ =	shalt  }
0x51: {  	_ =	shalt  }
0x52: {  	_ =	shalt  }
0x53: {  	_ =	shalt  }
0x54: {  	_ =	shalt  }
0x55: {  	_ =	shalt  }
0x56: {  	_ =	shalt  }
0x57: {  	_ =	shalt  }
0x58: {  	_ =	shalt  }
0x59: {  	_ =	shalt  }
0x5a: {  	_ =	shalt  }
0x5b: {  	_ =	shalt  }
0x5c: {  	_ =	shalt  }
0x5d: {  	_ =	shalt  }
0x5e: {  	_ =	shalt  }
0x5f: {  	_ =	shalt  }
0x60: {  	_ =	shalt  }
0x61: {  	_ =	shalt  }
0x62: {  	_ =	shalt  }
0x63: {  	_ =	shalt  }
0x64: {  	_ =	shalt  }
0x65: {  	_ =	shalt  }
0x66: {  	_ =	shalt  }
0x67: {  	_ =	shalt  }
0x68: {  	_ =	shalt  }
0x69: {  	_ =	shalt  }
0x6a: {  	_ =	shalt  }
0x6b: {  	_ =	shalt  }
0x6c: {  	_ =	shalt  }
0x6d: {  	_ =	shalt  }
0x6e: {  	_ =	shalt  }
0x6f: {  	_ =	shalt  }
0x70: {  	_ =	shalt  }
0x71: {  	_ =	shalt  }
0x72: {  	_ =	shalt  }
0x73: {  	_ =	shalt  }
0x74: {  	_ =	shalt  }
0x75: {  	_ =	shalt  }
0x76: {  	_ =	shalt  }
0x77: {  	_ =	shalt  }
0x78: {  	_ =	shalt  }
0x79: {  	_ =	shalt  }
0x7a: {  	_ =	shalt  }
0x7b: {  	_ =	shalt  }
0x7c: {  	_ =	shalt  }
0x7d: {  	_ =	shalt  }
0x7e: {  	_ =	shalt  }
0x7f: {  	_ =	shalt  }
0x80: {  	_ =	shalt  }
0x81: {  	_ =	shalt  }
0x82: {  	_ =	shalt  }
0x83: {  	_ =	shalt  }
0x84: {  	_ =	shalt  }
0x85: {  	_ =	shalt  }
0x86: {  	_ =	shalt  }
0x87: {  	_ =	shalt  }
.Lfunc_end0:
.L_simem_size_0:
called_computation_lowered:
.L_overlay_start_0:
0x88: {  	s2 =	sld [smem:$0x3FD9]  }
0x89: {  	s3 =	sld [smem:$0x3FFE];
	_ =	sdelay $0x1  }
0x8a: {  	s1 =	srdreg.scid  }
0x8b: {  	s0 =	sand.u32 $0x1, s1  }
0x8c: {  	s17 =	sshll.u32 s0, $0xA;
	s2 =	sadd.s32 s3, s2  }
0x8d: {  	s2 =	sadd.s32 s2, s17  }
0x8e: {  	[smem:$0x3FB3] =	sst s2  }
0x8f: {  	_ = 	snop  }
0x90: {  	s2 =	sld [smem:$0x3FC9];
	(tm) =	ssettm $0x1  }
0x91: {  	s18 =	sld [smem:$0x3FFB];
	_ =	sdelay $0x3  }
0x92: {  	_ =	strace s18  }
0x93: {  	s3 =	sld [smem:$0x3FFC];
	_ =	sdelay $0x3  }
0x94: {  	_ =	strace s3  }
0x95: {  	s3 =	sld [smem:$0x3FFD];
	_ =	sdelay $0x3  }
0x96: {  	_ =	strace s3  }
0x97: {  	_ =	strace $0x8FFFFFFF  }
0x98: {  	s19 =	sld [smem:$0x3FDB];
	_ =	sdelay $0x1  }
0x99: {  	s4 =	simm.s32 $_scs_section_size  }
0x9a: {  	s5 =	simm.s32 $_size__tile_overlayer_lowered;
	s6 =	simm.s32 $_tile_overlayer_lowered  }
0x9b: {  	s22 =	simm.s32 $0x1BFF;
	s21 =	sshll.u32 s6, $0x1;
	s3 =	sadd.s32 s4, s19  }
0x9c: {  	s7 =	simm.s32 $0x0;
	s20 =	sshll.u32 s5, $0x1;
	s5 =	sadd.s32 s21, s3  }
0x9d: {  	[timem:s7], [sflag:s22] =	dma.local [hbm:s5], s20  }
0x9e: {  	_ =	swait.ge [sflag:s22], s20  }
0x9f: {  	s4 =	ssub.s32 $0x0, s20;
	[sflag:s22] =	ssyncset.done $0x0  }
0xa0: {  	[sflag:s22] =	ssyncadd.s32 s4;
	_ =	sdelay $0x1  }
0xa1: {  	s23 =	simm.s32 $0x1B8B  }
0xa2: {  	_ =	swait.ge [sflag:s23], $0x1  }
0xa3: {  	[sflag:s23] =	ssyncset.done $0x0  }
0xa4: {  	s25 =	simm.s32 $0x1B8E;
	s24 =	sld [smem:$0x3FFE];
	[sflag:s23] =	ssyncadd.s32 $0xFFFFFFFF  }
0xa5: {  	s26 =	simm.s32 $execute0_lowered;
	[smem:$0x3FD2] =	sst s25  }
0xa6: {  	s5 =	sshll.u32 s26, $0x1;
	_ =	strace $0x80000046;
	[dreg:$0x1] =	wrdreg $0xFFFFFFFF  }
0xa7: {  	s28 =	simm.s32 $_size_execute0_lowered;
	s3 =	sadd.s32 s3, s5;
	[dreg:$0x0] =	wrdreg $0x0  }
0xa8: {  	s5 =	sshll.u32 s28, $0x1;
	[dreg:$0x2] =	wrdreg s3  }
0xa9: {  	[dreg:$0x3] =	wrdreg s5  }
0xaa: {  	[dreg:$0x4] =	wrdreg $0xC0  }
0xab: {  	_ =	task [dreg:s7], $0x5FFFF  }
0xac: {  	[dreg:$0x1] =	wrdreg $0xFFFFFFFF  }
0xad: {  	[dreg:$0x0] =	wrdreg $0x60  }
0xae: {  	[dreg:$0x2] =	wrdreg s2  }
0xaf: {  	[dreg:$0x3] =	wrdreg s24  }
0xb0: {  	[dreg:$0x4] =	wrdreg $0x90000  }
0xb1: {  	[dreg:$0x5] =	wrdreg $0x9  }
0xb2: {  	_ =	task.clear_ibuf [dreg:s7], $0x6FFFF;
	_ =	strace $0x90000046  }
0xb3: {  	s29 =	simm.s32 $0x9;
	_ =	strace $0x80000048  }
0xb4: {  	_ =	swait.ge [sflag:s29], $0x1  }
0xb5: {  	[sflag:s29] =	ssyncadd.s32 $0xFFFFFFFF  }
0xb6: {  	_ =	strace $0x90000048  }
0xb7: {  	_ =	sfence  }
0xb8: {  	s30 =	sld [smem:$0x0];
	_ =	sdelay $0x2  }
0xb9: {  	s31 =	sshll.u32 s1, $0xD;
	s1 =	sshrl.u32 s1, $0x2  }
0xba: {  	s3 =	sand.u32 $0x4000, s31;
	s1 =	sadd.s32 s1, s30  }
0xbb: {  	s0 =	sor.u32 s3, s0;
	s1 =	sshll.u32 s1, $0x11  }
0xbc: {  	s0 =	sor.u32 s1, s0  }
0xbd: {  	s0 =	sadd.s32 $0x8F2B, s0  }
0xbe: {  	[sflag:s0] =	ssyncadd.remote.s32 $0x1  }
0xbf: {  	_ =	sfence.sel $0xFFFF  }
0xc0: {  	[dreg:$0x0] =	wrdreg $0xFFFFFFFF;
	(pc) =	sbr.abs _section_cstart, $3  }
0xc1: {  	[dreg:$0x1] =	wrdreg $0xFFFFFFFF  }
0xc2: {  	_ =	task.clear_ibuf [dreg:s7], $0x2FFFF;
	_ =	strace $0x9FFFFFFF  }
0xc3: {  	(tm) =	ssettm $0x7FFFFFFF  }
tec
execute0_lowered:
.L_overlay_start_1:
0x0: {  	(tag) =	ssettag $0x1  }
0x1: {  	s1 =	rddreg [dreg:$0x0]  }
0x2: {  	s0 =	srdreg.scid;
	s2 =	rddreg [dreg:$0x1]  }
0x3: {  	s10 =	stileid.u32;
	s3 =	rddreg [dreg:$0x2];
	s4 =	simm.s32 $0x0  }
0x4: {  	s28 =	simm.s32 $0x2;
	s29 =	simm.s32 $0x0;
	s6 =	smul.u32 $0x14000, s10  }
0x5: {  	s0 =	sand.u32 $0x1, s0;
	s7 =	sshll.u32 s10, $0x1;
	s9 =	smul.u32 $0x50000, s10  }
0x6: {  	[smem:$0x7FF] =	sst s4;
	s21 =	sadd.s32 $0x4A00, s2;
	s23 =	smul.u32 $0x5000, s10  }
0x7: {  	s5 =	smul.u32 $0x140000, s0;
	s20 =	sor.u32 s0, s7;
	s22 =	ssub.s32 $0x2, s0  }
0x8: {  	_ =	strace $0x80000047;
	s0 =	smul.u32 $0x2800, s0;
	s8 =	sshrl.u32 s22, $0x1  }
0x9: {  	s9 =	sshrl.u32 s9, $0x2;
	s5 =	sadd.s32 s6, s5;
	s6 =	smul.u32 $0x2800, s20  }
0xa: {  	s11 =	ssub.s32 s22, s8;
	s9 =	sadd.s32 s9, s3;
	s0 =	sadd.s32 s0, s23  }
0xb: {  	s22 =	simm.s32 $0x1;
	s23 =	simm.s32 $0x3;
	s5 =	sshrl.u32 s5, $0x3  }
0xc: {  	s30 =	smax.u32 s11, $0x1;
	s12 =	sadd.s32 $0x4000, s9;
	s13 =	sadd.s32 $0x8000, s9  }
0xd: {  	s31 =	sadd.s32 $0x800, s0;
	s14 =	sadd.s32 $0xC000, s9;
	s0 =	sadd.s32 $0x50800, s0  }
0xe: {  	s15 =	sadd.s32 $0x10000, s9;
	s2 =	sadd.s32 s5, s2;
	s6 =	sshrl.u32 s6, $0x3  }
0xf: {  	[dreg:$0x8] =	wrdreg s30;
	s5 =	sadd.s32 s21, s6;
	s2 =	sadd.s32 $0x18A00, s2  }
0x10: {  	s0 =	sshrl.u32 s0, $0x3;
	s24 =	sadd.s32 $0xA000, s5;
	[dreg:$0x7] =	wrdreg s2  }
0x11: {  	s0 =	sadd.s32 s0, s21;
	s25 =	sadd.s32 $0x80, s5;
	[dreg:$0x4] =	wrdreg s24  }
0x12: {  	s26 =	sadd.s32 $0xA080, s5;
	s2 =	sshrl.u32 s31, $0x3;
	[dreg:$0x5] =	wrdreg s25  }
0x13: {  	[dreg:$0x6] =	wrdreg s26;
	s16 =	sadd.s32 s2, s21;
	s21 =	simm.s32 $0x1000  }
0x14: {  	v0 =	vimm.f32 $0.0e+00;
	s24 =	simm.s32 $0x7D;
	s25 =	simm.s32 $0x5000;
	s26 =	simm.s32 $0x4  }
.LBB2_1:
0x15: {  	[tilespmem:s4], [sflag:$0x3] =	stream.linear.gather [hbm4b:s5+s4], $0x400, $0x38;
	[tilespmem:$0x1D000] =	vst v63  }
0x16: {  	s2 =	rddreg [dreg:$0x4]  }
0x17: {  	s6 =	simm.s32 $0x800;
	s19 =	rddreg [dreg:$0x5]  }
0x18: {  	[tilespmem:s6], [sflag:$0x3] =	stream.linear.gather [hbm4b:s2+s4], $0x400, $0x38;
	[tilespmem:$0x1D000] =	vst v63  }
0x19: {  	s20 =	simm.s32 $0x400;
	s30 =	rddreg [dreg:$0x6]  }
0x1a: {  	[tilespmem:s20], [sflag:$0x3] =	stream.linear.gather [hbm4b:s19+s4], $0x400, $0x38;
	[tilespmem:$0x1D000] =	vst v63  }
0x1b: {  	s31 =	simm.s32 $0xC00;
	s2 =	simm.s32 $0x0;
	s6 =	simm.s32 $0x200  }
0x1c: {  	[tilespmem:s31], [sflag:$0x3] =	stream.linear.gather [hbm4b:s30+s4], $0x400, $0x38;
	[tilespmem:$0x1D000] =	vst v63  }
.LBB2_2:
0x1d: {  	p0 =	sne.s32 s6, $0xFE00;
	[tilespmem:s2+$0x1070] =	vst v0  }
0x1e: {  	[tilespmem:s2+$0x1000] =	vst v0  }
0x1f: {  	[tilespmem:s2+$0x1010] =	vst v0  }
.Ltmp0:
0x20: {  	[tilespmem:s2+$0x1020] =	vst v0;
	(pc) =	sbr.rel @p0 .LBB2_2-.Ltmp0, $4  }
0x21: {  	[tilespmem:s2+$0x1030] =	vst v0  }
0x22: {  	[tilespmem:s2+$0x1040] =	vst v0  }
0x23: {  	[tilespmem:s2+$0x1050] =	vst v0  }
0x24: {  	[tilespmem:s2+$0x1060] =	vst v0;
	s2 =	sshra.s32 s6, $0x2;
	s6 =	sadd.s32 $0x200, s6  }
0x25: {  	[tilespmem:s2+$0x1070] =	vst v0  }
0x26: {  	[tilespmem:s2+$0x1000] =	vst v0  }
0x27: {  	[tilespmem:s2+$0x1010] =	vst v0  }
0x28: {  	[tilespmem:s2+$0x1020] =	vst v0  }
0x29: {  	[tilespmem:s2+$0x1030] =	vst v0  }
0x2a: {  	[tilespmem:s2+$0x1040] =	vst v0  }
0x2b: {  	[tilespmem:s2+$0x1050] =	vst v0  }
0x2c: {  	[tilespmem:s2+$0x1060] =	vst v0  }
0x2d: {  	[spmem:s9] =	stream.linear.scatter [tilespmem:s21], [sflag:$0x1], $0x4000, $0x38;
	[tilespmem:$0x1D000] =	vst v63  }
0x2e: {  	_ = 	snop  }
0x2f: {  	[spmem:s12] =	stream.linear.scatter [tilespmem:s21], [sflag:$0x1], $0x4000, $0x38;
	[tilespmem:$0x1D000] =	vst v63  }
0x30: {  	_ = 	snop  }
0x31: {  	[spmem:s13] =	stream.linear.scatter [tilespmem:s21], [sflag:$0x1], $0x4000, $0x38;
	[tilespmem:$0x1D000] =	vst v63  }
0x32: {  	_ = 	snop  }
0x33: {  	[spmem:s14] =	stream.linear.scatter [tilespmem:s21], [sflag:$0x1], $0x4000, $0x38;
	[tilespmem:$0x1D000] =	vst v63  }
0x34: {  	_ = 	snop  }
0x35: {  	[spmem:s15] =	stream.linear.scatter [tilespmem:s21], [sflag:$0x1], $0x4000, $0x38;
	[tilespmem:$0x1D000] =	vst v63  }
0x36: {  	_ =	swait.ge [sflag:s22], $0x4000  }
0x37: {  	[sflag:s22] =	ssyncset.done $0x0  }
0x38: {  	[sflag:s22] =	ssyncadd.s32 $0xFFFFC000  }
0x39: {  	_ =	swait.ge [sflag:s22], $0x4000  }
0x3a: {  	[sflag:s22] =	ssyncset.done $0x0  }
0x3b: {  	[sflag:s22] =	ssyncadd.s32 $0xFFFFC000  }
0x3c: {  	_ =	swait.ge [sflag:s22], $0x4000  }
0x3d: {  	[sflag:s22] =	ssyncset.done $0x0  }
0x3e: {  	[sflag:s22] =	ssyncadd.s32 $0xFFFFC000  }
0x3f: {  	_ =	swait.ge [sflag:s22], $0x4000  }
0x40: {  	[sflag:s22] =	ssyncset.done $0x0  }
0x41: {  	[sflag:s22] =	ssyncadd.s32 $0xFFFFC000  }
0x42: {  	_ =	swait.ge [sflag:s22], $0x4000  }
0x43: {  	[sflag:s22] =	ssyncset.done $0x0  }
0x44: {  	[sflag:s22] =	ssyncadd.s32 $0xFFFFC000  }
0x45: {  	[bflag:$0x0] =	sbarrier.arrive $0xFFFF  }
0x46: {  	_ =	swait.ge [sflag:s23], $0x400  }
0x47: {  	[sflag:s23] =	ssyncset.done $0x0  }
0x48: {  	[sflag:s23] =	ssyncadd.s32 $0xFFFFFC00  }
0x49: {  	_ =	swait.ge [sflag:s23], $0x400  }
0x4a: {  	s6 =	simm.s32 $0x0;
	[sflag:s23] =	ssyncset.done $0x0  }
0x4b: {  	s2 =	sand.u32 $0x400, s6;
	[sflag:s23] =	ssyncadd.s32 $0xFFFFFC00  }
0x4c: {  	[tilespmem:s21], [sflag:$0x1] =	stream.indirect.gather [hbm4b:s1+s24], $0x80, s6, s24, $0xb8;
	[tilespmem:$0x1D000] =	vst v63  }
0x4d: {  	s6 =	sor.u32 $0x80, s2  }
0x4e: {  	[tilespmem:s25], [sflag:$0x2] =	stream.indirect.gather [hbm4b:s1+s24], $0x80, s6, s24, $0xb8;
	[tilespmem:$0x1D000] =	vst v63  }
0x4f: {  	_ =	swait.ge [sflag:s22], $0x3E80  }
0x50: {  	[sflag:s22] =	ssyncset.done $0x0  }
0x51: {  	s19 =	sor.u32 $0x800, s2;
	[sflag:s22] =	ssyncadd.s32 $0xFFFFC180  }
0x52: {  	[spmem:s3] =	stream.indirect.scatter.add.f32 [tilespmem:s21], [sflag:$0x4], $0x80, s19, s24, $0xb8;
	[tilespmem:$0x1D000] =	vst v63  }
0x53: {  	_ =	swait.ge [sflag:s26], $0x3E80  }
0x54: {  	[sflag:s26] =	ssyncset.done $0x0  }
0x55: {  	s7 =	sor.u32 $0x100, s2;
	[sflag:s26] =	ssyncadd.s32 $0xFFFFC180  }
0x56: {  	[tilespmem:s21], [sflag:$0x1] =	stream.indirect.gather [hbm4b:s1+s24], $0x80, s7, s24, $0xb8;
	[tilespmem:$0x1D000] =	vst v63  }
0x57: {  	_ =	swait.ge [sflag:s28], $0x3E80  }
0x58: {  	[sflag:s28] =	ssyncset.done $0x0  }
0x59: {  	s8 =	sor.u32 $0x880, s2;
	[sflag:s28] =	ssyncadd.s32 $0xFFFFC180  }
0x5a: {  	[spmem:s3] =	stream.indirect.scatter.add.f32 [tilespmem:s25], [sflag:$0x4], $0x80, s8, s24, $0xb8;
	[tilespmem:$0x1D000] =	vst v63  }
0x5b: {  	_ =	swait.ge [sflag:s26], $0x3E80  }
0x5c: {  	[sflag:s26] =	ssyncset.done $0x0  }
0x5d: {  	s10 =	sor.u32 $0x180, s2;
	[sflag:s26] =	ssyncadd.s32 $0xFFFFC180  }
0x5e: {  	[tilespmem:s25], [sflag:$0x2] =	stream.indirect.gather [hbm4b:s1+s24], $0x80, s10, s24, $0xb8;
	[tilespmem:$0x1D000] =	vst v63  }
0x5f: {  	_ =	swait.ge [sflag:s22], $0x3E80  }
0x60: {  	[sflag:s22] =	ssyncset.done $0x0  }
0x61: {  	s11 =	sor.u32 $0x900, s2;
	[sflag:s22] =	ssyncadd.s32 $0xFFFFC180  }
0x62: {  	[spmem:s3] =	stream.indirect.scatter.add.f32 [tilespmem:s21], [sflag:$0x4], $0x80, s11, s24, $0xb8;
	[tilespmem:$0x1D000] =	vst v63  }
0x63: {  	_ =	swait.ge [sflag:s26], $0x3E80  }
0x64: {  	[sflag:s26] =	ssyncset.done $0x0  }
0x65: {  	s17 =	sor.u32 $0x200, s2;
	[sflag:s26] =	ssyncadd.s32 $0xFFFFC180  }
0x66: {  	[tilespmem:s21], [sflag:$0x1] =	stream.indirect.gather [hbm4b:s1+s24], $0x80, s17, s24, $0xb8;
	[tilespmem:$0x1D000] =	vst v63  }
0x67: {  	_ =	swait.ge [sflag:s28], $0x3E80  }
0x68: {  	[sflag:s28] =	ssyncset.done $0x0  }
0x69: {  	s18 =	sor.u32 $0x980, s2;
	[sflag:s28] =	ssyncadd.s32 $0xFFFFC180  }
0x6a: {  	[spmem:s3] =	stream.indirect.scatter.add.f32 [tilespmem:s25], [sflag:$0x4], $0x80, s18, s24, $0xb8;
	[tilespmem:$0x1D000] =	vst v63  }
0x6b: {  	_ =	swait.ge [sflag:s26], $0x3E80  }
0x6c: {  	[sflag:s26] =	ssyncset.done $0x0  }
0x6d: {  	s20 =	sor.u32 $0x280, s2;
	[sflag:s26] =	ssyncadd.s32 $0xFFFFC180  }
0x6e: {  	[tilespmem:s25], [sflag:$0x2] =	stream.indirect.gather [hbm4b:s1+s24], $0x80, s20, s24, $0xb8;
	[tilespmem:$0x1D000] =	vst v63  }
0x6f: {  	_ =	swait.ge [sflag:s22], $0x3E80  }
0x70: {  	[sflag:s22] =	ssyncset.done $0x0  }
0x71: {  	s7 =	sor.u32 $0xA00, s2;
	[sflag:s22] =	ssyncadd.s32 $0xFFFFC180  }
0x72: {  	[spmem:s3] =	stream.indirect.scatter.add.f32 [tilespmem:s21], [sflag:$0x4], $0x80, s7, s24, $0xb8;
	[tilespmem:$0x1D000] =	vst v63  }
0x73: {  	_ =	swait.ge [sflag:s26], $0x3E80  }
0x74: {  	[sflag:s26] =	ssyncset.done $0x0  }
0x75: {  	s8 =	sor.u32 $0x300, s2;
	[sflag:s26] =	ssyncadd.s32 $0xFFFFC180  }
0x76: {  	[tilespmem:s21], [sflag:$0x1] =	stream.indirect.gather [hbm4b:s1+s24], $0x80, s8, s24, $0xb8;
	[tilespmem:$0x1D000] =	vst v63  }
0x77: {  	_ =	swait.ge [sflag:s28], $0x3E80  }
0x78: {  	[sflag:s28] =	ssyncset.done $0x0  }
0x79: {  	s10 =	sor.u32 $0xA80, s2;
	[sflag:s28] =	ssyncadd.s32 $0xFFFFC180  }
0x7a: {  	[spmem:s3] =	stream.indirect.scatter.add.f32 [tilespmem:s25], [sflag:$0x4], $0x80, s10, s24, $0xb8;
	[tilespmem:$0x1D000] =	vst v63  }
0x7b: {  	_ =	swait.ge [sflag:s26], $0x3E80  }
0x7c: {  	[sflag:s26] =	ssyncset.done $0x0  }
0x7d: {  	s11 =	sor.u32 $0x380, s2;
	[sflag:s26] =	ssyncadd.s32 $0xFFFFC180  }
0x7e: {  	[tilespmem:s25], [sflag:$0x2] =	stream.indirect.gather [hbm4b:s1+s24], $0x80, s11, s24, $0xb8;
	[tilespmem:$0x1D000] =	vst v63  }
0x7f: {  	_ =	swait.ge [sflag:s22], $0x3E80  }
0x80: {  	[sflag:s22] =	ssyncset.done $0x0  }
0x81: {  	s7 =	sor.u32 $0xB00, s2;
	[sflag:s22] =	ssyncadd.s32 $0xFFFFC180  }
0x82: {  	[spmem:s3] =	stream.indirect.scatter.add.f32 [tilespmem:s21], [sflag:$0x4], $0x80, s7, s24, $0xb8;
	[tilespmem:$0x1D000] =	vst v63  }
0x83: {  	_ =	swait.ge [sflag:s26], $0x3E80  }
0x84: {  	p0 =	por $0x0, $0x0;
	[sflag:s26] =	ssyncset.done $0x0  }
0x85: {  	s7 =	simm.s32 @!p0 $0x3;
	[sflag:s26] =	ssyncadd.s32 $0xFFFFC180  }
0x86: {  	_ =	swait.ge @!p0 [sflag:s7], $0x400  }
0x87: {  	[sflag:s7] =	ssyncset.done @!p0 $0x0  }
0x88: {  	[sflag:s7] =	ssyncadd.s32 @!p0 $0xFFFFFC00  }
0x89: {  	_ =	swait.ge @!p0 [sflag:s7], $0x400  }
0x8a: {  	s17 =	sxor.u32 @!p0 $0x400, s2;
	[sflag:s7] =	ssyncset.done @!p0 $0x0  }
0x8b: {  	s18 =	simm.s32 @!p0 $0x1000;
	[sflag:s7] =	ssyncadd.s32 @!p0 $0xFFFFFC00;
	s7 =	simm.s32 @!p0 $0x7D  }
0x8c: {  	[tilespmem:s18], [sflag:$0x1] =	stream.indirect.gather @!p0 [hbm4b:s1+s7], $0x80, s17, s7, $0xb8;
	[tilespmem:$0x1D000] =	vst v63  }
0x8d: {  	_ =	swait.ge [sflag:s28], $0x3E80  }
0x8e: {  	[sflag:s28] =	ssyncset.done $0x0  }
0x8f: {  	s6 =	sor.u32 $0x800, s11;
	[sflag:s28] =	ssyncadd.s32 $0xFFFFC180  }
0x90: {  	[spmem:s3] =	stream.indirect.scatter.add.f32 [tilespmem:s25], [sflag:$0x4], $0x80, s6, s24, $0xb8;
	[tilespmem:$0x1D000] =	vst v63  }
0x91: {  	p1 =	por $0x0, $0x0;
	s20 =	simm.s32 $0x400;
	_ =	swait.ge [sflag:s26], $0x3E80  }
0x92: {  	s31 =	sadd.s32 $0x80, s0;
	s30 =	sand.u32 $0x400, s20;
	[sflag:s26] =	ssyncset.done $0x0  }
0x93: {  	s20 =	simm.s32 $0x800;
	s7 =	simm.s32 @!p1 $0x0;
	[sflag:s26] =	ssyncadd.s32 $0xFFFFC180  }
0x94: {  	[tilespmem:s2], [sflag:$0x3] =	stream.linear.gather @!p1 [hbm4b:s16+s7], $0x400, $0x38;
	[tilespmem:$0x1D000] =	vst v63  }
0x95: {  	s18 =	simm.s32 $0x1;
	s17 =	smov.u32 s0;
	s2 =	sadd.s32 $0x80, s16  }
.LBB2_4:
0x96: {  	[tilespmem:s19], [sflag:$0x3] =	stream.linear.gather @!p1 [hbm4b:s17+s7], $0x400, $0x38;
	[tilespmem:$0x1D000] =	vst v63  }
0x97: {  	s7 =	sand.u32 $0x400, s20;
	s20 =	sadd.s32 $0x400, s20;
	s6 =	sor.u32 $0x80, s30  }
0x98: {  	[tilespmem:s25], [sflag:$0x2] =	stream.indirect.gather [hbm4b:s1+s24], $0x80, s6, s24, $0xb8;
	[tilespmem:$0x1D000] =	vst v63  }
0x99: {  	p0 =	sne.s32 s20, $0x2800;
	s6 =	smov.u32 s30;
	_ =	swait.ge [sflag:s22], $0x3E80  }
0x9a: {  	s17 =	smov.u32 s31;
	s30 =	smov.u32 s7;
	[sflag:s22] =	ssyncset.done $0x0  }
0x9b: {  	s19 =	sor.u32 $0x800, s6;
	[sflag:s22] =	ssyncadd.s32 $0xFFFFC180  }
0x9c: {  	[spmem:s3] =	stream.indirect.scatter.add.f32 [tilespmem:s21], [sflag:$0x4], $0x80, s19, s24, $0xb8;
	[tilespmem:$0x1D000] =	vst v63  }
0x9d: {  	_ =	swait.ge [sflag:s26], $0x3E80  }
0x9e: {  	[sflag:s26] =	ssyncset.done $0x0  }
0x9f: {  	s7 =	sor.u32 $0x100, s6;
	[sflag:s26] =	ssyncadd.s32 $0xFFFFC180  }
0xa0: {  	[tilespmem:s21], [sflag:$0x1] =	stream.indirect.gather [hbm4b:s1+s24], $0x80, s7, s24, $0xb8;
	[tilespmem:$0x1D000] =	vst v63  }
0xa1: {  	_ =	swait.ge [sflag:s28], $0x3E80  }
0xa2: {  	[sflag:s28] =	ssyncset.done $0x0  }
0xa3: {  	s7 =	sor.u32 $0x880, s6;
	[sflag:s28] =	ssyncadd.s32 $0xFFFFC180  }
0xa4: {  	[spmem:s3] =	stream.indirect.scatter.add.f32 [tilespmem:s25], [sflag:$0x4], $0x80, s7, s24, $0xb8;
	[tilespmem:$0x1D000] =	vst v63  }
0xa5: {  	_ =	swait.ge [sflag:s26], $0x3E80  }
0xa6: {  	[sflag:s26] =	ssyncset.done $0x0  }
0xa7: {  	s7 =	sor.u32 $0x180, s6;
	[sflag:s26] =	ssyncadd.s32 $0xFFFFC180  }
0xa8: {  	[tilespmem:s25], [sflag:$0x2] =	stream.indirect.gather [hbm4b:s1+s24], $0x80, s7, s24, $0xb8;
	[tilespmem:$0x1D000] =	vst v63  }
0xa9: {  	_ =	swait.ge [sflag:s22], $0x3E80  }
0xaa: {  	[sflag:s22] =	ssyncset.done $0x0  }
0xab: {  	s7 =	sor.u32 $0x900, s6;
	[sflag:s22] =	ssyncadd.s32 $0xFFFFC180  }
0xac: {  	[spmem:s3] =	stream.indirect.scatter.add.f32 [tilespmem:s21], [sflag:$0x4], $0x80, s7, s24, $0xb8;
	[tilespmem:$0x1D000] =	vst v63  }
0xad: {  	_ =	swait.ge [sflag:s26], $0x3E80  }
0xae: {  	[sflag:s26] =	ssyncset.done $0x0  }
0xaf: {  	s7 =	sor.u32 $0x200, s6;
	[sflag:s26] =	ssyncadd.s32 $0xFFFFC180  }
0xb0: {  	[tilespmem:s21], [sflag:$0x1] =	stream.indirect.gather [hbm4b:s1+s24], $0x80, s7, s24, $0xb8;
	[tilespmem:$0x1D000] =	vst v63  }
0xb1: {  	_ =	swait.ge [sflag:s28], $0x3E80  }
0xb2: {  	[sflag:s28] =	ssyncset.done $0x0  }
0xb3: {  	s7 =	sor.u32 $0x980, s6;
	[sflag:s28] =	ssyncadd.s32 $0xFFFFC180  }
0xb4: {  	[spmem:s3] =	stream.indirect.scatter.add.f32 [tilespmem:s25], [sflag:$0x4], $0x80, s7, s24, $0xb8;
	[tilespmem:$0x1D000] =	vst v63  }
0xb5: {  	_ =	swait.ge [sflag:s26], $0x3E80  }
0xb6: {  	[sflag:s26] =	ssyncset.done $0x0  }
0xb7: {  	s7 =	sor.u32 $0x280, s6;
	[sflag:s26] =	ssyncadd.s32 $0xFFFFC180  }
0xb8: {  	[tilespmem:s25], [sflag:$0x2] =	stream.indirect.gather [hbm4b:s1+s24], $0x80, s7, s24, $0xb8;
	[tilespmem:$0x1D000] =	vst v63  }
0xb9: {  	_ =	swait.ge [sflag:s22], $0x3E80  }
0xba: {  	[sflag:s22] =	ssyncset.done $0x0  }
0xbb: {  	s7 =	sor.u32 $0xA00, s6;
	[sflag:s22] =	ssyncadd.s32 $0xFFFFC180  }
0xbc: {  	[spmem:s3] =	stream.indirect.scatter.add.f32 [tilespmem:s21], [sflag:$0x4], $0x80, s7, s24, $0xb8;
	[tilespmem:$0x1D000] =	vst v63  }
0xbd: {  	_ =	swait.ge [sflag:s26], $0x3E80  }
0xbe: {  	[sflag:s26] =	ssyncset.done $0x0  }
0xbf: {  	s7 =	sor.u32 $0x300, s6;
	[sflag:s26] =	ssyncadd.s32 $0xFFFFC180  }
0xc0: {  	[tilespmem:s21], [sflag:$0x1] =	stream.indirect.gather [hbm4b:s1+s24], $0x80, s7, s24, $0xb8;
	[tilespmem:$0x1D000] =	vst v63  }
0xc1: {  	_ =	swait.ge [sflag:s28], $0x3E80  }
0xc2: {  	[sflag:s28] =	ssyncset.done $0x0  }
0xc3: {  	s7 =	sor.u32 $0xA80, s6;
	[sflag:s28] =	ssyncadd.s32 $0xFFFFC180  }
0xc4: {  	[spmem:s3] =	stream.indirect.scatter.add.f32 [tilespmem:s25], [sflag:$0x4], $0x80, s7, s24, $0xb8;
	[tilespmem:$0x1D000] =	vst v63  }
0xc5: {  	_ =	swait.ge [sflag:s26], $0x3E80  }
0xc6: {  	[sflag:s26] =	ssyncset.done $0x0  }
0xc7: {  	s7 =	sor.u32 $0x380, s6;
	[sflag:s26] =	ssyncadd.s32 $0xFFFFC180  }
0xc8: {  	[tilespmem:s25], [sflag:$0x2] =	stream.indirect.gather [hbm4b:s1+s24], $0x80, s7, s24, $0xb8;
	[tilespmem:$0x1D000] =	vst v63  }
0xc9: {  	_ =	swait.ge [sflag:s22], $0x3E80  }
0xca: {  	[sflag:s22] =	ssyncset.done $0x0  }
0xcb: {  	s8 =	sor.u32 $0xB00, s6;
	[sflag:s22] =	ssyncadd.s32 $0xFFFFC180  }
0xcc: {  	[spmem:s3] =	stream.indirect.scatter.add.f32 [tilespmem:s21], [sflag:$0x4], $0x80, s8, s24, $0xb8;
	[tilespmem:$0x1D000] =	vst v63  }
0xcd: {  	_ =	swait.ge [sflag:s26], $0x3E80  }
0xce: {  	p1 =	seq.s32 s18, $0x9;
	[sflag:s26] =	ssyncset.done $0x0  }
0xcf: {  	s10 =	sxor.u32 @!p1 $0x400, s6;
	s8 =	simm.s32 @!p1 $0x3;
	[sflag:s26] =	ssyncadd.s32 $0xFFFFC180  }
0xd0: {  	_ =	swait.ge @!p1 [sflag:s8], $0x400  }
0xd1: {  	[sflag:s8] =	ssyncset.done @!p1 $0x0  }
0xd2: {  	[sflag:s8] =	ssyncadd.s32 @!p1 $0xFFFFFC00  }
0xd3: {  	_ =	swait.ge @!p1 [sflag:s8], $0x400  }
0xd4: {  	[sflag:s8] =	ssyncset.done @!p1 $0x0  }
0xd5: {  	s11 =	simm.s32 @!p1 $0x1000;
	[sflag:s8] =	ssyncadd.s32 @!p1 $0xFFFFFC00;
	s8 =	simm.s32 @!p1 $0x7D  }
0xd6: {  	[tilespmem:s11], [sflag:$0x1] =	stream.indirect.gather @!p1 [hbm4b:s1+s8], $0x80, s10, s8, $0xb8;
	[tilespmem:$0x1D000] =	vst v63  }
0xd7: {  	_ =	swait.ge [sflag:s28], $0x3E80  }
0xd8: {  	[sflag:s28] =	ssyncset.done $0x0  }
0xd9: {  	s7 =	sor.u32 $0x800, s7;
	[sflag:s28] =	ssyncadd.s32 $0xFFFFC180  }
0xda: {  	[spmem:s3] =	stream.indirect.scatter.add.f32 [tilespmem:s25], [sflag:$0x4], $0x80, s7, s24, $0xb8;
	[tilespmem:$0x1D000] =	vst v63  }
.Ltmp1:
0xdb: {  	_ =	swait.ge [sflag:s26], $0x3E80;
	(pc) =	sbr.rel @p0 .LBB2_4-.Ltmp1, $4  }
0xdc: {  	p1 =	sgt.u32 s18, $0x7;
	[sflag:s26] =	ssyncset.done $0x0  }
0xdd: {  	s7 =	simm.s32 @!p1 $0x0;
	[sflag:s26] =	ssyncadd.s32 $0xFFFFC180  }
0xde: {  	[tilespmem:s6], [sflag:$0x3] =	stream.linear.gather @!p1 [hbm4b:s2+s7], $0x400, $0x38;
	[tilespmem:$0x1D000] =	vst v63  }
0xdf: {  	s31 =	sadd.s32 $0x80, s31;
	s18 =	sadd.s32 $0x1, s18;
	s2 =	sadd.s32 $0x80, s2  }
0xe0: {  	[tilespmem:s19], [sflag:$0x3] =	stream.linear.gather @!p1 [hbm4b:s17+s7], $0x400, $0x38;
	[tilespmem:$0x1D000] =	vst v63  }
0xe1: {  	s6 =	sor.u32 $0x80, s30  }
0xe2: {  	[tilespmem:s25], [sflag:$0x2] =	stream.indirect.gather [hbm4b:s1+s24], $0x80, s6, s24, $0xb8;
	[tilespmem:$0x1D000] =	vst v63  }
0xe3: {  	_ =	swait.ge [sflag:s22], $0x3E80  }
0xe4: {  	[sflag:s22] =	ssyncset.done $0x0  }
0xe5: {  	s6 =	sor.u32 $0x800, s30;
	[sflag:s22] =	ssyncadd.s32 $0xFFFFC180  }
0xe6: {  	[spmem:s3] =	stream.indirect.scatter.add.f32 [tilespmem:s21], [sflag:$0x4], $0x80, s6, s24, $0xb8;
	[tilespmem:$0x1D000] =	vst v63  }
0xe7: {  	_ =	swait.ge [sflag:s26], $0x3E80  }
0xe8: {  	[sflag:s26] =	ssyncset.done $0x0  }
0xe9: {  	s20 =	sor.u32 $0x100, s30;
	[sflag:s26] =	ssyncadd.s32 $0xFFFFC180  }
0xea: {  	[tilespmem:s21], [sflag:$0x1] =	stream.indirect.gather [hbm4b:s1+s24], $0x80, s20, s24, $0xb8;
	[tilespmem:$0x1D000] =	vst v63  }
0xeb: {  	_ =	swait.ge [sflag:s28], $0x3E80  }
0xec: {  	[sflag:s28] =	ssyncset.done $0x0  }
0xed: {  	s8 =	sor.u32 $0x880, s30;
	[sflag:s28] =	ssyncadd.s32 $0xFFFFC180  }
0xee: {  	[spmem:s3] =	stream.indirect.scatter.add.f32 [tilespmem:s25], [sflag:$0x4], $0x80, s8, s24, $0xb8;
	[tilespmem:$0x1D000] =	vst v63  }
0xef: {  	_ =	swait.ge [sflag:s26], $0x3E80  }
0xf0: {  	[sflag:s26] =	ssyncset.done $0x0  }
0xf1: {  	s10 =	sor.u32 $0x180, s30;
	[sflag:s26] =	ssyncadd.s32 $0xFFFFC180  }
0xf2: {  	[tilespmem:s25], [sflag:$0x2] =	stream.indirect.gather [hbm4b:s1+s24], $0x80, s10, s24, $0xb8;
	[tilespmem:$0x1D000] =	vst v63  }
0xf3: {  	_ =	swait.ge [sflag:s22], $0x3E80  }
0xf4: {  	[sflag:s22] =	ssyncset.done $0x0  }
0xf5: {  	s11 =	sor.u32 $0x900, s30;
	[sflag:s22] =	ssyncadd.s32 $0xFFFFC180  }
0xf6: {  	[spmem:s3] =	stream.indirect.scatter.add.f32 [tilespmem:s21], [sflag:$0x4], $0x80, s11, s24, $0xb8;
	[tilespmem:$0x1D000] =	vst v63  }
0xf7: {  	_ =	swait.ge [sflag:s26], $0x3E80  }
0xf8: {  	[sflag:s26] =	ssyncset.done $0x0  }
0xf9: {  	s17 =	sor.u32 $0x200, s30;
	[sflag:s26] =	ssyncadd.s32 $0xFFFFC180  }
0xfa: {  	[tilespmem:s21], [sflag:$0x1] =	stream.indirect.gather [hbm4b:s1+s24], $0x80, s17, s24, $0xb8;
	[tilespmem:$0x1D000] =	vst v63  }
0xfb: {  	_ =	swait.ge [sflag:s28], $0x3E80  }
0xfc: {  	[sflag:s28] =	ssyncset.done $0x0  }
0xfd: {  	s19 =	sor.u32 $0x980, s30;
	[sflag:s28] =	ssyncadd.s32 $0xFFFFC180  }
0xfe: {  	[spmem:s3] =	stream.indirect.scatter.add.f32 [tilespmem:s25], [sflag:$0x4], $0x80, s19, s24, $0xb8;
	[tilespmem:$0x1D000] =	vst v63  }
0xff: {  	_ =	swait.ge [sflag:s26], $0x3E80  }
0x100: {  	[sflag:s26] =	ssyncset.done $0x0  }
0x101: {  	s20 =	sor.u32 $0x280, s30;
	[sflag:s26] =	ssyncadd.s32 $0xFFFFC180  }
0x102: {  	[tilespmem:s25], [sflag:$0x2] =	stream.indirect.gather [hbm4b:s1+s24], $0x80, s20, s24, $0xb8;
	[tilespmem:$0x1D000] =	vst v63  }
0x103: {  	_ =	swait.ge [sflag:s22], $0x3E80  }
0x104: {  	[sflag:s22] =	ssyncset.done $0x0  }
0x105: {  	s8 =	sor.u32 $0xA00, s30;
	[sflag:s22] =	ssyncadd.s32 $0xFFFFC180  }
0x106: {  	[spmem:s3] =	stream.indirect.scatter.add.f32 [tilespmem:s21], [sflag:$0x4], $0x80, s8, s24, $0xb8;
	[tilespmem:$0x1D000] =	vst v63  }
0x107: {  	_ =	swait.ge [sflag:s26], $0x3E80  }
0x108: {  	[sflag:s26] =	ssyncset.done $0x0  }
0x109: {  	s10 =	sor.u32 $0x300, s30;
	[sflag:s26] =	ssyncadd.s32 $0xFFFFC180  }
0x10a: {  	[tilespmem:s21], [sflag:$0x1] =	stream.indirect.gather [hbm4b:s1+s24], $0x80, s10, s24, $0xb8;
	[tilespmem:$0x1D000] =	vst v63  }
0x10b: {  	_ =	swait.ge [sflag:s28], $0x3E80  }
0x10c: {  	[sflag:s28] =	ssyncset.done $0x0  }
0x10d: {  	s11 =	sor.u32 $0xA80, s30;
	[sflag:s28] =	ssyncadd.s32 $0xFFFFC180  }
0x10e: {  	[spmem:s3] =	stream.indirect.scatter.add.f32 [tilespmem:s25], [sflag:$0x4], $0x80, s11, s24, $0xb8;
	[tilespmem:$0x1D000] =	vst v63  }
0x10f: {  	_ =	swait.ge [sflag:s26], $0x3E80  }
0x110: {  	[sflag:s26] =	ssyncset.done $0x0  }
0x111: {  	s17 =	sor.u32 $0x380, s30;
	[sflag:s26] =	ssyncadd.s32 $0xFFFFC180  }
0x112: {  	[tilespmem:s25], [sflag:$0x2] =	stream.indirect.gather [hbm4b:s1+s24], $0x80, s17, s24, $0xb8;
	[tilespmem:$0x1D000] =	vst v63  }
0x113: {  	_ =	swait.ge [sflag:s22], $0x3E80  }
0x114: {  	[sflag:s22] =	ssyncset.done $0x0  }
0x115: {  	s8 =	sor.u32 $0xB00, s30;
	[sflag:s22] =	ssyncadd.s32 $0xFFFFC180  }
0x116: {  	[spmem:s3] =	stream.indirect.scatter.add.f32 [tilespmem:s21], [sflag:$0x4], $0x80, s8, s24, $0xb8;
	[tilespmem:$0x1D000] =	vst v63  }
0x117: {  	_ =	swait.ge [sflag:s26], $0x3E80  }
0x118: {  	p0 =	seq.s32 s18, $0x9;
	[sflag:s26] =	ssyncset.done $0x0  }
0x119: {  	s8 =	simm.s32 @!p0 $0x3;
	[sflag:s26] =	ssyncadd.s32 $0xFFFFC180  }
0x11a: {  	_ =	swait.ge @!p0 [sflag:s8], $0x400  }
0x11b: {  	[sflag:s8] =	ssyncset.done @!p0 $0x0  }
0x11c: {  	[sflag:s8] =	ssyncadd.s32 @!p0 $0xFFFFFC00  }
0x11d: {  	_ =	swait.ge @!p0 [sflag:s8], $0x400  }
0x11e: {  	s10 =	sxor.u32 @!p0 $0x400, s30;
	[sflag:s8] =	ssyncset.done @!p0 $0x0  }
0x11f: {  	s11 =	simm.s32 @!p0 $0x1000;
	[sflag:s8] =	ssyncadd.s32 @!p0 $0xFFFFFC00;
	s8 =	simm.s32 @!p0 $0x7D  }
0x120: {  	[tilespmem:s11], [sflag:$0x1] =	stream.indirect.gather @!p0 [hbm4b:s1+s8], $0x80, s10, s8, $0xb8;
	[tilespmem:$0x1D000] =	vst v63  }
0x121: {  	_ =	swait.ge [sflag:s28], $0x3E80  }
0x122: {  	[sflag:s28] =	ssyncset.done $0x0  }
0x123: {  	s7 =	sor.u32 $0x800, s17;
	[sflag:s28] =	ssyncadd.s32 $0xFFFFC180  }
0x124: {  	[spmem:s3] =	stream.indirect.scatter.add.f32 [tilespmem:s25], [sflag:$0x4], $0x80, s7, s24, $0xb8;
	[tilespmem:$0x1D000] =	vst v63  }
0x125: {  	_ =	swait.ge [sflag:s26], $0x3E80  }
0x126: {  	p0 =	sgt.u32 s18, $0x7;
	[sflag:s26] =	ssyncset.done $0x0  }
0x127: {  	s7 =	simm.s32 @!p0 $0x0;
	[sflag:s26] =	ssyncadd.s32 $0xFFFFC180  }
0x128: {  	[tilespmem:s30], [sflag:$0x3] =	stream.linear.gather @!p0 [hbm4b:s2+s7], $0x400, $0x38;
	[tilespmem:$0x1D000] =	vst v63  }
0x129: {  	s19 =	stileid.u32  }
0x12a: {  	[tilespmem:s6], [sflag:$0x3] =	stream.linear.gather @!p0 [hbm4b:s31+s7], $0x400, $0x38;
	[tilespmem:$0x1D000] =	vst v63  }
0x12b: {  	s2 =	sshll.u32 s19, $0x6;
	[bflag:$0x0] =	sbarrier.arrive $0xFFFF  }
0x12c: {  	s20 =	sshrl.u32 s9, $0x3;
	s2 =	sor.u32 $0x1C04, s2;
	s30 =	rddreg [dreg:$0x7]  }
0x12d: {  	[hbm:s30], [sflag:s2] =	dma.local [spmem:s20], $0x2800  }
0x12e: {  	_ =	swait.ge [sflag:s26], $0x2800  }
0x12f: {  	s29 =	sadd.s32 $0x1, s29;
	s31 =	rddreg [dreg:$0x8]  }
0x130: {  	p0 =	sne.s32 s29, s31  }
.Ltmp2:
0x131: {  	_ = 	snop;
	(pc) =	sbr.rel @p0 .LBB2_1-.Ltmp2, $3  }
0x132: {  	_ =	sdelay $0x1  }
0x133: {  	[sflag:s26] =	ssyncset.done $0x0  }
0x134: {  	[sflag:s26] =	ssyncadd.s32 $0xFFFFD800  }
0x135: {  	_ =	sfence.sel $0x180000  }
0x136: {  	[bflag:$0x0] =	sbarrier.arrive $0xFFFF  }
0x137: {  	_ =	strace $0x90000047  }
0x138: {  	s0 =	stileid.u32;
	[bflag:$0x2] =	sbarrier.arrive $0xFFFF  }
0x139: {  	p0 =	sne.s32 s0, $0x0;
	s0 =	rddreg [dreg:$0x3]  }
0x13a: {  	s0 =	sadd.s32 @!p0 $0x100000, s0  }
0x13b: {  	[sflag:s0] =	ssyncadd.tile.s32 @!p0 $0x1;
	_ =	shalt  }
.Lfunc_end2:
_tile_overlayer_lowered:
.L_overlay_start_2:
0x13c: {  	(tag) =	ssettag $0x2  }
0x13d: {  	s0 =	rddreg [dreg:$0x0];
	s2 =	stileid.u32  }
0x13e: {  	s1 =	rddreg [dreg:$0x1];
	p0 =	sne.s32 s2, $0x0  }
0x13f: {  	s3 =	rddreg [dreg:$0x2];
	[bflag:$0x3] =	sbarrier.arrive $0xFFFF;
	s2 =	simm.s32 @!p0 $0x1C04  }
0x140: {  	[timem:s3], [sflag:s2] =	dma.local @!p0 [hbm:s0], s1  }
0x141: {  	s0 =	simm.s32 @!p0 $0x4  }
0x142: {  	_ =	swait.ge @!p0 [sflag:s0], s1  }
0x143: {  	s1 =	ssub.s32 @!p0 $0x0, s1;
	[sflag:s0] =	ssyncset.done @!p0 $0x0  }
0x144: {  	[sflag:s0] =	ssyncadd.s32 @!p0 s1  }
0x145: {  	[bflag:$0x3] =	sbarrier.arrive $0xFFFF  }
0x146: {  	_ =	shalt  }

// kernel: kernel.14.cloned.1.call-start
scs
__scs_entry_jumppad:
0x0: {  	(pc) =	sbr.rel $0x88, $3  }
0x1: {  	(tag) =	ssettag $0x0;
	lr =	simm.s32 $0x1  }
0x2: {  	[smem:$0x3F8C] =	sst lr;
	_ =	strace $0xD0000000  }
0x3: {  	_ = 	snop  }
0x4: {  	_ = 	snop  }
0x5: {  	_ = 	snop  }
0x6: {  	_ = 	snop  }
0x7: {  	_ = 	snop  }
__scs_overlays_trampoline_lowered:
0x8: {  	[smem:$0x3F9B] =	sst s0  }
0x9: {  	[smem:$0x3F9C] =	sst s1  }
0xa: {  	[smem:$0x3F9D] =	sst s2  }
0xb: {  	[smem:$0x3F9E] =	sst s3  }
0xc: {  	[smem:$0x3F9F] =	sst s4  }
0xd: {  	[smem:$0x3FA0] =	sst s5  }
0xe: {  	[smem:$0x3FA1] =	sst s6  }
0xf: {  	[smem:$0x3FA2] =	sst s7  }
0x10: {  	[smem:$0x3FA3] =	sst s8  }
0x11: {  	[smem:$0x3FA4] =	sst s9;
	s0 =	simm.s32 @!p0 $0x0  }
0x12: {  	s1 =	sld [smem:$0x3F8A];
	s0 =	simm.s32 @p0 $0x1  }
0x13: {  	[smem:$0x3FA5] =	sst s0;
	s0 =	simm.s32 @!p1 $0x0  }
0x14: {  	s2 =	sld [smem:$0x3F89];
	s0 =	simm.s32 @p1 $0x1  }
0x15: {  	[smem:$0x3FA6] =	sst s0;
	s0 =	simm.s32 @!p2 $0x0  }
0x16: {  	s3 =	sld [smem:$0x3FDB];
	s0 =	simm.s32 @p2 $0x1  }
0x17: {  	s4 =	simm.s32 $0x1BF5;
	[smem:$0x3FA8] =	sst s0  }
0x18: {  	s0 =	sld [smem:$0x3F8B];
	_ =	swait.ge [sflag:s4], $0x0  }
0x19: {  	s7 =	sld [smem:$0x3F8C]  }
0x1a: {  	s8 =	sadd.s32 $0xFFFFE003, lr  }
0x1b: {  	s9 =	sadd.s32 $0xFFFFFEF7, lr;
	s5 =	simm.s32 $0xFFFFFFFF;
	p2 =	slt.u32 s8, $0xFFFFF086  }
0x1c: {  	p1 =	slt.u32 s9, $0xF7A;
	s5 =	simm.s32 @!p2 $0x0  }
0x1d: {  	s5 =	simm.s32 @p1 $0x1;
	p0 =	seq.s32 s7, s2  }
0x1e: {  	s7 =	smul.u32 @!p0 $0xF7A, s2;
	p2 =	seq.s32 @!p0 s5, $0x0  }
0x1f: {  	s9 =	smul.u32 $0xF7A, s1;
	s8 =	simm.s32 @!p0 $0x1BF5;
	p2 =	por !p2, p0  }
0x20: {  	[sflag:s8] =	ssyncset.s32 @!p0 $0xFFFFF086;
	s6 =	sadd.s32 @!p0 s3, s7;
	s7 =	simm.s32 @!p0 $0x108  }
0x21: {  	s3 =	sadd.s32 s3, s9;
	s6 =	sadd.s32 @!p0 $0x88, s6;
	s7 =	simm.s32 @p2 $0x1082  }
0x22: {  	[simem:s7], [sflag:s8] =	dma.local @!p0 [hbm:s6], $0xF7A  }
0x23: {  	s9 =	sor.u32 $0xD0000000, s2;
	s6 =	simm.s32 $0x108;
	_ =	swait.ge @!p0 [sflag:s8], $0x0  }
0x24: {  	s3 =	sadd.s32 $0x88, s3;
	s6 =	simm.s32 @!p1 $0x1082;
	[sflag:s4] =	ssyncset.s32 $0xFFFFF086  }
0x25: {  	[simem:s6], [sflag:s4] =	dma.local [hbm:s3], $0xF7A  }
0x26: {  	[smem:$0x3F8C] =	sst s1;
	(tag) =	ssettag s2;
	_ =	strace s9  }
0x27: {  	s1 =	sld [smem:$0x3F9C]  }
0x28: {  	s2 =	sld [smem:$0x3F9D]  }
0x29: {  	s4 =	sld [smem:$0x3F9F]  }
0x2a: {  	p0 =	seq.s32 s5, $0x0;
	s5 =	sld [smem:$0x3FA0]  }
0x2b: {  	s6 =	sld [smem:$0x3FA1]  }
0x2c: {  	s7 =	sld [smem:$0x3FA2]  }
0x2d: {  	s3 =	simm.s32 $0x108;
	s8 =	sld [smem:$0x3FA3]  }
0x2e: {  	s3 =	simm.s32 @!p0 $0x1082;
	s9 =	sld [smem:$0x3FA4]  }
0x2f: {  	lr =	sadd.s32 s0, s3;
	s0 =	sld [smem:$0x3F9B]  }
0x30: {  	s3 =	sld [smem:$0x3F9E]  }
0x31: {  	[smem:$0x3FA7] =	sst s10  }
0x32: {  	s10 =	sld [smem:$0x3FA5];
	_ =	sdelay $0x3  }
0x33: {  	p0 =	seq.s32 s10, $0x1;
	s10 =	sld [smem:$0x3FA7];
	_ =	sdelay $0x3  }
0x34: {  	[smem:$0x3FA7] =	sst s10  }
0x35: {  	s10 =	sld [smem:$0x3FA6];
	_ =	sdelay $0x3  }
0x36: {  	p1 =	seq.s32 s10, $0x1;
	s10 =	sld [smem:$0x3FA7];
	_ =	sdelay $0x3  }
0x37: {  	[smem:$0x3FA7] =	sst s10  }
0x38: {  	s10 =	sld [smem:$0x3FA8]  }
0x39: {  	_ = 	snop;
	(pc) =	sbr.ind lr, $3  }
0x3a: {  	_ = 	snop  }
0x3b: {  	_ = 	snop  }
0x3c: {  	p2 =	seq.s32 s10, $0x1;
	s10 =	sld [smem:$0x3FA7]  }
0x3d: {  	_ =	shalt  }
0x3e: {  	_ =	shalt  }
0x3f: {  	_ =	shalt  }
0x40: {  	_ =	shalt  }
0x41: {  	_ =	shalt  }
0x42: {  	_ =	shalt  }
0x43: {  	_ =	shalt  }
0x44: {  	_ =	shalt  }
0x45: {  	_ =	shalt  }
0x46: {  	_ =	shalt  }
0x47: {  	_ =	shalt  }
0x48: {  	_ =	shalt  }
0x49: {  	_ =	shalt  }
0x4a: {  	_ =	shalt  }
0x4b: {  	_ =	shalt  }
0x4c: {  	_ =	shalt  }
0x4d: {  	_ =	shalt  }
0x4e: {  	_ =	shalt  }
0x4f: {  	_ =	shalt  }
0x50: {  	_ =	shalt  }
0x51: {  	_ =	shalt  }
0x52: {  	_ =	shalt  }
0x53: {  	_ =	shalt  }
0x54: {  	_ =	shalt  }
0x55: {  	_ =	shalt  }
0x56: {  	_ =	shalt  }
0x57: {  	_ =	shalt  }
0x58: {  	_ =	shalt  }
0x59: {  	_ =	shalt  }
0x5a: {  	_ =	shalt  }
0x5b: {  	_ =	shalt  }
0x5c: {  	_ =	shalt  }
0x5d: {  	_ =	shalt  }
0x5e: {  	_ =	shalt  }
0x5f: {  	_ =	shalt  }
0x60: {  	_ =	shalt  }
0x61: {  	_ =	shalt  }
0x62: {  	_ =	shalt  }
0x63: {  	_ =	shalt  }
0x64: {  	_ =	shalt  }
0x65: {  	_ =	shalt  }
0x66: {  	_ =	shalt  }
0x67: {  	_ =	shalt  }
0x68: {  	_ =	shalt  }
0x69: {  	_ =	shalt  }
0x6a: {  	_ =	shalt  }
0x6b: {  	_ =	shalt  }
0x6c: {  	_ =	shalt  }
0x6d: {  	_ =	shalt  }
0x6e: {  	_ =	shalt  }
0x6f: {  	_ =	shalt  }
0x70: {  	_ =	shalt  }
0x71: {  	_ =	shalt  }
0x72: {  	_ =	shalt  }
0x73: {  	_ =	shalt  }
0x74: {  	_ =	shalt  }
0x75: {  	_ =	shalt  }
0x76: {  	_ =	shalt  }
0x77: {  	_ =	shalt  }
0x78: {  	_ =	shalt  }
0x79: {  	_ =	shalt  }
0x7a: {  	_ =	shalt  }
0x7b: {  	_ =	shalt  }
0x7c: {  	_ =	shalt  }
0x7d: {  	_ =	shalt  }
0x7e: {  	_ =	shalt  }
0x7f: {  	_ =	shalt  }
0x80: {  	_ =	shalt  }
0x81: {  	_ =	shalt  }
0x82: {  	_ =	shalt  }
0x83: {  	_ =	shalt  }
0x84: {  	_ =	shalt  }
0x85: {  	_ =	shalt  }
0x86: {  	_ =	shalt  }
0x87: {  	_ =	shalt  }
.Lfunc_end0:
.L_simem_size_0:
called_computation.1_lowered:
.L_overlay_start_0:
0x88: {  	s2 =	sld [smem:$0x3FD9]  }
0x89: {  	s3 =	sld [smem:$0x3FFE];
	_ =	sdelay $0x1  }
0x8a: {  	s1 =	srdreg.scid  }
0x8b: {  	s0 =	sand.u32 $0x1, s1  }
0x8c: {  	s16 =	sshll.u32 s0, $0xA;
	s2 =	sadd.s32 s3, s2  }
0x8d: {  	s2 =	sadd.s32 s2, s16  }
0x8e: {  	[smem:$0x3FB3] =	sst s2  }
0x8f: {  	_ = 	snop  }
0x90: {  	(tm) =	ssettm $0x1  }
0x91: {  	s17 =	sld [smem:$0x3FFB];
	_ =	sdelay $0x3  }
0x92: {  	_ =	strace s17  }
0x93: {  	s2 =	sld [smem:$0x3FFC];
	_ =	sdelay $0x3  }
0x94: {  	_ =	strace s2  }
0x95: {  	s2 =	sld [smem:$0x3FFD];
	_ =	sdelay $0x3  }
0x96: {  	_ =	strace s2  }
0x97: {  	_ =	strace $0x8FFFFFFF  }
0x98: {  	s18 =	sld [smem:$0x3FDB];
	_ =	sdelay $0x1  }
0x99: {  	s19 =	simm.s32 $_scs_section_size  }
0x9a: {  	s4 =	simm.s32 $_size__tile_overlayer_lowered;
	s5 =	simm.s32 $_tile_overlayer_lowered  }
0x9b: {  	s22 =	simm.s32 $0x1BFF;
	s21 =	sshll.u32 s5, $0x1;
	s2 =	sadd.s32 s19, s18  }
0x9c: {  	s6 =	simm.s32 $0x0;
	s20 =	sshll.u32 s4, $0x1;
	s4 =	sadd.s32 s21, s2  }
0x9d: {  	[timem:s6], [sflag:s22] =	dma.local [hbm:s4], s20  }
0x9e: {  	_ =	swait.ge [sflag:s22], s20  }
0x9f: {  	s3 =	ssub.s32 $0x0, s20;
	[sflag:s22] =	ssyncset.done $0x0  }
0xa0: {  	[sflag:s22] =	ssyncadd.s32 s3;
	_ =	sdelay $0x1  }
0xa1: {  	s23 =	simm.s32 $0x1B8B  }
0xa2: {  	_ =	swait.ge [sflag:s23], $0x1  }
0xa3: {  	[sflag:s23] =	ssyncset.done $0x0  }
0xa4: {  	s25 =	simm.s32 $0x1B8E;
	s24 =	sld [smem:$0x3FFE];
	[sflag:s23] =	ssyncadd.s32 $0xFFFFFFFF  }
0xa5: {  	s26 =	simm.s32 $execute0_lowered;
	[smem:$0x3FD2] =	sst s25  }
0xa6: {  	s4 =	sshll.u32 s26, $0x1;
	_ =	strace $0x80000049;
	[dreg:$0x1] =	wrdreg $0xFFFFFFFF  }
0xa7: {  	s28 =	simm.s32 $_size_execute0_lowered;
	s2 =	sadd.s32 s2, s4;
	[dreg:$0x0] =	wrdreg $0x0  }
0xa8: {  	s4 =	sshll.u32 s28, $0x1;
	[dreg:$0x2] =	wrdreg s2  }
0xa9: {  	[dreg:$0x3] =	wrdreg s4  }
0xaa: {  	[dreg:$0x4] =	wrdreg $0xC0  }
0xab: {  	_ =	task [dreg:s6], $0x5FFFF  }
0xac: {  	[dreg:$0x1] =	wrdreg $0xFFFFFFFF  }
0xad: {  	[dreg:$0x0] =	wrdreg $0x60  }
0xae: {  	[dreg:$0x2] =	wrdreg s24  }
0xaf: {  	[dreg:$0x3] =	wrdreg $0x90000  }
0xb0: {  	[dreg:$0x4] =	wrdreg $0x9  }
0xb1: {  	_ =	task.clear_ibuf [dreg:s6], $0x5FFFF;
	_ =	strace $0x90000049  }
0xb2: {  	s29 =	simm.s32 $0x9;
	_ =	strace $0x8000004B  }
0xb3: {  	_ =	swait.ge [sflag:s29], $0x1  }
0xb4: {  	[sflag:s29] =	ssyncadd.s32 $0xFFFFFFFF  }
0xb5: {  	_ =	strace $0x9000004B  }
0xb6: {  	_ =	sfence  }
0xb7: {  	s30 =	sld [smem:$0x0];
	_ =	sdelay $0x2  }
0xb8: {  	s31 =	sshll.u32 s1, $0xD;
	s1 =	sshrl.u32 s1, $0x2  }
0xb9: {  	s3 =	sand.u32 $0x4000, s31;
	s1 =	sadd.s32 s1, s30  }
0xba: {  	s0 =	sor.u32 s3, s0;
	s1 =	sshll.u32 s1, $0x11  }
0xbb: {  	s0 =	sor.u32 s1, s0  }
0xbc: {  	s0 =	sadd.s32 $0x8F2B, s0  }
0xbd: {  	[sflag:s0] =	ssyncadd.remote.s32 $0x1  }
0xbe: {  	_ =	sfence.sel $0xFFFF  }
0xbf: {  	[dreg:$0x0] =	wrdreg $0xFFFFFFFF;
	(pc) =	sbr.abs _section_cstart, $3  }
0xc0: {  	[dreg:$0x1] =	wrdreg $0xFFFFFFFF  }
0xc1: {  	_ =	task.clear_ibuf [dreg:s6], $0x2FFFF;
	_ =	strace $0x9FFFFFFF  }
0xc2: {  	(tm) =	ssettm $0x7FFFFFFF  }
0xc3: {  	_ =	shalt  }
tec
execute0_lowered:
.L_overlay_start_1:
0x0: {  	(tag) =	ssettag $0x1  }
0x1: {  	s0 =	rddreg [dreg:$0x0]  }
0x2: {  	s1 =	srdreg.scid;
	s10 =	stileid.u32  }
0x3: {  	s2 =	rddreg [dreg:$0x1];
	s3 =	simm.s32 $0x0;
	s5 =	smul.u32 $0x14000, s10  }
0x4: {  	s21 =	simm.s32 $0x1000;
	s28 =	simm.s32 $0x2;
	s9 =	smul.u32 $0x50000, s10  }
0x5: {  	s29 =	simm.s32 $0x0;
	s1 =	sand.u32 $0x1, s1;
	s23 =	smul.u32 $0x5000, s10  }
0x6: {  	[smem:$0x7FF] =	sst s3;
	s6 =	sshll.u32 s10, $0x1;
	s4 =	smul.u32 $0x140000, s1  }
0x7: {  	s6 =	sor.u32 s1, s6;
	s22 =	ssub.s32 $0x2, s1;
	s1 =	smul.u32 $0x2800, s1  }
0x8: {  	s7 =	sadd.s32 $0x4A00, s0;
	_ =	strace $0x8000004A;
	s6 =	smul.u32 $0x2800, s6  }
0x9: {  	s8 =	sshrl.u32 s22, $0x1;
	s9 =	sshrl.u32 s9, $0x2;
	s5 =	sadd.s32 s5, s4  }
0xa: {  	s4 =	sadd.s32 $0x18A00, s0;
	s11 =	ssub.s32 s22, s8;
	s9 =	sadd.s32 s9, s2  }
0xb: {  	s31 =	sadd.s32 s1, s23;
	s22 =	simm.s32 $0x1;
	s23 =	simm.s32 $0x3  }
0xc: {  	s5 =	sshrl.u32 s5, $0x3;
	s6 =	sshrl.u32 s6, $0x3;
	s30 =	smax.u32 s11, $0x1  }
0xd: {  	s12 =	sadd.s32 $0x4000, s9;
	s13 =	sadd.s32 $0x8000, s9;
	s1 =	sadd.s32 $0x800, s31  }
0xe: {  	s14 =	sadd.s32 $0xC000, s9;
	s0 =	sadd.s32 s5, s0;
	s5 =	sadd.s32 s7, s6  }
0xf: {  	s15 =	sadd.s32 $0x10000, s9;
	[dreg:$0x7] =	wrdreg s30;
	s24 =	sadd.s32 $0xA000, s5  }
0x10: {  	s1 =	sshrl.u32 s1, $0x3;
	s25 =	sadd.s32 $0x80, s5;
	[dreg:$0x3] =	wrdreg s24  }
0x11: {  	s26 =	sadd.s32 $0xA080, s5;
	s0 =	sadd.s32 $0x3FC00, s0;
	[dreg:$0x4] =	wrdreg s25  }
0x12: {  	s16 =	sadd.s32 s1, s7;
	[dreg:$0x6] =	wrdreg s0;
	s0 =	sadd.s32 $0x50800, s31  }
0x13: {  	[dreg:$0x5] =	wrdreg s26;
	s24 =	simm.s32 $0x7D;
	s0 =	sshrl.u32 s0, $0x3  }
0x14: {  	v0 =	vimm.f32 $0.0e+00;
	s25 =	simm.s32 $0x5000;
	s26 =	simm.s32 $0x4;
	s1 =	sadd.s32 s0, s7  }
.LBB2_1:
0x15: {  	[tilespmem:s3], [sflag:$0x3] =	stream.linear.gather [hbm4b:s5+s3], $0x400, $0x38;
	[tilespmem:$0x1D000] =	vst v63  }
0x16: {  	s0 =	rddreg [dreg:$0x3]  }
0x17: {  	s6 =	simm.s32 $0x800;
	s19 =	rddreg [dreg:$0x4]  }
0x18: {  	[tilespmem:s6], [sflag:$0x3] =	stream.linear.gather [hbm4b:s0+s3], $0x400, $0x38;
	[tilespmem:$0x1D000] =	vst v63  }
0x19: {  	s20 =	simm.s32 $0x400;
	s30 =	rddreg [dreg:$0x5]  }
0x1a: {  	[tilespmem:s20], [sflag:$0x3] =	stream.linear.gather [hbm4b:s19+s3], $0x400, $0x38;
	[tilespmem:$0x1D000] =	vst v63  }
0x1b: {  	s31 =	simm.s32 $0xC00;
	s0 =	simm.s32 $0x0;
	s6 =	simm.s32 $0x200  }
0x1c: {  	[tilespmem:s31], [sflag:$0x3] =	stream.linear.gather [hbm4b:s30+s3], $0x400, $0x38;
	[tilespmem:$0x1D000] =	vst v63  }
.LBB2_2:
0x1d: {  	p0 =	sne.s32 s6, $0xFE00;
	[tilespmem:s0+$0x1070] =	vst v0  }
0x1e: {  	[tilespmem:s0+$0x1000] =	vst v0  }
0x1f: {  	[tilespmem:s0+$0x1010] =	vst v0  }
.Ltmp0:
0x20: {  	[tilespmem:s0+$0x1020] =	vst v0;
	(pc) =	sbr.rel @p0 .LBB2_2-.Ltmp0, $4  }
0x21: {  	[tilespmem:s0+$0x1030] =	vst v0  }
0x22: {  	[tilespmem:s0+$0x1040] =	vst v0  }
0x23: {  	[tilespmem:s0+$0x1050] =	vst v0  }
0x24: {  	[tilespmem:s0+$0x1060] =	vst v0;
	s0 =	sshra.s32 s6, $0x2;
	s6 =	sadd.s32 $0x200, s6  }
0x25: {  	[tilespmem:s0+$0x1070] =	vst v0  }
0x26: {  	[tilespmem:s0+$0x1000] =	vst v0  }
0x27: {  	[tilespmem:s0+$0x1010] =	vst v0  }
0x28: {  	[tilespmem:s0+$0x1020] =	vst v0  }
0x29: {  	[tilespmem:s0+$0x1030] =	vst v0  }
0x2a: {  	[tilespmem:s0+$0x1040] =	vst v0  }
0x2b: {  	[tilespmem:s0+$0x1050] =	vst v0  }
0x2c: {  	[tilespmem:s0+$0x1060] =	vst v0  }
0x2d: {  	[spmem:s9] =	stream.linear.scatter [tilespmem:s21], [sflag:$0x1], $0x4000, $0x38;
	[tilespmem:$0x1D000] =	vst v63  }
0x2e: {  	_ = 	snop  }
0x2f: {  	[spmem:s12] =	stream.linear.scatter [tilespmem:s21], [sflag:$0x1], $0x4000, $0x38;
	[tilespmem:$0x1D000] =	vst v63  }
0x30: {  	_ = 	snop  }
0x31: {  	[spmem:s13] =	stream.linear.scatter [tilespmem:s21], [sflag:$0x1], $0x4000, $0x38;
	[tilespmem:$0x1D000] =	vst v63  }
0x32: {  	_ = 	snop  }
0x33: {  	[spmem:s14] =	stream.linear.scatter [tilespmem:s21], [sflag:$0x1], $0x4000, $0x38;
	[tilespmem:$0x1D000] =	vst v63  }
0x34: {  	_ = 	snop  }
0x35: {  	[spmem:s15] =	stream.linear.scatter [tilespmem:s21], [sflag:$0x1], $0x4000, $0x38;
	[tilespmem:$0x1D000] =	vst v63  }
0x36: {  	_ =	swait.ge [sflag:s22], $0x4000  }
0x37: {  	[sflag:s22] =	ssyncset.done $0x0  }
0x38: {  	[sflag:s22] =	ssyncadd.s32 $0xFFFFC000  }
0x39: {  	_ =	swait.ge [sflag:s22], $0x4000  }
0x3a: {  	[sflag:s22] =	ssyncset.done $0x0  }
0x3b: {  	[sflag:s22] =	ssyncadd.s32 $0xFFFFC000  }
0x3c: {  	_ =	swait.ge [sflag:s22], $0x4000  }
0x3d: {  	[sflag:s22] =	ssyncset.done $0x0  }
0x3e: {  	[sflag:s22] =	ssyncadd.s32 $0xFFFFC000  }
0x3f: {  	_ =	swait.ge [sflag:s22], $0x4000  }
0x40: {  	[sflag:s22] =	ssyncset.done $0x0  }
0x41: {  	[sflag:s22] =	ssyncadd.s32 $0xFFFFC000  }
0x42: {  	_ =	swait.ge [sflag:s22], $0x4000  }
0x43: {  	[sflag:s22] =	ssyncset.done $0x0  }
0x44: {  	[sflag:s22] =	ssyncadd.s32 $0xFFFFC000  }
0x45: {  	[bflag:$0x0] =	sbarrier.arrive $0xFFFF  }
0x46: {  	_ =	swait.ge [sflag:s23], $0x400  }
0x47: {  	[sflag:s23] =	ssyncset.done $0x0  }
0x48: {  	[sflag:s23] =	ssyncadd.s32 $0xFFFFFC00  }
0x49: {  	_ =	swait.ge [sflag:s23], $0x400  }
0x4a: {  	s6 =	simm.s32 $0x0;
	[sflag:s23] =	ssyncset.done $0x0  }
0x4b: {  	s0 =	sand.u32 $0x400, s6;
	[sflag:s23] =	ssyncadd.s32 $0xFFFFFC00  }
0x4c: {  	[tilespmem:s21], [sflag:$0x1] =	stream.indirect.gather [hbm4b:s4+s24], $0x80, s6, s24, $0xb8;
	[tilespmem:$0x1D000] =	vst v63  }
0x4d: {  	s6 =	sor.u32 $0x80, s0  }
0x4e: {  	[tilespmem:s25], [sflag:$0x2] =	stream.indirect.gather [hbm4b:s4+s24], $0x80, s6, s24, $0xb8;
	[tilespmem:$0x1D000] =	vst v63  }
0x4f: {  	_ =	swait.ge [sflag:s22], $0x3E80  }
0x50: {  	[sflag:s22] =	ssyncset.done $0x0  }
0x51: {  	s19 =	sor.u32 $0x800, s0;
	[sflag:s22] =	ssyncadd.s32 $0xFFFFC180  }
0x52: {  	[spmem:s2] =	stream.indirect.scatter.add.f32 [tilespmem:s21], [sflag:$0x4], $0x80, s19, s24, $0xb8;
	[tilespmem:$0x1D000] =	vst v63  }
0x53: {  	_ =	swait.ge [sflag:s26], $0x3E80  }
0x54: {  	[sflag:s26] =	ssyncset.done $0x0  }
0x55: {  	s7 =	sor.u32 $0x100, s0;
	[sflag:s26] =	ssyncadd.s32 $0xFFFFC180  }
0x56: {  	[tilespmem:s21], [sflag:$0x1] =	stream.indirect.gather [hbm4b:s4+s24], $0x80, s7, s24, $0xb8;
	[tilespmem:$0x1D000] =	vst v63  }
0x57: {  	_ =	swait.ge [sflag:s28], $0x3E80  }
0x58: {  	[sflag:s28] =	ssyncset.done $0x0  }
0x59: {  	s8 =	sor.u32 $0x880, s0;
	[sflag:s28] =	ssyncadd.s32 $0xFFFFC180  }
0x5a: {  	[spmem:s2] =	stream.indirect.scatter.add.f32 [tilespmem:s25], [sflag:$0x4], $0x80, s8, s24, $0xb8;
	[tilespmem:$0x1D000] =	vst v63  }
0x5b: {  	_ =	swait.ge [sflag:s26], $0x3E80  }
0x5c: {  	[sflag:s26] =	ssyncset.done $0x0  }
0x5d: {  	s10 =	sor.u32 $0x180, s0;
	[sflag:s26] =	ssyncadd.s32 $0xFFFFC180  }
0x5e: {  	[tilespmem:s25], [sflag:$0x2] =	stream.indirect.gather [hbm4b:s4+s24], $0x80, s10, s24, $0xb8;
	[tilespmem:$0x1D000] =	vst v63  }
0x5f: {  	_ =	swait.ge [sflag:s22], $0x3E80  }
0x60: {  	[sflag:s22] =	ssyncset.done $0x0  }
0x61: {  	s11 =	sor.u32 $0x900, s0;
	[sflag:s22] =	ssyncadd.s32 $0xFFFFC180  }
0x62: {  	[spmem:s2] =	stream.indirect.scatter.add.f32 [tilespmem:s21], [sflag:$0x4], $0x80, s11, s24, $0xb8;
	[tilespmem:$0x1D000] =	vst v63  }
0x63: {  	_ =	swait.ge [sflag:s26], $0x3E80  }
0x64: {  	[sflag:s26] =	ssyncset.done $0x0  }
0x65: {  	s17 =	sor.u32 $0x200, s0;
	[sflag:s26] =	ssyncadd.s32 $0xFFFFC180  }
0x66: {  	[tilespmem:s21], [sflag:$0x1] =	stream.indirect.gather [hbm4b:s4+s24], $0x80, s17, s24, $0xb8;
	[tilespmem:$0x1D000] =	vst v63  }
0x67: {  	_ =	swait.ge [sflag:s28], $0x3E80  }
0x68: {  	[sflag:s28] =	ssyncset.done $0x0  }
0x69: {  	s18 =	sor.u32 $0x980, s0;
	[sflag:s28] =	ssyncadd.s32 $0xFFFFC180  }
0x6a: {  	[spmem:s2] =	stream.indirect.scatter.add.f32 [tilespmem:s25], [sflag:$0x4], $0x80, s18, s24, $0xb8;
	[tilespmem:$0x1D000] =	vst v63  }
0x6b: {  	_ =	swait.ge [sflag:s26], $0x3E80  }
0x6c: {  	[sflag:s26] =	ssyncset.done $0x0  }
0x6d: {  	s20 =	sor.u32 $0x280, s0;
	[sflag:s26] =	ssyncadd.s32 $0xFFFFC180  }
0x6e: {  	[tilespmem:s25], [sflag:$0x2] =	stream.indirect.gather [hbm4b:s4+s24], $0x80, s20, s24, $0xb8;
	[tilespmem:$0x1D000] =	vst v63  }
0x6f: {  	_ =	swait.ge [sflag:s22], $0x3E80  }
0x70: {  	[sflag:s22] =	ssyncset.done $0x0  }
0x71: {  	s7 =	sor.u32 $0xA00, s0;
	[sflag:s22] =	ssyncadd.s32 $0xFFFFC180  }
0x72: {  	[spmem:s2] =	stream.indirect.scatter.add.f32 [tilespmem:s21], [sflag:$0x4], $0x80, s7, s24, $0xb8;
	[tilespmem:$0x1D000] =	vst v63  }
0x73: {  	_ =	swait.ge [sflag:s26], $0x3E80  }
0x74: {  	[sflag:s26] =	ssyncset.done $0x0  }
0x75: {  	s8 =	sor.u32 $0x300, s0;
	[sflag:s26] =	ssyncadd.s32 $0xFFFFC180  }
0x76: {  	[tilespmem:s21], [sflag:$0x1] =	stream.indirect.gather [hbm4b:s4+s24], $0x80, s8, s24, $0xb8;
	[tilespmem:$0x1D000] =	vst v63  }
0x77: {  	_ =	swait.ge [sflag:s28], $0x3E80  }
0x78: {  	[sflag:s28] =	ssyncset.done $0x0  }
0x79: {  	s10 =	sor.u32 $0xA80, s0;
	[sflag:s28] =	ssyncadd.s32 $0xFFFFC180  }
0x7a: {  	[spmem:s2] =	stream.indirect.scatter.add.f32 [tilespmem:s25], [sflag:$0x4], $0x80, s10, s24, $0xb8;
	[tilespmem:$0x1D000] =	vst v63  }
0x7b: {  	_ =	swait.ge [sflag:s26], $0x3E80  }
0x7c: {  	[sflag:s26] =	ssyncset.done $0x0  }
0x7d: {  	s11 =	sor.u32 $0x380, s0;
	[sflag:s26] =	ssyncadd.s32 $0xFFFFC180  }
0x7e: {  	[tilespmem:s25], [sflag:$0x2] =	stream.indirect.gather [hbm4b:s4+s24], $0x80, s11, s24, $0xb8;
	[tilespmem:$0x1D000] =	vst v63  }
0x7f: {  	_ =	swait.ge [sflag:s22], $0x3E80  }
0x80: {  	[sflag:s22] =	ssyncset.done $0x0  }
0x81: {  	s7 =	sor.u32 $0xB00, s0;
	[sflag:s22] =	ssyncadd.s32 $0xFFFFC180  }
0x82: {  	[spmem:s2] =	stream.indirect.scatter.add.f32 [tilespmem:s21], [sflag:$0x4], $0x80, s7, s24, $0xb8;
	[tilespmem:$0x1D000] =	vst v63  }
0x83: {  	_ =	swait.ge [sflag:s26], $0x3E80  }
0x84: {  	p0 =	por $0x0, $0x0;
	[sflag:s26] =	ssyncset.done $0x0  }
0x85: {  	s7 =	simm.s32 @!p0 $0x3;
	[sflag:s26] =	ssyncadd.s32 $0xFFFFC180  }
0x86: {  	_ =	swait.ge @!p0 [sflag:s7], $0x400  }
0x87: {  	[sflag:s7] =	ssyncset.done @!p0 $0x0  }
0x88: {  	[sflag:s7] =	ssyncadd.s32 @!p0 $0xFFFFFC00  }
0x89: {  	_ =	swait.ge @!p0 [sflag:s7], $0x400  }
0x8a: {  	s17 =	sxor.u32 @!p0 $0x400, s0;
	[sflag:s7] =	ssyncset.done @!p0 $0x0  }
0x8b: {  	s18 =	simm.s32 @!p0 $0x1000;
	[sflag:s7] =	ssyncadd.s32 @!p0 $0xFFFFFC00;
	s7 =	simm.s32 @!p0 $0x7D  }
0x8c: {  	[tilespmem:s18], [sflag:$0x1] =	stream.indirect.gather @!p0 [hbm4b:s4+s7], $0x80, s17, s7, $0xb8;
	[tilespmem:$0x1D000] =	vst v63  }
0x8d: {  	_ =	swait.ge [sflag:s28], $0x3E80  }
0x8e: {  	[sflag:s28] =	ssyncset.done $0x0  }
0x8f: {  	s6 =	sor.u32 $0x800, s11;
	[sflag:s28] =	ssyncadd.s32 $0xFFFFC180  }
0x90: {  	[spmem:s2] =	stream.indirect.scatter.add.f32 [tilespmem:s25], [sflag:$0x4], $0x80, s6, s24, $0xb8;
	[tilespmem:$0x1D000] =	vst v63  }
0x91: {  	p1 =	por $0x0, $0x0;
	s20 =	simm.s32 $0x400;
	_ =	swait.ge [sflag:s26], $0x3E80  }
0x92: {  	s31 =	sadd.s32 $0x80, s1;
	s30 =	sand.u32 $0x400, s20;
	[sflag:s26] =	ssyncset.done $0x0  }
0x93: {  	s20 =	simm.s32 $0x800;
	s7 =	simm.s32 @!p1 $0x0;
	[sflag:s26] =	ssyncadd.s32 $0xFFFFC180  }
0x94: {  	[tilespmem:s0], [sflag:$0x3] =	stream.linear.gather @!p1 [hbm4b:s16+s7], $0x400, $0x38;
	[tilespmem:$0x1D000] =	vst v63  }
0x95: {  	s18 =	simm.s32 $0x1;
	s17 =	smov.u32 s1;
	s0 =	sadd.s32 $0x80, s16  }
.LBB2_4:
0x96: {  	[tilespmem:s19], [sflag:$0x3] =	stream.linear.gather @!p1 [hbm4b:s17+s7], $0x400, $0x38;
	[tilespmem:$0x1D000] =	vst v63  }
0x97: {  	s7 =	sand.u32 $0x400, s20;
	s20 =	sadd.s32 $0x400, s20;
	s6 =	sor.u32 $0x80, s30  }
0x98: {  	[tilespmem:s25], [sflag:$0x2] =	stream.indirect.gather [hbm4b:s4+s24], $0x80, s6, s24, $0xb8;
	[tilespmem:$0x1D000] =	vst v63  }
0x99: {  	p0 =	sne.s32 s20, $0x2800;
	s6 =	smov.u32 s30;
	_ =	swait.ge [sflag:s22], $0x3E80  }
0x9a: {  	s17 =	smov.u32 s31;
	s30 =	smov.u32 s7;
	[sflag:s22] =	ssyncset.done $0x0  }
0x9b: {  	s19 =	sor.u32 $0x800, s6;
	[sflag:s22] =	ssyncadd.s32 $0xFFFFC180  }
0x9c: {  	[spmem:s2] =	stream.indirect.scatter.add.f32 [tilespmem:s21], [sflag:$0x4], $0x80, s19, s24, $0xb8;
	[tilespmem:$0x1D000] =	vst v63  }
0x9d: {  	_ =	swait.ge [sflag:s26], $0x3E80  }
0x9e: {  	[sflag:s26] =	ssyncset.done $0x0  }
0x9f: {  	s7 =	sor.u32 $0x100, s6;
	[sflag:s26] =	ssyncadd.s32 $0xFFFFC180  }
0xa0: {  	[tilespmem:s21], [sflag:$0x1] =	stream.indirect.gather [hbm4b:s4+s24], $0x80, s7, s24, $0xb8;
	[tilespmem:$0x1D000] =	vst v63  }
0xa1: {  	_ =	swait.ge [sflag:s28], $0x3E80  }
0xa2: {  	[sflag:s28] =	ssyncset.done $0x0  }
0xa3: {  	s7 =	sor.u32 $0x880, s6;
	[sflag:s28] =	ssyncadd.s32 $0xFFFFC180  }
0xa4: {  	[spmem:s2] =	stream.indirect.scatter.add.f32 [tilespmem:s25], [sflag:$0x4], $0x80, s7, s24, $0xb8;
	[tilespmem:$0x1D000] =	vst v63  }
0xa5: {  	_ =	swait.ge [sflag:s26], $0x3E80  }
0xa6: {  	[sflag:s26] =	ssyncset.done $0x0  }
0xa7: {  	s7 =	sor.u32 $0x180, s6;
	[sflag:s26] =	ssyncadd.s32 $0xFFFFC180  }
0xa8: {  	[tilespmem:s25], [sflag:$0x2] =	stream.indirect.gather [hbm4b:s4+s24], $0x80, s7, s24, $0xb8;
	[tilespmem:$0x1D000] =	vst v63  }
0xa9: {  	_ =	swait.ge [sflag:s22], $0x3E80  }
0xaa: {  	[sflag:s22] =	ssyncset.done $0x0  }
0xab: {  	s7 =	sor.u32 $0x900, s6;
	[sflag:s22] =	ssyncadd.s32 $0xFFFFC180  }
0xac: {  	[spmem:s2] =	stream.indirect.scatter.add.f32 [tilespmem:s21], [sflag:$0x4], $0x80, s7, s24, $0xb8;
	[tilespmem:$0x1D000] =	vst v63  }
0xad: {  	_ =	swait.ge [sflag:s26], $0x3E80  }
0xae: {  	[sflag:s26] =	ssyncset.done $0x0  }
0xaf: {  	s7 =	sor.u32 $0x200, s6;
	[sflag:s26] =	ssyncadd.s32 $0xFFFFC180  }
0xb0: {  	[tilespmem:s21], [sflag:$0x1] =	stream.indirect.gather [hbm4b:s4+s24], $0x80, s7, s24, $0xb8;
	[tilespmem:$0x1D000] =	vst v63  }
0xb1: {  	_ =	swait.ge [sflag:s28], $0x3E80  }
0xb2: {  	[sflag:s28] =	ssyncset.done $0x0  }
0xb3: {  	s7 =	sor.u32 $0x980, s6;
	[sflag:s28] =	ssyncadd.s32 $0xFFFFC180  }
0xb4: {  	[spmem:s2] =	stream.indirect.scatter.add.f32 [tilespmem:s25], [sflag:$0x4], $0x80, s7, s24, $0xb8;
	[tilespmem:$0x1D000] =	vst v63  }
0xb5: {  	_ =	swait.ge [sflag:s26], $0x3E80  }
0xb6: {  	[sflag:s26] =	ssyncset.done $0x0  }
0xb7: {  	s7 =	sor.u32 $0x280, s6;
	[sflag:s26] =	ssyncadd.s32 $0xFFFFC180  }
0xb8: {  	[tilespmem:s25], [sflag:$0x2] =	stream.indirect.gather [hbm4b:s4+s24], $0x80, s7, s24, $0xb8;
	[tilespmem:$0x1D000] =	vst v63  }
0xb9: {  	_ =	swait.ge [sflag:s22], $0x3E80  }
0xba: {  	[sflag:s22] =	ssyncset.done $0x0  }
0xbb: {  	s7 =	sor.u32 $0xA00, s6;
	[sflag:s22] =	ssyncadd.s32 $0xFFFFC180  }
0xbc: {  	[spmem:s2] =	stream.indirect.scatter.add.f32 [tilespmem:s21], [sflag:$0x4], $0x80, s7, s24, $0xb8;
	[tilespmem:$0x1D000] =	vst v63  }
0xbd: {  	_ =	swait.ge [sflag:s26], $0x3E80  }
0xbe: {  	[sflag:s26] =	ssyncset.done $0x0  }
0xbf: {  	s7 =	sor.u32 $0x300, s6;
	[sflag:s26] =	ssyncadd.s32 $0xFFFFC180  }
0xc0: {  	[tilespmem:s21], [sflag:$0x1] =	stream.indirect.gather [hbm4b:s4+s24], $0x80, s7, s24, $0xb8;
	[tilespmem:$0x1D000] =	vst v63  }
0xc1: {  	_ =	swait.ge [sflag:s28], $0x3E80  }
0xc2: {  	[sflag:s28] =	ssyncset.done $0x0  }
0xc3: {  	s7 =	sor.u32 $0xA80, s6;
	[sflag:s28] =	ssyncadd.s32 $0xFFFFC180  }
0xc4: {  	[spmem:s2] =	stream.indirect.scatter.add.f32 [tilespmem:s25], [sflag:$0x4], $0x80, s7, s24, $0xb8;
	[tilespmem:$0x1D000] =	vst v63  }
0xc5: {  	_ =	swait.ge [sflag:s26], $0x3E80  }
0xc6: {  	[sflag:s26] =	ssyncset.done $0x0  }
0xc7: {  	s7 =	sor.u32 $0x380, s6;
	[sflag:s26] =	ssyncadd.s32 $0xFFFFC180  }
0xc8: {  	[tilespmem:s25], [sflag:$0x2] =	stream.indirect.gather [hbm4b:s4+s24], $0x80, s7, s24, $0xb8;
	[tilespmem:$0x1D000] =	vst v63  }
0xc9: {  	_ =	swait.ge [sflag:s22], $0x3E80  }
0xca: {  	[sflag:s22] =	ssyncset.done $0x0  }
0xcb: {  	s8 =	sor.u32 $0xB00, s6;
	[sflag:s22] =	ssyncadd.s32 $0xFFFFC180  }
0xcc: {  	[spmem:s2] =	stream.indirect.scatter.add.f32 [tilespmem:s21], [sflag:$0x4], $0x80, s8, s24, $0xb8;
	[tilespmem:$0x1D000] =	vst v63  }
0xcd: {  	_ =	swait.ge [sflag:s26], $0x3E80  }
0xce: {  	p1 =	seq.s32 s18, $0x9;
	[sflag:s26] =	ssyncset.done $0x0  }
0xcf: {  	s10 =	sxor.u32 @!p1 $0x400, s6;
	s8 =	simm.s32 @!p1 $0x3;
	[sflag:s26] =	ssyncadd.s32 $0xFFFFC180  }
0xd0: {  	_ =	swait.ge @!p1 [sflag:s8], $0x400  }
0xd1: {  	[sflag:s8] =	ssyncset.done @!p1 $0x0  }
0xd2: {  	[sflag:s8] =	ssyncadd.s32 @!p1 $0xFFFFFC00  }
0xd3: {  	_ =	swait.ge @!p1 [sflag:s8], $0x400  }
0xd4: {  	[sflag:s8] =	ssyncset.done @!p1 $0x0  }
0xd5: {  	s11 =	simm.s32 @!p1 $0x1000;
	[sflag:s8] =	ssyncadd.s32 @!p1 $0xFFFFFC00;
	s8 =	simm.s32 @!p1 $0x7D  }
0xd6: {  	[tilespmem:s11], [sflag:$0x1] =	stream.indirect.gather @!p1 [hbm4b:s4+s8], $0x80, s10, s8, $0xb8;
	[tilespmem:$0x1D000] =	vst v63  }
0xd7: {  	_ =	swait.ge [sflag:s28], $0x3E80  }
0xd8: {  	[sflag:s28] =	ssyncset.done $0x0  }
0xd9: {  	s7 =	sor.u32 $0x800, s7;
	[sflag:s28] =	ssyncadd.s32 $0xFFFFC180  }
0xda: {  	[spmem:s2] =	stream.indirect.scatter.add.f32 [tilespmem:s25], [sflag:$0x4], $0x80, s7, s24, $0xb8;
	[tilespmem:$0x1D000] =	vst v63  }
.Ltmp1:
0xdb: {  	_ =	swait.ge [sflag:s26], $0x3E80;
	(pc) =	sbr.rel @p0 .LBB2_4-.Ltmp1, $4  }
0xdc: {  	p1 =	sgt.u32 s18, $0x7;
	[sflag:s26] =	ssyncset.done $0x0  }
0xdd: {  	s7 =	simm.s32 @!p1 $0x0;
	[sflag:s26] =	ssyncadd.s32 $0xFFFFC180  }
0xde: {  	[tilespmem:s6], [sflag:$0x3] =	stream.linear.gather @!p1 [hbm4b:s0+s7], $0x400, $0x38;
	[tilespmem:$0x1D000] =	vst v63  }
0xdf: {  	s31 =	sadd.s32 $0x80, s31;
	s18 =	sadd.s32 $0x1, s18;
	s0 =	sadd.s32 $0x80, s0  }
0xe0: {  	[tilespmem:s19], [sflag:$0x3] =	stream.linear.gather @!p1 [hbm4b:s17+s7], $0x400, $0x38;
	[tilespmem:$0x1D000] =	vst v63  }
0xe1: {  	s6 =	sor.u32 $0x80, s30  }
0xe2: {  	[tilespmem:s25], [sflag:$0x2] =	stream.indirect.gather [hbm4b:s4+s24], $0x80, s6, s24, $0xb8;
	[tilespmem:$0x1D000] =	vst v63  }
0xe3: {  	_ =	swait.ge [sflag:s22], $0x3E80  }
0xe4: {  	[sflag:s22] =	ssyncset.done $0x0  }
0xe5: {  	s6 =	sor.u32 $0x800, s30;
	[sflag:s22] =	ssyncadd.s32 $0xFFFFC180  }
0xe6: {  	[spmem:s2] =	stream.indirect.scatter.add.f32 [tilespmem:s21], [sflag:$0x4], $0x80, s6, s24, $0xb8;
	[tilespmem:$0x1D000] =	vst v63  }
0xe7: {  	_ =	swait.ge [sflag:s26], $0x3E80  }
0xe8: {  	[sflag:s26] =	ssyncset.done $0x0  }
0xe9: {  	s20 =	sor.u32 $0x100, s30;
	[sflag:s26] =	ssyncadd.s32 $0xFFFFC180  }
0xea: {  	[tilespmem:s21], [sflag:$0x1] =	stream.indirect.gather [hbm4b:s4+s24], $0x80, s20, s24, $0xb8;
	[tilespmem:$0x1D000] =	vst v63  }
0xeb: {  	_ =	swait.ge [sflag:s28], $0x3E80  }
0xec: {  	[sflag:s28] =	ssyncset.done $0x0  }
0xed: {  	s8 =	sor.u32 $0x880, s30;
	[sflag:s28] =	ssyncadd.s32 $0xFFFFC180  }
0xee: {  	[spmem:s2] =	stream.indirect.scatter.add.f32 [tilespmem:s25], [sflag:$0x4], $0x80, s8, s24, $0xb8;
	[tilespmem:$0x1D000] =	vst v63  }
0xef: {  	_ =	swait.ge [sflag:s26], $0x3E80  }
0xf0: {  	[sflag:s26] =	ssyncset.done $0x0  }
0xf1: {  	s10 =	sor.u32 $0x180, s30;
	[sflag:s26] =	ssyncadd.s32 $0xFFFFC180  }
0xf2: {  	[tilespmem:s25], [sflag:$0x2] =	stream.indirect.gather [hbm4b:s4+s24], $0x80, s10, s24, $0xb8;
	[tilespmem:$0x1D000] =	vst v63  }
0xf3: {  	_ =	swait.ge [sflag:s22], $0x3E80  }
0xf4: {  	[sflag:s22] =	ssyncset.done $0x0  }
0xf5: {  	s11 =	sor.u32 $0x900, s30;
	[sflag:s22] =	ssyncadd.s32 $0xFFFFC180  }
0xf6: {  	[spmem:s2] =	stream.indirect.scatter.add.f32 [tilespmem:s21], [sflag:$0x4], $0x80, s11, s24, $0xb8;
	[tilespmem:$0x1D000] =	vst v63  }
0xf7: {  	_ =	swait.ge [sflag:s26], $0x3E80  }
0xf8: {  	[sflag:s26] =	ssyncset.done $0x0  }
0xf9: {  	s17 =	sor.u32 $0x200, s30;
	[sflag:s26] =	ssyncadd.s32 $0xFFFFC180  }
0xfa: {  	[tilespmem:s21], [sflag:$0x1] =	stream.indirect.gather [hbm4b:s4+s24], $0x80, s17, s24, $0xb8;
	[tilespmem:$0x1D000] =	vst v63  }
0xfb: {  	_ =	swait.ge [sflag:s28], $0x3E80  }
0xfc: {  	[sflag:s28] =	ssyncset.done $0x0  }
0xfd: {  	s19 =	sor.u32 $0x980, s30;
	[sflag:s28] =	ssyncadd.s32 $0xFFFFC180  }
0xfe: {  	[spmem:s2] =	stream.indirect.scatter.add.f32 [tilespmem:s25], [sflag:$0x4], $0x80, s19, s24, $0xb8;
	[tilespmem:$0x1D000] =	vst v63  }
0xff: {  	_ =	swait.ge [sflag:s26], $0x3E80  }
0x100: {  	[sflag:s26] =	ssyncset.done $0x0  }
0x101: {  	s20 =	sor.u32 $0x280, s30;
	[sflag:s26] =	ssyncadd.s32 $0xFFFFC180  }
0x102: {  	[tilespmem:s25], [sflag:$0x2] =	stream.indirect.gather [hbm4b:s4+s24], $0x80, s20, s24, $0xb8;
	[tilespmem:$0x1D000] =	vst v63  }
0x103: {  	_ =	swait.ge [sflag:s22], $0x3E80  }
0x104: {  	[sflag:s22] =	ssyncset.done $0x0  }
0x105: {  	s8 =	sor.u32 $0xA00, s30;
	[sflag:s22] =	ssyncadd.s32 $0xFFFFC180  }
0x106: {  	[spmem:s2] =	stream.indirect.scatter.add.f32 [tilespmem:s21], [sflag:$0x4], $0x80, s8, s24, $0xb8;
	[tilespmem:$0x1D000] =	vst v63  }
0x107: {  	_ =	swait.ge [sflag:s26], $0x3E80  }
0x108: {  	[sflag:s26] =	ssyncset.done $0x0  }
0x109: {  	s10 =	sor.u32 $0x300, s30;
	[sflag:s26] =	ssyncadd.s32 $0xFFFFC180  }
0x10a: {  	[tilespmem:s21], [sflag:$0x1] =	stream.indirect.gather [hbm4b:s4+s24], $0x80, s10, s24, $0xb8;
	[tilespmem:$0x1D000] =	vst v63  }
0x10b: {  	_ =	swait.ge [sflag:s28], $0x3E80  }
0x10c: {  	[sflag:s28] =	ssyncset.done $0x0  }
0x10d: {  	s11 =	sor.u32 $0xA80, s30;
	[sflag:s28] =	ssyncadd.s32 $0xFFFFC180  }
0x10e: {  	[spmem:s2] =	stream.indirect.scatter.add.f32 [tilespmem:s25], [sflag:$0x4], $0x80, s11, s24, $0xb8;
	[tilespmem:$0x1D000] =	vst v63  }
0x10f: {  	_ =	swait.ge [sflag:s26], $0x3E80  }
0x110: {  	[sflag:s26] =	ssyncset.done $0x0  }
0x111: {  	s17 =	sor.u32 $0x380, s30;
	[sflag:s26] =	ssyncadd.s32 $0xFFFFC180  }
0x112: {  	[tilespmem:s25], [sflag:$0x2] =	stream.indirect.gather [hbm4b:s4+s24], $0x80, s17, s24, $0xb8;
	[tilespmem:$0x1D000] =	vst v63  }
0x113: {  	_ =	swait.ge [sflag:s22], $0x3E80  }
0x114: {  	[sflag:s22] =	ssyncset.done $0x0  }
0x115: {  	s8 =	sor.u32 $0xB00, s30;
	[sflag:s22] =	ssyncadd.s32 $0xFFFFC180  }
0x116: {  	[spmem:s2] =	stream.indirect.scatter.add.f32 [tilespmem:s21], [sflag:$0x4], $0x80, s8, s24, $0xb8;
	[tilespmem:$0x1D000] =	vst v63  }
0x117: {  	_ =	swait.ge [sflag:s26], $0x3E80  }
0x118: {  	p0 =	seq.s32 s18, $0x9;
	[sflag:s26] =	ssyncset.done $0x0  }
0x119: {  	s8 =	simm.s32 @!p0 $0x3;
	[sflag:s26] =	ssyncadd.s32 $0xFFFFC180  }
0x11a: {  	_ =	swait.ge @!p0 [sflag:s8], $0x400  }
0x11b: {  	[sflag:s8] =	ssyncset.done @!p0 $0x0  }
0x11c: {  	[sflag:s8] =	ssyncadd.s32 @!p0 $0xFFFFFC00  }
0x11d: {  	_ =	swait.ge @!p0 [sflag:s8], $0x400  }
0x11e: {  	s10 =	sxor.u32 @!p0 $0x400, s30;
	[sflag:s8] =	ssyncset.done @!p0 $0x0  }
0x11f: {  	s11 =	simm.s32 @!p0 $0x1000;
	[sflag:s8] =	ssyncadd.s32 @!p0 $0xFFFFFC00;
	s8 =	simm.s32 @!p0 $0x7D  }
0x120: {  	[tilespmem:s11], [sflag:$0x1] =	stream.indirect.gather @!p0 [hbm4b:s4+s8], $0x80, s10, s8, $0xb8;
	[tilespmem:$0x1D000] =	vst v63  }
0x121: {  	_ =	swait.ge [sflag:s28], $0x3E80  }
0x122: {  	[sflag:s28] =	ssyncset.done $0x0  }
0x123: {  	s7 =	sor.u32 $0x800, s17;
	[sflag:s28] =	ssyncadd.s32 $0xFFFFC180  }
0x124: {  	[spmem:s2] =	stream.indirect.scatter.add.f32 [tilespmem:s25], [sflag:$0x4], $0x80, s7, s24, $0xb8;
	[tilespmem:$0x1D000] =	vst v63  }
0x125: {  	_ =	swait.ge [sflag:s26], $0x3E80  }
0x126: {  	p0 =	sgt.u32 s18, $0x7;
	[sflag:s26] =	ssyncset.done $0x0  }
0x127: {  	s7 =	simm.s32 @!p0 $0x0;
	[sflag:s26] =	ssyncadd.s32 $0xFFFFC180  }
0x128: {  	[tilespmem:s30], [sflag:$0x3] =	stream.linear.gather @!p0 [hbm4b:s0+s7], $0x400, $0x38;
	[tilespmem:$0x1D000] =	vst v63  }
0x129: {  	s19 =	stileid.u32  }
0x12a: {  	[tilespmem:s6], [sflag:$0x3] =	stream.linear.gather @!p0 [hbm4b:s31+s7], $0x400, $0x38;
	[tilespmem:$0x1D000] =	vst v63  }
0x12b: {  	s0 =	sshll.u32 s19, $0x6;
	[bflag:$0x0] =	sbarrier.arrive $0xFFFF  }
0x12c: {  	s20 =	sshrl.u32 s9, $0x3;
	s0 =	sor.u32 $0x1C04, s0;
	s30 =	rddreg [dreg:$0x6]  }
0x12d: {  	[hbm:s30], [sflag:s0] =	dma.local [spmem:s20], $0x2800  }
0x12e: {  	_ =	swait.ge [sflag:s26], $0x2800  }
0x12f: {  	s29 =	sadd.s32 $0x1, s29;
	s31 =	rddreg [dreg:$0x7]  }
0x130: {  	p0 =	sne.s32 s29, s31  }
.Ltmp2:
0x131: {  	_ = 	snop;
	(pc) =	sbr.rel @p0 .LBB2_1-.Ltmp2, $3  }
0x132: {  	_ =	sdelay $0x1  }
0x133: {  	[sflag:s26] =	ssyncset.done $0x0  }
0x134: {  	[sflag:s26] =	ssyncadd.s32 $0xFFFFD800  }
0x135: {  	_ =	sfence.sel $0x180000  }
0x136: {  	[bflag:$0x0] =	sbarrier.arrive $0xFFFF  }
0x137: {  	_ =	strace $0x9000004A  }
0x138: {  	s0 =	stileid.u32;
	[bflag:$0x2] =	sbarrier.arrive $0xFFFF  }
0x139: {  	p0 =	sne.s32 s0, $0x0;
	s0 =	rddreg [dreg:$0x2]  }
0x13a: {  	s0 =	sadd.s32 @!p0 $0x100000, s0  }
0x13b: {  	[sflag:s0] =	ssyncadd.tile.s32 @!p0 $0x1;
	_ =	shalt  }
.Lfunc_end2:
_tile_overlayer_lowered:
.L_overlay_start_2:
0x13c: {  	(tag) =	ssettag $0x2  }
0x13d: {  	s0 =	rddreg [dreg:$0x0];
	s2 =	stileid.u32  }
0x13e: {  	s1 =	rddreg [dreg:$0x1];
	p0 =	sne.s32 s2, $0x0  }
0x13f: {  	s3 =	rddreg [dreg:$0x2];
	[bflag:$0x3] =	sbarrier.arrive $0xFFFF;
	s2 =	simm.s32 @!p0 $0x1C04  }
0x140: {  	[timem:s3], [sflag:s2] =	dma.local @!p0 [hbm:s0], s1  }
0x141: {  	s0 =	simm.s32 @!p0 $0x4  }
0x142: {  	_ =	swait.ge @!p0 [sflag:s0], s1  }
0x143: {  	s1 =	ssub.s32 @!p0 $0x0, s1;
	[sflag:s0] =	ssyncset.done @!p0 $0x0  }
0x144: {  	[sflag:s0] =	ssyncadd.s32 @!p0 s1  }
0x145: {  	[bflag:$0x3] =	sbarrier.arrive $0xFFFF  }
0x146: {  	_ =	shalt  }

// kernel: kernel.17.cloned.1.call-start
scs
__scs_entry_jumppad:
0x0: {  	(pc) =	sbr.rel $0x88, $3  }
0x1: {  	(tag) =	ssettag $0x0;
	lr =	simm.s32 $0x1  }
0x2: {  	[smem:$0x3F8C] =	sst lr;
	_ =	strace $0xD0000000  }
0x3: {  	_ = 	snop  }
0x4: {  	_ = 	snop  }
0x5: {  	_ = 	snop  }
0x6: {  	_ = 	snop  }
0x7: {  	_ = 	snop  }
__scs_overlays_trampoline_lowered:
0x8: {  	[smem:$0x3F9B] =	sst s0  }
0x9: {  	[smem:$0x3F9C] =	sst s1  }
0xa: {  	[smem:$0x3F9D] =	sst s2  }
0xb: {  	[smem:$0x3F9E] =	sst s3  }
0xc: {  	[smem:$0x3F9F] =	sst s4  }
0xd: {  	[smem:$0x3FA0] =	sst s5  }
0xe: {  	[smem:$0x3FA1] =	sst s6  }
0xf: {  	[smem:$0x3FA2] =	sst s7  }
0x10: {  	[smem:$0x3FA3] =	sst s8  }
0x11: {  	[smem:$0x3FA4] =	sst s9;
	s0 =	simm.s32 @!p0 $0x0  }
0x12: {  	s1 =	sld [smem:$0x3F8A];
	s0 =	simm.s32 @p0 $0x1  }
0x13: {  	[smem:$0x3FA5] =	sst s0;
	s0 =	simm.s32 @!p1 $0x0  }
0x14: {  	s2 =	sld [smem:$0x3F89];
	s0 =	simm.s32 @p1 $0x1  }
0x15: {  	[smem:$0x3FA6] =	sst s0;
	s0 =	simm.s32 @!p2 $0x0  }
0x16: {  	s3 =	sld [smem:$0x3FDB];
	s0 =	simm.s32 @p2 $0x1  }
0x17: {  	s4 =	simm.s32 $0x1BF5;
	[smem:$0x3FA8] =	sst s0  }
0x18: {  	s0 =	sld [smem:$0x3F8B];
	_ =	swait.ge [sflag:s4], $0x0  }
0x19: {  	s7 =	sld [smem:$0x3F8C]  }
0x1a: {  	s8 =	sadd.s32 $0xFFFFE003, lr  }
0x1b: {  	s9 =	sadd.s32 $0xFFFFFEF7, lr;
	s5 =	simm.s32 $0xFFFFFFFF;
	p2 =	slt.u32 s8, $0xFFFFF086  }
0x1c: {  	p1 =	slt.u32 s9, $0xF7A;
	s5 =	simm.s32 @!p2 $0x0  }
0x1d: {  	s5 =	simm.s32 @p1 $0x1;
	p0 =	seq.s32 s7, s2  }
0x1e: {  	s7 =	smul.u32 @!p0 $0xF7A, s2;
	p2 =	seq.s32 @!p0 s5, $0x0  }
0x1f: {  	s9 =	smul.u32 $0xF7A, s1;
	s8 =	simm.s32 @!p0 $0x1BF5;
	p2 =	por !p2, p0  }
0x20: {  	[sflag:s8] =	ssyncset.s32 @!p0 $0xFFFFF086;
	s6 =	sadd.s32 @!p0 s3, s7;
	s7 =	simm.s32 @!p0 $0x108  }
0x21: {  	s3 =	sadd.s32 s3, s9;
	s6 =	sadd.s32 @!p0 $0x88, s6;
	s7 =	simm.s32 @p2 $0x1082  }
0x22: {  	[simem:s7], [sflag:s8] =	dma.local @!p0 [hbm:s6], $0xF7A  }
0x23: {  	s9 =	sor.u32 $0xD0000000, s2;
	s6 =	simm.s32 $0x108;
	_ =	swait.ge @!p0 [sflag:s8], $0x0  }
0x24: {  	s3 =	sadd.s32 $0x88, s3;
	s6 =	simm.s32 @!p1 $0x1082;
	[sflag:s4] =	ssyncset.s32 $0xFFFFF086  }
0x25: {  	[simem:s6], [sflag:s4] =	dma.local [hbm:s3], $0xF7A  }
0x26: {  	[smem:$0x3F8C] =	sst s1;
	(tag) =	ssettag s2;
	_ =	strace s9  }
0x27: {  	s1 =	sld [smem:$0x3F9C]  }
0x28: {  	s2 =	sld [smem:$0x3F9D]  }
0x29: {  	s4 =	sld [smem:$0x3F9F]  }
0x2a: {  	p0 =	seq.s32 s5, $0x0;
	s5 =	sld [smem:$0x3FA0]  }
0x2b: {  	s6 =	sld [smem:$0x3FA1]  }
0x2c: {  	s7 =	sld [smem:$0x3FA2]  }
0x2d: {  	s3 =	simm.s32 $0x108;
	s8 =	sld [smem:$0x3FA3]  }
0x2e: {  	s3 =	simm.s32 @!p0 $0x1082;
	s9 =	sld [smem:$0x3FA4]  }
0x2f: {  	lr =	sadd.s32 s0, s3;
	s0 =	sld [smem:$0x3F9B]  }
0x30: {  	s3 =	sld [smem:$0x3F9E]  }
0x31: {  	[smem:$0x3FA7] =	sst s10  }
0x32: {  	s10 =	sld [smem:$0x3FA5];
	_ =	sdelay $0x3  }
0x33: {  	p0 =	seq.s32 s10, $0x1;
	s10 =	sld [smem:$0x3FA7];
	_ =	sdelay $0x3  }
0x34: {  	[smem:$0x3FA7] =	sst s10  }
0x35: {  	s10 =	sld [smem:$0x3FA6];
	_ =	sdelay $0x3  }
0x36: {  	p1 =	seq.s32 s10, $0x1;
	s10 =	sld [smem:$0x3FA7];
	_ =	sdelay $0x3  }
0x37: {  	[smem:$0x3FA7] =	sst s10  }
0x38: {  	s10 =	sld [smem:$0x3FA8]  }
0x39: {  	_ = 	snop;
	(pc) =	sbr.ind lr, $3  }
0x3a: {  	_ = 	snop  }
0x3b: {  	_ = 	snop  }
0x3c: {  	p2 =	seq.s32 s10, $0x1;
	s10 =	sld [smem:$0x3FA7]  }
0x3d: {  	_ =	shalt  }
0x3e: {  	_ =	shalt  }
0x3f: {  	_ =	shalt  }
0x40: {  	_ =	shalt  }
0x41: {  	_ =	shalt  }
0x42: {  	_ =	shalt  }
0x43: {  	_ =	shalt  }
0x44: {  	_ =	shalt  }
0x45: {  	_ =	shalt  }
0x46: {  	_ =	shalt  }
0x47: {  	_ =	shalt  }
0x48: {  	_ =	shalt  }
0x49: {  	_ =	shalt  }
0x4a: {  	_ =	shalt  }
0x4b: {  	_ =	shalt  }
0x4c: {  	_ =	shalt  }
0x4d: {  	_ =	shalt  }
0x4e: {  	_ =	shalt  }
0x4f: {  	_ =	shalt  }
0x50: {  	_ =	shalt  }
0x51: {  	_ =	shalt  }
0x52: {  	_ =	shalt  }
0x53: {  	_ =	shalt  }
0x54: {  	_ =	shalt  }
0x55: {  	_ =	shalt  }
0x56: {  	_ =	shalt  }
0x57: {  	_ =	shalt  }
0x58: {  	_ =	shalt  }
0x59: {  	_ =	shalt  }
0x5a: {  	_ =	shalt  }
0x5b: {  	_ =	shalt  }
0x5c: {  	_ =	shalt  }
0x5d: {  	_ =	shalt  }
0x5e: {  	_ =	shalt  }
0x5f: {  	_ =	shalt  }
0x60: {  	_ =	shalt  }
0x61: {  	_ =	shalt  }
0x62: {  	_ =	shalt  }
0x63: {  	_ =	shalt  }
0x64: {  	_ =	shalt  }
0x65: {  	_ =	shalt  }
0x66: {  	_ =	shalt  }
0x67: {  	_ =	shalt  }
0x68: {  	_ =	shalt  }
0x69: {  	_ =	shalt  }
0x6a: {  	_ =	shalt  }
0x6b: {  	_ =	shalt  }
0x6c: {  	_ =	shalt  }
0x6d: {  	_ =	shalt  }
0x6e: {  	_ =	shalt  }
0x6f: {  	_ =	shalt  }
0x70: {  	_ =	shalt  }
0x71: {  	_ =	shalt  }
0x72: {  	_ =	shalt  }
0x73: {  	_ =	shalt  }
0x74: {  	_ =	shalt  }
0x75: {  	_ =	shalt  }
0x76: {  	_ =	shalt  }
0x77: {  	_ =	shalt  }
0x78: {  	_ =	shalt  }
0x79: {  	_ =	shalt  }
0x7a: {  	_ =	shalt  }
0x7b: {  	_ =	shalt  }
0x7c: {  	_ =	shalt  }
0x7d: {  	_ =	shalt  }
0x7e: {  	_ =	shalt  }
0x7f: {  	_ =	shalt  }
0x80: {  	_ =	shalt  }
0x81: {  	_ =	shalt  }
0x82: {  	_ =	shalt  }
0x83: {  	_ =	shalt  }
0x84: {  	_ =	shalt  }
0x85: {  	_ =	shalt  }
0x86: {  	_ =	shalt  }
0x87: {  	_ =	shalt  }
.Lfunc_end0:
.L_simem_size_0:
called_computation.2_lowered:
.L_overlay_start_0:
0x88: {  	s2 =	sld [smem:$0x3FD9]  }
0x89: {  	s3 =	sld [smem:$0x3FFE];
	_ =	sdelay $0x1  }
0x8a: {  	s1 =	srdreg.scid  }
0x8b: {  	s0 =	sand.u32 $0x1, s1  }
0x8c: {  	s16 =	sshll.u32 s0, $0xA;
	s2 =	sadd.s32 s3, s2  }
0x8d: {  	s2 =	sadd.s32 s2, s16  }
0x8e: {  	[smem:$0x3FB3] =	sst s2  }
0x8f: {  	_ = 	snop  }
0x90: {  	(tm) =	ssettm $0x1  }
0x91: {  	s17 =	sld [smem:$0x3FFB];
	_ =	sdelay $0x3  }
0x92: {  	_ =	strace s17  }
0x93: {  	s2 =	sld [smem:$0x3FFC];
	_ =	sdelay $0x3  }
0x94: {  	_ =	strace s2  }
0x95: {  	s2 =	sld [smem:$0x3FFD];
	_ =	sdelay $0x3  }
0x96: {  	_ =	strace s2  }
0x97: {  	_ =	strace $0x8FFFFFFF  }
0x98: {  	s18 =	sld [smem:$0x3FDB];
	_ =	sdelay $0x1  }
0x99: {  	s19 =	simm.s32 $_scs_section_size  }
0x9a: {  	s4 =	simm.s32 $_size__tile_overlayer_lowered;
	s5 =	simm.s32 $_tile_overlayer_lowered  }
0x9b: {  	s22 =	simm.s32 $0x1BFF;
	s21 =	sshll.u32 s5, $0x1;
	s2 =	sadd.s32 s19, s18  }
0x9c: {  	s6 =	simm.s32 $0x0;
	s20 =	sshll.u32 s4, $0x1;
	s4 =	sadd.s32 s21, s2  }
0x9d: {  	[timem:s6], [sflag:s22] =	dma.local [hbm:s4], s20  }
0x9e: {  	_ =	swait.ge [sflag:s22], s20  }
0x9f: {  	s3 =	ssub.s32 $0x0, s20;
	[sflag:s22] =	ssyncset.done $0x0  }
0xa0: {  	[sflag:s22] =	ssyncadd.s32 s3;
	_ =	sdelay $0x1  }
0xa1: {  	s23 =	simm.s32 $0x1B8B  }
0xa2: {  	_ =	swait.ge [sflag:s23], $0x1  }
0xa3: {  	[sflag:s23] =	ssyncset.done $0x0  }
0xa4: {  	s25 =	simm.s32 $0x1B8E;
	s24 =	sld [smem:$0x3FFE];
	[sflag:s23] =	ssyncadd.s32 $0xFFFFFFFF  }
0xa5: {  	s26 =	simm.s32 $execute0_lowered;
	[smem:$0x3FD2] =	sst s25  }
0xa6: {  	s4 =	sshll.u32 s26, $0x1;
	_ =	strace $0x8000004C;
	[dreg:$0x1] =	wrdreg $0xFFFFFFFF  }
0xa7: {  	s28 =	simm.s32 $_size_execute0_lowered;
	s2 =	sadd.s32 s2, s4;
	[dreg:$0x0] =	wrdreg $0x0  }
0xa8: {  	s4 =	sshll.u32 s28, $0x1;
	[dreg:$0x2] =	wrdreg s2  }
0xa9: {  	[dreg:$0x3] =	wrdreg s4  }
0xaa: {  	[dreg:$0x4] =	wrdreg $0xC0  }
0xab: {  	_ =	task [dreg:s6], $0x5FFFF  }
0xac: {  	[dreg:$0x1] =	wrdreg $0xFFFFFFFF  }
0xad: {  	[dreg:$0x0] =	wrdreg $0x60  }
0xae: {  	[dreg:$0x2] =	wrdreg s24  }
0xaf: {  	[dreg:$0x3] =	wrdreg $0x90000  }
0xb0: {  	[dreg:$0x4] =	wrdreg $0x9  }
0xb1: {  	_ =	task.clear_ibuf [dreg:s6], $0x5FFFF;
	_ =	strace $0x9000004C  }
0xb2: {  	s29 =	simm.s32 $0x9;
	_ =	strace $0x8000004E  }
0xb3: {  	_ =	swait.ge [sflag:s29], $0x1  }
0xb4: {  	[sflag:s29] =	ssyncadd.s32 $0xFFFFFFFF  }
0xb5: {  	_ =	strace $0x9000004E  }
0xb6: {  	_ =	sfence  }
0xb7: {  	s30 =	sld [smem:$0x0];
	_ =	sdelay $0x2  }
0xb8: {  	s31 =	sshll.u32 s1, $0xD;
	s1 =	sshrl.u32 s1, $0x2  }
0xb9: {  	s3 =	sand.u32 $0x4000, s31;
	s1 =	sadd.s32 s1, s30  }
0xba: {  	s0 =	sor.u32 s3, s0;
	s1 =	sshll.u32 s1, $0x11  }
0xbb: {  	s0 =	sor.u32 s1, s0  }
0xbc: {  	s0 =	sadd.s32 $0x8F2B, s0  }
0xbd: {  	[sflag:s0] =	ssyncadd.remote.s32 $0x1  }
0xbe: {  	_ =	sfence.sel $0xFFFF  }
0xbf: {  	[dreg:$0x0] =	wrdreg $0xFFFFFFFF;
	(pc) =	sbr.abs _section_cstart, $3  }
0xc0: {  	[dreg:$0x1] =	wrdreg $0xFFFFFFFF  }
0xc1: {  	_ =	task.clear_ibuf [dreg:s6], $0x2FFFF;
	_ =	strace $0x9FFFFFFF  }
0xc2: {  	(tm) =	ssettm $0x7FFFFFFF  }
0xc3: {  	_ =	shalt  }
tec
execute0_lowered:
.L_overlay_start_1:
0x0: {  	(tag) =	ssettag $0x1  }
0x1: {  	s0 =	rddreg [dreg:$0x0]  }
0x2: {  	s1 =	srdreg.scid;
	s10 =	stileid.u32  }
0x3: {  	s2 =	rddreg [dreg:$0x1];
	s3 =	simm.s32 $0x0;
	s5 =	smul.u32 $0x14000, s10  }
0x4: {  	s21 =	simm.s32 $0x1000;
	s28 =	simm.s32 $0x2;
	s9 =	smul.u32 $0x50000, s10  }
0x5: {  	s29 =	simm.s32 $0x0;
	s1 =	sand.u32 $0x1, s1;
	s23 =	smul.u32 $0x5000, s10  }
0x6: {  	[smem:$0x7FF] =	sst s3;
	s6 =	sshll.u32 s10, $0x1;
	s4 =	smul.u32 $0x140000, s1  }
0x7: {  	s6 =	sor.u32 s1, s6;
	s22 =	ssub.s32 $0x2, s1;
	s1 =	smul.u32 $0x2800, s1  }
0x8: {  	s7 =	sadd.s32 $0x4A00, s0;
	_ =	strace $0x8000004D;
	s6 =	smul.u32 $0x2800, s6  }
0x9: {  	s8 =	sshrl.u32 s22, $0x1;
	s9 =	sshrl.u32 s9, $0x2;
	s5 =	sadd.s32 s5, s4  }
0xa: {  	s4 =	sadd.s32 $0x18A00, s0;
	s11 =	ssub.s32 s22, s8;
	s9 =	sadd.s32 s9, s2  }
0xb: {  	s31 =	sadd.s32 s1, s23;
	s22 =	simm.s32 $0x1;
	s23 =	simm.s32 $0x3  }
0xc: {  	s5 =	sshrl.u32 s5, $0x3;
	s6 =	sshrl.u32 s6, $0x3;
	s30 =	smax.u32 s11, $0x1  }
0xd: {  	s12 =	sadd.s32 $0x4000, s9;
	s13 =	sadd.s32 $0x8000, s9;
	s1 =	sadd.s32 $0x800, s31  }
0xe: {  	s14 =	sadd.s32 $0xC000, s9;
	s0 =	sadd.s32 s5, s0;
	s5 =	sadd.s32 s7, s6  }
0xf: {  	s15 =	sadd.s32 $0x10000, s9;
	[dreg:$0x7] =	wrdreg s30;
	s24 =	sadd.s32 $0xA000, s5  }
0x10: {  	s1 =	sshrl.u32 s1, $0x3;
	s25 =	sadd.s32 $0x80, s5;
	[dreg:$0x3] =	wrdreg s24  }
0x11: {  	s26 =	sadd.s32 $0xA080, s5;
	s0 =	sadd.s32 $0x3FC00, s0;
	[dreg:$0x4] =	wrdreg s25  }
0x12: {  	s16 =	sadd.s32 s1, s7;
	[dreg:$0x6] =	wrdreg s0;
	s0 =	sadd.s32 $0x50800, s31  }
0x13: {  	[dreg:$0x5] =	wrdreg s26;
	s24 =	simm.s32 $0x7D;
	s0 =	sshrl.u32 s0, $0x3  }
0x14: {  	v0 =	vimm.f32 $0.0e+00;
	s25 =	simm.s32 $0x5000;
	s26 =	simm.s32 $0x4;
	s1 =	sadd.s32 s0, s7  }
.LBB2_1:
0x15: {  	[tilespmem:s3], [sflag:$0x3] =	stream.linear.gather [hbm4b:s5+s3], $0x400, $0x38;
	[tilespmem:$0x1D000] =	vst v63  }
0x16: {  	s0 =	rddreg [dreg:$0x3]  }
0x17: {  	s6 =	simm.s32 $0x800;
	s19 =	rddreg [dreg:$0x4]  }
0x18: {  	[tilespmem:s6], [sflag:$0x3] =	stream.linear.gather [hbm4b:s0+s3], $0x400, $0x38;
	[tilespmem:$0x1D000] =	vst v63  }
0x19: {  	s20 =	simm.s32 $0x400;
	s30 =	rddreg [dreg:$0x5]  }
0x1a: {  	[tilespmem:s20], [sflag:$0x3] =	stream.linear.gather [hbm4b:s19+s3], $0x400, $0x38;
	[tilespmem:$0x1D000] =	vst v63  }
0x1b: {  	s31 =	simm.s32 $0xC00;
	s0 =	simm.s32 $0x0;
	s6 =	simm.s32 $0x200  }
0x1c: {  	[tilespmem:s31], [sflag:$0x3] =	stream.linear.gather [hbm4b:s30+s3], $0x400, $0x38;
	[tilespmem:$0x1D000] =	vst v63  }
.LBB2_2:
0x1d: {  	p0 =	sne.s32 s6, $0xFE00;
	[tilespmem:s0+$0x1070] =	vst v0  }
0x1e: {  	[tilespmem:s0+$0x1000] =	vst v0  }
0x1f: {  	[tilespmem:s0+$0x1010] =	vst v0  }
.Ltmp0:
0x20: {  	[tilespmem:s0+$0x1020] =	vst v0;
	(pc) =	sbr.rel @p0 .LBB2_2-.Ltmp0, $4  }
0x21: {  	[tilespmem:s0+$0x1030] =	vst v0  }
0x22: {  	[tilespmem:s0+$0x1040] =	vst v0  }
0x23: {  	[tilespmem:s0+$0x1050] =	vst v0  }
0x24: {  	[tilespmem:s0+$0x1060] =	vst v0;
	s0 =	sshra.s32 s6, $0x2;
	s6 =	sadd.s32 $0x200, s6  }
0x25: {  	[tilespmem:s0+$0x1070] =	vst v0  }
0x26: {  	[tilespmem:s0+$0x1000] =	vst v0  }
0x27: {  	[tilespmem:s0+$0x1010] =	vst v0  }
0x28: {  	[tilespmem:s0+$0x1020] =	vst v0  }
0x29: {  	[tilespmem:s0+$0x1030] =	vst v0  }
0x2a: {  	[tilespmem:s0+$0x1040] =	vst v0  }
0x2b: {  	[tilespmem:s0+$0x1050] =	vst v0  }
0x2c: {  	[tilespmem:s0+$0x1060] =	vst v0  }
0x2d: {  	[spmem:s9] =	stream.linear.scatter [tilespmem:s21], [sflag:$0x1], $0x4000, $0x38;
	[tilespmem:$0x1D000] =	vst v63  }
0x2e: {  	_ = 	snop  }
0x2f: {  	[spmem:s12] =	stream.linear.scatter [tilespmem:s21], [sflag:$0x1], $0x4000, $0x38;
	[tilespmem:$0x1D000] =	vst v63  }
0x30: {  	_ = 	snop  }
0x31: {  	[spmem:s13] =	stream.linear.scatter [tilespmem:s21], [sflag:$0x1], $0x4000, $0x38;
	[tilespmem:$0x1D000] =	vst v63  }
0x32: {  	_ = 	snop  }
0x33: {  	[spmem:s14] =	stream.linear.scatter [tilespmem:s21], [sflag:$0x1], $0x4000, $0x38;
	[tilespmem:$0x1D000] =	vst v63  }
0x34: {  	_ = 	snop  }
0x35: {  	[spmem:s15] =	stream.linear.scatter [tilespmem:s21], [sflag:$0x1], $0x4000, $0x38;
	[tilespmem:$0x1D000] =	vst v63  }
0x36: {  	_ =	swait.ge [sflag:s22], $0x4000  }
0x37: {  	[sflag:s22] =	ssyncset.done $0x0  }
0x38: {  	[sflag:s22] =	ssyncadd.s32 $0xFFFFC000  }
0x39: {  	_ =	swait.ge [sflag:s22], $0x4000  }
0x3a: {  	[sflag:s22] =	ssyncset.done $0x0  }
0x3b: {  	[sflag:s22] =	ssyncadd.s32 $0xFFFFC000  }
0x3c: {  	_ =	swait.ge [sflag:s22], $0x4000  }
0x3d: {  	[sflag:s22] =	ssyncset.done $0x0  }
0x3e: {  	[sflag:s22] =	ssyncadd.s32 $0xFFFFC000  }
0x3f: {  	_ =	swait.ge [sflag:s22], $0x4000  }
0x40: {  	[sflag:s22] =	ssyncset.done $0x0  }
0x41: {  	[sflag:s22] =	ssyncadd.s32 $0xFFFFC000  }
0x42: {  	_ =	swait.ge [sflag:s22], $0x4000  }
0x43: {  	[sflag:s22] =	ssyncset.done $0x0  }
0x44: {  	[sflag:s22] =	ssyncadd.s32 $0xFFFFC000  }
0x45: {  	[bflag:$0x0] =	sbarrier.arrive $0xFFFF  }
0x46: {  	_ =	swait.ge [sflag:s23], $0x400  }
0x47: {  	[sflag:s23] =	ssyncset.done $0x0  }
0x48: {  	[sflag:s23] =	ssyncadd.s32 $0xFFFFFC00  }
0x49: {  	_ =	swait.ge [sflag:s23], $0x400  }
0x4a: {  	s6 =	simm.s32 $0x0;
	[sflag:s23] =	ssyncset.done $0x0  }
0x4b: {  	s0 =	sand.u32 $0x400, s6;
	[sflag:s23] =	ssyncadd.s32 $0xFFFFFC00  }
0x4c: {  	[tilespmem:s21], [sflag:$0x1] =	stream.indirect.gather [hbm4b:s4+s24], $0x80, s6, s24, $0xb8;
	[tilespmem:$0x1D000] =	vst v63  }
0x4d: {  	s6 =	sor.u32 $0x80, s0  }
0x4e: {  	[tilespmem:s25], [sflag:$0x2] =	stream.indirect.gather [hbm4b:s4+s24], $0x80, s6, s24, $0xb8;
	[tilespmem:$0x1D000] =	vst v63  }
0x4f: {  	_ =	swait.ge [sflag:s22], $0x3E80  }
0x50: {  	[sflag:s22] =	ssyncset.done $0x0  }
0x51: {  	s19 =	sor.u32 $0x800, s0;
	[sflag:s22] =	ssyncadd.s32 $0xFFFFC180  }
0x52: {  	[spmem:s2] =	stream.indirect.scatter.add.f32 [tilespmem:s21], [sflag:$0x4], $0x80, s19, s24, $0xb8;
	[tilespmem:$0x1D000] =	vst v63  }
0x53: {  	_ =	swait.ge [sflag:s26], $0x3E80  }
0x54: {  	[sflag:s26] =	ssyncset.done $0x0  }
0x55: {  	s7 =	sor.u32 $0x100, s0;
	[sflag:s26] =	ssyncadd.s32 $0xFFFFC180  }
0x56: {  	[tilespmem:s21], [sflag:$0x1] =	stream.indirect.gather [hbm4b:s4+s24], $0x80, s7, s24, $0xb8;
	[tilespmem:$0x1D000] =	vst v63  }
0x57: {  	_ =	swait.ge [sflag:s28], $0x3E80  }
0x58: {  	[sflag:s28] =	ssyncset.done $0x0  }
0x59: {  	s8 =	sor.u32 $0x880, s0;
	[sflag:s28] =	ssyncadd.s32 $0xFFFFC180  }
0x5a: {  	[spmem:s2] =	stream.indirect.scatter.add.f32 [tilespmem:s25], [sflag:$0x4], $0x80, s8, s24, $0xb8;
	[tilespmem:$0x1D000] =	vst v63  }
0x5b: {  	_ =	swait.ge [sflag:s26], $0x3E80  }
0x5c: {  	[sflag:s26] =	ssyncset.done $0x0  }
0x5d: {  	s10 =	sor.u32 $0x180, s0;
	[sflag:s26] =	ssyncadd.s32 $0xFFFFC180  }
0x5e: {  	[tilespmem:s25], [sflag:$0x2] =	stream.indirect.gather [hbm4b:s4+s24], $0x80, s10, s24, $0xb8;
	[tilespmem:$0x1D000] =	vst v63  }
0x5f: {  	_ =	swait.ge [sflag:s22], $0x3E80  }
0x60: {  	[sflag:s22] =	ssyncset.done $0x0  }
0x61: {  	s11 =	sor.u32 $0x900, s0;
	[sflag:s22] =	ssyncadd.s32 $0xFFFFC180  }
0x62: {  	[spmem:s2] =	stream.indirect.scatter.add.f32 [tilespmem:s21], [sflag:$0x4], $0x80, s11, s24, $0xb8;
	[tilespmem:$0x1D000] =	vst v63  }
0x63: {  	_ =	swait.ge [sflag:s26], $0x3E80  }
0x64: {  	[sflag:s26] =	ssyncset.done $0x0  }
0x65: {  	s17 =	sor.u32 $0x200, s0;
	[sflag:s26] =	ssyncadd.s32 $0xFFFFC180  }
0x66: {  	[tilespmem:s21], [sflag:$0x1] =	stream.indirect.gather [hbm4b:s4+s24], $0x80, s17, s24, $0xb8;
	[tilespmem:$0x1D000] =	vst v63  }
0x67: {  	_ =	swait.ge [sflag:s28], $0x3E80  }
0x68: {  	[sflag:s28] =	ssyncset.done $0x0  }
0x69: {  	s18 =	sor.u32 $0x980, s0;
	[sflag:s28] =	ssyncadd.s32 $0xFFFFC180  }
0x6a: {  	[spmem:s2] =	stream.indirect.scatter.add.f32 [tilespmem:s25], [sflag:$0x4], $0x80, s18, s24, $0xb8;
	[tilespmem:$0x1D000] =	vst v63  }
0x6b: {  	_ =	swait.ge [sflag:s26], $0x3E80  }
0x6c: {  	[sflag:s26] =	ssyncset.done $0x0  }
0x6d: {  	s20 =	sor.u32 $0x280, s0;
	[sflag:s26] =	ssyncadd.s32 $0xFFFFC180  }
0x6e: {  	[tilespmem:s25], [sflag:$0x2] =	stream.indirect.gather [hbm4b:s4+s24], $0x80, s20, s24, $0xb8;
	[tilespmem:$0x1D000] =	vst v63  }
0x6f: {  	_ =	swait.ge [sflag:s22], $0x3E80  }
0x70: {  	[sflag:s22] =	ssyncset.done $0x0  }
0x71: {  	s7 =	sor.u32 $0xA00, s0;
	[sflag:s22] =	ssyncadd.s32 $0xFFFFC180  }
0x72: {  	[spmem:s2] =	stream.indirect.scatter.add.f32 [tilespmem:s21], [sflag:$0x4], $0x80, s7, s24, $0xb8;
	[tilespmem:$0x1D000] =	vst v63  }
0x73: {  	_ =	swait.ge [sflag:s26], $0x3E80  }
0x74: {  	[sflag:s26] =	ssyncset.done $0x0  }
0x75: {  	s8 =	sor.u32 $0x300, s0;
	[sflag:s26] =	ssyncadd.s32 $0xFFFFC180  }
0x76: {  	[tilespmem:s21], [sflag:$0x1] =	stream.indirect.gather [hbm4b:s4+s24], $0x80, s8, s24, $0xb8;
	[tilespmem:$0x1D000] =	vst v63  }
0x77: {  	_ =	swait.ge [sflag:s28], $0x3E80  }
0x78: {  	[sflag:s28] =	ssyncset.done $0x0  }
0x79: {  	s10 =	sor.u32 $0xA80, s0;
	[sflag:s28] =	ssyncadd.s32 $0xFFFFC180  }
0x7a: {  	[spmem:s2] =	stream.indirect.scatter.add.f32 [tilespmem:s25], [sflag:$0x4], $0x80, s10, s24, $0xb8;
	[tilespmem:$0x1D000] =	vst v63  }
0x7b: {  	_ =	swait.ge [sflag:s26], $0x3E80  }
0x7c: {  	[sflag:s26] =	ssyncset.done $0x0  }
0x7d: {  	s11 =	sor.u32 $0x380, s0;
	[sflag:s26] =	ssyncadd.s32 $0xFFFFC180  }
0x7e: {  	[tilespmem:s25], [sflag:$0x2] =	stream.indirect.gather [hbm4b:s4+s24], $0x80, s11, s24, $0xb8;
	[tilespmem:$0x1D000] =	vst v63  }
0x7f: {  	_ =	swait.ge [sflag:s22], $0x3E80  }
0x80: {  	[sflag:s22] =	ssyncset.done $0x0  }
0x81: {  	s7 =	sor.u32 $0xB00, s0;
	[sflag:s22] =	ssyncadd.s32 $0xFFFFC180  }
0x82: {  	[spmem:s2] =	stream.indirect.scatter.add.f32 [tilespmem:s21], [sflag:$0x4], $0x80, s7, s24, $0xb8;
	[tilespmem:$0x1D000] =	vst v63  }
0x83: {  	_ =	swait.ge [sflag:s26], $0x3E80  }
0x84: {  	p0 =	por $0x0, $0x0;
	[sflag:s26] =	ssyncset.done $0x0  }
0x85: {  	s7 =	simm.s32 @!p0 $0x3;
	[sflag:s26] =	ssyncadd.s32 $0xFFFFC180  }
0x86: {  	_ =	swait.ge @!p0 [sflag:s7], $0x400  }
0x87: {  	[sflag:s7] =	ssyncset.done @!p0 $0x0  }
0x88: {  	[sflag:s7] =	ssyncadd.s32 @!p0 $0xFFFFFC00  }
0x89: {  	_ =	swait.ge @!p0 [sflag:s7], $0x400  }
0x8a: {  	s17 =	sxor.u32 @!p0 $0x400, s0;
	[sflag:s7] =	ssyncset.done @!p0 $0x0  }
0x8b: {  	s18 =	simm.s32 @!p0 $0x1000;
	[sflag:s7] =	ssyncadd.s32 @!p0 $0xFFFFFC00;
	s7 =	simm.s32 @!p0 $0x7D  }
0x8c: {  	[tilespmem:s18], [sflag:$0x1] =	stream.indirect.gather @!p0 [hbm4b:s4+s7], $0x80, s17, s7, $0xb8;
	[tilespmem:$0x1D000] =	vst v63  }
0x8d: {  	_ =	swait.ge [sflag:s28], $0x3E80  }
0x8e: {  	[sflag:s28] =	ssyncset.done $0x0  }
0x8f: {  	s6 =	sor.u32 $0x800, s11;
	[sflag:s28] =	ssyncadd.s32 $0xFFFFC180  }
0x90: {  	[spmem:s2] =	stream.indirect.scatter.add.f32 [tilespmem:s25], [sflag:$0x4], $0x80, s6, s24, $0xb8;
	[tilespmem:$0x1D000] =	vst v63  }
0x91: {  	p1 =	por $0x0, $0x0;
	s20 =	simm.s32 $0x400;
	_ =	swait.ge [sflag:s26], $0x3E80  }
0x92: {  	s31 =	sadd.s32 $0x80, s1;
	s30 =	sand.u32 $0x400, s20;
	[sflag:s26] =	ssyncset.done $0x0  }
0x93: {  	s20 =	simm.s32 $0x800;
	s7 =	simm.s32 @!p1 $0x0;
	[sflag:s26] =	ssyncadd.s32 $0xFFFFC180  }
0x94: {  	[tilespmem:s0], [sflag:$0x3] =	stream.linear.gather @!p1 [hbm4b:s16+s7], $0x400, $0x38;
	[tilespmem:$0x1D000] =	vst v63  }
0x95: {  	s18 =	simm.s32 $0x1;
	s17 =	smov.u32 s1;
	s0 =	sadd.s32 $0x80, s16  }
.LBB2_4:
0x96: {  	[tilespmem:s19], [sflag:$0x3] =	stream.linear.gather @!p1 [hbm4b:s17+s7], $0x400, $0x38;
	[tilespmem:$0x1D000] =	vst v63  }
0x97: {  	s7 =	sand.u32 $0x400, s20;
	s20 =	sadd.s32 $0x400, s20;
	s6 =	sor.u32 $0x80, s30  }
0x98: {  	[tilespmem:s25], [sflag:$0x2] =	stream.indirect.gather [hbm4b:s4+s24], $0x80, s6, s24, $0xb8;
	[tilespmem:$0x1D000] =	vst v63  }
0x99: {  	p0 =	sne.s32 s20, $0x2800;
	s6 =	smov.u32 s30;
	_ =	swait.ge [sflag:s22], $0x3E80  }
0x9a: {  	s17 =	smov.u32 s31;
	s30 =	smov.u32 s7;
	[sflag:s22] =	ssyncset.done $0x0  }
0x9b: {  	s19 =	sor.u32 $0x800, s6;
	[sflag:s22] =	ssyncadd.s32 $0xFFFFC180  }
0x9c: {  	[spmem:s2] =	stream.indirect.scatter.add.f32 [tilespmem:s21], [sflag:$0x4], $0x80, s19, s24, $0xb8;
	[tilespmem:$0x1D000] =	vst v63  }
0x9d: {  	_ =	swait.ge [sflag:s26], $0x3E80  }
0x9e: {  	[sflag:s26] =	ssyncset.done $0x0  }
0x9f: {  	s7 =	sor.u32 $0x100, s6;
	[sflag:s26] =	ssyncadd.s32 $0xFFFFC180  }
0xa0: {  	[tilespmem:s21], [sflag:$0x1] =	stream.indirect.gather [hbm4b:s4+s24], $0x80, s7, s24, $0xb8;
	[tilespmem:$0x1D000] =	vst v63  }
0xa1: {  	_ =	swait.ge [sflag:s28], $0x3E80  }
0xa2: {  	[sflag:s28] =	ssyncset.done $0x0  }
0xa3: {  	s7 =	sor.u32 $0x880, s6;
	[sflag:s28] =	ssyncadd.s32 $0xFFFFC180  }
0xa4: {  	[spmem:s2] =	stream.indirect.scatter.add.f32 [tilespmem:s25], [sflag:$0x4], $0x80, s7, s24, $0xb8;
	[tilespmem:$0x1D000] =	vst v63  }
0xa5: {  	_ =	swait.ge [sflag:s26], $0x3E80  }
0xa6: {  	[sflag:s26] =	ssyncset.done $0x0  }
0xa7: {  	s7 =	sor.u32 $0x180, s6;
	[sflag:s26] =	ssyncadd.s32 $0xFFFFC180  }
0xa8: {  	[tilespmem:s25], [sflag:$0x2] =	stream.indirect.gather [hbm4b:s4+s24], $0x80, s7, s24, $0xb8;
	[tilespmem:$0x1D000] =	vst v63  }
0xa9: {  	_ =	swait.ge [sflag:s22], $0x3E80  }
0xaa: {  	[sflag:s22] =	ssyncset.done $0x0  }
0xab: {  	s7 =	sor.u32 $0x900, s6;
	[sflag:s22] =	ssyncadd.s32 $0xFFFFC180  }
0xac: {  	[spmem:s2] =	stream.indirect.scatter.add.f32 [tilespmem:s21], [sflag:$0x4], $0x80, s7, s24, $0xb8;
	[tilespmem:$0x1D000] =	vst v63  }
0xad: {  	_ =	swait.ge [sflag:s26], $0x3E80  }
0xae: {  	[sflag:s26] =	ssyncset.done $0x0  }
0xaf: {  	s7 =	sor.u32 $0x200, s6;
	[sflag:s26] =	ssyncadd.s32 $0xFFFFC180  }
0xb0: {  	[tilespmem:s21], [sflag:$0x1] =	stream.indirect.gather [hbm4b:s4+s24], $0x80, s7, s24, $0xb8;
	[tilespmem:$0x1D000] =	vst v63  }
0xb1: {  	_ =	swait.ge [sflag:s28], $0x3E80  }
0xb2: {  	[sflag:s28] =	ssyncset.done $0x0  }
0xb3: {  	s7 =	sor.u32 $0x980, s6;
	[sflag:s28] =	ssyncadd.s32 $0xFFFFC180  }
0xb4: {  	[spmem:s2] =	stream.indirect.scatter.add.f32 [tilespmem:s25], [sflag:$0x4], $0x80, s7, s24, $0xb8;
	[tilespmem:$0x1D000] =	vst v63  }
0xb5: {  	_ =	swait.ge [sflag:s26], $0x3E80  }
0xb6: {  	[sflag:s26] =	ssyncset.done $0x0  }
0xb7: {  	s7 =	sor.u32 $0x280, s6;
	[sflag:s26] =	ssyncadd.s32 $0xFFFFC180  }
0xb8: {  	[tilespmem:s25], [sflag:$0x2] =	stream.indirect.gather [hbm4b:s4+s24], $0x80, s7, s24, $0xb8;
	[tilespmem:$0x1D000] =	vst v63  }
0xb9: {  	_ =	swait.ge [sflag:s22], $0x3E80  }
0xba: {  	[sflag:s22] =	ssyncset.done $0x0  }
0xbb: {  	s7 =	sor.u32 $0xA00, s6;
	[sflag:s22] =	ssyncadd.s32 $0xFFFFC180  }
0xbc: {  	[spmem:s2] =	stream.indirect.scatter.add.f32 [tilespmem:s21], [sflag:$0x4], $0x80, s7, s24, $0xb8;
	[tilespmem:$0x1D000] =	vst v63  }
0xbd: {  	_ =	swait.ge [sflag:s26], $0x3E80  }
0xbe: {  	[sflag:s26] =	ssyncset.done $0x0  }
0xbf: {  	s7 =	sor.u32 $0x300, s6;
	[sflag:s26] =	ssyncadd.s32 $0xFFFFC180  }
0xc0: {  	[tilespmem:s21], [sflag:$0x1] =	stream.indirect.gather [hbm4b:s4+s24], $0x80, s7, s24, $0xb8;
	[tilespmem:$0x1D000] =	vst v63  }
0xc1: {  	_ =	swait.ge [sflag:s28], $0x3E80  }
0xc2: {  	[sflag:s28] =	ssyncset.done $0x0  }
0xc3: {  	s7 =	sor.u32 $0xA80, s6;
	[sflag:s28] =	ssyncadd.s32 $0xFFFFC180  }
0xc4: {  	[spmem:s2] =	stream.indirect.scatter.add.f32 [tilespmem:s25], [sflag:$0x4], $0x80, s7, s24, $0xb8;
	[tilespmem:$0x1D000] =	vst v63  }
0xc5: {  	_ =	swait.ge [sflag:s26], $0x3E80  }
0xc6: {  	[sflag:s26] =	ssyncset.done $0x0  }
0xc7: {  	s7 =	sor.u32 $0x380, s6;
	[sflag:s26] =	ssyncadd.s32 $0xFFFFC180  }
0xc8: {  	[tilespmem:s25], [sflag:$0x2] =	stream.indirect.gather [hbm4b:s4+s24], $0x80, s7, s24, $0xb8;
	[tilespmem:$0x1D000] =	vst v63  }
0xc9: {  	_ =	swait.ge [sflag:s22], $0x3E80  }
0xca: {  	[sflag:s22] =	ssyncset.done $0x0  }
0xcb: {  	s8 =	sor.u32 $0xB00, s6;
	[sflag:s22] =	ssyncadd.s32 $0xFFFFC180  }
0xcc: {  	[spmem:s2] =	stream.indirect.scatter.add.f32 [tilespmem:s21], [sflag:$0x4], $0x80, s8, s24, $0xb8;
	[tilespmem:$0x1D000] =	vst v63  }
0xcd: {  	_ =	swait.ge [sflag:s26], $0x3E80  }
0xce: {  	p1 =	seq.s32 s18, $0x9;
	[sflag:s26] =	ssyncset.done $0x0  }
0xcf: {  	s10 =	sxor.u32 @!p1 $0x400, s6;
	s8 =	simm.s32 @!p1 $0x3;
	[sflag:s26] =	ssyncadd.s32 $0xFFFFC180  }
0xd0: {  	_ =	swait.ge @!p1 [sflag:s8], $0x400  }
0xd1: {  	[sflag:s8] =	ssyncset.done @!p1 $0x0  }
0xd2: {  	[sflag:s8] =	ssyncadd.s32 @!p1 $0xFFFFFC00  }
0xd3: {  	_ =	swait.ge @!p1 [sflag:s8], $0x400  }
0xd4: {  	[sflag:s8] =	ssyncset.done @!p1 $0x0  }
0xd5: {  	s11 =	simm.s32 @!p1 $0x1000;
	[sflag:s8] =	ssyncadd.s32 @!p1 $0xFFFFFC00;
	s8 =	simm.s32 @!p1 $0x7D  }
0xd6: {  	[tilespmem:s11], [sflag:$0x1] =	stream.indirect.gather @!p1 [hbm4b:s4+s8], $0x80, s10, s8, $0xb8;
	[tilespmem:$0x1D000] =	vst v63  }
0xd7: {  	_ =	swait.ge [sflag:s28], $0x3E80  }
0xd8: {  	[sflag:s28] =	ssyncset.done $0x0  }
0xd9: {  	s7 =	sor.u32 $0x800, s7;
	[sflag:s28] =	ssyncadd.s32 $0xFFFFC180  }
0xda: {  	[spmem:s2] =	stream.indirect.scatter.add.f32 [tilespmem:s25], [sflag:$0x4], $0x80, s7, s24, $0xb8;
	[tilespmem:$0x1D000] =	vst v63  }
.Ltmp1:
0xdb: {  	_ =	swait.ge [sflag:s26], $0x3E80;
	(pc) =	sbr.rel @p0 .LBB2_4-.Ltmp1, $4  }
0xdc: {  	p1 =	sgt.u32 s18, $0x7;
	[sflag:s26] =	ssyncset.done $0x0  }
0xdd: {  	s7 =	simm.s32 @!p1 $0x0;
	[sflag:s26] =	ssyncadd.s32 $0xFFFFC180  }
0xde: {  	[tilespmem:s6], [sflag:$0x3] =	stream.linear.gather @!p1 [hbm4b:s0+s7], $0x400, $0x38;
	[tilespmem:$0x1D000] =	vst v63  }
0xdf: {  	s31 =	sadd.s32 $0x80, s31;
	s18 =	sadd.s32 $0x1, s18;
	s0 =	sadd.s32 $0x80, s0  }
0xe0: {  	[tilespmem:s19], [sflag:$0x3] =	stream.linear.gather @!p1 [hbm4b:s17+s7], $0x400, $0x38;
	[tilespmem:$0x1D000] =	vst v63  }
0xe1: {  	s6 =	sor.u32 $0x80, s30  }
0xe2: {  	[tilespmem:s25], [sflag:$0x2] =	stream.indirect.gather [hbm4b:s4+s24], $0x80, s6, s24, $0xb8;
	[tilespmem:$0x1D000] =	vst v63  }
0xe3: {  	_ =	swait.ge [sflag:s22], $0x3E80  }
0xe4: {  	[sflag:s22] =	ssyncset.done $0x0  }
0xe5: {  	s6 =	sor.u32 $0x800, s30;
	[sflag:s22] =	ssyncadd.s32 $0xFFFFC180  }
0xe6: {  	[spmem:s2] =	stream.indirect.scatter.add.f32 [tilespmem:s21], [sflag:$0x4], $0x80, s6, s24, $0xb8;
	[tilespmem:$0x1D000] =	vst v63  }
0xe7: {  	_ =	swait.ge [sflag:s26], $0x3E80  }
0xe8: {  	[sflag:s26] =	ssyncset.done $0x0  }
0xe9: {  	s20 =	sor.u32 $0x100, s30;
	[sflag:s26] =	ssyncadd.s32 $0xFFFFC180  }
0xea: {  	[tilespmem:s21], [sflag:$0x1] =	stream.indirect.gather [hbm4b:s4+s24], $0x80, s20, s24, $0xb8;
	[tilespmem:$0x1D000] =	vst v63  }
0xeb: {  	_ =	swait.ge [sflag:s28], $0x3E80  }
0xec: {  	[sflag:s28] =	ssyncset.done $0x0  }
0xed: {  	s8 =	sor.u32 $0x880, s30;
	[sflag:s28] =	ssyncadd.s32 $0xFFFFC180  }
0xee: {  	[spmem:s2] =	stream.indirect.scatter.add.f32 [tilespmem:s25], [sflag:$0x4], $0x80, s8, s24, $0xb8;
	[tilespmem:$0x1D000] =	vst v63  }
0xef: {  	_ =	swait.ge [sflag:s26], $0x3E80  }
0xf0: {  	[sflag:s26] =	ssyncset.done $0x0  }
0xf1: {  	s10 =	sor.u32 $0x180, s30;
	[sflag:s26] =	ssyncadd.s32 $0xFFFFC180  }
0xf2: {  	[tilespmem:s25], [sflag:$0x2] =	stream.indirect.gather [hbm4b:s4+s24], $0x80, s10, s24, $0xb8;
	[tilespmem:$0x1D000] =	vst v63  }
0xf3: {  	_ =	swait.ge [sflag:s22], $0x3E80  }
0xf4: {  	[sflag:s22] =	ssyncset.done $0x0  }
0xf5: {  	s11 =	sor.u32 $0x900, s30;
	[sflag:s22] =	ssyncadd.s32 $0xFFFFC180  }
0xf6: {  	[spmem:s2] =	stream.indirect.scatter.add.f32 [tilespmem:s21], [sflag:$0x4], $0x80, s11, s24, $0xb8;
	[tilespmem:$0x1D000] =	vst v63  }
0xf7: {  	_ =	swait.ge [sflag:s26], $0x3E80  }
0xf8: {  	[sflag:s26] =	ssyncset.done $0x0  }
0xf9: {  	s17 =	sor.u32 $0x200, s30;
	[sflag:s26] =	ssyncadd.s32 $0xFFFFC180  }
0xfa: {  	[tilespmem:s21], [sflag:$0x1] =	stream.indirect.gather [hbm4b:s4+s24], $0x80, s17, s24, $0xb8;
	[tilespmem:$0x1D000] =	vst v63  }
0xfb: {  	_ =	swait.ge [sflag:s28], $0x3E80  }
0xfc: {  	[sflag:s28] =	ssyncset.done $0x0  }
0xfd: {  	s19 =	sor.u32 $0x980, s30;
	[sflag:s28] =	ssyncadd.s32 $0xFFFFC180  }
0xfe: {  	[spmem:s2] =	stream.indirect.scatter.add.f32 [tilespmem:s25], [sflag:$0x4], $0x80, s19, s24, $0xb8;
	[tilespmem:$0x1D000] =	vst v63  }
0xff: {  	_ =	swait.ge [sflag:s26], $0x3E80  }
0x100: {  	[sflag:s26] =	ssyncset.done $0x0  }
0x101: {  	s20 =	sor.u32 $0x280, s30;
	[sflag:s26] =	ssyncadd.s32 $0xFFFFC180  }
0x102: {  	[tilespmem:s25], [sflag:$0x2] =	stream.indirect.gather [hbm4b:s4+s24], $0x80, s20, s24, $0xb8;
	[tilespmem:$0x1D000] =	vst v63  }
0x103: {  	_ =	swait.ge [sflag:s22], $0x3E80  }
0x104: {  	[sflag:s22] =	ssyncset.done $0x0  }
0x105: {  	s8 =	sor.u32 $0xA00, s30;
	[sflag:s22] =	ssyncadd.s32 $0xFFFFC180  }
0x106: {  	[spmem:s2] =	stream.indirect.scatter.add.f32 [tilespmem:s21], [sflag:$0x4], $0x80, s8, s24, $0xb8;
	[tilespmem:$0x1D000] =	vst v63  }
0x107: {  	_ =	swait.ge [sflag:s26], $0x3E80  }
0x108: {  	[sflag:s26] =	ssyncset.done $0x0  }
0x109: {  	s10 =	sor.u32 $0x300, s30;
	[sflag:s26] =	ssyncadd.s32 $0xFFFFC180  }
0x10a: {  	[tilespmem:s21], [sflag:$0x1] =	stream.indirect.gather [hbm4b:s4+s24], $0x80, s10, s24, $0xb8;
	[tilespmem:$0x1D000] =	vst v63  }
0x10b: {  	_ =	swait.ge [sflag:s28], $0x3E80  }
0x10c: {  	[sflag:s28] =	ssyncset.done $0x0  }
0x10d: {  	s11 =	sor.u32 $0xA80, s30;
	[sflag:s28] =	ssyncadd.s32 $0xFFFFC180  }
0x10e: {  	[spmem:s2] =	stream.indirect.scatter.add.f32 [tilespmem:s25], [sflag:$0x4], $0x80, s11, s24, $0xb8;
	[tilespmem:$0x1D000] =	vst v63  }
0x10f: {  	_ =	swait.ge [sflag:s26], $0x3E80  }
0x110: {  	[sflag:s26] =	ssyncset.done $0x0  }
0x111: {  	s17 =	sor.u32 $0x380, s30;
	[sflag:s26] =	ssyncadd.s32 $0xFFFFC180  }
0x112: {  	[tilespmem:s25], [sflag:$0x2] =	stream.indirect.gather [hbm4b:s4+s24], $0x80, s17, s24, $0xb8;
	[tilespmem:$0x1D000] =	vst v63  }
0x113: {  	_ =	swait.ge [sflag:s22], $0x3E80  }
0x114: {  	[sflag:s22] =	ssyncset.done $0x0  }
0x115: {  	s8 =	sor.u32 $0xB00, s30;
	[sflag:s22] =	ssyncadd.s32 $0xFFFFC180  }
0x116: {  	[spmem:s2] =	stream.indirect.scatter.add.f32 [tilespmem:s21], [sflag:$0x4], $0x80, s8, s24, $0xb8;
	[tilespmem:$0x1D000] =	vst v63  }
0x117: {  	_ =	swait.ge [sflag:s26], $0x3E80  }
0x118: {  	p0 =	seq.s32 s18, $0x9;
	[sflag:s26] =	ssyncset.done $0x0  }
0x119: {  	s8 =	simm.s32 @!p0 $0x3;
	[sflag:s26] =	ssyncadd.s32 $0xFFFFC180  }
0x11a: {  	_ =	swait.ge @!p0 [sflag:s8], $0x400  }
0x11b: {  	[sflag:s8] =	ssyncset.done @!p0 $0x0  }
0x11c: {  	[sflag:s8] =	ssyncadd.s32 @!p0 $0xFFFFFC00  }
0x11d: {  	_ =	swait.ge @!p0 [sflag:s8], $0x400  }
0x11e: {  	s10 =	sxor.u32 @!p0 $0x400, s30;
	[sflag:s8] =	ssyncset.done @!p0 $0x0  }
0x11f: {  	s11 =	simm.s32 @!p0 $0x1000;
	[sflag:s8] =	ssyncadd.s32 @!p0 $0xFFFFFC00;
	s8 =	simm.s32 @!p0 $0x7D  }
0x120: {  	[tilespmem:s11], [sflag:$0x1] =	stream.indirect.gather @!p0 [hbm4b:s4+s8], $0x80, s10, s8, $0xb8;
	[tilespmem:$0x1D000] =	vst v63  }
0x121: {  	_ =	swait.ge [sflag:s28], $0x3E80  }
0x122: {  	[sflag:s28] =	ssyncset.done $0x0  }
0x123: {  	s7 =	sor.u32 $0x800, s17;
	[sflag:s28] =	ssyncadd.s32 $0xFFFFC180  }
0x124: {  	[spmem:s2] =	stream.indirect.scatter.add.f32 [tilespmem:s25], [sflag:$0x4], $0x80, s7, s24, $0xb8;
	[tilespmem:$0x1D000] =	vst v63  }
0x125: {  	_ =	swait.ge [sflag:s26], $0x3E80  }
0x126: {  	p0 =	sgt.u32 s18, $0x7;
	[sflag:s26] =	ssyncset.done $0x0  }
0x127: {  	s7 =	simm.s32 @!p0 $0x0;
	[sflag:s26] =	ssyncadd.s32 $0xFFFFC180  }
0x128: {  	[tilespmem:s30], [sflag:$0x3] =	stream.linear.gather @!p0 [hbm4b:s0+s7], $0x400, $0x38;
	[tilespmem:$0x1D000] =	vst v63  }
0x129: {  	s19 =	stileid.u32  }
0x12a: {  	[tilespmem:s6], [sflag:$0x3] =	stream.linear.gather @!p0 [hbm4b:s31+s7], $0x400, $0x38;
	[tilespmem:$0x1D000] =	vst v63  }
0x12b: {  	s0 =	sshll.u32 s19, $0x6;
	[bflag:$0x0] =	sbarrier.arrive $0xFFFF  }
0x12c: {  	s20 =	sshrl.u32 s9, $0x3;
	s0 =	sor.u32 $0x1C04, s0;
	s30 =	rddreg [dreg:$0x6]  }
0x12d: {  	[hbm:s30], [sflag:s0] =	dma.local [spmem:s20], $0x2800  }
0x12e: {  	_ =	swait.ge [sflag:s26], $0x2800  }
0x12f: {  	s29 =	sadd.s32 $0x1, s29;
	s31 =	rddreg [dreg:$0x7]  }
0x130: {  	p0 =	sne.s32 s29, s31  }
.Ltmp2:
0x131: {  	_ = 	snop;
	(pc) =	sbr.rel @p0 .LBB2_1-.Ltmp2, $3  }
0x132: {  	_ =	sdelay $0x1  }
0x133: {  	[sflag:s26] =	ssyncset.done $0x0  }
0x134: {  	[sflag:s26] =	ssyncadd.s32 $0xFFFFD800  }
0x135: {  	_ =	sfence.sel $0x180000  }
0x136: {  	[bflag:$0x0] =	sbarrier.arrive $0xFFFF  }
0x137: {  	_ =	strace $0x9000004D  }
0x138: {  	s0 =	stileid.u32;
	[bflag:$0x2] =	sbarrier.arrive $0xFFFF  }
0x139: {  	p0 =	sne.s32 s0, $0x0;
	s0 =	rddreg [dreg:$0x2]  }
0x13a: {  	s0 =	sadd.s32 @!p0 $0x100000, s0  }
0x13b: {  	[sflag:s0] =	ssyncadd.tile.s32 @!p0 $0x1;
	_ =	shalt  }
.Lfunc_end2:
_tile_overlayer_lowered:
.L_overlay_start_2:
0x13c: {  	(tag) =	ssettag $0x2  }
0x13d: {  	s0 =	rddreg [dreg:$0x0];
	s2 =	stileid.u32  }
0x13e: {  	s1 =	rddreg [dreg:$0x1];
	p0 =	sne.s32 s2, $0x0  }
0x13f: {  	s3 =	rddreg [dreg:$0x2];
	[bflag:$0x3] =	sbarrier.arrive $0xFFFF;
	s2 =	simm.s32 @!p0 $0x1C04  }
0x140: {  	[timem:s3], [sflag:s2] =	dma.local @!p0 [hbm:s0], s1  }
0x141: {  	s0 =	simm.s32 @!p0 $0x4  }
0x142: {  	_ =	swait.ge @!p0 [sflag:s0], s1  }
0x143: {  	s1 =	ssub.s32 @!p0 $0x0, s1;
	[sflag:s0] =	ssyncset.done @!p0 $0x0  }
0x144: {  	[sflag:s0] =	ssyncadd.s32 @!p0 s1  }
0x145: {  	[bflag:$0x3] =	sbarrier.arrive $0xFFFF  }
0x146: {  	_ =	shalt  }

</sc_bundles>
